<compile_context>
chip_gen: v7x
topology: tpu7x:2x2x1
jax: 0.10.2.dev20260603
libtpu: 0.0.44.dev20260713+nightly
codegen_flags: <defaults>
</compile_context>

<pallas_src>
import jax
import jax.numpy as jnp
from jax import lax
from jax.experimental import pallas as pl
from jax.experimental.pallas import tpu as pltpu
from jax.experimental.pallas import tpu_sc as plsc

B = 2
L = 2048
D = 768
K = 8

NC = 2
NS = 16
NW = NC * NS
P = B * L
PPW = P // NW
R = 8
C = PPW // R
HALO = 8
LANES = 16
NJ = D // LANES


def _body(x_hbm, out_hbm, in_a, in_b, out_a, out_b, si_a, si_b, so_a, so_b):
    wid = lax.axis_index("c") * NS + lax.axis_index("s")
    base = wid * PPW

    def in_copies(c, buf, sem):
        p0 = base + c * R
        h0 = jnp.minimum(p0 + R, P - HALO)
        d1 = pltpu.make_async_copy(x_hbm.at[pl.ds(p0, R)], buf.at[pl.ds(0, R)], sem)
        d2 = pltpu.make_async_copy(x_hbm.at[pl.ds(h0, HALO)], buf.at[pl.ds(R, HALO)], sem)
        return d1, d2

    def start_in(c, buf, sem):
        for d in in_copies(c, buf, sem):
            d.start()

    def wait_in(c, buf, sem):
        for d in in_copies(c, buf, sem):
            d.wait()

    def out_copy(c, buf, sem):
        p0 = base + c * R
        return pltpu.make_async_copy(buf, out_hbm.at[pl.ds(p0 * K, R * K)], sem)

    def compute_fast(ib, ob):
        def body_j(j, cc):
            col = pl.ds(j * LANES, LANES)
            for r in range(R):
                a = ib[r, col]
                ob[r * K, col] = a
                for k in range(1, K):
                    b = ib[r + k, col]
                    ob[r * K + k, col] = (a + b) * 0.5
            return cc
        lax.fori_loop(0, NJ, body_j, 0)

    def compute_edge(ib, ob, p0, batch_end):
        def body_j(j, cc):
            col = pl.ds(j * LANES, LANES)
            for r in range(R):
                a = ib[r, col]
                ob[r * K, col] = a
                for k in range(1, K):
                    b = ib[r + k, col]
                    m = jnp.where(p0 + r + k < batch_end,
                                  jnp.float32(0.5), jnp.float32(0.0))
                    ob[r * K + k, col] = a * 0.5 + b * m
            return cc
        lax.fori_loop(0, NJ, body_j, 0)

    start_in(0, in_a, si_a)
    start_in(1, in_b, si_b)

    def pair(cc, carry):
        not_first = cc > 0
        not_last = cc < C // 2 - 1

        c0 = cc * 2
        wait_in(c0, in_a, si_a)
        pl.when(not_first)(lambda: out_copy(c0 - 2, out_a, so_a).wait())
        compute_fast(in_a, out_a)
        out_copy(c0, out_a, so_a).start()
        pl.when(not_last)(lambda: start_in(c0 + 2, in_a, si_a))

        c1 = c0 + 1
        p1 = base + c1 * R
        batch_end = (p1 // L + 1) * L
        is_edge = (p1 + R + K - 2) >= batch_end
        wait_in(c1, in_b, si_b)
        pl.when(not_first)(lambda: out_copy(c1 - 2, out_b, so_b).wait())
        pl.when(jnp.logical_not(is_edge))(lambda: compute_fast(in_b, out_b))
        pl.when(is_edge)(lambda: compute_edge(in_b, out_b, p1, batch_end))
        out_copy(c1, out_b, so_b).start()
        pl.when(not_last)(lambda: start_in(c1 + 2, in_b, si_b))
        return carry

    lax.fori_loop(0, C // 2, pair, 0)

    out_copy(C - 2, out_a, so_a).wait()
    out_copy(C - 1, out_b, so_b).wait()


@jax.jit
def kernel(x):
    xf = x.reshape(P, D)
    mesh = plsc.VectorSubcoreMesh(core_axis_name="c", subcore_axis_name="s")
    run = pl.kernel(
        _body,
        out_type=jax.ShapeDtypeStruct((P * K, D), jnp.float32),
        mesh=mesh,
        scratch_types=[
            pltpu.VMEM((R + HALO, D), jnp.float32),
            pltpu.VMEM((R + HALO, D), jnp.float32),
            pltpu.VMEM((R * K, D), jnp.float32),
            pltpu.VMEM((R * K, D), jnp.float32),
            pltpu.SemaphoreType.DMA,
            pltpu.SemaphoreType.DMA,
            pltpu.SemaphoreType.DMA,
            pltpu.SemaphoreType.DMA,
        ],
    )
    out = run(xf)
    return out.reshape(B, L, K, D)

# --- scband reference (transcript-rebuilt; emitter-appended) ---
"""Pipeline reference for scband-span-endpoints-v2-5995774345601 (READ-ONLY COPY).

The authoritative reference and input builder live on the scoring server;
editing this copy changes nothing except your own understanding.
"""

import jax, jax.numpy as jnp
import numpy as np

K = 8  # max_width

def setup_inputs(seed: int = 0) -> dict:
    key = jax.random.key(seed)
    x = jax.random.normal(key, (2, 2048, 768), dtype=jnp.float32)
    return {"x": x}

def reference(x):
    B, L, D = x.shape
    span_reps = []
    for kernel_size in range(1, K + 1):
        # span_idx[i] = [i, i + kernel_size - 1]
        ar = jnp.arange(L)
        span_idx = jnp.stack([ar, ar + kernel_size - 1], axis=1).reshape(-1)  # [2L]
        # pad sequence dim at the end with kernel_size-1 zeros
        xp = jnp.pad(x, ((0, 0), (0, kernel_size - 1), (0, 0)), mode='constant', constant_values=0.0)
        start_end_rep = jnp.take(xp, span_idx, axis=1)  # [B, 2L, D]
        start_end_rep = start_end_rep.reshape(B, L, 2, D)
        span_reps.append(start_end_rep)
    span_reps = jnp.stack(span_reps, axis=-3)  # [B, L, K, 2, D]
    # endpoints_mean
    out = jnp.mean(span_reps, axis=-2)  # [B, L, K, D]
    return out

if __name__ == "__main__":
    import jax
    _d = setup_inputs()
    print(jax.jit(kernel)(*tuple(_d.values())))

</pallas_src>

<mosaic_0001>
#map = affine_map<(d0, d1) -> (0, 0)>
module attributes {stable_mosaic.version = 14 : i64} {
  func.func @_body(%arg0: i32, %arg1: i32, %arg2: memref<4096x768xf32, #tpu.memory_space<hbm>>, %arg3: memref<32768x768xf32, #tpu.memory_space<hbm>>, %arg4: memref<16x768xf32, #tpu.memory_space<vmem>>, %arg5: memref<16x768xf32, #tpu.memory_space<vmem>>, %arg6: memref<64x768xf32, #tpu.memory_space<vmem>>, %arg7: memref<64x768xf32, #tpu.memory_space<vmem>>, %arg8: memref<!tpu.dma_semaphore, #tpu.memory_space<semaphore_mem>>, %arg9: memref<!tpu.dma_semaphore, #tpu.memory_space<semaphore_mem>>, %arg10: memref<!tpu.dma_semaphore, #tpu.memory_space<semaphore_mem>>, %arg11: memref<!tpu.dma_semaphore, #tpu.memory_space<semaphore_mem>>) attributes {dimension_semantics = [#tpu.dimension_semantics<core_parallel>, #tpu.dimension_semantics<subcore_parallel>], iteration_bounds = array<i64: 2, 16>, scalar_prefetch = 0 : i64, scratch_operands = 8 : i64, tpu.core_type = #tpu.core_type<sc_vector_subcore>, window_params = [{transform_indices = #map}, {transform_indices = #map}]} {
    %mul3A = arith.constant 16 : i32
    %mul3A_0 = arith.muli %arg0, %mul3A : i32
    %add3A = arith.addi %mul3A_0, %arg1 : i32
    %mul3A_1 = arith.constant 128 : i32
    %mul3A_2 = arith.muli %add3A, %mul3A_1 : i32
    %add3A_3 = arith.constant 0 : i32
    %add3A_4 = arith.addi %mul3A_2, %add3A_3 : i32
    %add3A_5 = arith.constant 8 : i32
    %add3A_6 = arith.addi %add3A_4, %add3A_5 : i32
    %min3A = arith.constant 4088 : i32
    %min3A_7 = arith.minsi %add3A_6, %min3A : i32
    %dma_start3A = arith.constant 0 : i32
    %dma_start3A_8 = arith.constant 0 : i32
    %dma_start3A_9 = tpu.memref_slice %arg4[%dma_start3A, %dma_start3A_8] : memref<16x768xf32, #tpu.memory_space<vmem>> -> memref<8x768xf32, #tpu.memory_space<vmem>>
    %dma_start3A_10 = arith.constant 0 : i32
    %dma_start3A_11 = tpu.memref_slice %arg2[%add3A_4, %dma_start3A_10] : memref<4096x768xf32, #tpu.memory_space<hbm>> -> memref<8x768xf32, #tpu.memory_space<hbm>>
    %dma_start3A_12 = arith.constant 0 : i32
    %dma_start3A_13 = arith.constant 0 : i32
    %dma_start3A_14 = tpu.memref_slice %arg4[%dma_start3A_12, %dma_start3A_13] : memref<16x768xf32, #tpu.memory_space<vmem>> -> memref<8x768xf32, #tpu.memory_space<vmem>>
    %dma_start3A_15 = arith.constant 0 : i32
    %dma_start3A_16 = tpu.memref_slice %arg2[%add3A_4, %dma_start3A_15] : memref<4096x768xf32, #tpu.memory_space<hbm>> -> memref<8x768xf32, #tpu.memory_space<hbm>>
    tpu.enqueue_dma source(%dma_start3A_16 : memref<8x768xf32, #tpu.memory_space<hbm>>) target(%dma_start3A_14 : memref<8x768xf32, #tpu.memory_space<vmem>>) target_semaphore(%arg8 : memref<!tpu.dma_semaphore, #tpu.memory_space<semaphore_mem>>)
    %dma_start3A_17 = arith.constant 8 : i32
    %dma_start3A_18 = arith.constant 0 : i32
    %dma_start3A_19 = tpu.memref_slice %arg4[%dma_start3A_17, %dma_start3A_18] : memref<16x768xf32, #tpu.memory_space<vmem>> -> memref<8x768xf32, #tpu.memory_space<vmem>>
    %dma_start3A_20 = arith.constant 0 : i32
    %dma_start3A_21 = tpu.memref_slice %arg2[%min3A_7, %dma_start3A_20] : memref<4096x768xf32, #tpu.memory_space<hbm>> -> memref<8x768xf32, #tpu.memory_space<hbm>>
    %dma_start3A_22 = arith.constant 8 : i32
    %dma_start3A_23 = arith.constant 0 : i32
    %dma_start3A_24 = tpu.memref_slice %arg4[%dma_start3A_22, %dma_start3A_23] : memref<16x768xf32, #tpu.memory_space<vmem>> -> memref<8x768xf32, #tpu.memory_space<vmem>>
    %dma_start3A_25 = arith.constant 0 : i32
    %dma_start3A_26 = tpu.memref_slice %arg2[%min3A_7, %dma_start3A_25] : memref<4096x768xf32, #tpu.memory_space<hbm>> -> memref<8x768xf32, #tpu.memory_space<hbm>>
    tpu.enqueue_dma source(%dma_start3A_26 : memref<8x768xf32, #tpu.memory_space<hbm>>) target(%dma_start3A_24 : memref<8x768xf32, #tpu.memory_space<vmem>>) target_semaphore(%arg8 : memref<!tpu.dma_semaphore, #tpu.memory_space<semaphore_mem>>)
    %add3A_27 = arith.constant 8 : i32
    %add3A_28 = arith.addi %mul3A_2, %add3A_27 : i32
    %add3A_29 = arith.constant 8 : i32
    %add3A_30 = arith.addi %add3A_28, %add3A_29 : i32
    %min3A_31 = arith.constant 4088 : i32
    %min3A_32 = arith.minsi %add3A_30, %min3A_31 : i32
    %dma_start3A_33 = arith.constant 0 : i32
    %dma_start3A_34 = arith.constant 0 : i32
    %dma_start3A_35 = tpu.memref_slice %arg5[%dma_start3A_33, %dma_start3A_34] : memref<16x768xf32, #tpu.memory_space<vmem>> -> memref<8x768xf32, #tpu.memory_space<vmem>>
    %dma_start3A_36 = arith.constant 0 : i32
    %dma_start3A_37 = tpu.memref_slice %arg2[%add3A_28, %dma_start3A_36] : memref<4096x768xf32, #tpu.memory_space<hbm>> -> memref<8x768xf32, #tpu.memory_space<hbm>>
    %dma_start3A_38 = arith.constant 0 : i32
    %dma_start3A_39 = arith.constant 0 : i32
    %dma_start3A_40 = tpu.memref_slice %arg5[%dma_start3A_38, %dma_start3A_39] : memref<16x768xf32, #tpu.memory_space<vmem>> -> memref<8x768xf32, #tpu.memory_space<vmem>>
    %dma_start3A_41 = arith.constant 0 : i32
    %dma_start3A_42 = tpu.memref_slice %arg2[%add3A_28, %dma_start3A_41] : memref<4096x768xf32, #tpu.memory_space<hbm>> -> memref<8x768xf32, #tpu.memory_space<hbm>>
    tpu.enqueue_dma source(%dma_start3A_42 : memref<8x768xf32, #tpu.memory_space<hbm>>) target(%dma_start3A_40 : memref<8x768xf32, #tpu.memory_space<vmem>>) target_semaphore(%arg9 : memref<!tpu.dma_semaphore, #tpu.memory_space<semaphore_mem>>)
    %dma_start3A_43 = arith.constant 8 : i32
    %dma_start3A_44 = arith.constant 0 : i32
    %dma_start3A_45 = tpu.memref_slice %arg5[%dma_start3A_43, %dma_start3A_44] : memref<16x768xf32, #tpu.memory_space<vmem>> -> memref<8x768xf32, #tpu.memory_space<vmem>>
    %dma_start3A_46 = arith.constant 0 : i32
    %dma_start3A_47 = tpu.memref_slice %arg2[%min3A_32, %dma_start3A_46] : memref<4096x768xf32, #tpu.memory_space<hbm>> -> memref<8x768xf32, #tpu.memory_space<hbm>>
    %dma_start3A_48 = arith.constant 8 : i32
    %dma_start3A_49 = arith.constant 0 : i32
    %dma_start3A_50 = tpu.memref_slice %arg5[%dma_start3A_48, %dma_start3A_49] : memref<16x768xf32, #tpu.memory_space<vmem>> -> memref<8x768xf32, #tpu.memory_space<vmem>>
    %dma_start3A_51 = arith.constant 0 : i32
    %dma_start3A_52 = tpu.memref_slice %arg2[%min3A_32, %dma_start3A_51] : memref<4096x768xf32, #tpu.memory_space<hbm>> -> memref<8x768xf32, #tpu.memory_space<hbm>>
    tpu.enqueue_dma source(%dma_start3A_52 : memref<8x768xf32, #tpu.memory_space<hbm>>) target(%dma_start3A_50 : memref<8x768xf32, #tpu.memory_space<vmem>>) target_semaphore(%arg9 : memref<!tpu.dma_semaphore, #tpu.memory_space<semaphore_mem>>)
    %scan3A = arith.constant 0 : i32
    %scan3A_53 = arith.constant 0 : i32
    %scan3A_54 = arith.constant 8 : i32
    %scan3A_55 = arith.addi %scan3A_53, %scan3A_54 : i32
    %scan3A_56 = arith.constant 1 : i32
    scf.for %scan3A_73 = %scan3A_53 to %scan3A_55 step %scan3A_56  : i32 {
      %gt3A = arith.constant 0 : i32
      %gt3A_74 = arith.cmpi sgt, %scan3A_73, %gt3A : i32
      %lt3A = arith.constant 7 : i32
      %lt3A_75 = arith.cmpi slt, %scan3A_73, %lt3A : i32
      %mul3A_76 = arith.constant 2 : i32
      %mul3A_77 = arith.muli %scan3A_73, %mul3A_76 : i32
      %mul3A_78 = arith.constant 8 : i32
      %mul3A_79 = arith.muli %mul3A_77, %mul3A_78 : i32
      %add3A_80 = arith.addi %mul3A_2, %mul3A_79 : i32
      %add3A_81 = arith.constant 8 : i32
      %add3A_82 = arith.addi %add3A_80, %add3A_81 : i32
      %min3A_83 = arith.constant 4088 : i32
      %min3A_84 = arith.minsi %add3A_82, %min3A_83 : i32
      %dma_wait3A_85 = arith.constant 0 : i32
      %dma_wait3A_86 = arith.constant 0 : i32
      %dma_wait3A_87 = tpu.memref_slice %arg4[%dma_wait3A_85, %dma_wait3A_86] : memref<16x768xf32, #tpu.memory_space<vmem>> -> memref<8x768xf32, #tpu.memory_space<vmem>>
      %dma_wait3A_88 = arith.constant 0 : i32
      %dma_wait3A_89 = tpu.memref_slice %arg2[%add3A_80, %dma_wait3A_88] : memref<4096x768xf32, #tpu.memory_space<hbm>> -> memref<8x768xf32, #tpu.memory_space<hbm>>
      %dma_wait3A_90 = arith.constant 0 : i32
      %dma_wait3A_91 = arith.constant 0 : i32
      %dma_wait3A_92 = tpu.memref_slice %arg4[%dma_wait3A_90, %dma_wait3A_91] : memref<16x768xf32, #tpu.memory_space<vmem>> -> memref<8x768xf32, #tpu.memory_space<vmem>>
      %dma_wait3A_93 = arith.constant 0 : i32
      %dma_wait3A_94 = tpu.memref_slice %arg2[%add3A_80, %dma_wait3A_93] : memref<4096x768xf32, #tpu.memory_space<hbm>> -> memref<8x768xf32, #tpu.memory_space<hbm>>
      tpu.wait_dma2 semaphore(%arg8 : memref<!tpu.dma_semaphore, #tpu.memory_space<semaphore_mem>>) src(%dma_wait3A_94 : memref<8x768xf32, #tpu.memory_space<hbm>>) dst(%dma_wait3A_92 : memref<8x768xf32, #tpu.memory_space<vmem>>)
      %dma_wait3A_95 = arith.constant 8 : i32
      %dma_wait3A_96 = arith.constant 0 : i32
      %dma_wait3A_97 = tpu.memref_slice %arg4[%dma_wait3A_95, %dma_wait3A_96] : memref<16x768xf32, #tpu.memory_space<vmem>> -> memref<8x768xf32, #tpu.memory_space<vmem>>
      %dma_wait3A_98 = arith.constant 0 : i32
      %dma_wait3A_99 = tpu.memref_slice %arg2[%min3A_84, %dma_wait3A_98] : memref<4096x768xf32, #tpu.memory_space<hbm>> -> memref<8x768xf32, #tpu.memory_space<hbm>>
      %dma_wait3A_100 = arith.constant 8 : i32
      %dma_wait3A_101 = arith.constant 0 : i32
      %dma_wait3A_102 = tpu.memref_slice %arg4[%dma_wait3A_100, %dma_wait3A_101] : memref<16x768xf32, #tpu.memory_space<vmem>> -> memref<8x768xf32, #tpu.memory_space<vmem>>
      %dma_wait3A_103 = arith.constant 0 : i32
      %dma_wait3A_104 = tpu.memref_slice %arg2[%min3A_84, %dma_wait3A_103] : memref<4096x768xf32, #tpu.memory_space<hbm>> -> memref<8x768xf32, #tpu.memory_space<hbm>>
      tpu.wait_dma2 semaphore(%arg8 : memref<!tpu.dma_semaphore, #tpu.memory_space<semaphore_mem>>) src(%dma_wait3A_104 : memref<8x768xf32, #tpu.memory_space<hbm>>) dst(%dma_wait3A_102 : memref<8x768xf32, #tpu.memory_space<vmem>>)
      %convert_element_type3A = arith.extui %gt3A_74 : i1 to i32
      %cond3A = arith.constant 0 : i32
      %cond3A_105 = arith.cmpi ne, %convert_element_type3A, %cond3A : i32
      scf.if %cond3A_105 {
        %sub3A_204 = arith.constant 2 : i32
        %sub3A_205 = arith.subi %mul3A_77, %sub3A_204 : i32
        %mul3A_206 = arith.constant 8 : i32
        %mul3A_207 = arith.muli %sub3A_205, %mul3A_206 : i32
        %add3A_208 = arith.addi %mul3A_2, %mul3A_207 : i32
        %mul3A_209 = arith.constant 8 : i32
        %mul3A_210 = arith.muli %add3A_208, %mul3A_209 : i32
        %dma_wait3A_211 = arith.constant 0 : i32
        %dma_wait3A_212 = tpu.memref_slice %arg3[%mul3A_210, %dma_wait3A_211] : memref<32768x768xf32, #tpu.memory_space<hbm>> -> memref<64x768xf32, #tpu.memory_space<hbm>>
        %dma_wait3A_213 = arith.constant 0 : i32
        %dma_wait3A_214 = tpu.memref_slice %arg3[%mul3A_210, %dma_wait3A_213] : memref<32768x768xf32, #tpu.memory_space<hbm>> -> memref<64x768xf32, #tpu.memory_space<hbm>>
        tpu.wait_dma2 semaphore(%arg10 : memref<!tpu.dma_semaphore, #tpu.memory_space<semaphore_mem>>) src(%arg6 : memref<64x768xf32, #tpu.memory_space<vmem>>) dst(%dma_wait3A_214 : memref<64x768xf32, #tpu.memory_space<hbm>>)
      } else {
      }
      %scan3A_106 = arith.constant 0 : i32
      %scan3A_107 = arith.constant 0 : i32
      %scan3A_108 = arith.constant 48 : i32
      %scan3A_109 = arith.addi %scan3A_107, %scan3A_108 : i32
      %scan3A_110 = arith.constant 1 : i32
      scf.for %scan3A_204 = %scan3A_107 to %scan3A_109 step %scan3A_110  : i32 {
        %mul3A_205 = arith.constant 16 : i32
        %mul3A_206 = arith.muli %scan3A_204, %mul3A_205 : i32
        %get3A = arith.constant 0 : i32
        %get3A_207 = arith.index_cast %get3A : i32 to index
        %get3A_208 = arith.index_cast %mul3A_206 : i32 to index
        %get3A_209 = tpu.vector_load %arg4[%get3A_207, %get3A_208] {strides = array<i32>} : memref<16x768xf32, #tpu.memory_space<vmem>>, vector<1x16xf32>,
        %get3A_210 = vector.shape_cast %get3A_209 : vector<1x16xf32> to vector<16xf32>
        %swap3A = arith.constant 0 : i32
        %swap3A_211 = arith.index_cast %swap3A : i32 to index
        %swap3A_212 = arith.index_cast %mul3A_206 : i32 to index
        %swap3A_213 = tpu.vector_load %arg6[%swap3A_211, %swap3A_212] {strides = array<i32>} : memref<64x768xf32, #tpu.memory_space<vmem>>, vector<1x16xf32>,
        %swap3A_214 = vector.shape_cast %swap3A_213 : vector<1x16xf32> to vector<16xf32>
        %swap3A_215 = vector.shape_cast %get3A_210 : vector<16xf32> to vector<1x16xf32>
        tpu.vector_store %arg6[%swap3A_211, %swap3A_212], %swap3A_215 {strides = array<i32>} : memref<64x768xf32, #tpu.memory_space<vmem>>, vector<1x16xf32>,
        %get3A_216 = arith.constant 1 : i32
        %get3A_217 = arith.index_cast %get3A_216 : i32 to index
        %get3A_218 = arith.index_cast %mul3A_206 : i32 to index
        %get3A_219 = tpu.vector_load %arg4[%get3A_217, %get3A_218] {strides = array<i32>} : memref<16x768xf32, #tpu.memory_space<vmem>>, vector<1x16xf32>,
        %get3A_220 = vector.shape_cast %get3A_219 : vector<1x16xf32> to vector<16xf32>
        %add3A_221 = arith.addf %get3A_210, %get3A_220 : vector<16xf32>
        %mul3A_222 = arith.constant 5.000000e-01 : f32
        %mul3A_223 = vector.broadcast %mul3A_222 : f32 to vector<16xf32>
        %mul3A_224 = arith.mulf %add3A_221, %mul3A_223 : vector<16xf32>
        %swap3A_225 = arith.constant 1 : i32
        %swap3A_226 = arith.index_cast %swap3A_225 : i32 to index
        %swap3A_227 = arith.index_cast %mul3A_206 : i32 to index
        %swap3A_228 = tpu.vector_load %arg6[%swap3A_226, %swap3A_227] {strides = array<i32>} : memref<64x768xf32, #tpu.memory_space<vmem>>, vector<1x16xf32>,
        %swap3A_229 = vector.shape_cast %swap3A_228 : vector<1x16xf32> to vector<16xf32>
        %swap3A_230 = vector.shape_cast %mul3A_224 : vector<16xf32> to vector<1x16xf32>
        tpu.vector_store %arg6[%swap3A_226, %swap3A_227], %swap3A_230 {strides = array<i32>} : memref<64x768xf32, #tpu.memory_space<vmem>>, vector<1x16xf32>,
        %get3A_231 = arith.constant 2 : i32
        %get3A_232 = arith.index_cast %get3A_231 : i32 to index
        %get3A_233 = arith.index_cast %mul3A_206 : i32 to index
        %get3A_234 = tpu.vector_load %arg4[%get3A_232, %get3A_233] {strides = array<i32>} : memref<16x768xf32, #tpu.memory_space<vmem>>, vector<1x16xf32>,
        %get3A_235 = vector.shape_cast %get3A_234 : vector<1x16xf32> to vector<16xf32>
        %add3A_236 = arith.addf %get3A_210, %get3A_235 : vector<16xf32>
        %mul3A_237 = arith.constant 5.000000e-01 : f32
        %mul3A_238 = vector.broadcast %mul3A_237 : f32 to vector<16xf32>
        %mul3A_239 = arith.mulf %add3A_236, %mul3A_238 : vector<16xf32>
        %swap3A_240 = arith.constant 2 : i32
        %swap3A_241 = arith.index_cast %swap3A_240 : i32 to index
        %swap3A_242 = arith.index_cast %mul3A_206 : i32 to index
        %swap3A_243 = tpu.vector_load %arg6[%swap3A_241, %swap3A_242] {strides = array<i32>} : memref<64x768xf32, #tpu.memory_space<vmem>>, vector<1x16xf32>,
        %swap3A_244 = vector.shape_cast %swap3A_243 : vector<1x16xf32> to vector<16xf32>
        %swap3A_245 = vector.shape_cast %mul3A_239 : vector<16xf32> to vector<1x16xf32>
        tpu.vector_store %arg6[%swap3A_241, %swap3A_242], %swap3A_245 {strides = array<i32>} : memref<64x768xf32, #tpu.memory_space<vmem>>, vector<1x16xf32>,
        %get3A_246 = arith.constant 3 : i32
        %get3A_247 = arith.index_cast %get3A_246 : i32 to index
        %get3A_248 = arith.index_cast %mul3A_206 : i32 to index
        %get3A_249 = tpu.vector_load %arg4[%get3A_247, %get3A_248] {strides = array<i32>} : memref<16x768xf32, #tpu.memory_space<vmem>>, vector<1x16xf32>,
        %get3A_250 = vector.shape_cast %get3A_249 : vector<1x16xf32> to vector<16xf32>
        %add3A_251 = arith.addf %get3A_210, %get3A_250 : vector<16xf32>
        %mul3A_252 = arith.constant 5.000000e-01 : f32
        %mul3A_253 = vector.broadcast %mul3A_252 : f32 to vector<16xf32>
        %mul3A_254 = arith.mulf %add3A_251, %mul3A_253 : vector<16xf32>
        %swap3A_255 = arith.constant 3 : i32
        %swap3A_256 = arith.index_cast %swap3A_255 : i32 to index
        %swap3A_257 = arith.index_cast %mul3A_206 : i32 to index
        %swap3A_258 = tpu.vector_load %arg6[%swap3A_256, %swap3A_257] {strides = array<i32>} : memref<64x768xf32, #tpu.memory_space<vmem>>, vector<1x16xf32>,
        %swap3A_259 = vector.shape_cast %swap3A_258 : vector<1x16xf32> to vector<16xf32>
        %swap3A_260 = vector.shape_cast %mul3A_254 : vector<16xf32> to vector<1x16xf32>
        tpu.vector_store %arg6[%swap3A_256, %swap3A_257], %swap3A_260 {strides = array<i32>} : memref<64x768xf32, #tpu.memory_space<vmem>>, vector<1x16xf32>,
        %get3A_261 = arith.constant 4 : i32
        %get3A_262 = arith.index_cast %get3A_261 : i32 to index
        %get3A_263 = arith.index_cast %mul3A_206 : i32 to index
        %get3A_264 = tpu.vector_load %arg4[%get3A_262, %get3A_263] {strides = array<i32>} : memref<16x768xf32, #tpu.memory_space<vmem>>, vector<1x16xf32>,
        %get3A_265 = vector.shape_cast %get3A_264 : vector<1x16xf32> to vector<16xf32>
        %add3A_266 = arith.addf %get3A_210, %get3A_265 : vector<16xf32>
        %mul3A_267 = arith.constant 5.000000e-01 : f32
        %mul3A_268 = vector.broadcast %mul3A_267 : f32 to vector<16xf32>
        %mul3A_269 = arith.mulf %add3A_266, %mul3A_268 : vector<16xf32>
        %swap3A_270 = arith.constant 4 : i32
        %swap3A_271 = arith.index_cast %swap3A_270 : i32 to index
        %swap3A_272 = arith.index_cast %mul3A_206 : i32 to index
        %swap3A_273 = tpu.vector_load %arg6[%swap3A_271, %swap3A_272] {strides = array<i32>} : memref<64x768xf32, #tpu.memory_space<vmem>>, vector<1x16xf32>,
        %swap3A_274 = vector.shape_cast %swap3A_273 : vector<1x16xf32> to vector<16xf32>
        %swap3A_275 = vector.shape_cast %mul3A_269 : vector<16xf32> to vector<1x16xf32>
        tpu.vector_store %arg6[%swap3A_271, %swap3A_272], %swap3A_275 {strides = array<i32>} : memref<64x768xf32, #tpu.memory_space<vmem>>, vector<1x16xf32>,
        %get3A_276 = arith.constant 5 : i32
        %get3A_277 = arith.index_cast %get3A_276 : i32 to index
        %get3A_278 = arith.index_cast %mul3A_206 : i32 to index
        %get3A_279 = tpu.vector_load %arg4[%get3A_277, %get3A_278] {strides = array<i32>} : memref<16x768xf32, #tpu.memory_space<vmem>>, vector<1x16xf32>,
        %get3A_280 = vector.shape_cast %get3A_279 : vector<1x16xf32> to vector<16xf32>
        %add3A_281 = arith.addf %get3A_210, %get3A_280 : vector<16xf32>
        %mul3A_282 = arith.constant 5.000000e-01 : f32
        %mul3A_283 = vector.broadcast %mul3A_282 : f32 to vector<16xf32>
        %mul3A_284 = arith.mulf %add3A_281, %mul3A_283 : vector<16xf32>
        %swap3A_285 = arith.constant 5 : i32
        %swap3A_286 = arith.index_cast %swap3A_285 : i32 to index
        %swap3A_287 = arith.index_cast %mul3A_206 : i32 to index
        %swap3A_288 = tpu.vector_load %arg6[%swap3A_286, %swap3A_287] {strides = array<i32>} : memref<64x768xf32, #tpu.memory_space<vmem>>, vector<1x16xf32>,
        %swap3A_289 = vector.shape_cast %swap3A_288 : vector<1x16xf32> to vector<16xf32>
        %swap3A_290 = vector.shape_cast %mul3A_284 : vector<16xf32> to vector<1x16xf32>
        tpu.vector_store %arg6[%swap3A_286, %swap3A_287], %swap3A_290 {strides = array<i32>} : memref<64x768xf32, #tpu.memory_space<vmem>>, vector<1x16xf32>,
        %get3A_291 = arith.constant 6 : i32
        %get3A_292 = arith.index_cast %get3A_291 : i32 to index
        %get3A_293 = arith.index_cast %mul3A_206 : i32 to index
        %get3A_294 = tpu.vector_load %arg4[%get3A_292, %get3A_293] {strides = array<i32>} : memref<16x768xf32, #tpu.memory_space<vmem>>, vector<1x16xf32>,
        %get3A_295 = vector.shape_cast %get3A_294 : vector<1x16xf32> to vector<16xf32>
        %add3A_296 = arith.addf %get3A_210, %get3A_295 : vector<16xf32>
        %mul3A_297 = arith.constant 5.000000e-01 : f32
        %mul3A_298 = vector.broadcast %mul3A_297 : f32 to vector<16xf32>
        %mul3A_299 = arith.mulf %add3A_296, %mul3A_298 : vector<16xf32>
        %swap3A_300 = arith.constant 6 : i32
        %swap3A_301 = arith.index_cast %swap3A_300 : i32 to index
        %swap3A_302 = arith.index_cast %mul3A_206 : i32 to index
        %swap3A_303 = tpu.vector_load %arg6[%swap3A_301, %swap3A_302] {strides = array<i32>} : memref<64x768xf32, #tpu.memory_space<vmem>>, vector<1x16xf32>,
        %swap3A_304 = vector.shape_cast %swap3A_303 : vector<1x16xf32> to vector<16xf32>
        %swap3A_305 = vector.shape_cast %mul3A_299 : vector<16xf32> to vector<1x16xf32>
        tpu.vector_store %arg6[%swap3A_301, %swap3A_302], %swap3A_305 {strides = array<i32>} : memref<64x768xf32, #tpu.memory_space<vmem>>, vector<1x16xf32>,
        %get3A_306 = arith.constant 7 : i32
        %get3A_307 = arith.index_cast %get3A_306 : i32 to index
        %get3A_308 = arith.index_cast %mul3A_206 : i32 to index
        %get3A_309 = tpu.vector_load %arg4[%get3A_307, %get3A_308] {strides = array<i32>} : memref<16x768xf32, #tpu.memory_space<vmem>>, vector<1x16xf32>,
        %get3A_310 = vector.shape_cast %get3A_309 : vector<1x16xf32> to vector<16xf32>
        %add3A_311 = arith.addf %get3A_210, %get3A_310 : vector<16xf32>
        %mul3A_312 = arith.constant 5.000000e-01 : f32
        %mul3A_313 = vector.broadcast %mul3A_312 : f32 to vector<16xf32>
        %mul3A_314 = arith.mulf %add3A_311, %mul3A_313 : vector<16xf32>
        %swap3A_315 = arith.constant 7 : i32
        %swap3A_316 = arith.index_cast %swap3A_315 : i32 to index
        %swap3A_317 = arith.index_cast %mul3A_206 : i32 to index
        %swap3A_318 = tpu.vector_load %arg6[%swap3A_316, %swap3A_317] {strides = array<i32>} : memref<64x768xf32, #tpu.memory_space<vmem>>, vector<1x16xf32>,
        %swap3A_319 = vector.shape_cast %swap3A_318 : vector<1x16xf32> to vector<16xf32>
        %swap3A_320 = vector.shape_cast %mul3A_314 : vector<16xf32> to vector<1x16xf32>
        tpu.vector_store %arg6[%swap3A_316, %swap3A_317], %swap3A_320 {strides = array<i32>} : memref<64x768xf32, #tpu.memory_space<vmem>>, vector<1x16xf32>,
        %get3A_321 = arith.constant 1 : i32
        %get3A_322 = arith.index_cast %get3A_321 : i32 to index
        %get3A_323 = arith.index_cast %mul3A_206 : i32 to index
        %get3A_324 = tpu.vector_load %arg4[%get3A_322, %get3A_323] {strides = array<i32>} : memref<16x768xf32, #tpu.memory_space<vmem>>, vector<1x16xf32>,
        %get3A_325 = vector.shape_cast %get3A_324 : vector<1x16xf32> to vector<16xf32>
        %swap3A_326 = arith.constant 8 : i32
        %swap3A_327 = arith.index_cast %swap3A_326 : i32 to index
        %swap3A_328 = arith.index_cast %mul3A_206 : i32 to index
        %swap3A_329 = tpu.vector_load %arg6[%swap3A_327, %swap3A_328] {strides = array<i32>} : memref<64x768xf32, #tpu.memory_space<vmem>>, vector<1x16xf32>,
        %swap3A_330 = vector.shape_cast %swap3A_329 : vector<1x16xf32> to vector<16xf32>
        %swap3A_331 = vector.shape_cast %get3A_325 : vector<16xf32> to vector<1x16xf32>
        tpu.vector_store %arg6[%swap3A_327, %swap3A_328], %swap3A_331 {strides = array<i32>} : memref<64x768xf32, #tpu.memory_space<vmem>>, vector<1x16xf32>,
        %get3A_332 = arith.constant 2 : i32
        %get3A_333 = arith.index_cast %get3A_332 : i32 to index
        %get3A_334 = arith.index_cast %mul3A_206 : i32 to index
        %get3A_335 = tpu.vector_load %arg4[%get3A_333, %get3A_334] {strides = array<i32>} : memref<16x768xf32, #tpu.memory_space<vmem>>, vector<1x16xf32>,
        %get3A_336 = vector.shape_cast %get3A_335 : vector<1x16xf32> to vector<16xf32>
        %add3A_337 = arith.addf %get3A_325, %get3A_336 : vector<16xf32>
        %mul3A_338 = arith.constant 5.000000e-01 : f32
        %mul3A_339 = vector.broadcast %mul3A_338 : f32 to vector<16xf32>
        %mul3A_340 = arith.mulf %add3A_337, %mul3A_339 : vector<16xf32>
        %swap3A_341 = arith.constant 9 : i32
        %swap3A_342 = arith.index_cast %swap3A_341 : i32 to index
        %swap3A_343 = arith.index_cast %mul3A_206 : i32 to index
        %swap3A_344 = tpu.vector_load %arg6[%swap3A_342, %swap3A_343] {strides = array<i32>} : memref<64x768xf32, #tpu.memory_space<vmem>>, vector<1x16xf32>,
        %swap3A_345 = vector.shape_cast %swap3A_344 : vector<1x16xf32> to vector<16xf32>
        %swap3A_346 = vector.shape_cast %mul3A_340 : vector<16xf32> to vector<1x16xf32>
        tpu.vector_store %arg6[%swap3A_342, %swap3A_343], %swap3A_346 {strides = array<i32>} : memref<64x768xf32, #tpu.memory_space<vmem>>, vector<1x16xf32>,
        %get3A_347 = arith.constant 3 : i32
        %get3A_348 = arith.index_cast %get3A_347 : i32 to index
        %get3A_349 = arith.index_cast %mul3A_206 : i32 to index
        %get3A_350 = tpu.vector_load %arg4[%get3A_348, %get3A_349] {strides = array<i32>} : memref<16x768xf32, #tpu.memory_space<vmem>>, vector<1x16xf32>,
        %get3A_351 = vector.shape_cast %get3A_350 : vector<1x16xf32> to vector<16xf32>
        %add3A_352 = arith.addf %get3A_325, %get3A_351 : vector<16xf32>
        %mul3A_353 = arith.constant 5.000000e-01 : f32
        %mul3A_354 = vector.broadcast %mul3A_353 : f32 to vector<16xf32>
        %mul3A_355 = arith.mulf %add3A_352, %mul3A_354 : vector<16xf32>
        %swap3A_356 = arith.constant 10 : i32
        %swap3A_357 = arith.index_cast %swap3A_356 : i32 to index
        %swap3A_358 = arith.index_cast %mul3A_206 : i32 to index
        %swap3A_359 = tpu.vector_load %arg6[%swap3A_357, %swap3A_358] {strides = array<i32>} : memref<64x768xf32, #tpu.memory_space<vmem>>, vector<1x16xf32>,
        %swap3A_360 = vector.shape_cast %swap3A_359 : vector<1x16xf32> to vector<16xf32>
        %swap3A_361 = vector.shape_cast %mul3A_355 : vector<16xf32> to vector<1x16xf32>
        tpu.vector_store %arg6[%swap3A_357, %swap3A_358], %swap3A_361 {strides = array<i32>} : memref<64x768xf32, #tpu.memory_space<vmem>>, vector<1x16xf32>,
        %get3A_362 = arith.constant 4 : i32
        %get3A_363 = arith.index_cast %get3A_362 : i32 to index
        %get3A_364 = arith.index_cast %mul3A_206 : i32 to index
        %get3A_365 = tpu.vector_load %arg4[%get3A_363, %get3A_364] {strides = array<i32>} : memref<16x768xf32, #tpu.memory_space<vmem>>, vector<1x16xf32>,
        %get3A_366 = vector.shape_cast %get3A_365 : vector<1x16xf32> to vector<16xf32>
        %add3A_367 = arith.addf %get3A_325, %get3A_366 : vector<16xf32>
        %mul3A_368 = arith.constant 5.000000e-01 : f32
        %mul3A_369 = vector.broadcast %mul3A_368 : f32 to vector<16xf32>
        %mul3A_370 = arith.mulf %add3A_367, %mul3A_369 : vector<16xf32>
        %swap3A_371 = arith.constant 11 : i32
        %swap3A_372 = arith.index_cast %swap3A_371 : i32 to index
        %swap3A_373 = arith.index_cast %mul3A_206 : i32 to index
        %swap3A_374 = tpu.vector_load %arg6[%swap3A_372, %swap3A_373] {strides = array<i32>} : memref<64x768xf32, #tpu.memory_space<vmem>>, vector<1x16xf32>,
        %swap3A_375 = vector.shape_cast %swap3A_374 : vector<1x16xf32> to vector<16xf32>
        %swap3A_376 = vector.shape_cast %mul3A_370 : vector<16xf32> to vector<1x16xf32>
        tpu.vector_store %arg6[%swap3A_372, %swap3A_373], %swap3A_376 {strides = array<i32>} : memref<64x768xf32, #tpu.memory_space<vmem>>, vector<1x16xf32>,
        %get3A_377 = arith.constant 5 : i32
        %get3A_378 = arith.index_cast %get3A_377 : i32 to index
        %get3A_379 = arith.index_cast %mul3A_206 : i32 to index
        %get3A_380 = tpu.vector_load %arg4[%get3A_378, %get3A_379] {strides = array<i32>} : memref<16x768xf32, #tpu.memory_space<vmem>>, vector<1x16xf32>,
        %get3A_381 = vector.shape_cast %get3A_380 : vector<1x16xf32> to vector<16xf32>
        %add3A_382 = arith.addf %get3A_325, %get3A_381 : vector<16xf32>
        %mul3A_383 = arith.constant 5.000000e-01 : f32
        %mul3A_384 = vector.broadcast %mul3A_383 : f32 to vector<16xf32>
        %mul3A_385 = arith.mulf %add3A_382, %mul3A_384 : vector<16xf32>
        %swap3A_386 = arith.constant 12 : i32
        %swap3A_387 = arith.index_cast %swap3A_386 : i32 to index
        %swap3A_388 = arith.index_cast %mul3A_206 : i32 to index
        %swap3A_389 = tpu.vector_load %arg6[%swap3A_387, %swap3A_388] {strides = array<i32>} : memref<64x768xf32, #tpu.memory_space<vmem>>, vector<1x16xf32>,
        %swap3A_390 = vector.shape_cast %swap3A_389 : vector<1x16xf32> to vector<16xf32>
        %swap3A_391 = vector.shape_cast %mul3A_385 : vector<16xf32> to vector<1x16xf32>
        tpu.vector_store %arg6[%swap3A_387, %swap3A_388], %swap3A_391 {strides = array<i32>} : memref<64x768xf32, #tpu.memory_space<vmem>>, vector<1x16xf32>,
        %get3A_392 = arith.constant 6 : i32
        %get3A_393 = arith.index_cast %get3A_392 : i32 to index
        %get3A_394 = arith.index_cast %mul3A_206 : i32 to index
        %get3A_395 = tpu.vector_load %arg4[%get3A_393, %get3A_394] {strides = array<i32>} : memref<16x768xf32, #tpu.memory_space<vmem>>, vector<1x16xf32>,
        %get3A_396 = vector.shape_cast %get3A_395 : vector<1x16xf32> to vector<16xf32>
        %add3A_397 = arith.addf %get3A_325, %get3A_396 : vector<16xf32>
        %mul3A_398 = arith.constant 5.000000e-01 : f32
        %mul3A_399 = vector.broadcast %mul3A_398 : f32 to vector<16xf32>
        %mul3A_400 = arith.mulf %add3A_397, %mul3A_399 : vector<16xf32>
        %swap3A_401 = arith.constant 13 : i32
        %swap3A_402 = arith.index_cast %swap3A_401 : i32 to index
        %swap3A_403 = arith.index_cast %mul3A_206 : i32 to index
        %swap3A_404 = tpu.vector_load %arg6[%swap3A_402, %swap3A_403] {strides = array<i32>} : memref<64x768xf32, #tpu.memory_space<vmem>>, vector<1x16xf32>,
        %swap3A_405 = vector.shape_cast %swap3A_404 : vector<1x16xf32> to vector<16xf32>
        %swap3A_406 = vector.shape_cast %mul3A_400 : vector<16xf32> to vector<1x16xf32>
        tpu.vector_store %arg6[%swap3A_402, %swap3A_403], %swap3A_406 {strides = array<i32>} : memref<64x768xf32, #tpu.memory_space<vmem>>, vector<1x16xf32>,
        %get3A_407 = arith.constant 7 : i32
        %get3A_408 = arith.index_cast %get3A_407 : i32 to index
        %get3A_409 = arith.index_cast %mul3A_206 : i32 to index
        %get3A_410 = tpu.vector_load %arg4[%get3A_408, %get3A_409] {strides = array<i32>} : memref<16x768xf32, #tpu.memory_space<vmem>>, vector<1x16xf32>,
        %get3A_411 = vector.shape_cast %get3A_410 : vector<1x16xf32> to vector<16xf32>
        %add3A_412 = arith.addf %get3A_325, %get3A_411 : vector<16xf32>
        %mul3A_413 = arith.constant 5.000000e-01 : f32
        %mul3A_414 = vector.broadcast %mul3A_413 : f32 to vector<16xf32>
        %mul3A_415 = arith.mulf %add3A_412, %mul3A_414 : vector<16xf32>
        %swap3A_416 = arith.constant 14 : i32
        %swap3A_417 = arith.index_cast %swap3A_416 : i32 to index
        %swap3A_418 = arith.index_cast %mul3A_206 : i32 to index
        %swap3A_419 = tpu.vector_load %arg6[%swap3A_417, %swap3A_418] {strides = array<i32>} : memref<64x768xf32, #tpu.memory_space<vmem>>, vector<1x16xf32>,
        %swap3A_420 = vector.shape_cast %swap3A_419 : vector<1x16xf32> to vector<16xf32>
        %swap3A_421 = vector.shape_cast %mul3A_415 : vector<16xf32> to vector<1x16xf32>
        tpu.vector_store %arg6[%swap3A_417, %swap3A_418], %swap3A_421 {strides = array<i32>} : memref<64x768xf32, #tpu.memory_space<vmem>>, vector<1x16xf32>,
        %get3A_422 = arith.constant 8 : i32
        %get3A_423 = arith.index_cast %get3A_422 : i32 to index
        %get3A_424 = arith.index_cast %mul3A_206 : i32 to index
        %get3A_425 = tpu.vector_load %arg4[%get3A_423, %get3A_424] {strides = array<i32>} : memref<16x768xf32, #tpu.memory_space<vmem>>, vector<1x16xf32>,
        %get3A_426 = vector.shape_cast %get3A_425 : vector<1x16xf32> to vector<16xf32>
        %add3A_427 = arith.addf %get3A_325, %get3A_426 : vector<16xf32>
        %mul3A_428 = arith.constant 5.000000e-01 : f32
        %mul3A_429 = vector.broadcast %mul3A_428 : f32 to vector<16xf32>
        %mul3A_430 = arith.mulf %add3A_427, %mul3A_429 : vector<16xf32>
        %swap3A_431 = arith.constant 15 : i32
        %swap3A_432 = arith.index_cast %swap3A_431 : i32 to index
        %swap3A_433 = arith.index_cast %mul3A_206 : i32 to index
        %swap3A_434 = tpu.vector_load %arg6[%swap3A_432, %swap3A_433] {strides = array<i32>} : memref<64x768xf32, #tpu.memory_space<vmem>>, vector<1x16xf32>,
        %swap3A_435 = vector.shape_cast %swap3A_434 : vector<1x16xf32> to vector<16xf32>
        %swap3A_436 = vector.shape_cast %mul3A_430 : vector<16xf32> to vector<1x16xf32>
        tpu.vector_store %arg6[%swap3A_432, %swap3A_433], %swap3A_436 {strides = array<i32>} : memref<64x768xf32, #tpu.memory_space<vmem>>, vector<1x16xf32>,
        %get3A_437 = arith.constant 2 : i32
        %get3A_438 = arith.index_cast %get3A_437 : i32 to index
        %get3A_439 = arith.index_cast %mul3A_206 : i32 to index
        %get3A_440 = tpu.vector_load %arg4[%get3A_438, %get3A_439] {strides = array<i32>} : memref<16x768xf32, #tpu.memory_space<vmem>>, vector<1x16xf32>,
        %get3A_441 = vector.shape_cast %get3A_440 : vector<1x16xf32> to vector<16xf32>
        %swap3A_442 = arith.constant 16 : i32
        %swap3A_443 = arith.index_cast %swap3A_442 : i32 to index
        %swap3A_444 = arith.index_cast %mul3A_206 : i32 to index
        %swap3A_445 = tpu.vector_load %arg6[%swap3A_443, %swap3A_444] {strides = array<i32>} : memref<64x768xf32, #tpu.memory_space<vmem>>, vector<1x16xf32>,
        %swap3A_446 = vector.shape_cast %swap3A_445 : vector<1x16xf32> to vector<16xf32>
        %swap3A_447 = vector.shape_cast %get3A_441 : vector<16xf32> to vector<1x16xf32>
        tpu.vector_store %arg6[%swap3A_443, %swap3A_444], %swap3A_447 {strides = array<i32>} : memref<64x768xf32, #tpu.memory_space<vmem>>, vector<1x16xf32>,
        %get3A_448 = arith.constant 3 : i32
        %get3A_449 = arith.index_cast %get3A_448 : i32 to index
        %get3A_450 = arith.index_cast %mul3A_206 : i32 to index
        %get3A_451 = tpu.vector_load %arg4[%get3A_449, %get3A_450] {strides = array<i32>} : memref<16x768xf32, #tpu.memory_space<vmem>>, vector<1x16xf32>,
        %get3A_452 = vector.shape_cast %get3A_451 : vector<1x16xf32> to vector<16xf32>
        %add3A_453 = arith.addf %get3A_441, %get3A_452 : vector<16xf32>
        %mul3A_454 = arith.constant 5.000000e-01 : f32
        %mul3A_455 = vector.broadcast %mul3A_454 : f32 to vector<16xf32>
        %mul3A_456 = arith.mulf %add3A_453, %mul3A_455 : vector<16xf32>
        %swap3A_457 = arith.constant 17 : i32
        %swap3A_458 = arith.index_cast %swap3A_457 : i32 to index
        %swap3A_459 = arith.index_cast %mul3A_206 : i32 to index
        %swap3A_460 = tpu.vector_load %arg6[%swap3A_458, %swap3A_459] {strides = array<i32>} : memref<64x768xf32, #tpu.memory_space<vmem>>, vector<1x16xf32>,
        %swap3A_461 = vector.shape_cast %swap3A_460 : vector<1x16xf32> to vector<16xf32>
        %swap3A_462 = vector.shape_cast %mul3A_456 : vector<16xf32> to vector<1x16xf32>
        tpu.vector_store %arg6[%swap3A_458, %swap3A_459], %swap3A_462 {strides = array<i32>} : memref<64x768xf32, #tpu.memory_space<vmem>>, vector<1x16xf32>,
        %get3A_463 = arith.constant 4 : i32
        %get3A_464 = arith.index_cast %get3A_463 : i32 to index
        %get3A_465 = arith.index_cast %mul3A_206 : i32 to index
        %get3A_466 = tpu.vector_load %arg4[%get3A_464, %get3A_465] {strides = array<i32>} : memref<16x768xf32, #tpu.memory_space<vmem>>, vector<1x16xf32>,
        %get3A_467 = vector.shape_cast %get3A_466 : vector<1x16xf32> to vector<16xf32>
        %add3A_468 = arith.addf %get3A_441, %get3A_467 : vector<16xf32>
        %mul3A_469 = arith.constant 5.000000e-01 : f32
        %mul3A_470 = vector.broadcast %mul3A_469 : f32 to vector<16xf32>
        %mul3A_471 = arith.mulf %add3A_468, %mul3A_470 : vector<16xf32>
        %swap3A_472 = arith.constant 18 : i32
        %swap3A_473 = arith.index_cast %swap3A_472 : i32 to index
        %swap3A_474 = arith.index_cast %mul3A_206 : i32 to index
        %swap3A_475 = tpu.vector_load %arg6[%swap3A_473, %swap3A_474] {strides = array<i32>} : memref<64x768xf32, #tpu.memory_space<vmem>>, vector<1x16xf32>,
        %swap3A_476 = vector.shape_cast %swap3A_475 : vector<1x16xf32> to vector<16xf32>
        %swap3A_477 = vector.shape_cast %mul3A_471 : vector<16xf32> to vector<1x16xf32>
        tpu.vector_store %arg6[%swap3A_473, %swap3A_474], %swap3A_477 {strides = array<i32>} : memref<64x768xf32, #tpu.memory_space<vmem>>, vector<1x16xf32>,
        %get3A_478 = arith.constant 5 : i32
        %get3A_479 = arith.index_cast %get3A_478 : i32 to index
        %get3A_480 = arith.index_cast %mul3A_206 : i32 to index
        %get3A_481 = tpu.vector_load %arg4[%get3A_479, %get3A_480] {strides = array<i32>} : memref<16x768xf32, #tpu.memory_space<vmem>>, vector<1x16xf32>,
        %get3A_482 = vector.shape_cast %get3A_481 : vector<1x16xf32> to vector<16xf32>
        %add3A_483 = arith.addf %get3A_441, %get3A_482 : vector<16xf32>
        %mul3A_484 = arith.constant 5.000000e-01 : f32
        %mul3A_485 = vector.broadcast %mul3A_484 : f32 to vector<16xf32>
        %mul3A_486 = arith.mulf %add3A_483, %mul3A_485 : vector<16xf32>
        %swap3A_487 = arith.constant 19 : i32
        %swap3A_488 = arith.index_cast %swap3A_487 : i32 to index
        %swap3A_489 = arith.index_cast %mul3A_206 : i32 to index
        %swap3A_490 = tpu.vector_load %arg6[%swap3A_488, %swap3A_489] {strides = array<i32>} : memref<64x768xf32, #tpu.memory_space<vmem>>, vector<1x16xf32>,
        %swap3A_491 = vector.shape_cast %swap3A_490 : vector<1x16xf32> to vector<16xf32>
        %swap3A_492 = vector.shape_cast %mul3A_486 : vector<16xf32> to vector<1x16xf32>
        tpu.vector_store %arg6[%swap3A_488, %swap3A_489], %swap3A_492 {strides = array<i32>} : memref<64x768xf32, #tpu.memory_space<vmem>>, vector<1x16xf32>,
        %get3A_493 = arith.constant 6 : i32
        %get3A_494 = arith.index_cast %get3A_493 : i32 to index
        %get3A_495 = arith.index_cast %mul3A_206 : i32 to index
        %get3A_496 = tpu.vector_load %arg4[%get3A_494, %get3A_495] {strides = array<i32>} : memref<16x768xf32, #tpu.memory_space<vmem>>, vector<1x16xf32>,
        %get3A_497 = vector.shape_cast %get3A_496 : vector<1x16xf32> to vector<16xf32>
        %add3A_498 = arith.addf %get3A_441, %get3A_497 : vector<16xf32>
        %mul3A_499 = arith.constant 5.000000e-01 : f32
        %mul3A_500 = vector.broadcast %mul3A_499 : f32 to vector<16xf32>
        %mul3A_501 = arith.mulf %add3A_498, %mul3A_500 : vector<16xf32>
        %swap3A_502 = arith.constant 20 : i32
        %swap3A_503 = arith.index_cast %swap3A_502 : i32 to index
        %swap3A_504 = arith.index_cast %mul3A_206 : i32 to index
        %swap3A_505 = tpu.vector_load %arg6[%swap3A_503, %swap3A_504] {strides = array<i32>} : memref<64x768xf32, #tpu.memory_space<vmem>>, vector<1x16xf32>,
        %swap3A_506 = vector.shape_cast %swap3A_505 : vector<1x16xf32> to vector<16xf32>
        %swap3A_507 = vector.shape_cast %mul3A_501 : vector<16xf32> to vector<1x16xf32>
        tpu.vector_store %arg6[%swap3A_503, %swap3A_504], %swap3A_507 {strides = array<i32>} : memref<64x768xf32, #tpu.memory_space<vmem>>, vector<1x16xf32>,
        %get3A_508 = arith.constant 7 : i32
        %get3A_509 = arith.index_cast %get3A_508 : i32 to index
        %get3A_510 = arith.index_cast %mul3A_206 : i32 to index
        %get3A_511 = tpu.vector_load %arg4[%get3A_509, %get3A_510] {strides = array<i32>} : memref<16x768xf32, #tpu.memory_space<vmem>>, vector<1x16xf32>,
        %get3A_512 = vector.shape_cast %get3A_511 : vector<1x16xf32> to vector<16xf32>
        %add3A_513 = arith.addf %get3A_441, %get3A_512 : vector<16xf32>
        %mul3A_514 = arith.constant 5.000000e-01 : f32
        %mul3A_515 = vector.broadcast %mul3A_514 : f32 to vector<16xf32>
        %mul3A_516 = arith.mulf %add3A_513, %mul3A_515 : vector<16xf32>
        %swap3A_517 = arith.constant 21 : i32
        %swap3A_518 = arith.index_cast %swap3A_517 : i32 to index
        %swap3A_519 = arith.index_cast %mul3A_206 : i32 to index
        %swap3A_520 = tpu.vector_load %arg6[%swap3A_518, %swap3A_519] {strides = array<i32>} : memref<64x768xf32, #tpu.memory_space<vmem>>, vector<1x16xf32>,
        %swap3A_521 = vector.shape_cast %swap3A_520 : vector<1x16xf32> to vector<16xf32>
        %swap3A_522 = vector.shape_cast %mul3A_516 : vector<16xf32> to vector<1x16xf32>
        tpu.vector_store %arg6[%swap3A_518, %swap3A_519], %swap3A_522 {strides = array<i32>} : memref<64x768xf32, #tpu.memory_space<vmem>>, vector<1x16xf32>,
        %get3A_523 = arith.constant 8 : i32
        %get3A_524 = arith.index_cast %get3A_523 : i32 to index
        %get3A_525 = arith.index_cast %mul3A_206 : i32 to index
        %get3A_526 = tpu.vector_load %arg4[%get3A_524, %get3A_525] {strides = array<i32>} : memref<16x768xf32, #tpu.memory_space<vmem>>, vector<1x16xf32>,
        %get3A_527 = vector.shape_cast %get3A_526 : vector<1x16xf32> to vector<16xf32>
        %add3A_528 = arith.addf %get3A_441, %get3A_527 : vector<16xf32>
        %mul3A_529 = arith.constant 5.000000e-01 : f32
        %mul3A_530 = vector.broadcast %mul3A_529 : f32 to vector<16xf32>
        %mul3A_531 = arith.mulf %add3A_528, %mul3A_530 : vector<16xf32>
        %swap3A_532 = arith.constant 22 : i32
        %swap3A_533 = arith.index_cast %swap3A_532 : i32 to index
        %swap3A_534 = arith.index_cast %mul3A_206 : i32 to index
        %swap3A_535 = tpu.vector_load %arg6[%swap3A_533, %swap3A_534] {strides = array<i32>} : memref<64x768xf32, #tpu.memory_space<vmem>>, vector<1x16xf32>,
        %swap3A_536 = vector.shape_cast %swap3A_535 : vector<1x16xf32> to vector<16xf32>
        %swap3A_537 = vector.shape_cast %mul3A_531 : vector<16xf32> to vector<1x16xf32>
        tpu.vector_store %arg6[%swap3A_533, %swap3A_534], %swap3A_537 {strides = array<i32>} : memref<64x768xf32, #tpu.memory_space<vmem>>, vector<1x16xf32>,
        %get3A_538 = arith.constant 9 : i32
        %get3A_539 = arith.index_cast %get3A_538 : i32 to index
        %get3A_540 = arith.index_cast %mul3A_206 : i32 to index
        %get3A_541 = tpu.vector_load %arg4[%get3A_539, %get3A_540] {strides = array<i32>} : memref<16x768xf32, #tpu.memory_space<vmem>>, vector<1x16xf32>,
        %get3A_542 = vector.shape_cast %get3A_541 : vector<1x16xf32> to vector<16xf32>
        %add3A_543 = arith.addf %get3A_441, %get3A_542 : vector<16xf32>
        %mul3A_544 = arith.constant 5.000000e-01 : f32
        %mul3A_545 = vector.broadcast %mul3A_544 : f32 to vector<16xf32>
        %mul3A_546 = arith.mulf %add3A_543, %mul3A_545 : vector<16xf32>
        %swap3A_547 = arith.constant 23 : i32
        %swap3A_548 = arith.index_cast %swap3A_547 : i32 to index
        %swap3A_549 = arith.index_cast %mul3A_206 : i32 to index
        %swap3A_550 = tpu.vector_load %arg6[%swap3A_548, %swap3A_549] {strides = array<i32>} : memref<64x768xf32, #tpu.memory_space<vmem>>, vector<1x16xf32>,
        %swap3A_551 = vector.shape_cast %swap3A_550 : vector<1x16xf32> to vector<16xf32>
        %swap3A_552 = vector.shape_cast %mul3A_546 : vector<16xf32> to vector<1x16xf32>
        tpu.vector_store %arg6[%swap3A_548, %swap3A_549], %swap3A_552 {strides = array<i32>} : memref<64x768xf32, #tpu.memory_space<vmem>>, vector<1x16xf32>,
        %get3A_553 = arith.constant 3 : i32
        %get3A_554 = arith.index_cast %get3A_553 : i32 to index
        %get3A_555 = arith.index_cast %mul3A_206 : i32 to index
        %get3A_556 = tpu.vector_load %arg4[%get3A_554, %get3A_555] {strides = array<i32>} : memref<16x768xf32, #tpu.memory_space<vmem>>, vector<1x16xf32>,
        %get3A_557 = vector.shape_cast %get3A_556 : vector<1x16xf32> to vector<16xf32>
        %swap3A_558 = arith.constant 24 : i32
        %swap3A_559 = arith.index_cast %swap3A_558 : i32 to index
        %swap3A_560 = arith.index_cast %mul3A_206 : i32 to index
        %swap3A_561 = tpu.vector_load %arg6[%swap3A_559, %swap3A_560] {strides = array<i32>} : memref<64x768xf32, #tpu.memory_space<vmem>>, vector<1x16xf32>,
        %swap3A_562 = vector.shape_cast %swap3A_561 : vector<1x16xf32> to vector<16xf32>
        %swap3A_563 = vector.shape_cast %get3A_557 : vector<16xf32> to vector<1x16xf32>
        tpu.vector_store %arg6[%swap3A_559, %swap3A_560], %swap3A_563 {strides = array<i32>} : memref<64x768xf32, #tpu.memory_space<vmem>>, vector<1x16xf32>,
        %get3A_564 = arith.constant 4 : i32
        %get3A_565 = arith.index_cast %get3A_564 : i32 to index
        %get3A_566 = arith.index_cast %mul3A_206 : i32 to index
        %get3A_567 = tpu.vector_load %arg4[%get3A_565, %get3A_566] {strides = array<i32>} : memref<16x768xf32, #tpu.memory_space<vmem>>, vector<1x16xf32>,
        %get3A_568 = vector.shape_cast %get3A_567 : vector<1x16xf32> to vector<16xf32>
        %add3A_569 = arith.addf %get3A_557, %get3A_568 : vector<16xf32>
        %mul3A_570 = arith.constant 5.000000e-01 : f32
        %mul3A_571 = vector.broadcast %mul3A_570 : f32 to vector<16xf32>
        %mul3A_572 = arith.mulf %add3A_569, %mul3A_571 : vector<16xf32>
        %swap3A_573 = arith.constant 25 : i32
        %swap3A_574 = arith.index_cast %swap3A_573 : i32 to index
        %swap3A_575 = arith.index_cast %mul3A_206 : i32 to index
        %swap3A_576 = tpu.vector_load %arg6[%swap3A_574, %swap3A_575] {strides = array<i32>} : memref<64x768xf32, #tpu.memory_space<vmem>>, vector<1x16xf32>,
        %swap3A_577 = vector.shape_cast %swap3A_576 : vector<1x16xf32> to vector<16xf32>
        %swap3A_578 = vector.shape_cast %mul3A_572 : vector<16xf32> to vector<1x16xf32>
        tpu.vector_store %arg6[%swap3A_574, %swap3A_575], %swap3A_578 {strides = array<i32>} : memref<64x768xf32, #tpu.memory_space<vmem>>, vector<1x16xf32>,
        %get3A_579 = arith.constant 5 : i32
        %get3A_580 = arith.index_cast %get3A_579 : i32 to index
        %get3A_581 = arith.index_cast %mul3A_206 : i32 to index
        %get3A_582 = tpu.vector_load %arg4[%get3A_580, %get3A_581] {strides = array<i32>} : memref<16x768xf32, #tpu.memory_space<vmem>>, vector<1x16xf32>,
        %get3A_583 = vector.shape_cast %get3A_582 : vector<1x16xf32> to vector<16xf32>
        %add3A_584 = arith.addf %get3A_557, %get3A_583 : vector<16xf32>
        %mul3A_585 = arith.constant 5.000000e-01 : f32
        %mul3A_586 = vector.broadcast %mul3A_585 : f32 to vector<16xf32>
        %mul3A_587 = arith.mulf %add3A_584, %mul3A_586 : vector<16xf32>
        %swap3A_588 = arith.constant 26 : i32
        %swap3A_589 = arith.index_cast %swap3A_588 : i32 to index
        %swap3A_590 = arith.index_cast %mul3A_206 : i32 to index
        %swap3A_591 = tpu.vector_load %arg6[%swap3A_589, %swap3A_590] {strides = array<i32>} : memref<64x768xf32, #tpu.memory_space<vmem>>, vector<1x16xf32>,
        %swap3A_592 = vector.shape_cast %swap3A_591 : vector<1x16xf32> to vector<16xf32>
        %swap3A_593 = vector.shape_cast %mul3A_587 : vector<16xf32> to vector<1x16xf32>
        tpu.vector_store %arg6[%swap3A_589, %swap3A_590], %swap3A_593 {strides = array<i32>} : memref<64x768xf32, #tpu.memory_space<vmem>>, vector<1x16xf32>,
        %get3A_594 = arith.constant 6 : i32
        %get3A_595 = arith.index_cast %get3A_594 : i32 to index
        %get3A_596 = arith.index_cast %mul3A_206 : i32 to index
        %get3A_597 = tpu.vector_load %arg4[%get3A_595, %get3A_596] {strides = array<i32>} : memref<16x768xf32, #tpu.memory_space<vmem>>, vector<1x16xf32>,
        %get3A_598 = vector.shape_cast %get3A_597 : vector<1x16xf32> to vector<16xf32>
        %add3A_599 = arith.addf %get3A_557, %get3A_598 : vector<16xf32>
        %mul3A_600 = arith.constant 5.000000e-01 : f32
        %mul3A_601 = vector.broadcast %mul3A_600 : f32 to vector<16xf32>
        %mul3A_602 = arith.mulf %add3A_599, %mul3A_601 : vector<16xf32>
        %swap3A_603 = arith.constant 27 : i32
        %swap3A_604 = arith.index_cast %swap3A_603 : i32 to index
        %swap3A_605 = arith.index_cast %mul3A_206 : i32 to index
        %swap3A_606 = tpu.vector_load %arg6[%swap3A_604, %swap3A_605] {strides = array<i32>} : memref<64x768xf32, #tpu.memory_space<vmem>>, vector<1x16xf32>,
        %swap3A_607 = vector.shape_cast %swap3A_606 : vector<1x16xf32> to vector<16xf32>
        %swap3A_608 = vector.shape_cast %mul3A_602 : vector<16xf32> to vector<1x16xf32>
        tpu.vector_store %arg6[%swap3A_604, %swap3A_605], %swap3A_608 {strides = array<i32>} : memref<64x768xf32, #tpu.memory_space<vmem>>, vector<1x16xf32>,
        %get3A_609 = arith.constant 7 : i32
        %get3A_610 = arith.index_cast %get3A_609 : i32 to index
        %get3A_611 = arith.index_cast %mul3A_206 : i32 to index
        %get3A_612 = tpu.vector_load %arg4[%get3A_610, %get3A_611] {strides = array<i32>} : memref<16x768xf32, #tpu.memory_space<vmem>>, vector<1x16xf32>,
        %get3A_613 = vector.shape_cast %get3A_612 : vector<1x16xf32> to vector<16xf32>
        %add3A_614 = arith.addf %get3A_557, %get3A_613 : vector<16xf32>
        %mul3A_615 = arith.constant 5.000000e-01 : f32
        %mul3A_616 = vector.broadcast %mul3A_615 : f32 to vector<16xf32>
        %mul3A_617 = arith.mulf %add3A_614, %mul3A_616 : vector<16xf32>
        %swap3A_618 = arith.constant 28 : i32
        %swap3A_619 = arith.index_cast %swap3A_618 : i32 to index
        %swap3A_620 = arith.index_cast %mul3A_206 : i32 to index
        %swap3A_621 = tpu.vector_load %arg6[%swap3A_619, %swap3A_620] {strides = array<i32>} : memref<64x768xf32, #tpu.memory_space<vmem>>, vector<1x16xf32>,
        %swap3A_622 = vector.shape_cast %swap3A_621 : vector<1x16xf32> to vector<16xf32>
        %swap3A_623 = vector.shape_cast %mul3A_617 : vector<16xf32> to vector<1x16xf32>
        tpu.vector_store %arg6[%swap3A_619, %swap3A_620], %swap3A_623 {strides = array<i32>} : memref<64x768xf32, #tpu.memory_space<vmem>>, vector<1x16xf32>,
        %get3A_624 = arith.constant 8 : i32
        %get3A_625 = arith.index_cast %get3A_624 : i32 to index
        %get3A_626 = arith.index_cast %mul3A_206 : i32 to index
        %get3A_627 = tpu.vector_load %arg4[%get3A_625, %get3A_626] {strides = array<i32>} : memref<16x768xf32, #tpu.memory_space<vmem>>, vector<1x16xf32>,
        %get3A_628 = vector.shape_cast %get3A_627 : vector<1x16xf32> to vector<16xf32>
        %add3A_629 = arith.addf %get3A_557, %get3A_628 : vector<16xf32>
        %mul3A_630 = arith.constant 5.000000e-01 : f32
        %mul3A_631 = vector.broadcast %mul3A_630 : f32 to vector<16xf32>
        %mul3A_632 = arith.mulf %add3A_629, %mul3A_631 : vector<16xf32>
        %swap3A_633 = arith.constant 29 : i32
        %swap3A_634 = arith.index_cast %swap3A_633 : i32 to index
        %swap3A_635 = arith.index_cast %mul3A_206 : i32 to index
        %swap3A_636 = tpu.vector_load %arg6[%swap3A_634, %swap3A_635] {strides = array<i32>} : memref<64x768xf32, #tpu.memory_space<vmem>>, vector<1x16xf32>,
        %swap3A_637 = vector.shape_cast %swap3A_636 : vector<1x16xf32> to vector<16xf32>
        %swap3A_638 = vector.shape_cast %mul3A_632 : vector<16xf32> to vector<1x16xf32>
        tpu.vector_store %arg6[%swap3A_634, %swap3A_635], %swap3A_638 {strides = array<i32>} : memref<64x768xf32, #tpu.memory_space<vmem>>, vector<1x16xf32>,
        %get3A_639 = arith.constant 9 : i32
        %get3A_640 = arith.index_cast %get3A_639 : i32 to index
        %get3A_641 = arith.index_cast %mul3A_206 : i32 to index
        %get3A_642 = tpu.vector_load %arg4[%get3A_640, %get3A_641] {strides = array<i32>} : memref<16x768xf32, #tpu.memory_space<vmem>>, vector<1x16xf32>,
        %get3A_643 = vector.shape_cast %get3A_642 : vector<1x16xf32> to vector<16xf32>
        %add3A_644 = arith.addf %get3A_557, %get3A_643 : vector<16xf32>
        %mul3A_645 = arith.constant 5.000000e-01 : f32
        %mul3A_646 = vector.broadcast %mul3A_645 : f32 to vector<16xf32>
        %mul3A_647 = arith.mulf %add3A_644, %mul3A_646 : vector<16xf32>
        %swap3A_648 = arith.constant 30 : i32
        %swap3A_649 = arith.index_cast %swap3A_648 : i32 to index
        %swap3A_650 = arith.index_cast %mul3A_206 : i32 to index
        %swap3A_651 = tpu.vector_load %arg6[%swap3A_649, %swap3A_650] {strides = array<i32>} : memref<64x768xf32, #tpu.memory_space<vmem>>, vector<1x16xf32>,
        %swap3A_652 = vector.shape_cast %swap3A_651 : vector<1x16xf32> to vector<16xf32>
        %swap3A_653 = vector.shape_cast %mul3A_647 : vector<16xf32> to vector<1x16xf32>
        tpu.vector_store %arg6[%swap3A_649, %swap3A_650], %swap3A_653 {strides = array<i32>} : memref<64x768xf32, #tpu.memory_space<vmem>>, vector<1x16xf32>,
        %get3A_654 = arith.constant 10 : i32
        %get3A_655 = arith.index_cast %get3A_654 : i32 to index
        %get3A_656 = arith.index_cast %mul3A_206 : i32 to index
        %get3A_657 = tpu.vector_load %arg4[%get3A_655, %get3A_656] {strides = array<i32>} : memref<16x768xf32, #tpu.memory_space<vmem>>, vector<1x16xf32>,
        %get3A_658 = vector.shape_cast %get3A_657 : vector<1x16xf32> to vector<16xf32>
        %add3A_659 = arith.addf %get3A_557, %get3A_658 : vector<16xf32>
        %mul3A_660 = arith.constant 5.000000e-01 : f32
        %mul3A_661 = vector.broadcast %mul3A_660 : f32 to vector<16xf32>
        %mul3A_662 = arith.mulf %add3A_659, %mul3A_661 : vector<16xf32>
        %swap3A_663 = arith.constant 31 : i32
        %swap3A_664 = arith.index_cast %swap3A_663 : i32 to index
        %swap3A_665 = arith.index_cast %mul3A_206 : i32 to index
        %swap3A_666 = tpu.vector_load %arg6[%swap3A_664, %swap3A_665] {strides = array<i32>} : memref<64x768xf32, #tpu.memory_space<vmem>>, vector<1x16xf32>,
        %swap3A_667 = vector.shape_cast %swap3A_666 : vector<1x16xf32> to vector<16xf32>
        %swap3A_668 = vector.shape_cast %mul3A_662 : vector<16xf32> to vector<1x16xf32>
        tpu.vector_store %arg6[%swap3A_664, %swap3A_665], %swap3A_668 {strides = array<i32>} : memref<64x768xf32, #tpu.memory_space<vmem>>, vector<1x16xf32>,
        %get3A_669 = arith.constant 4 : i32
        %get3A_670 = arith.index_cast %get3A_669 : i32 to index
        %get3A_671 = arith.index_cast %mul3A_206 : i32 to index
        %get3A_672 = tpu.vector_load %arg4[%get3A_670, %get3A_671] {strides = array<i32>} : memref<16x768xf32, #tpu.memory_space<vmem>>, vector<1x16xf32>,
        %get3A_673 = vector.shape_cast %get3A_672 : vector<1x16xf32> to vector<16xf32>
        %swap3A_674 = arith.constant 32 : i32
        %swap3A_675 = arith.index_cast %swap3A_674 : i32 to index
        %swap3A_676 = arith.index_cast %mul3A_206 : i32 to index
        %swap3A_677 = tpu.vector_load %arg6[%swap3A_675, %swap3A_676] {strides = array<i32>} : memref<64x768xf32, #tpu.memory_space<vmem>>, vector<1x16xf32>,
        %swap3A_678 = vector.shape_cast %swap3A_677 : vector<1x16xf32> to vector<16xf32>
        %swap3A_679 = vector.shape_cast %get3A_673 : vector<16xf32> to vector<1x16xf32>
        tpu.vector_store %arg6[%swap3A_675, %swap3A_676], %swap3A_679 {strides = array<i32>} : memref<64x768xf32, #tpu.memory_space<vmem>>, vector<1x16xf32>,
        %get3A_680 = arith.constant 5 : i32
        %get3A_681 = arith.index_cast %get3A_680 : i32 to index
        %get3A_682 = arith.index_cast %mul3A_206 : i32 to index
        %get3A_683 = tpu.vector_load %arg4[%get3A_681, %get3A_682] {strides = array<i32>} : memref<16x768xf32, #tpu.memory_space<vmem>>, vector<1x16xf32>,
        %get3A_684 = vector.shape_cast %get3A_683 : vector<1x16xf32> to vector<16xf32>
        %add3A_685 = arith.addf %get3A_673, %get3A_684 : vector<16xf32>
        %mul3A_686 = arith.constant 5.000000e-01 : f32
        %mul3A_687 = vector.broadcast %mul3A_686 : f32 to vector<16xf32>
        %mul3A_688 = arith.mulf %add3A_685, %mul3A_687 : vector<16xf32>
        %swap3A_689 = arith.constant 33 : i32
        %swap3A_690 = arith.index_cast %swap3A_689 : i32 to index
        %swap3A_691 = arith.index_cast %mul3A_206 : i32 to index
        %swap3A_692 = tpu.vector_load %arg6[%swap3A_690, %swap3A_691] {strides = array<i32>} : memref<64x768xf32, #tpu.memory_space<vmem>>, vector<1x16xf32>,
        %swap3A_693 = vector.shape_cast %swap3A_692 : vector<1x16xf32> to vector<16xf32>
        %swap3A_694 = vector.shape_cast %mul3A_688 : vector<16xf32> to vector<1x16xf32>
        tpu.vector_store %arg6[%swap3A_690, %swap3A_691], %swap3A_694 {strides = array<i32>} : memref<64x768xf32, #tpu.memory_space<vmem>>, vector<1x16xf32>,
        %get3A_695 = arith.constant 6 : i32
        %get3A_696 = arith.index_cast %get3A_695 : i32 to index
        %get3A_697 = arith.index_cast %mul3A_206 : i32 to index
        %get3A_698 = tpu.vector_load %arg4[%get3A_696, %get3A_697] {strides = array<i32>} : memref<16x768xf32, #tpu.memory_space<vmem>>, vector<1x16xf32>,
        %get3A_699 = vector.shape_cast %get3A_698 : vector<1x16xf32> to vector<16xf32>
        %add3A_700 = arith.addf %get3A_673, %get3A_699 : vector<16xf32>
        %mul3A_701 = arith.constant 5.000000e-01 : f32
        %mul3A_702 = vector.broadcast %mul3A_701 : f32 to vector<16xf32>
        %mul3A_703 = arith.mulf %add3A_700, %mul3A_702 : vector<16xf32>
        %swap3A_704 = arith.constant 34 : i32
        %swap3A_705 = arith.index_cast %swap3A_704 : i32 to index
        %swap3A_706 = arith.index_cast %mul3A_206 : i32 to index
        %swap3A_707 = tpu.vector_load %arg6[%swap3A_705, %swap3A_706] {strides = array<i32>} : memref<64x768xf32, #tpu.memory_space<vmem>>, vector<1x16xf32>,
        %swap3A_708 = vector.shape_cast %swap3A_707 : vector<1x16xf32> to vector<16xf32>
        %swap3A_709 = vector.shape_cast %mul3A_703 : vector<16xf32> to vector<1x16xf32>
        tpu.vector_store %arg6[%swap3A_705, %swap3A_706], %swap3A_709 {strides = array<i32>} : memref<64x768xf32, #tpu.memory_space<vmem>>, vector<1x16xf32>,
        %get3A_710 = arith.constant 7 : i32
        %get3A_711 = arith.index_cast %get3A_710 : i32 to index
        %get3A_712 = arith.index_cast %mul3A_206 : i32 to index
        %get3A_713 = tpu.vector_load %arg4[%get3A_711, %get3A_712] {strides = array<i32>} : memref<16x768xf32, #tpu.memory_space<vmem>>, vector<1x16xf32>,
        %get3A_714 = vector.shape_cast %get3A_713 : vector<1x16xf32> to vector<16xf32>
        %add3A_715 = arith.addf %get3A_673, %get3A_714 : vector<16xf32>
        %mul3A_716 = arith.constant 5.000000e-01 : f32
        %mul3A_717 = vector.broadcast %mul3A_716 : f32 to vector<16xf32>
        %mul3A_718 = arith.mulf %add3A_715, %mul3A_717 : vector<16xf32>
        %swap3A_719 = arith.constant 35 : i32
        %swap3A_720 = arith.index_cast %swap3A_719 : i32 to index
        %swap3A_721 = arith.index_cast %mul3A_206 : i32 to index
        %swap3A_722 = tpu.vector_load %arg6[%swap3A_720, %swap3A_721] {strides = array<i32>} : memref<64x768xf32, #tpu.memory_space<vmem>>, vector<1x16xf32>,
        %swap3A_723 = vector.shape_cast %swap3A_722 : vector<1x16xf32> to vector<16xf32>
        %swap3A_724 = vector.shape_cast %mul3A_718 : vector<16xf32> to vector<1x16xf32>
        tpu.vector_store %arg6[%swap3A_720, %swap3A_721], %swap3A_724 {strides = array<i32>} : memref<64x768xf32, #tpu.memory_space<vmem>>, vector<1x16xf32>,
        %get3A_725 = arith.constant 8 : i32
        %get3A_726 = arith.index_cast %get3A_725 : i32 to index
        %get3A_727 = arith.index_cast %mul3A_206 : i32 to index
        %get3A_728 = tpu.vector_load %arg4[%get3A_726, %get3A_727] {strides = array<i32>} : memref<16x768xf32, #tpu.memory_space<vmem>>, vector<1x16xf32>,
        %get3A_729 = vector.shape_cast %get3A_728 : vector<1x16xf32> to vector<16xf32>
        %add3A_730 = arith.addf %get3A_673, %get3A_729 : vector<16xf32>
        %mul3A_731 = arith.constant 5.000000e-01 : f32
        %mul3A_732 = vector.broadcast %mul3A_731 : f32 to vector<16xf32>
        %mul3A_733 = arith.mulf %add3A_730, %mul3A_732 : vector<16xf32>
        %swap3A_734 = arith.constant 36 : i32
        %swap3A_735 = arith.index_cast %swap3A_734 : i32 to index
        %swap3A_736 = arith.index_cast %mul3A_206 : i32 to index
        %swap3A_737 = tpu.vector_load %arg6[%swap3A_735, %swap3A_736] {strides = array<i32>} : memref<64x768xf32, #tpu.memory_space<vmem>>, vector<1x16xf32>,
        %swap3A_738 = vector.shape_cast %swap3A_737 : vector<1x16xf32> to vector<16xf32>
        %swap3A_739 = vector.shape_cast %mul3A_733 : vector<16xf32> to vector<1x16xf32>
        tpu.vector_store %arg6[%swap3A_735, %swap3A_736], %swap3A_739 {strides = array<i32>} : memref<64x768xf32, #tpu.memory_space<vmem>>, vector<1x16xf32>,
        %get3A_740 = arith.constant 9 : i32
        %get3A_741 = arith.index_cast %get3A_740 : i32 to index
        %get3A_742 = arith.index_cast %mul3A_206 : i32 to index
        %get3A_743 = tpu.vector_load %arg4[%get3A_741, %get3A_742] {strides = array<i32>} : memref<16x768xf32, #tpu.memory_space<vmem>>, vector<1x16xf32>,
        %get3A_744 = vector.shape_cast %get3A_743 : vector<1x16xf32> to vector<16xf32>
        %add3A_745 = arith.addf %get3A_673, %get3A_744 : vector<16xf32>
        %mul3A_746 = arith.constant 5.000000e-01 : f32
        %mul3A_747 = vector.broadcast %mul3A_746 : f32 to vector<16xf32>
        %mul3A_748 = arith.mulf %add3A_745, %mul3A_747 : vector<16xf32>
        %swap3A_749 = arith.constant 37 : i32
        %swap3A_750 = arith.index_cast %swap3A_749 : i32 to index
        %swap3A_751 = arith.index_cast %mul3A_206 : i32 to index
        %swap3A_752 = tpu.vector_load %arg6[%swap3A_750, %swap3A_751] {strides = array<i32>} : memref<64x768xf32, #tpu.memory_space<vmem>>, vector<1x16xf32>,
        %swap3A_753 = vector.shape_cast %swap3A_752 : vector<1x16xf32> to vector<16xf32>
        %swap3A_754 = vector.shape_cast %mul3A_748 : vector<16xf32> to vector<1x16xf32>
        tpu.vector_store %arg6[%swap3A_750, %swap3A_751], %swap3A_754 {strides = array<i32>} : memref<64x768xf32, #tpu.memory_space<vmem>>, vector<1x16xf32>,
        %get3A_755 = arith.constant 10 : i32
        %get3A_756 = arith.index_cast %get3A_755 : i32 to index
        %get3A_757 = arith.index_cast %mul3A_206 : i32 to index
        %get3A_758 = tpu.vector_load %arg4[%get3A_756, %get3A_757] {strides = array<i32>} : memref<16x768xf32, #tpu.memory_space<vmem>>, vector<1x16xf32>,
        %get3A_759 = vector.shape_cast %get3A_758 : vector<1x16xf32> to vector<16xf32>
        %add3A_760 = arith.addf %get3A_673, %get3A_759 : vector<16xf32>
        %mul3A_761 = arith.constant 5.000000e-01 : f32
        %mul3A_762 = vector.broadcast %mul3A_761 : f32 to vector<16xf32>
        %mul3A_763 = arith.mulf %add3A_760, %mul3A_762 : vector<16xf32>
        %swap3A_764 = arith.constant 38 : i32
        %swap3A_765 = arith.index_cast %swap3A_764 : i32 to index
        %swap3A_766 = arith.index_cast %mul3A_206 : i32 to index
        %swap3A_767 = tpu.vector_load %arg6[%swap3A_765, %swap3A_766] {strides = array<i32>} : memref<64x768xf32, #tpu.memory_space<vmem>>, vector<1x16xf32>,
        %swap3A_768 = vector.shape_cast %swap3A_767 : vector<1x16xf32> to vector<16xf32>
        %swap3A_769 = vector.shape_cast %mul3A_763 : vector<16xf32> to vector<1x16xf32>
        tpu.vector_store %arg6[%swap3A_765, %swap3A_766], %swap3A_769 {strides = array<i32>} : memref<64x768xf32, #tpu.memory_space<vmem>>, vector<1x16xf32>,
        %get3A_770 = arith.constant 11 : i32
        %get3A_771 = arith.index_cast %get3A_770 : i32 to index
        %get3A_772 = arith.index_cast %mul3A_206 : i32 to index
        %get3A_773 = tpu.vector_load %arg4[%get3A_771, %get3A_772] {strides = array<i32>} : memref<16x768xf32, #tpu.memory_space<vmem>>, vector<1x16xf32>,
        %get3A_774 = vector.shape_cast %get3A_773 : vector<1x16xf32> to vector<16xf32>
        %add3A_775 = arith.addf %get3A_673, %get3A_774 : vector<16xf32>
        %mul3A_776 = arith.constant 5.000000e-01 : f32
        %mul3A_777 = vector.broadcast %mul3A_776 : f32 to vector<16xf32>
        %mul3A_778 = arith.mulf %add3A_775, %mul3A_777 : vector<16xf32>
        %swap3A_779 = arith.constant 39 : i32
        %swap3A_780 = arith.index_cast %swap3A_779 : i32 to index
        %swap3A_781 = arith.index_cast %mul3A_206 : i32 to index
        %swap3A_782 = tpu.vector_load %arg6[%swap3A_780, %swap3A_781] {strides = array<i32>} : memref<64x768xf32, #tpu.memory_space<vmem>>, vector<1x16xf32>,
        %swap3A_783 = vector.shape_cast %swap3A_782 : vector<1x16xf32> to vector<16xf32>
        %swap3A_784 = vector.shape_cast %mul3A_778 : vector<16xf32> to vector<1x16xf32>
        tpu.vector_store %arg6[%swap3A_780, %swap3A_781], %swap3A_784 {strides = array<i32>} : memref<64x768xf32, #tpu.memory_space<vmem>>, vector<1x16xf32>,
        %get3A_785 = arith.constant 5 : i32
        %get3A_786 = arith.index_cast %get3A_785 : i32 to index
        %get3A_787 = arith.index_cast %mul3A_206 : i32 to index
        %get3A_788 = tpu.vector_load %arg4[%get3A_786, %get3A_787] {strides = array<i32>} : memref<16x768xf32, #tpu.memory_space<vmem>>, vector<1x16xf32>,
        %get3A_789 = vector.shape_cast %get3A_788 : vector<1x16xf32> to vector<16xf32>
        %swap3A_790 = arith.constant 40 : i32
        %swap3A_791 = arith.index_cast %swap3A_790 : i32 to index
        %swap3A_792 = arith.index_cast %mul3A_206 : i32 to index
        %swap3A_793 = tpu.vector_load %arg6[%swap3A_791, %swap3A_792] {strides = array<i32>} : memref<64x768xf32, #tpu.memory_space<vmem>>, vector<1x16xf32>,
        %swap3A_794 = vector.shape_cast %swap3A_793 : vector<1x16xf32> to vector<16xf32>
        %swap3A_795 = vector.shape_cast %get3A_789 : vector<16xf32> to vector<1x16xf32>
        tpu.vector_store %arg6[%swap3A_791, %swap3A_792], %swap3A_795 {strides = array<i32>} : memref<64x768xf32, #tpu.memory_space<vmem>>, vector<1x16xf32>,
        %get3A_796 = arith.constant 6 : i32
        %get3A_797 = arith.index_cast %get3A_796 : i32 to index
        %get3A_798 = arith.index_cast %mul3A_206 : i32 to index
        %get3A_799 = tpu.vector_load %arg4[%get3A_797, %get3A_798] {strides = array<i32>} : memref<16x768xf32, #tpu.memory_space<vmem>>, vector<1x16xf32>,
        %get3A_800 = vector.shape_cast %get3A_799 : vector<1x16xf32> to vector<16xf32>
        %add3A_801 = arith.addf %get3A_789, %get3A_800 : vector<16xf32>
        %mul3A_802 = arith.constant 5.000000e-01 : f32
        %mul3A_803 = vector.broadcast %mul3A_802 : f32 to vector<16xf32>
        %mul3A_804 = arith.mulf %add3A_801, %mul3A_803 : vector<16xf32>
        %swap3A_805 = arith.constant 41 : i32
        %swap3A_806 = arith.index_cast %swap3A_805 : i32 to index
        %swap3A_807 = arith.index_cast %mul3A_206 : i32 to index
        %swap3A_808 = tpu.vector_load %arg6[%swap3A_806, %swap3A_807] {strides = array<i32>} : memref<64x768xf32, #tpu.memory_space<vmem>>, vector<1x16xf32>,
        %swap3A_809 = vector.shape_cast %swap3A_808 : vector<1x16xf32> to vector<16xf32>
        %swap3A_810 = vector.shape_cast %mul3A_804 : vector<16xf32> to vector<1x16xf32>
        tpu.vector_store %arg6[%swap3A_806, %swap3A_807], %swap3A_810 {strides = array<i32>} : memref<64x768xf32, #tpu.memory_space<vmem>>, vector<1x16xf32>,
        %get3A_811 = arith.constant 7 : i32
        %get3A_812 = arith.index_cast %get3A_811 : i32 to index
        %get3A_813 = arith.index_cast %mul3A_206 : i32 to index
        %get3A_814 = tpu.vector_load %arg4[%get3A_812, %get3A_813] {strides = array<i32>} : memref<16x768xf32, #tpu.memory_space<vmem>>, vector<1x16xf32>,
        %get3A_815 = vector.shape_cast %get3A_814 : vector<1x16xf32> to vector<16xf32>
        %add3A_816 = arith.addf %get3A_789, %get3A_815 : vector<16xf32>
        %mul3A_817 = arith.constant 5.000000e-01 : f32
        %mul3A_818 = vector.broadcast %mul3A_817 : f32 to vector<16xf32>
        %mul3A_819 = arith.mulf %add3A_816, %mul3A_818 : vector<16xf32>
        %swap3A_820 = arith.constant 42 : i32
        %swap3A_821 = arith.index_cast %swap3A_820 : i32 to index
        %swap3A_822 = arith.index_cast %mul3A_206 : i32 to index
        %swap3A_823 = tpu.vector_load %arg6[%swap3A_821, %swap3A_822] {strides = array<i32>} : memref<64x768xf32, #tpu.memory_space<vmem>>, vector<1x16xf32>,
        %swap3A_824 = vector.shape_cast %swap3A_823 : vector<1x16xf32> to vector<16xf32>
        %swap3A_825 = vector.shape_cast %mul3A_819 : vector<16xf32> to vector<1x16xf32>
        tpu.vector_store %arg6[%swap3A_821, %swap3A_822], %swap3A_825 {strides = array<i32>} : memref<64x768xf32, #tpu.memory_space<vmem>>, vector<1x16xf32>,
        %get3A_826 = arith.constant 8 : i32
        %get3A_827 = arith.index_cast %get3A_826 : i32 to index
        %get3A_828 = arith.index_cast %mul3A_206 : i32 to index
        %get3A_829 = tpu.vector_load %arg4[%get3A_827, %get3A_828] {strides = array<i32>} : memref<16x768xf32, #tpu.memory_space<vmem>>, vector<1x16xf32>,
        %get3A_830 = vector.shape_cast %get3A_829 : vector<1x16xf32> to vector<16xf32>
        %add3A_831 = arith.addf %get3A_789, %get3A_830 : vector<16xf32>
        %mul3A_832 = arith.constant 5.000000e-01 : f32
        %mul3A_833 = vector.broadcast %mul3A_832 : f32 to vector<16xf32>
        %mul3A_834 = arith.mulf %add3A_831, %mul3A_833 : vector<16xf32>
        %swap3A_835 = arith.constant 43 : i32
        %swap3A_836 = arith.index_cast %swap3A_835 : i32 to index
        %swap3A_837 = arith.index_cast %mul3A_206 : i32 to index
        %swap3A_838 = tpu.vector_load %arg6[%swap3A_836, %swap3A_837] {strides = array<i32>} : memref<64x768xf32, #tpu.memory_space<vmem>>, vector<1x16xf32>,
        %swap3A_839 = vector.shape_cast %swap3A_838 : vector<1x16xf32> to vector<16xf32>
        %swap3A_840 = vector.shape_cast %mul3A_834 : vector<16xf32> to vector<1x16xf32>
        tpu.vector_store %arg6[%swap3A_836, %swap3A_837], %swap3A_840 {strides = array<i32>} : memref<64x768xf32, #tpu.memory_space<vmem>>, vector<1x16xf32>,
        %get3A_841 = arith.constant 9 : i32
        %get3A_842 = arith.index_cast %get3A_841 : i32 to index
        %get3A_843 = arith.index_cast %mul3A_206 : i32 to index
        %get3A_844 = tpu.vector_load %arg4[%get3A_842, %get3A_843] {strides = array<i32>} : memref<16x768xf32, #tpu.memory_space<vmem>>, vector<1x16xf32>,
        %get3A_845 = vector.shape_cast %get3A_844 : vector<1x16xf32> to vector<16xf32>
        %add3A_846 = arith.addf %get3A_789, %get3A_845 : vector<16xf32>
        %mul3A_847 = arith.constant 5.000000e-01 : f32
        %mul3A_848 = vector.broadcast %mul3A_847 : f32 to vector<16xf32>
        %mul3A_849 = arith.mulf %add3A_846, %mul3A_848 : vector<16xf32>
        %swap3A_850 = arith.constant 44 : i32
        %swap3A_851 = arith.index_cast %swap3A_850 : i32 to index
        %swap3A_852 = arith.index_cast %mul3A_206 : i32 to index
        %swap3A_853 = tpu.vector_load %arg6[%swap3A_851, %swap3A_852] {strides = array<i32>} : memref<64x768xf32, #tpu.memory_space<vmem>>, vector<1x16xf32>,
        %swap3A_854 = vector.shape_cast %swap3A_853 : vector<1x16xf32> to vector<16xf32>
        %swap3A_855 = vector.shape_cast %mul3A_849 : vector<16xf32> to vector<1x16xf32>
        tpu.vector_store %arg6[%swap3A_851, %swap3A_852], %swap3A_855 {strides = array<i32>} : memref<64x768xf32, #tpu.memory_space<vmem>>, vector<1x16xf32>,
        %get3A_856 = arith.constant 10 : i32
        %get3A_857 = arith.index_cast %get3A_856 : i32 to index
        %get3A_858 = arith.index_cast %mul3A_206 : i32 to index
        %get3A_859 = tpu.vector_load %arg4[%get3A_857, %get3A_858] {strides = array<i32>} : memref<16x768xf32, #tpu.memory_space<vmem>>, vector<1x16xf32>,
        %get3A_860 = vector.shape_cast %get3A_859 : vector<1x16xf32> to vector<16xf32>
        %add3A_861 = arith.addf %get3A_789, %get3A_860 : vector<16xf32>
        %mul3A_862 = arith.constant 5.000000e-01 : f32
        %mul3A_863 = vector.broadcast %mul3A_862 : f32 to vector<16xf32>
        %mul3A_864 = arith.mulf %add3A_861, %mul3A_863 : vector<16xf32>
        %swap3A_865 = arith.constant 45 : i32
        %swap3A_866 = arith.index_cast %swap3A_865 : i32 to index
        %swap3A_867 = arith.index_cast %mul3A_206 : i32 to index
        %swap3A_868 = tpu.vector_load %arg6[%swap3A_866, %swap3A_867] {strides = array<i32>} : memref<64x768xf32, #tpu.memory_space<vmem>>, vector<1x16xf32>,
        %swap3A_869 = vector.shape_cast %swap3A_868 : vector<1x16xf32> to vector<16xf32>
        %swap3A_870 = vector.shape_cast %mul3A_864 : vector<16xf32> to vector<1x16xf32>
        tpu.vector_store %arg6[%swap3A_866, %swap3A_867], %swap3A_870 {strides = array<i32>} : memref<64x768xf32, #tpu.memory_space<vmem>>, vector<1x16xf32>,
        %get3A_871 = arith.constant 11 : i32
        %get3A_872 = arith.index_cast %get3A_871 : i32 to index
        %get3A_873 = arith.index_cast %mul3A_206 : i32 to index
        %get3A_874 = tpu.vector_load %arg4[%get3A_872, %get3A_873] {strides = array<i32>} : memref<16x768xf32, #tpu.memory_space<vmem>>, vector<1x16xf32>,
        %get3A_875 = vector.shape_cast %get3A_874 : vector<1x16xf32> to vector<16xf32>
        %add3A_876 = arith.addf %get3A_789, %get3A_875 : vector<16xf32>
        %mul3A_877 = arith.constant 5.000000e-01 : f32
        %mul3A_878 = vector.broadcast %mul3A_877 : f32 to vector<16xf32>
        %mul3A_879 = arith.mulf %add3A_876, %mul3A_878 : vector<16xf32>
        %swap3A_880 = arith.constant 46 : i32
        %swap3A_881 = arith.index_cast %swap3A_880 : i32 to index
        %swap3A_882 = arith.index_cast %mul3A_206 : i32 to index
        %swap3A_883 = tpu.vector_load %arg6[%swap3A_881, %swap3A_882] {strides = array<i32>} : memref<64x768xf32, #tpu.memory_space<vmem>>, vector<1x16xf32>,
        %swap3A_884 = vector.shape_cast %swap3A_883 : vector<1x16xf32> to vector<16xf32>
        %swap3A_885 = vector.shape_cast %mul3A_879 : vector<16xf32> to vector<1x16xf32>
        tpu.vector_store %arg6[%swap3A_881, %swap3A_882], %swap3A_885 {strides = array<i32>} : memref<64x768xf32, #tpu.memory_space<vmem>>, vector<1x16xf32>,
        %get3A_886 = arith.constant 12 : i32
        %get3A_887 = arith.index_cast %get3A_886 : i32 to index
        %get3A_888 = arith.index_cast %mul3A_206 : i32 to index
        %get3A_889 = tpu.vector_load %arg4[%get3A_887, %get3A_888] {strides = array<i32>} : memref<16x768xf32, #tpu.memory_space<vmem>>, vector<1x16xf32>,
        %get3A_890 = vector.shape_cast %get3A_889 : vector<1x16xf32> to vector<16xf32>
        %add3A_891 = arith.addf %get3A_789, %get3A_890 : vector<16xf32>
        %mul3A_892 = arith.constant 5.000000e-01 : f32
        %mul3A_893 = vector.broadcast %mul3A_892 : f32 to vector<16xf32>
        %mul3A_894 = arith.mulf %add3A_891, %mul3A_893 : vector<16xf32>
        %swap3A_895 = arith.constant 47 : i32
        %swap3A_896 = arith.index_cast %swap3A_895 : i32 to index
        %swap3A_897 = arith.index_cast %mul3A_206 : i32 to index
        %swap3A_898 = tpu.vector_load %arg6[%swap3A_896, %swap3A_897] {strides = array<i32>} : memref<64x768xf32, #tpu.memory_space<vmem>>, vector<1x16xf32>,
        %swap3A_899 = vector.shape_cast %swap3A_898 : vector<1x16xf32> to vector<16xf32>
        %swap3A_900 = vector.shape_cast %mul3A_894 : vector<16xf32> to vector<1x16xf32>
        tpu.vector_store %arg6[%swap3A_896, %swap3A_897], %swap3A_900 {strides = array<i32>} : memref<64x768xf32, #tpu.memory_space<vmem>>, vector<1x16xf32>,
        %get3A_901 = arith.constant 6 : i32
        %get3A_902 = arith.index_cast %get3A_901 : i32 to index
        %get3A_903 = arith.index_cast %mul3A_206 : i32 to index
        %get3A_904 = tpu.vector_load %arg4[%get3A_902, %get3A_903] {strides = array<i32>} : memref<16x768xf32, #tpu.memory_space<vmem>>, vector<1x16xf32>,
        %get3A_905 = vector.shape_cast %get3A_904 : vector<1x16xf32> to vector<16xf32>
        %swap3A_906 = arith.constant 48 : i32
        %swap3A_907 = arith.index_cast %swap3A_906 : i32 to index
        %swap3A_908 = arith.index_cast %mul3A_206 : i32 to index
        %swap3A_909 = tpu.vector_load %arg6[%swap3A_907, %swap3A_908] {strides = array<i32>} : memref<64x768xf32, #tpu.memory_space<vmem>>, vector<1x16xf32>,
        %swap3A_910 = vector.shape_cast %swap3A_909 : vector<1x16xf32> to vector<16xf32>
        %swap3A_911 = vector.shape_cast %get3A_905 : vector<16xf32> to vector<1x16xf32>
        tpu.vector_store %arg6[%swap3A_907, %swap3A_908], %swap3A_911 {strides = array<i32>} : memref<64x768xf32, #tpu.memory_space<vmem>>, vector<1x16xf32>,
        %get3A_912 = arith.constant 7 : i32
        %get3A_913 = arith.index_cast %get3A_912 : i32 to index
        %get3A_914 = arith.index_cast %mul3A_206 : i32 to index
        %get3A_915 = tpu.vector_load %arg4[%get3A_913, %get3A_914] {strides = array<i32>} : memref<16x768xf32, #tpu.memory_space<vmem>>, vector<1x16xf32>,
        %get3A_916 = vector.shape_cast %get3A_915 : vector<1x16xf32> to vector<16xf32>
        %add3A_917 = arith.addf %get3A_905, %get3A_916 : vector<16xf32>
        %mul3A_918 = arith.constant 5.000000e-01 : f32
        %mul3A_919 = vector.broadcast %mul3A_918 : f32 to vector<16xf32>
        %mul3A_920 = arith.mulf %add3A_917, %mul3A_919 : vector<16xf32>
        %swap3A_921 = arith.constant 49 : i32
        %swap3A_922 = arith.index_cast %swap3A_921 : i32 to index
        %swap3A_923 = arith.index_cast %mul3A_206 : i32 to index
        %swap3A_924 = tpu.vector_load %arg6[%swap3A_922, %swap3A_923] {strides = array<i32>} : memref<64x768xf32, #tpu.memory_space<vmem>>, vector<1x16xf32>,
        %swap3A_925 = vector.shape_cast %swap3A_924 : vector<1x16xf32> to vector<16xf32>
        %swap3A_926 = vector.shape_cast %mul3A_920 : vector<16xf32> to vector<1x16xf32>
        tpu.vector_store %arg6[%swap3A_922, %swap3A_923], %swap3A_926 {strides = array<i32>} : memref<64x768xf32, #tpu.memory_space<vmem>>, vector<1x16xf32>,
        %get3A_927 = arith.constant 8 : i32
        %get3A_928 = arith.index_cast %get3A_927 : i32 to index
        %get3A_929 = arith.index_cast %mul3A_206 : i32 to index
        %get3A_930 = tpu.vector_load %arg4[%get3A_928, %get3A_929] {strides = array<i32>} : memref<16x768xf32, #tpu.memory_space<vmem>>, vector<1x16xf32>,
        %get3A_931 = vector.shape_cast %get3A_930 : vector<1x16xf32> to vector<16xf32>
        %add3A_932 = arith.addf %get3A_905, %get3A_931 : vector<16xf32>
        %mul3A_933 = arith.constant 5.000000e-01 : f32
        %mul3A_934 = vector.broadcast %mul3A_933 : f32 to vector<16xf32>
        %mul3A_935 = arith.mulf %add3A_932, %mul3A_934 : vector<16xf32>
        %swap3A_936 = arith.constant 50 : i32
        %swap3A_937 = arith.index_cast %swap3A_936 : i32 to index
        %swap3A_938 = arith.index_cast %mul3A_206 : i32 to index
        %swap3A_939 = tpu.vector_load %arg6[%swap3A_937, %swap3A_938] {strides = array<i32>} : memref<64x768xf32, #tpu.memory_space<vmem>>, vector<1x16xf32>,
        %swap3A_940 = vector.shape_cast %swap3A_939 : vector<1x16xf32> to vector<16xf32>
        %swap3A_941 = vector.shape_cast %mul3A_935 : vector<16xf32> to vector<1x16xf32>
        tpu.vector_store %arg6[%swap3A_937, %swap3A_938], %swap3A_941 {strides = array<i32>} : memref<64x768xf32, #tpu.memory_space<vmem>>, vector<1x16xf32>,
        %get3A_942 = arith.constant 9 : i32
        %get3A_943 = arith.index_cast %get3A_942 : i32 to index
        %get3A_944 = arith.index_cast %mul3A_206 : i32 to index
        %get3A_945 = tpu.vector_load %arg4[%get3A_943, %get3A_944] {strides = array<i32>} : memref<16x768xf32, #tpu.memory_space<vmem>>, vector<1x16xf32>,
        %get3A_946 = vector.shape_cast %get3A_945 : vector<1x16xf32> to vector<16xf32>
        %add3A_947 = arith.addf %get3A_905, %get3A_946 : vector<16xf32>
        %mul3A_948 = arith.constant 5.000000e-01 : f32
        %mul3A_949 = vector.broadcast %mul3A_948 : f32 to vector<16xf32>
        %mul3A_950 = arith.mulf %add3A_947, %mul3A_949 : vector<16xf32>
        %swap3A_951 = arith.constant 51 : i32
        %swap3A_952 = arith.index_cast %swap3A_951 : i32 to index
        %swap3A_953 = arith.index_cast %mul3A_206 : i32 to index
        %swap3A_954 = tpu.vector_load %arg6[%swap3A_952, %swap3A_953] {strides = array<i32>} : memref<64x768xf32, #tpu.memory_space<vmem>>, vector<1x16xf32>,
        %swap3A_955 = vector.shape_cast %swap3A_954 : vector<1x16xf32> to vector<16xf32>
        %swap3A_956 = vector.shape_cast %mul3A_950 : vector<16xf32> to vector<1x16xf32>
        tpu.vector_store %arg6[%swap3A_952, %swap3A_953], %swap3A_956 {strides = array<i32>} : memref<64x768xf32, #tpu.memory_space<vmem>>, vector<1x16xf32>,
        %get3A_957 = arith.constant 10 : i32
        %get3A_958 = arith.index_cast %get3A_957 : i32 to index
        %get3A_959 = arith.index_cast %mul3A_206 : i32 to index
        %get3A_960 = tpu.vector_load %arg4[%get3A_958, %get3A_959] {strides = array<i32>} : memref<16x768xf32, #tpu.memory_space<vmem>>, vector<1x16xf32>,
        %get3A_961 = vector.shape_cast %get3A_960 : vector<1x16xf32> to vector<16xf32>
        %add3A_962 = arith.addf %get3A_905, %get3A_961 : vector<16xf32>
        %mul3A_963 = arith.constant 5.000000e-01 : f32
        %mul3A_964 = vector.broadcast %mul3A_963 : f32 to vector<16xf32>
        %mul3A_965 = arith.mulf %add3A_962, %mul3A_964 : vector<16xf32>
        %swap3A_966 = arith.constant 52 : i32
        %swap3A_967 = arith.index_cast %swap3A_966 : i32 to index
        %swap3A_968 = arith.index_cast %mul3A_206 : i32 to index
        %swap3A_969 = tpu.vector_load %arg6[%swap3A_967, %swap3A_968] {strides = array<i32>} : memref<64x768xf32, #tpu.memory_space<vmem>>, vector<1x16xf32>,
        %swap3A_970 = vector.shape_cast %swap3A_969 : vector<1x16xf32> to vector<16xf32>
        %swap3A_971 = vector.shape_cast %mul3A_965 : vector<16xf32> to vector<1x16xf32>
        tpu.vector_store %arg6[%swap3A_967, %swap3A_968], %swap3A_971 {strides = array<i32>} : memref<64x768xf32, #tpu.memory_space<vmem>>, vector<1x16xf32>,
        %get3A_972 = arith.constant 11 : i32
        %get3A_973 = arith.index_cast %get3A_972 : i32 to index
        %get3A_974 = arith.index_cast %mul3A_206 : i32 to index
        %get3A_975 = tpu.vector_load %arg4[%get3A_973, %get3A_974] {strides = array<i32>} : memref<16x768xf32, #tpu.memory_space<vmem>>, vector<1x16xf32>,
        %get3A_976 = vector.shape_cast %get3A_975 : vector<1x16xf32> to vector<16xf32>
        %add3A_977 = arith.addf %get3A_905, %get3A_976 : vector<16xf32>
        %mul3A_978 = arith.constant 5.000000e-01 : f32
        %mul3A_979 = vector.broadcast %mul3A_978 : f32 to vector<16xf32>
        %mul3A_980 = arith.mulf %add3A_977, %mul3A_979 : vector<16xf32>
        %swap3A_981 = arith.constant 53 : i32
        %swap3A_982 = arith.index_cast %swap3A_981 : i32 to index
        %swap3A_983 = arith.index_cast %mul3A_206 : i32 to index
        %swap3A_984 = tpu.vector_load %arg6[%swap3A_982, %swap3A_983] {strides = array<i32>} : memref<64x768xf32, #tpu.memory_space<vmem>>, vector<1x16xf32>,
        %swap3A_985 = vector.shape_cast %swap3A_984 : vector<1x16xf32> to vector<16xf32>
        %swap3A_986 = vector.shape_cast %mul3A_980 : vector<16xf32> to vector<1x16xf32>
        tpu.vector_store %arg6[%swap3A_982, %swap3A_983], %swap3A_986 {strides = array<i32>} : memref<64x768xf32, #tpu.memory_space<vmem>>, vector<1x16xf32>,
        %get3A_987 = arith.constant 12 : i32
        %get3A_988 = arith.index_cast %get3A_987 : i32 to index
        %get3A_989 = arith.index_cast %mul3A_206 : i32 to index
        %get3A_990 = tpu.vector_load %arg4[%get3A_988, %get3A_989] {strides = array<i32>} : memref<16x768xf32, #tpu.memory_space<vmem>>, vector<1x16xf32>,
        %get3A_991 = vector.shape_cast %get3A_990 : vector<1x16xf32> to vector<16xf32>
        %add3A_992 = arith.addf %get3A_905, %get3A_991 : vector<16xf32>
        %mul3A_993 = arith.constant 5.000000e-01 : f32
        %mul3A_994 = vector.broadcast %mul3A_993 : f32 to vector<16xf32>
        %mul3A_995 = arith.mulf %add3A_992, %mul3A_994 : vector<16xf32>
        %swap3A_996 = arith.constant 54 : i32
        %swap3A_997 = arith.index_cast %swap3A_996 : i32 to index
        %swap3A_998 = arith.index_cast %mul3A_206 : i32 to index
        %swap3A_999 = tpu.vector_load %arg6[%swap3A_997, %swap3A_998] {strides = array<i32>} : memref<64x768xf32, #tpu.memory_space<vmem>>, vector<1x16xf32>,
        %swap3A_1000 = vector.shape_cast %swap3A_999 : vector<1x16xf32> to vector<16xf32>
        %swap3A_1001 = vector.shape_cast %mul3A_995 : vector<16xf32> to vector<1x16xf32>
        tpu.vector_store %arg6[%swap3A_997, %swap3A_998], %swap3A_1001 {strides = array<i32>} : memref<64x768xf32, #tpu.memory_space<vmem>>, vector<1x16xf32>,
        %get3A_1002 = arith.constant 13 : i32
        %get3A_1003 = arith.index_cast %get3A_1002 : i32 to index
        %get3A_1004 = arith.index_cast %mul3A_206 : i32 to index
        %get3A_1005 = tpu.vector_load %arg4[%get3A_1003, %get3A_1004] {strides = array<i32>} : memref<16x768xf32, #tpu.memory_space<vmem>>, vector<1x16xf32>,
        %get3A_1006 = vector.shape_cast %get3A_1005 : vector<1x16xf32> to vector<16xf32>
        %add3A_1007 = arith.addf %get3A_905, %get3A_1006 : vector<16xf32>
        %mul3A_1008 = arith.constant 5.000000e-01 : f32
        %mul3A_1009 = vector.broadcast %mul3A_1008 : f32 to vector<16xf32>
        %mul3A_1010 = arith.mulf %add3A_1007, %mul3A_1009 : vector<16xf32>
        %swap3A_1011 = arith.constant 55 : i32
        %swap3A_1012 = arith.index_cast %swap3A_1011 : i32 to index
        %swap3A_1013 = arith.index_cast %mul3A_206 : i32 to index
        %swap3A_1014 = tpu.vector_load %arg6[%swap3A_1012, %swap3A_1013] {strides = array<i32>} : memref<64x768xf32, #tpu.memory_space<vmem>>, vector<1x16xf32>,
        %swap3A_1015 = vector.shape_cast %swap3A_1014 : vector<1x16xf32> to vector<16xf32>
        %swap3A_1016 = vector.shape_cast %mul3A_1010 : vector<16xf32> to vector<1x16xf32>
        tpu.vector_store %arg6[%swap3A_1012, %swap3A_1013], %swap3A_1016 {strides = array<i32>} : memref<64x768xf32, #tpu.memory_space<vmem>>, vector<1x16xf32>,
        %get3A_1017 = arith.constant 7 : i32
        %get3A_1018 = arith.index_cast %get3A_1017 : i32 to index
        %get3A_1019 = arith.index_cast %mul3A_206 : i32 to index
        %get3A_1020 = tpu.vector_load %arg4[%get3A_1018, %get3A_1019] {strides = array<i32>} : memref<16x768xf32, #tpu.memory_space<vmem>>, vector<1x16xf32>,
        %get3A_1021 = vector.shape_cast %get3A_1020 : vector<1x16xf32> to vector<16xf32>
        %swap3A_1022 = arith.constant 56 : i32
        %swap3A_1023 = arith.index_cast %swap3A_1022 : i32 to index
        %swap3A_1024 = arith.index_cast %mul3A_206 : i32 to index
        %swap3A_1025 = tpu.vector_load %arg6[%swap3A_1023, %swap3A_1024] {strides = array<i32>} : memref<64x768xf32, #tpu.memory_space<vmem>>, vector<1x16xf32>,
        %swap3A_1026 = vector.shape_cast %swap3A_1025 : vector<1x16xf32> to vector<16xf32>
        %swap3A_1027 = vector.shape_cast %get3A_1021 : vector<16xf32> to vector<1x16xf32>
        tpu.vector_store %arg6[%swap3A_1023, %swap3A_1024], %swap3A_1027 {strides = array<i32>} : memref<64x768xf32, #tpu.memory_space<vmem>>, vector<1x16xf32>,
        %get3A_1028 = arith.constant 8 : i32
        %get3A_1029 = arith.index_cast %get3A_1028 : i32 to index
        %get3A_1030 = arith.index_cast %mul3A_206 : i32 to index
        %get3A_1031 = tpu.vector_load %arg4[%get3A_1029, %get3A_1030] {strides = array<i32>} : memref<16x768xf32, #tpu.memory_space<vmem>>, vector<1x16xf32>,
        %get3A_1032 = vector.shape_cast %get3A_1031 : vector<1x16xf32> to vector<16xf32>
        %add3A_1033 = arith.addf %get3A_1021, %get3A_1032 : vector<16xf32>
        %mul3A_1034 = arith.constant 5.000000e-01 : f32
        %mul3A_1035 = vector.broadcast %mul3A_1034 : f32 to vector<16xf32>
        %mul3A_1036 = arith.mulf %add3A_1033, %mul3A_1035 : vector<16xf32>
        %swap3A_1037 = arith.constant 57 : i32
        %swap3A_1038 = arith.index_cast %swap3A_1037 : i32 to index
        %swap3A_1039 = arith.index_cast %mul3A_206 : i32 to index
        %swap3A_1040 = tpu.vector_load %arg6[%swap3A_1038, %swap3A_1039] {strides = array<i32>} : memref<64x768xf32, #tpu.memory_space<vmem>>, vector<1x16xf32>,
        %swap3A_1041 = vector.shape_cast %swap3A_1040 : vector<1x16xf32> to vector<16xf32>
        %swap3A_1042 = vector.shape_cast %mul3A_1036 : vector<16xf32> to vector<1x16xf32>
        tpu.vector_store %arg6[%swap3A_1038, %swap3A_1039], %swap3A_1042 {strides = array<i32>} : memref<64x768xf32, #tpu.memory_space<vmem>>, vector<1x16xf32>,
        %get3A_1043 = arith.constant 9 : i32
        %get3A_1044 = arith.index_cast %get3A_1043 : i32 to index
        %get3A_1045 = arith.index_cast %mul3A_206 : i32 to index
        %get3A_1046 = tpu.vector_load %arg4[%get3A_1044, %get3A_1045] {strides = array<i32>} : memref<16x768xf32, #tpu.memory_space<vmem>>, vector<1x16xf32>,
        %get3A_1047 = vector.shape_cast %get3A_1046 : vector<1x16xf32> to vector<16xf32>
        %add3A_1048 = arith.addf %get3A_1021, %get3A_1047 : vector<16xf32>
        %mul3A_1049 = arith.constant 5.000000e-01 : f32
        %mul3A_1050 = vector.broadcast %mul3A_1049 : f32 to vector<16xf32>
        %mul3A_1051 = arith.mulf %add3A_1048, %mul3A_1050 : vector<16xf32>
        %swap3A_1052 = arith.constant 58 : i32
        %swap3A_1053 = arith.index_cast %swap3A_1052 : i32 to index
        %swap3A_1054 = arith.index_cast %mul3A_206 : i32 to index
        %swap3A_1055 = tpu.vector_load %arg6[%swap3A_1053, %swap3A_1054] {strides = array<i32>} : memref<64x768xf32, #tpu.memory_space<vmem>>, vector<1x16xf32>,
        %swap3A_1056 = vector.shape_cast %swap3A_1055 : vector<1x16xf32> to vector<16xf32>
        %swap3A_1057 = vector.shape_cast %mul3A_1051 : vector<16xf32> to vector<1x16xf32>
        tpu.vector_store %arg6[%swap3A_1053, %swap3A_1054], %swap3A_1057 {strides = array<i32>} : memref<64x768xf32, #tpu.memory_space<vmem>>, vector<1x16xf32>,
        %get3A_1058 = arith.constant 10 : i32
        %get3A_1059 = arith.index_cast %get3A_1058 : i32 to index
        %get3A_1060 = arith.index_cast %mul3A_206 : i32 to index
        %get3A_1061 = tpu.vector_load %arg4[%get3A_1059, %get3A_1060] {strides = array<i32>} : memref<16x768xf32, #tpu.memory_space<vmem>>, vector<1x16xf32>,
        %get3A_1062 = vector.shape_cast %get3A_1061 : vector<1x16xf32> to vector<16xf32>
        %add3A_1063 = arith.addf %get3A_1021, %get3A_1062 : vector<16xf32>
        %mul3A_1064 = arith.constant 5.000000e-01 : f32
        %mul3A_1065 = vector.broadcast %mul3A_1064 : f32 to vector<16xf32>
        %mul3A_1066 = arith.mulf %add3A_1063, %mul3A_1065 : vector<16xf32>
        %swap3A_1067 = arith.constant 59 : i32
        %swap3A_1068 = arith.index_cast %swap3A_1067 : i32 to index
        %swap3A_1069 = arith.index_cast %mul3A_206 : i32 to index
        %swap3A_1070 = tpu.vector_load %arg6[%swap3A_1068, %swap3A_1069] {strides = array<i32>} : memref<64x768xf32, #tpu.memory_space<vmem>>, vector<1x16xf32>,
        %swap3A_1071 = vector.shape_cast %swap3A_1070 : vector<1x16xf32> to vector<16xf32>
        %swap3A_1072 = vector.shape_cast %mul3A_1066 : vector<16xf32> to vector<1x16xf32>
        tpu.vector_store %arg6[%swap3A_1068, %swap3A_1069], %swap3A_1072 {strides = array<i32>} : memref<64x768xf32, #tpu.memory_space<vmem>>, vector<1x16xf32>,
        %get3A_1073 = arith.constant 11 : i32
        %get3A_1074 = arith.index_cast %get3A_1073 : i32 to index
        %get3A_1075 = arith.index_cast %mul3A_206 : i32 to index
        %get3A_1076 = tpu.vector_load %arg4[%get3A_1074, %get3A_1075] {strides = array<i32>} : memref<16x768xf32, #tpu.memory_space<vmem>>, vector<1x16xf32>,
        %get3A_1077 = vector.shape_cast %get3A_1076 : vector<1x16xf32> to vector<16xf32>
        %add3A_1078 = arith.addf %get3A_1021, %get3A_1077 : vector<16xf32>
        %mul3A_1079 = arith.constant 5.000000e-01 : f32
        %mul3A_1080 = vector.broadcast %mul3A_1079 : f32 to vector<16xf32>
        %mul3A_1081 = arith.mulf %add3A_1078, %mul3A_1080 : vector<16xf32>
        %swap3A_1082 = arith.constant 60 : i32
        %swap3A_1083 = arith.index_cast %swap3A_1082 : i32 to index
        %swap3A_1084 = arith.index_cast %mul3A_206 : i32 to index
        %swap3A_1085 = tpu.vector_load %arg6[%swap3A_1083, %swap3A_1084] {strides = array<i32>} : memref<64x768xf32, #tpu.memory_space<vmem>>, vector<1x16xf32>,
        %swap3A_1086 = vector.shape_cast %swap3A_1085 : vector<1x16xf32> to vector<16xf32>
        %swap3A_1087 = vector.shape_cast %mul3A_1081 : vector<16xf32> to vector<1x16xf32>
        tpu.vector_store %arg6[%swap3A_1083, %swap3A_1084], %swap3A_1087 {strides = array<i32>} : memref<64x768xf32, #tpu.memory_space<vmem>>, vector<1x16xf32>,
        %get3A_1088 = arith.constant 12 : i32
        %get3A_1089 = arith.index_cast %get3A_1088 : i32 to index
        %get3A_1090 = arith.index_cast %mul3A_206 : i32 to index
        %get3A_1091 = tpu.vector_load %arg4[%get3A_1089, %get3A_1090] {strides = array<i32>} : memref<16x768xf32, #tpu.memory_space<vmem>>, vector<1x16xf32>,
        %get3A_1092 = vector.shape_cast %get3A_1091 : vector<1x16xf32> to vector<16xf32>
        %add3A_1093 = arith.addf %get3A_1021, %get3A_1092 : vector<16xf32>
        %mul3A_1094 = arith.constant 5.000000e-01 : f32
        %mul3A_1095 = vector.broadcast %mul3A_1094 : f32 to vector<16xf32>
        %mul3A_1096 = arith.mulf %add3A_1093, %mul3A_1095 : vector<16xf32>
        %swap3A_1097 = arith.constant 61 : i32
        %swap3A_1098 = arith.index_cast %swap3A_1097 : i32 to index
        %swap3A_1099 = arith.index_cast %mul3A_206 : i32 to index
        %swap3A_1100 = tpu.vector_load %arg6[%swap3A_1098, %swap3A_1099] {strides = array<i32>} : memref<64x768xf32, #tpu.memory_space<vmem>>, vector<1x16xf32>,
        %swap3A_1101 = vector.shape_cast %swap3A_1100 : vector<1x16xf32> to vector<16xf32>
        %swap3A_1102 = vector.shape_cast %mul3A_1096 : vector<16xf32> to vector<1x16xf32>
        tpu.vector_store %arg6[%swap3A_1098, %swap3A_1099], %swap3A_1102 {strides = array<i32>} : memref<64x768xf32, #tpu.memory_space<vmem>>, vector<1x16xf32>,
        %get3A_1103 = arith.constant 13 : i32
        %get3A_1104 = arith.index_cast %get3A_1103 : i32 to index
        %get3A_1105 = arith.index_cast %mul3A_206 : i32 to index
        %get3A_1106 = tpu.vector_load %arg4[%get3A_1104, %get3A_1105] {strides = array<i32>} : memref<16x768xf32, #tpu.memory_space<vmem>>, vector<1x16xf32>,
        %get3A_1107 = vector.shape_cast %get3A_1106 : vector<1x16xf32> to vector<16xf32>
        %add3A_1108 = arith.addf %get3A_1021, %get3A_1107 : vector<16xf32>
        %mul3A_1109 = arith.constant 5.000000e-01 : f32
        %mul3A_1110 = vector.broadcast %mul3A_1109 : f32 to vector<16xf32>
        %mul3A_1111 = arith.mulf %add3A_1108, %mul3A_1110 : vector<16xf32>
        %swap3A_1112 = arith.constant 62 : i32
        %swap3A_1113 = arith.index_cast %swap3A_1112 : i32 to index
        %swap3A_1114 = arith.index_cast %mul3A_206 : i32 to index
        %swap3A_1115 = tpu.vector_load %arg6[%swap3A_1113, %swap3A_1114] {strides = array<i32>} : memref<64x768xf32, #tpu.memory_space<vmem>>, vector<1x16xf32>,
        %swap3A_1116 = vector.shape_cast %swap3A_1115 : vector<1x16xf32> to vector<16xf32>
        %swap3A_1117 = vector.shape_cast %mul3A_1111 : vector<16xf32> to vector<1x16xf32>
        tpu.vector_store %arg6[%swap3A_1113, %swap3A_1114], %swap3A_1117 {strides = array<i32>} : memref<64x768xf32, #tpu.memory_space<vmem>>, vector<1x16xf32>,
        %get3A_1118 = arith.constant 14 : i32
        %get3A_1119 = arith.index_cast %get3A_1118 : i32 to index
        %get3A_1120 = arith.index_cast %mul3A_206 : i32 to index
        %get3A_1121 = tpu.vector_load %arg4[%get3A_1119, %get3A_1120] {strides = array<i32>} : memref<16x768xf32, #tpu.memory_space<vmem>>, vector<1x16xf32>,
        %get3A_1122 = vector.shape_cast %get3A_1121 : vector<1x16xf32> to vector<16xf32>
        %add3A_1123 = arith.addf %get3A_1021, %get3A_1122 : vector<16xf32>
        %mul3A_1124 = arith.constant 5.000000e-01 : f32
        %mul3A_1125 = vector.broadcast %mul3A_1124 : f32 to vector<16xf32>
        %mul3A_1126 = arith.mulf %add3A_1123, %mul3A_1125 : vector<16xf32>
        %swap3A_1127 = arith.constant 63 : i32
        %swap3A_1128 = arith.index_cast %swap3A_1127 : i32 to index
        %swap3A_1129 = arith.index_cast %mul3A_206 : i32 to index
        %swap3A_1130 = tpu.vector_load %arg6[%swap3A_1128, %swap3A_1129] {strides = array<i32>} : memref<64x768xf32, #tpu.memory_space<vmem>>, vector<1x16xf32>,
        %swap3A_1131 = vector.shape_cast %swap3A_1130 : vector<1x16xf32> to vector<16xf32>
        %swap3A_1132 = vector.shape_cast %mul3A_1126 : vector<16xf32> to vector<1x16xf32>
        tpu.vector_store %arg6[%swap3A_1128, %swap3A_1129], %swap3A_1132 {strides = array<i32>} : memref<64x768xf32, #tpu.memory_space<vmem>>, vector<1x16xf32>,
      }
      %scan3A_111 = arith.constant 48 : i32
      %mul3A_112 = arith.constant 8 : i32
      %mul3A_113 = arith.muli %mul3A_77, %mul3A_112 : i32
      %add3A_114 = arith.addi %mul3A_2, %mul3A_113 : i32
      %mul3A_115 = arith.constant 8 : i32
      %mul3A_116 = arith.muli %add3A_114, %mul3A_115 : i32
      %dma_start3A_117 = arith.constant 0 : i32
      %dma_start3A_118 = tpu.memref_slice %arg3[%mul3A_116, %dma_start3A_117] : memref<32768x768xf32, #tpu.memory_space<hbm>> -> memref<64x768xf32, #tpu.memory_space<hbm>>
      %dma_start3A_119 = arith.constant 0 : i32
      %dma_start3A_120 = tpu.memref_slice %arg3[%mul3A_116, %dma_start3A_119] : memref<32768x768xf32, #tpu.memory_space<hbm>> -> memref<64x768xf32, #tpu.memory_space<hbm>>
      tpu.enqueue_dma source(%arg6 : memref<64x768xf32, #tpu.memory_space<vmem>>) target(%dma_start3A_120 : memref<64x768xf32, #tpu.memory_space<hbm>>) target_semaphore(%arg10 : memref<!tpu.dma_semaphore, #tpu.memory_space<semaphore_mem>>)
      %convert_element_type3A_121 = arith.extui %lt3A_75 : i1 to i32
      %cond3A_122 = arith.constant 0 : i32
      %cond3A_123 = arith.cmpi ne, %convert_element_type3A_121, %cond3A_122 : i32
      scf.if %cond3A_123 {
        %add3A_204 = arith.constant 2 : i32
        %add3A_205 = arith.addi %mul3A_77, %add3A_204 : i32
        %mul3A_206 = arith.constant 8 : i32
        %mul3A_207 = arith.muli %add3A_205, %mul3A_206 : i32
        %add3A_208 = arith.addi %mul3A_2, %mul3A_207 : i32
        %add3A_209 = arith.constant 8 : i32
        %add3A_210 = arith.addi %add3A_208, %add3A_209 : i32
        %min3A_211 = arith.constant 4088 : i32
        %min3A_212 = arith.minsi %add3A_210, %min3A_211 : i32
        %dma_start3A_213 = arith.constant 0 : i32
        %dma_start3A_214 = arith.constant 0 : i32
        %dma_start3A_215 = tpu.memref_slice %arg4[%dma_start3A_213, %dma_start3A_214] : memref<16x768xf32, #tpu.memory_space<vmem>> -> memref<8x768xf32, #tpu.memory_space<vmem>>
        %dma_start3A_216 = arith.constant 0 : i32
        %dma_start3A_217 = tpu.memref_slice %arg2[%add3A_208, %dma_start3A_216] : memref<4096x768xf32, #tpu.memory_space<hbm>> -> memref<8x768xf32, #tpu.memory_space<hbm>>
        %dma_start3A_218 = arith.constant 0 : i32
        %dma_start3A_219 = arith.constant 0 : i32
        %dma_start3A_220 = tpu.memref_slice %arg4[%dma_start3A_218, %dma_start3A_219] : memref<16x768xf32, #tpu.memory_space<vmem>> -> memref<8x768xf32, #tpu.memory_space<vmem>>
        %dma_start3A_221 = arith.constant 0 : i32
        %dma_start3A_222 = tpu.memref_slice %arg2[%add3A_208, %dma_start3A_221] : memref<4096x768xf32, #tpu.memory_space<hbm>> -> memref<8x768xf32, #tpu.memory_space<hbm>>
        tpu.enqueue_dma source(%dma_start3A_222 : memref<8x768xf32, #tpu.memory_space<hbm>>) target(%dma_start3A_220 : memref<8x768xf32, #tpu.memory_space<vmem>>) target_semaphore(%arg8 : memref<!tpu.dma_semaphore, #tpu.memory_space<semaphore_mem>>)
        %dma_start3A_223 = arith.constant 8 : i32
        %dma_start3A_224 = arith.constant 0 : i32
        %dma_start3A_225 = tpu.memref_slice %arg4[%dma_start3A_223, %dma_start3A_224] : memref<16x768xf32, #tpu.memory_space<vmem>> -> memref<8x768xf32, #tpu.memory_space<vmem>>
        %dma_start3A_226 = arith.constant 0 : i32
        %dma_start3A_227 = tpu.memref_slice %arg2[%min3A_212, %dma_start3A_226] : memref<4096x768xf32, #tpu.memory_space<hbm>> -> memref<8x768xf32, #tpu.memory_space<hbm>>
        %dma_start3A_228 = arith.constant 8 : i32
        %dma_start3A_229 = arith.constant 0 : i32
        %dma_start3A_230 = tpu.memref_slice %arg4[%dma_start3A_228, %dma_start3A_229] : memref<16x768xf32, #tpu.memory_space<vmem>> -> memref<8x768xf32, #tpu.memory_space<vmem>>
        %dma_start3A_231 = arith.constant 0 : i32
        %dma_start3A_232 = tpu.memref_slice %arg2[%min3A_212, %dma_start3A_231] : memref<4096x768xf32, #tpu.memory_space<hbm>> -> memref<8x768xf32, #tpu.memory_space<hbm>>
        tpu.enqueue_dma source(%dma_start3A_232 : memref<8x768xf32, #tpu.memory_space<hbm>>) target(%dma_start3A_230 : memref<8x768xf32, #tpu.memory_space<vmem>>) target_semaphore(%arg8 : memref<!tpu.dma_semaphore, #tpu.memory_space<semaphore_mem>>)
      } else {
      }
      %add3A_124 = arith.constant 1 : i32
      %add3A_125 = arith.addi %mul3A_77, %add3A_124 : i32
      %mul3A_126 = arith.constant 8 : i32
      %mul3A_127 = arith.muli %add3A_125, %mul3A_126 : i32
      %add3A_128 = arith.addi %mul3A_2, %mul3A_127 : i32
      %jit3A = arith.constant 2048 : i32
      %div3A = arith.divsi %add3A_128, %jit3A : i32
      %sign3A = arith.constant 0 : i32
      %sign3A_129 = arith.cmpi sgt, %add3A_128, %sign3A : i32
      %sign3A_130 = arith.extui %sign3A_129 : i1 to i32
      %sign3A_131 = arith.constant 0 : i32
      %sign3A_132 = arith.cmpi slt, %add3A_128, %sign3A_131 : i32
      %sign3A_133 = arith.extui %sign3A_132 : i1 to i32
      %sign3A_134 = arith.subi %sign3A_130, %sign3A_133 : i32
      %sign3A_135 = arith.constant 0 : i32
      %sign3A_136 = arith.cmpi sgt, %jit3A, %sign3A_135 : i32
      %sign3A_137 = arith.extui %sign3A_136 : i1 to i32
      %sign3A_138 = arith.constant 0 : i32
      %sign3A_139 = arith.cmpi slt, %jit3A, %sign3A_138 : i32
      %sign3A_140 = arith.extui %sign3A_139 : i1 to i32
      %sign3A_141 = arith.subi %sign3A_137, %sign3A_140 : i32
      %ne3A = arith.cmpi ne, %sign3A_134, %sign3A_141 : i32
      %rem3A = arith.remsi %add3A_128, %jit3A : i32
      %ne3A_142 = arith.constant 0 : i32
      %ne3A_143 = arith.cmpi ne, %rem3A, %ne3A_142 : i32
      %and3A = arith.andi %ne3A, %ne3A_143 : i1
      %sub3A = arith.constant 1 : i32
      %sub3A_144 = arith.subi %div3A, %sub3A : i32
      %select_n3A = arith.select %and3A, %sub3A_144, %div3A : i32
      %add3A_145 = arith.constant 1 : i32
      %add3A_146 = arith.addi %select_n3A, %add3A_145 : i32
      %mul3A_147 = arith.constant 2048 : i32
      %mul3A_148 = arith.muli %add3A_146, %mul3A_147 : i32
      %add3A_149 = arith.constant 8 : i32
      %add3A_150 = arith.addi %add3A_128, %add3A_149 : i32
      %add3A_151 = arith.constant 8 : i32
      %add3A_152 = arith.addi %add3A_150, %add3A_151 : i32
      %sub3A_153 = arith.constant 2 : i32
      %sub3A_154 = arith.subi %add3A_152, %sub3A_153 : i32
      %ge3A = arith.cmpi sge, %sub3A_154, %mul3A_148 : i32
      %mul3A_155 = arith.constant 8 : i32
      %mul3A_156 = arith.muli %add3A_125, %mul3A_155 : i32
      %add3A_157 = arith.addi %mul3A_2, %mul3A_156 : i32
      %add3A_158 = arith.constant 8 : i32
      %add3A_159 = arith.addi %add3A_157, %add3A_158 : i32
      %min3A_160 = arith.constant 4088 : i32
      %min3A_161 = arith.minsi %add3A_159, %min3A_160 : i32
      %dma_wait3A_162 = arith.constant 0 : i32
      %dma_wait3A_163 = arith.constant 0 : i32
      %dma_wait3A_164 = tpu.memref_slice %arg5[%dma_wait3A_162, %dma_wait3A_163] : memref<16x768xf32, #tpu.memory_space<vmem>> -> memref<8x768xf32, #tpu.memory_space<vmem>>
      %dma_wait3A_165 = arith.constant 0 : i32
      %dma_wait3A_166 = tpu.memref_slice %arg2[%add3A_157, %dma_wait3A_165] : memref<4096x768xf32, #tpu.memory_space<hbm>> -> memref<8x768xf32, #tpu.memory_space<hbm>>
      %dma_wait3A_167 = arith.constant 0 : i32
      %dma_wait3A_168 = arith.constant 0 : i32
      %dma_wait3A_169 = tpu.memref_slice %arg5[%dma_wait3A_167, %dma_wait3A_168] : memref<16x768xf32, #tpu.memory_space<vmem>> -> memref<8x768xf32, #tpu.memory_space<vmem>>
      %dma_wait3A_170 = arith.constant 0 : i32
      %dma_wait3A_171 = tpu.memref_slice %arg2[%add3A_157, %dma_wait3A_170] : memref<4096x768xf32, #tpu.memory_space<hbm>> -> memref<8x768xf32, #tpu.memory_space<hbm>>
      tpu.wait_dma2 semaphore(%arg9 : memref<!tpu.dma_semaphore, #tpu.memory_space<semaphore_mem>>) src(%dma_wait3A_171 : memref<8x768xf32, #tpu.memory_space<hbm>>) dst(%dma_wait3A_169 : memref<8x768xf32, #tpu.memory_space<vmem>>)
      %dma_wait3A_172 = arith.constant 8 : i32
      %dma_wait3A_173 = arith.constant 0 : i32
      %dma_wait3A_174 = tpu.memref_slice %arg5[%dma_wait3A_172, %dma_wait3A_173] : memref<16x768xf32, #tpu.memory_space<vmem>> -> memref<8x768xf32, #tpu.memory_space<vmem>>
      %dma_wait3A_175 = arith.constant 0 : i32
      %dma_wait3A_176 = tpu.memref_slice %arg2[%min3A_161, %dma_wait3A_175] : memref<4096x768xf32, #tpu.memory_space<hbm>> -> memref<8x768xf32, #tpu.memory_space<hbm>>
      %dma_wait3A_177 = arith.constant 8 : i32
      %dma_wait3A_178 = arith.constant 0 : i32
      %dma_wait3A_179 = tpu.memref_slice %arg5[%dma_wait3A_177, %dma_wait3A_178] : memref<16x768xf32, #tpu.memory_space<vmem>> -> memref<8x768xf32, #tpu.memory_space<vmem>>
      %dma_wait3A_180 = arith.constant 0 : i32
      %dma_wait3A_181 = tpu.memref_slice %arg2[%min3A_161, %dma_wait3A_180] : memref<4096x768xf32, #tpu.memory_space<hbm>> -> memref<8x768xf32, #tpu.memory_space<hbm>>
      tpu.wait_dma2 semaphore(%arg9 : memref<!tpu.dma_semaphore, #tpu.memory_space<semaphore_mem>>) src(%dma_wait3A_181 : memref<8x768xf32, #tpu.memory_space<hbm>>) dst(%dma_wait3A_179 : memref<8x768xf32, #tpu.memory_space<vmem>>)
      %convert_element_type3A_182 = arith.extui %gt3A_74 : i1 to i32
      %cond3A_183 = arith.constant 0 : i32
      %cond3A_184 = arith.cmpi ne, %convert_element_type3A_182, %cond3A_183 : i32
      scf.if %cond3A_184 {
        %sub3A_204 = arith.constant 2 : i32
        %sub3A_205 = arith.subi %add3A_125, %sub3A_204 : i32
        %mul3A_206 = arith.constant 8 : i32
        %mul3A_207 = arith.muli %sub3A_205, %mul3A_206 : i32
        %add3A_208 = arith.addi %mul3A_2, %mul3A_207 : i32
        %mul3A_209 = arith.constant 8 : i32
        %mul3A_210 = arith.muli %add3A_208, %mul3A_209 : i32
        %dma_wait3A_211 = arith.constant 0 : i32
        %dma_wait3A_212 = tpu.memref_slice %arg3[%mul3A_210, %dma_wait3A_211] : memref<32768x768xf32, #tpu.memory_space<hbm>> -> memref<64x768xf32, #tpu.memory_space<hbm>>
        %dma_wait3A_213 = arith.constant 0 : i32
        %dma_wait3A_214 = tpu.memref_slice %arg3[%mul3A_210, %dma_wait3A_213] : memref<32768x768xf32, #tpu.memory_space<hbm>> -> memref<64x768xf32, #tpu.memory_space<hbm>>
        tpu.wait_dma2 semaphore(%arg11 : memref<!tpu.dma_semaphore, #tpu.memory_space<semaphore_mem>>) src(%arg7 : memref<64x768xf32, #tpu.memory_space<vmem>>) dst(%dma_wait3A_214 : memref<64x768xf32, #tpu.memory_space<hbm>>)
      } else {
      }
      %not3A = arith.constant true
      %not3A_185 = arith.xori %ge3A, %not3A : i1
      %convert_element_type3A_186 = arith.extui %not3A_185 : i1 to i32
      %cond3A_187 = arith.constant 0 : i32
      %cond3A_188 = arith.cmpi ne, %convert_element_type3A_186, %cond3A_187 : i32
      scf.if %cond3A_188 {
        %scan3A_204 = arith.constant 0 : i32
        %scan3A_205 = arith.constant 0 : i32
        %scan3A_206 = arith.constant 48 : i32
        %scan3A_207 = arith.addi %scan3A_205, %scan3A_206 : i32
        %scan3A_208 = arith.constant 1 : i32
        scf.for %scan3A_210 = %scan3A_205 to %scan3A_207 step %scan3A_208  : i32 {
          %mul3A_211 = arith.constant 16 : i32
          %mul3A_212 = arith.muli %scan3A_210, %mul3A_211 : i32
          %get3A = arith.constant 0 : i32
          %get3A_213 = arith.index_cast %get3A : i32 to index
          %get3A_214 = arith.index_cast %mul3A_212 : i32 to index
          %get3A_215 = tpu.vector_load %arg5[%get3A_213, %get3A_214] {strides = array<i32>} : memref<16x768xf32, #tpu.memory_space<vmem>>, vector<1x16xf32>,
          %get3A_216 = vector.shape_cast %get3A_215 : vector<1x16xf32> to vector<16xf32>
          %swap3A = arith.constant 0 : i32
          %swap3A_217 = arith.index_cast %swap3A : i32 to index
          %swap3A_218 = arith.index_cast %mul3A_212 : i32 to index
          %swap3A_219 = tpu.vector_load %arg7[%swap3A_217, %swap3A_218] {strides = array<i32>} : memref<64x768xf32, #tpu.memory_space<vmem>>, vector<1x16xf32>,
          %swap3A_220 = vector.shape_cast %swap3A_219 : vector<1x16xf32> to vector<16xf32>
          %swap3A_221 = vector.shape_cast %get3A_216 : vector<16xf32> to vector<1x16xf32>
          tpu.vector_store %arg7[%swap3A_217, %swap3A_218], %swap3A_221 {strides = array<i32>} : memref<64x768xf32, #tpu.memory_space<vmem>>, vector<1x16xf32>,
          %get3A_222 = arith.constant 1 : i32
          %get3A_223 = arith.index_cast %get3A_222 : i32 to index
          %get3A_224 = arith.index_cast %mul3A_212 : i32 to index
          %get3A_225 = tpu.vector_load %arg5[%get3A_223, %get3A_224] {strides = array<i32>} : memref<16x768xf32, #tpu.memory_space<vmem>>, vector<1x16xf32>,
          %get3A_226 = vector.shape_cast %get3A_225 : vector<1x16xf32> to vector<16xf32>
          %add3A_227 = arith.addf %get3A_216, %get3A_226 : vector<16xf32>
          %mul3A_228 = arith.constant 5.000000e-01 : f32
          %mul3A_229 = vector.broadcast %mul3A_228 : f32 to vector<16xf32>
          %mul3A_230 = arith.mulf %add3A_227, %mul3A_229 : vector<16xf32>
          %swap3A_231 = arith.constant 1 : i32
          %swap3A_232 = arith.index_cast %swap3A_231 : i32 to index
          %swap3A_233 = arith.index_cast %mul3A_212 : i32 to index
          %swap3A_234 = tpu.vector_load %arg7[%swap3A_232, %swap3A_233] {strides = array<i32>} : memref<64x768xf32, #tpu.memory_space<vmem>>, vector<1x16xf32>,
          %swap3A_235 = vector.shape_cast %swap3A_234 : vector<1x16xf32> to vector<16xf32>
          %swap3A_236 = vector.shape_cast %mul3A_230 : vector<16xf32> to vector<1x16xf32>
          tpu.vector_store %arg7[%swap3A_232, %swap3A_233], %swap3A_236 {strides = array<i32>} : memref<64x768xf32, #tpu.memory_space<vmem>>, vector<1x16xf32>,
          %get3A_237 = arith.constant 2 : i32
          %get3A_238 = arith.index_cast %get3A_237 : i32 to index
          %get3A_239 = arith.index_cast %mul3A_212 : i32 to index
          %get3A_240 = tpu.vector_load %arg5[%get3A_238, %get3A_239] {strides = array<i32>} : memref<16x768xf32, #tpu.memory_space<vmem>>, vector<1x16xf32>,
          %get3A_241 = vector.shape_cast %get3A_240 : vector<1x16xf32> to vector<16xf32>
          %add3A_242 = arith.addf %get3A_216, %get3A_241 : vector<16xf32>
          %mul3A_243 = arith.constant 5.000000e-01 : f32
          %mul3A_244 = vector.broadcast %mul3A_243 : f32 to vector<16xf32>
          %mul3A_245 = arith.mulf %add3A_242, %mul3A_244 : vector<16xf32>
          %swap3A_246 = arith.constant 2 : i32
          %swap3A_247 = arith.index_cast %swap3A_246 : i32 to index
          %swap3A_248 = arith.index_cast %mul3A_212 : i32 to index
          %swap3A_249 = tpu.vector_load %arg7[%swap3A_247, %swap3A_248] {strides = array<i32>} : memref<64x768xf32, #tpu.memory_space<vmem>>, vector<1x16xf32>,
          %swap3A_250 = vector.shape_cast %swap3A_249 : vector<1x16xf32> to vector<16xf32>
          %swap3A_251 = vector.shape_cast %mul3A_245 : vector<16xf32> to vector<1x16xf32>
          tpu.vector_store %arg7[%swap3A_247, %swap3A_248], %swap3A_251 {strides = array<i32>} : memref<64x768xf32, #tpu.memory_space<vmem>>, vector<1x16xf32>,
          %get3A_252 = arith.constant 3 : i32
          %get3A_253 = arith.index_cast %get3A_252 : i32 to index
          %get3A_254 = arith.index_cast %mul3A_212 : i32 to index
          %get3A_255 = tpu.vector_load %arg5[%get3A_253, %get3A_254] {strides = array<i32>} : memref<16x768xf32, #tpu.memory_space<vmem>>, vector<1x16xf32>,
          %get3A_256 = vector.shape_cast %get3A_255 : vector<1x16xf32> to vector<16xf32>
          %add3A_257 = arith.addf %get3A_216, %get3A_256 : vector<16xf32>
          %mul3A_258 = arith.constant 5.000000e-01 : f32
          %mul3A_259 = vector.broadcast %mul3A_258 : f32 to vector<16xf32>
          %mul3A_260 = arith.mulf %add3A_257, %mul3A_259 : vector<16xf32>
          %swap3A_261 = arith.constant 3 : i32
          %swap3A_262 = arith.index_cast %swap3A_261 : i32 to index
          %swap3A_263 = arith.index_cast %mul3A_212 : i32 to index
          %swap3A_264 = tpu.vector_load %arg7[%swap3A_262, %swap3A_263] {strides = array<i32>} : memref<64x768xf32, #tpu.memory_space<vmem>>, vector<1x16xf32>,
          %swap3A_265 = vector.shape_cast %swap3A_264 : vector<1x16xf32> to vector<16xf32>
          %swap3A_266 = vector.shape_cast %mul3A_260 : vector<16xf32> to vector<1x16xf32>
          tpu.vector_store %arg7[%swap3A_262, %swap3A_263], %swap3A_266 {strides = array<i32>} : memref<64x768xf32, #tpu.memory_space<vmem>>, vector<1x16xf32>,
          %get3A_267 = arith.constant 4 : i32
          %get3A_268 = arith.index_cast %get3A_267 : i32 to index
          %get3A_269 = arith.index_cast %mul3A_212 : i32 to index
          %get3A_270 = tpu.vector_load %arg5[%get3A_268, %get3A_269] {strides = array<i32>} : memref<16x768xf32, #tpu.memory_space<vmem>>, vector<1x16xf32>,
          %get3A_271 = vector.shape_cast %get3A_270 : vector<1x16xf32> to vector<16xf32>
          %add3A_272 = arith.addf %get3A_216, %get3A_271 : vector<16xf32>
          %mul3A_273 = arith.constant 5.000000e-01 : f32
          %mul3A_274 = vector.broadcast %mul3A_273 : f32 to vector<16xf32>
          %mul3A_275 = arith.mulf %add3A_272, %mul3A_274 : vector<16xf32>
          %swap3A_276 = arith.constant 4 : i32
          %swap3A_277 = arith.index_cast %swap3A_276 : i32 to index
          %swap3A_278 = arith.index_cast %mul3A_212 : i32 to index
          %swap3A_279 = tpu.vector_load %arg7[%swap3A_277, %swap3A_278] {strides = array<i32>} : memref<64x768xf32, #tpu.memory_space<vmem>>, vector<1x16xf32>,
          %swap3A_280 = vector.shape_cast %swap3A_279 : vector<1x16xf32> to vector<16xf32>
          %swap3A_281 = vector.shape_cast %mul3A_275 : vector<16xf32> to vector<1x16xf32>
          tpu.vector_store %arg7[%swap3A_277, %swap3A_278], %swap3A_281 {strides = array<i32>} : memref<64x768xf32, #tpu.memory_space<vmem>>, vector<1x16xf32>,
          %get3A_282 = arith.constant 5 : i32
          %get3A_283 = arith.index_cast %get3A_282 : i32 to index
          %get3A_284 = arith.index_cast %mul3A_212 : i32 to index
          %get3A_285 = tpu.vector_load %arg5[%get3A_283, %get3A_284] {strides = array<i32>} : memref<16x768xf32, #tpu.memory_space<vmem>>, vector<1x16xf32>,
          %get3A_286 = vector.shape_cast %get3A_285 : vector<1x16xf32> to vector<16xf32>
          %add3A_287 = arith.addf %get3A_216, %get3A_286 : vector<16xf32>
          %mul3A_288 = arith.constant 5.000000e-01 : f32
          %mul3A_289 = vector.broadcast %mul3A_288 : f32 to vector<16xf32>
          %mul3A_290 = arith.mulf %add3A_287, %mul3A_289 : vector<16xf32>
          %swap3A_291 = arith.constant 5 : i32
          %swap3A_292 = arith.index_cast %swap3A_291 : i32 to index
          %swap3A_293 = arith.index_cast %mul3A_212 : i32 to index
          %swap3A_294 = tpu.vector_load %arg7[%swap3A_292, %swap3A_293] {strides = array<i32>} : memref<64x768xf32, #tpu.memory_space<vmem>>, vector<1x16xf32>,
          %swap3A_295 = vector.shape_cast %swap3A_294 : vector<1x16xf32> to vector<16xf32>
          %swap3A_296 = vector.shape_cast %mul3A_290 : vector<16xf32> to vector<1x16xf32>
          tpu.vector_store %arg7[%swap3A_292, %swap3A_293], %swap3A_296 {strides = array<i32>} : memref<64x768xf32, #tpu.memory_space<vmem>>, vector<1x16xf32>,
          %get3A_297 = arith.constant 6 : i32
          %get3A_298 = arith.index_cast %get3A_297 : i32 to index
          %get3A_299 = arith.index_cast %mul3A_212 : i32 to index
          %get3A_300 = tpu.vector_load %arg5[%get3A_298, %get3A_299] {strides = array<i32>} : memref<16x768xf32, #tpu.memory_space<vmem>>, vector<1x16xf32>,
          %get3A_301 = vector.shape_cast %get3A_300 : vector<1x16xf32> to vector<16xf32>
          %add3A_302 = arith.addf %get3A_216, %get3A_301 : vector<16xf32>
          %mul3A_303 = arith.constant 5.000000e-01 : f32
          %mul3A_304 = vector.broadcast %mul3A_303 : f32 to vector<16xf32>
          %mul3A_305 = arith.mulf %add3A_302, %mul3A_304 : vector<16xf32>
          %swap3A_306 = arith.constant 6 : i32
          %swap3A_307 = arith.index_cast %swap3A_306 : i32 to index
          %swap3A_308 = arith.index_cast %mul3A_212 : i32 to index
          %swap3A_309 = tpu.vector_load %arg7[%swap3A_307, %swap3A_308] {strides = array<i32>} : memref<64x768xf32, #tpu.memory_space<vmem>>, vector<1x16xf32>,
          %swap3A_310 = vector.shape_cast %swap3A_309 : vector<1x16xf32> to vector<16xf32>
          %swap3A_311 = vector.shape_cast %mul3A_305 : vector<16xf32> to vector<1x16xf32>
          tpu.vector_store %arg7[%swap3A_307, %swap3A_308], %swap3A_311 {strides = array<i32>} : memref<64x768xf32, #tpu.memory_space<vmem>>, vector<1x16xf32>,
          %get3A_312 = arith.constant 7 : i32
          %get3A_313 = arith.index_cast %get3A_312 : i32 to index
          %get3A_314 = arith.index_cast %mul3A_212 : i32 to index
          %get3A_315 = tpu.vector_load %arg5[%get3A_313, %get3A_314] {strides = array<i32>} : memref<16x768xf32, #tpu.memory_space<vmem>>, vector<1x16xf32>,
          %get3A_316 = vector.shape_cast %get3A_315 : vector<1x16xf32> to vector<16xf32>
          %add3A_317 = arith.addf %get3A_216, %get3A_316 : vector<16xf32>
          %mul3A_318 = arith.constant 5.000000e-01 : f32
          %mul3A_319 = vector.broadcast %mul3A_318 : f32 to vector<16xf32>
          %mul3A_320 = arith.mulf %add3A_317, %mul3A_319 : vector<16xf32>
          %swap3A_321 = arith.constant 7 : i32
          %swap3A_322 = arith.index_cast %swap3A_321 : i32 to index
          %swap3A_323 = arith.index_cast %mul3A_212 : i32 to index
          %swap3A_324 = tpu.vector_load %arg7[%swap3A_322, %swap3A_323] {strides = array<i32>} : memref<64x768xf32, #tpu.memory_space<vmem>>, vector<1x16xf32>,
          %swap3A_325 = vector.shape_cast %swap3A_324 : vector<1x16xf32> to vector<16xf32>
          %swap3A_326 = vector.shape_cast %mul3A_320 : vector<16xf32> to vector<1x16xf32>
          tpu.vector_store %arg7[%swap3A_322, %swap3A_323], %swap3A_326 {strides = array<i32>} : memref<64x768xf32, #tpu.memory_space<vmem>>, vector<1x16xf32>,
          %get3A_327 = arith.constant 1 : i32
          %get3A_328 = arith.index_cast %get3A_327 : i32 to index
          %get3A_329 = arith.index_cast %mul3A_212 : i32 to index
          %get3A_330 = tpu.vector_load %arg5[%get3A_328, %get3A_329] {strides = array<i32>} : memref<16x768xf32, #tpu.memory_space<vmem>>, vector<1x16xf32>,
          %get3A_331 = vector.shape_cast %get3A_330 : vector<1x16xf32> to vector<16xf32>
          %swap3A_332 = arith.constant 8 : i32
          %swap3A_333 = arith.index_cast %swap3A_332 : i32 to index
          %swap3A_334 = arith.index_cast %mul3A_212 : i32 to index
          %swap3A_335 = tpu.vector_load %arg7[%swap3A_333, %swap3A_334] {strides = array<i32>} : memref<64x768xf32, #tpu.memory_space<vmem>>, vector<1x16xf32>,
          %swap3A_336 = vector.shape_cast %swap3A_335 : vector<1x16xf32> to vector<16xf32>
          %swap3A_337 = vector.shape_cast %get3A_331 : vector<16xf32> to vector<1x16xf32>
          tpu.vector_store %arg7[%swap3A_333, %swap3A_334], %swap3A_337 {strides = array<i32>} : memref<64x768xf32, #tpu.memory_space<vmem>>, vector<1x16xf32>,
          %get3A_338 = arith.constant 2 : i32
          %get3A_339 = arith.index_cast %get3A_338 : i32 to index
          %get3A_340 = arith.index_cast %mul3A_212 : i32 to index
          %get3A_341 = tpu.vector_load %arg5[%get3A_339, %get3A_340] {strides = array<i32>} : memref<16x768xf32, #tpu.memory_space<vmem>>, vector<1x16xf32>,
          %get3A_342 = vector.shape_cast %get3A_341 : vector<1x16xf32> to vector<16xf32>
          %add3A_343 = arith.addf %get3A_331, %get3A_342 : vector<16xf32>
          %mul3A_344 = arith.constant 5.000000e-01 : f32
          %mul3A_345 = vector.broadcast %mul3A_344 : f32 to vector<16xf32>
          %mul3A_346 = arith.mulf %add3A_343, %mul3A_345 : vector<16xf32>
          %swap3A_347 = arith.constant 9 : i32
          %swap3A_348 = arith.index_cast %swap3A_347 : i32 to index
          %swap3A_349 = arith.index_cast %mul3A_212 : i32 to index
          %swap3A_350 = tpu.vector_load %arg7[%swap3A_348, %swap3A_349] {strides = array<i32>} : memref<64x768xf32, #tpu.memory_space<vmem>>, vector<1x16xf32>,
          %swap3A_351 = vector.shape_cast %swap3A_350 : vector<1x16xf32> to vector<16xf32>
          %swap3A_352 = vector.shape_cast %mul3A_346 : vector<16xf32> to vector<1x16xf32>
          tpu.vector_store %arg7[%swap3A_348, %swap3A_349], %swap3A_352 {strides = array<i32>} : memref<64x768xf32, #tpu.memory_space<vmem>>, vector<1x16xf32>,
          %get3A_353 = arith.constant 3 : i32
          %get3A_354 = arith.index_cast %get3A_353 : i32 to index
          %get3A_355 = arith.index_cast %mul3A_212 : i32 to index
          %get3A_356 = tpu.vector_load %arg5[%get3A_354, %get3A_355] {strides = array<i32>} : memref<16x768xf32, #tpu.memory_space<vmem>>, vector<1x16xf32>,
          %get3A_357 = vector.shape_cast %get3A_356 : vector<1x16xf32> to vector<16xf32>
          %add3A_358 = arith.addf %get3A_331, %get3A_357 : vector<16xf32>
          %mul3A_359 = arith.constant 5.000000e-01 : f32
          %mul3A_360 = vector.broadcast %mul3A_359 : f32 to vector<16xf32>
          %mul3A_361 = arith.mulf %add3A_358, %mul3A_360 : vector<16xf32>
          %swap3A_362 = arith.constant 10 : i32
          %swap3A_363 = arith.index_cast %swap3A_362 : i32 to index
          %swap3A_364 = arith.index_cast %mul3A_212 : i32 to index
          %swap3A_365 = tpu.vector_load %arg7[%swap3A_363, %swap3A_364] {strides = array<i32>} : memref<64x768xf32, #tpu.memory_space<vmem>>, vector<1x16xf32>,
          %swap3A_366 = vector.shape_cast %swap3A_365 : vector<1x16xf32> to vector<16xf32>
          %swap3A_367 = vector.shape_cast %mul3A_361 : vector<16xf32> to vector<1x16xf32>
          tpu.vector_store %arg7[%swap3A_363, %swap3A_364], %swap3A_367 {strides = array<i32>} : memref<64x768xf32, #tpu.memory_space<vmem>>, vector<1x16xf32>,
          %get3A_368 = arith.constant 4 : i32
          %get3A_369 = arith.index_cast %get3A_368 : i32 to index
          %get3A_370 = arith.index_cast %mul3A_212 : i32 to index
          %get3A_371 = tpu.vector_load %arg5[%get3A_369, %get3A_370] {strides = array<i32>} : memref<16x768xf32, #tpu.memory_space<vmem>>, vector<1x16xf32>,
          %get3A_372 = vector.shape_cast %get3A_371 : vector<1x16xf32> to vector<16xf32>
          %add3A_373 = arith.addf %get3A_331, %get3A_372 : vector<16xf32>
          %mul3A_374 = arith.constant 5.000000e-01 : f32
          %mul3A_375 = vector.broadcast %mul3A_374 : f32 to vector<16xf32>
          %mul3A_376 = arith.mulf %add3A_373, %mul3A_375 : vector<16xf32>
          %swap3A_377 = arith.constant 11 : i32
          %swap3A_378 = arith.index_cast %swap3A_377 : i32 to index
          %swap3A_379 = arith.index_cast %mul3A_212 : i32 to index
          %swap3A_380 = tpu.vector_load %arg7[%swap3A_378, %swap3A_379] {strides = array<i32>} : memref<64x768xf32, #tpu.memory_space<vmem>>, vector<1x16xf32>,
          %swap3A_381 = vector.shape_cast %swap3A_380 : vector<1x16xf32> to vector<16xf32>
          %swap3A_382 = vector.shape_cast %mul3A_376 : vector<16xf32> to vector<1x16xf32>
          tpu.vector_store %arg7[%swap3A_378, %swap3A_379], %swap3A_382 {strides = array<i32>} : memref<64x768xf32, #tpu.memory_space<vmem>>, vector<1x16xf32>,
          %get3A_383 = arith.constant 5 : i32
          %get3A_384 = arith.index_cast %get3A_383 : i32 to index
          %get3A_385 = arith.index_cast %mul3A_212 : i32 to index
          %get3A_386 = tpu.vector_load %arg5[%get3A_384, %get3A_385] {strides = array<i32>} : memref<16x768xf32, #tpu.memory_space<vmem>>, vector<1x16xf32>,
          %get3A_387 = vector.shape_cast %get3A_386 : vector<1x16xf32> to vector<16xf32>
          %add3A_388 = arith.addf %get3A_331, %get3A_387 : vector<16xf32>
          %mul3A_389 = arith.constant 5.000000e-01 : f32
          %mul3A_390 = vector.broadcast %mul3A_389 : f32 to vector<16xf32>
          %mul3A_391 = arith.mulf %add3A_388, %mul3A_390 : vector<16xf32>
          %swap3A_392 = arith.constant 12 : i32
          %swap3A_393 = arith.index_cast %swap3A_392 : i32 to index
          %swap3A_394 = arith.index_cast %mul3A_212 : i32 to index
          %swap3A_395 = tpu.vector_load %arg7[%swap3A_393, %swap3A_394] {strides = array<i32>} : memref<64x768xf32, #tpu.memory_space<vmem>>, vector<1x16xf32>,
          %swap3A_396 = vector.shape_cast %swap3A_395 : vector<1x16xf32> to vector<16xf32>
          %swap3A_397 = vector.shape_cast %mul3A_391 : vector<16xf32> to vector<1x16xf32>
          tpu.vector_store %arg7[%swap3A_393, %swap3A_394], %swap3A_397 {strides = array<i32>} : memref<64x768xf32, #tpu.memory_space<vmem>>, vector<1x16xf32>,
          %get3A_398 = arith.constant 6 : i32
          %get3A_399 = arith.index_cast %get3A_398 : i32 to index
          %get3A_400 = arith.index_cast %mul3A_212 : i32 to index
          %get3A_401 = tpu.vector_load %arg5[%get3A_399, %get3A_400] {strides = array<i32>} : memref<16x768xf32, #tpu.memory_space<vmem>>, vector<1x16xf32>,
          %get3A_402 = vector.shape_cast %get3A_401 : vector<1x16xf32> to vector<16xf32>
          %add3A_403 = arith.addf %get3A_331, %get3A_402 : vector<16xf32>
          %mul3A_404 = arith.constant 5.000000e-01 : f32
          %mul3A_405 = vector.broadcast %mul3A_404 : f32 to vector<16xf32>
          %mul3A_406 = arith.mulf %add3A_403, %mul3A_405 : vector<16xf32>
          %swap3A_407 = arith.constant 13 : i32
          %swap3A_408 = arith.index_cast %swap3A_407 : i32 to index
          %swap3A_409 = arith.index_cast %mul3A_212 : i32 to index
          %swap3A_410 = tpu.vector_load %arg7[%swap3A_408, %swap3A_409] {strides = array<i32>} : memref<64x768xf32, #tpu.memory_space<vmem>>, vector<1x16xf32>,
          %swap3A_411 = vector.shape_cast %swap3A_410 : vector<1x16xf32> to vector<16xf32>
          %swap3A_412 = vector.shape_cast %mul3A_406 : vector<16xf32> to vector<1x16xf32>
          tpu.vector_store %arg7[%swap3A_408, %swap3A_409], %swap3A_412 {strides = array<i32>} : memref<64x768xf32, #tpu.memory_space<vmem>>, vector<1x16xf32>,
          %get3A_413 = arith.constant 7 : i32
          %get3A_414 = arith.index_cast %get3A_413 : i32 to index
          %get3A_415 = arith.index_cast %mul3A_212 : i32 to index
          %get3A_416 = tpu.vector_load %arg5[%get3A_414, %get3A_415] {strides = array<i32>} : memref<16x768xf32, #tpu.memory_space<vmem>>, vector<1x16xf32>,
          %get3A_417 = vector.shape_cast %get3A_416 : vector<1x16xf32> to vector<16xf32>
          %add3A_418 = arith.addf %get3A_331, %get3A_417 : vector<16xf32>
          %mul3A_419 = arith.constant 5.000000e-01 : f32
          %mul3A_420 = vector.broadcast %mul3A_419 : f32 to vector<16xf32>
          %mul3A_421 = arith.mulf %add3A_418, %mul3A_420 : vector<16xf32>
          %swap3A_422 = arith.constant 14 : i32
          %swap3A_423 = arith.index_cast %swap3A_422 : i32 to index
          %swap3A_424 = arith.index_cast %mul3A_212 : i32 to index
          %swap3A_425 = tpu.vector_load %arg7[%swap3A_423, %swap3A_424] {strides = array<i32>} : memref<64x768xf32, #tpu.memory_space<vmem>>, vector<1x16xf32>,
          %swap3A_426 = vector.shape_cast %swap3A_425 : vector<1x16xf32> to vector<16xf32>
          %swap3A_427 = vector.shape_cast %mul3A_421 : vector<16xf32> to vector<1x16xf32>
          tpu.vector_store %arg7[%swap3A_423, %swap3A_424], %swap3A_427 {strides = array<i32>} : memref<64x768xf32, #tpu.memory_space<vmem>>, vector<1x16xf32>,
          %get3A_428 = arith.constant 8 : i32
          %get3A_429 = arith.index_cast %get3A_428 : i32 to index
          %get3A_430 = arith.index_cast %mul3A_212 : i32 to index
          %get3A_431 = tpu.vector_load %arg5[%get3A_429, %get3A_430] {strides = array<i32>} : memref<16x768xf32, #tpu.memory_space<vmem>>, vector<1x16xf32>,
          %get3A_432 = vector.shape_cast %get3A_431 : vector<1x16xf32> to vector<16xf32>
          %add3A_433 = arith.addf %get3A_331, %get3A_432 : vector<16xf32>
          %mul3A_434 = arith.constant 5.000000e-01 : f32
          %mul3A_435 = vector.broadcast %mul3A_434 : f32 to vector<16xf32>
          %mul3A_436 = arith.mulf %add3A_433, %mul3A_435 : vector<16xf32>
          %swap3A_437 = arith.constant 15 : i32
          %swap3A_438 = arith.index_cast %swap3A_437 : i32 to index
          %swap3A_439 = arith.index_cast %mul3A_212 : i32 to index
          %swap3A_440 = tpu.vector_load %arg7[%swap3A_438, %swap3A_439] {strides = array<i32>} : memref<64x768xf32, #tpu.memory_space<vmem>>, vector<1x16xf32>,
          %swap3A_441 = vector.shape_cast %swap3A_440 : vector<1x16xf32> to vector<16xf32>
          %swap3A_442 = vector.shape_cast %mul3A_436 : vector<16xf32> to vector<1x16xf32>
          tpu.vector_store %arg7[%swap3A_438, %swap3A_439], %swap3A_442 {strides = array<i32>} : memref<64x768xf32, #tpu.memory_space<vmem>>, vector<1x16xf32>,
          %get3A_443 = arith.constant 2 : i32
          %get3A_444 = arith.index_cast %get3A_443 : i32 to index
          %get3A_445 = arith.index_cast %mul3A_212 : i32 to index
          %get3A_446 = tpu.vector_load %arg5[%get3A_444, %get3A_445] {strides = array<i32>} : memref<16x768xf32, #tpu.memory_space<vmem>>, vector<1x16xf32>,
          %get3A_447 = vector.shape_cast %get3A_446 : vector<1x16xf32> to vector<16xf32>
          %swap3A_448 = arith.constant 16 : i32
          %swap3A_449 = arith.index_cast %swap3A_448 : i32 to index
          %swap3A_450 = arith.index_cast %mul3A_212 : i32 to index
          %swap3A_451 = tpu.vector_load %arg7[%swap3A_449, %swap3A_450] {strides = array<i32>} : memref<64x768xf32, #tpu.memory_space<vmem>>, vector<1x16xf32>,
          %swap3A_452 = vector.shape_cast %swap3A_451 : vector<1x16xf32> to vector<16xf32>
          %swap3A_453 = vector.shape_cast %get3A_447 : vector<16xf32> to vector<1x16xf32>
          tpu.vector_store %arg7[%swap3A_449, %swap3A_450], %swap3A_453 {strides = array<i32>} : memref<64x768xf32, #tpu.memory_space<vmem>>, vector<1x16xf32>,
          %get3A_454 = arith.constant 3 : i32
          %get3A_455 = arith.index_cast %get3A_454 : i32 to index
          %get3A_456 = arith.index_cast %mul3A_212 : i32 to index
          %get3A_457 = tpu.vector_load %arg5[%get3A_455, %get3A_456] {strides = array<i32>} : memref<16x768xf32, #tpu.memory_space<vmem>>, vector<1x16xf32>,
          %get3A_458 = vector.shape_cast %get3A_457 : vector<1x16xf32> to vector<16xf32>
          %add3A_459 = arith.addf %get3A_447, %get3A_458 : vector<16xf32>
          %mul3A_460 = arith.constant 5.000000e-01 : f32
          %mul3A_461 = vector.broadcast %mul3A_460 : f32 to vector<16xf32>
          %mul3A_462 = arith.mulf %add3A_459, %mul3A_461 : vector<16xf32>
          %swap3A_463 = arith.constant 17 : i32
          %swap3A_464 = arith.index_cast %swap3A_463 : i32 to index
          %swap3A_465 = arith.index_cast %mul3A_212 : i32 to index
          %swap3A_466 = tpu.vector_load %arg7[%swap3A_464, %swap3A_465] {strides = array<i32>} : memref<64x768xf32, #tpu.memory_space<vmem>>, vector<1x16xf32>,
          %swap3A_467 = vector.shape_cast %swap3A_466 : vector<1x16xf32> to vector<16xf32>
          %swap3A_468 = vector.shape_cast %mul3A_462 : vector<16xf32> to vector<1x16xf32>
          tpu.vector_store %arg7[%swap3A_464, %swap3A_465], %swap3A_468 {strides = array<i32>} : memref<64x768xf32, #tpu.memory_space<vmem>>, vector<1x16xf32>,
          %get3A_469 = arith.constant 4 : i32
          %get3A_470 = arith.index_cast %get3A_469 : i32 to index
          %get3A_471 = arith.index_cast %mul3A_212 : i32 to index
          %get3A_472 = tpu.vector_load %arg5[%get3A_470, %get3A_471] {strides = array<i32>} : memref<16x768xf32, #tpu.memory_space<vmem>>, vector<1x16xf32>,
          %get3A_473 = vector.shape_cast %get3A_472 : vector<1x16xf32> to vector<16xf32>
          %add3A_474 = arith.addf %get3A_447, %get3A_473 : vector<16xf32>
          %mul3A_475 = arith.constant 5.000000e-01 : f32
          %mul3A_476 = vector.broadcast %mul3A_475 : f32 to vector<16xf32>
          %mul3A_477 = arith.mulf %add3A_474, %mul3A_476 : vector<16xf32>
          %swap3A_478 = arith.constant 18 : i32
          %swap3A_479 = arith.index_cast %swap3A_478 : i32 to index
          %swap3A_480 = arith.index_cast %mul3A_212 : i32 to index
          %swap3A_481 = tpu.vector_load %arg7[%swap3A_479, %swap3A_480] {strides = array<i32>} : memref<64x768xf32, #tpu.memory_space<vmem>>, vector<1x16xf32>,
          %swap3A_482 = vector.shape_cast %swap3A_481 : vector<1x16xf32> to vector<16xf32>
          %swap3A_483 = vector.shape_cast %mul3A_477 : vector<16xf32> to vector<1x16xf32>
          tpu.vector_store %arg7[%swap3A_479, %swap3A_480], %swap3A_483 {strides = array<i32>} : memref<64x768xf32, #tpu.memory_space<vmem>>, vector<1x16xf32>,
          %get3A_484 = arith.constant 5 : i32
          %get3A_485 = arith.index_cast %get3A_484 : i32 to index
          %get3A_486 = arith.index_cast %mul3A_212 : i32 to index
          %get3A_487 = tpu.vector_load %arg5[%get3A_485, %get3A_486] {strides = array<i32>} : memref<16x768xf32, #tpu.memory_space<vmem>>, vector<1x16xf32>,
          %get3A_488 = vector.shape_cast %get3A_487 : vector<1x16xf32> to vector<16xf32>
          %add3A_489 = arith.addf %get3A_447, %get3A_488 : vector<16xf32>
          %mul3A_490 = arith.constant 5.000000e-01 : f32
          %mul3A_491 = vector.broadcast %mul3A_490 : f32 to vector<16xf32>
          %mul3A_492 = arith.mulf %add3A_489, %mul3A_491 : vector<16xf32>
          %swap3A_493 = arith.constant 19 : i32
          %swap3A_494 = arith.index_cast %swap3A_493 : i32 to index
          %swap3A_495 = arith.index_cast %mul3A_212 : i32 to index
          %swap3A_496 = tpu.vector_load %arg7[%swap3A_494, %swap3A_495] {strides = array<i32>} : memref<64x768xf32, #tpu.memory_space<vmem>>, vector<1x16xf32>,
          %swap3A_497 = vector.shape_cast %swap3A_496 : vector<1x16xf32> to vector<16xf32>
          %swap3A_498 = vector.shape_cast %mul3A_492 : vector<16xf32> to vector<1x16xf32>
          tpu.vector_store %arg7[%swap3A_494, %swap3A_495], %swap3A_498 {strides = array<i32>} : memref<64x768xf32, #tpu.memory_space<vmem>>, vector<1x16xf32>,
          %get3A_499 = arith.constant 6 : i32
          %get3A_500 = arith.index_cast %get3A_499 : i32 to index
          %get3A_501 = arith.index_cast %mul3A_212 : i32 to index
          %get3A_502 = tpu.vector_load %arg5[%get3A_500, %get3A_501] {strides = array<i32>} : memref<16x768xf32, #tpu.memory_space<vmem>>, vector<1x16xf32>,
          %get3A_503 = vector.shape_cast %get3A_502 : vector<1x16xf32> to vector<16xf32>
          %add3A_504 = arith.addf %get3A_447, %get3A_503 : vector<16xf32>
          %mul3A_505 = arith.constant 5.000000e-01 : f32
          %mul3A_506 = vector.broadcast %mul3A_505 : f32 to vector<16xf32>
          %mul3A_507 = arith.mulf %add3A_504, %mul3A_506 : vector<16xf32>
          %swap3A_508 = arith.constant 20 : i32
          %swap3A_509 = arith.index_cast %swap3A_508 : i32 to index
          %swap3A_510 = arith.index_cast %mul3A_212 : i32 to index
          %swap3A_511 = tpu.vector_load %arg7[%swap3A_509, %swap3A_510] {strides = array<i32>} : memref<64x768xf32, #tpu.memory_space<vmem>>, vector<1x16xf32>,
          %swap3A_512 = vector.shape_cast %swap3A_511 : vector<1x16xf32> to vector<16xf32>
          %swap3A_513 = vector.shape_cast %mul3A_507 : vector<16xf32> to vector<1x16xf32>
          tpu.vector_store %arg7[%swap3A_509, %swap3A_510], %swap3A_513 {strides = array<i32>} : memref<64x768xf32, #tpu.memory_space<vmem>>, vector<1x16xf32>,
          %get3A_514 = arith.constant 7 : i32
          %get3A_515 = arith.index_cast %get3A_514 : i32 to index
          %get3A_516 = arith.index_cast %mul3A_212 : i32 to index
          %get3A_517 = tpu.vector_load %arg5[%get3A_515, %get3A_516] {strides = array<i32>} : memref<16x768xf32, #tpu.memory_space<vmem>>, vector<1x16xf32>,
          %get3A_518 = vector.shape_cast %get3A_517 : vector<1x16xf32> to vector<16xf32>
          %add3A_519 = arith.addf %get3A_447, %get3A_518 : vector<16xf32>
          %mul3A_520 = arith.constant 5.000000e-01 : f32
          %mul3A_521 = vector.broadcast %mul3A_520 : f32 to vector<16xf32>
          %mul3A_522 = arith.mulf %add3A_519, %mul3A_521 : vector<16xf32>
          %swap3A_523 = arith.constant 21 : i32
          %swap3A_524 = arith.index_cast %swap3A_523 : i32 to index
          %swap3A_525 = arith.index_cast %mul3A_212 : i32 to index
          %swap3A_526 = tpu.vector_load %arg7[%swap3A_524, %swap3A_525] {strides = array<i32>} : memref<64x768xf32, #tpu.memory_space<vmem>>, vector<1x16xf32>,
          %swap3A_527 = vector.shape_cast %swap3A_526 : vector<1x16xf32> to vector<16xf32>
          %swap3A_528 = vector.shape_cast %mul3A_522 : vector<16xf32> to vector<1x16xf32>
          tpu.vector_store %arg7[%swap3A_524, %swap3A_525], %swap3A_528 {strides = array<i32>} : memref<64x768xf32, #tpu.memory_space<vmem>>, vector<1x16xf32>,
          %get3A_529 = arith.constant 8 : i32
          %get3A_530 = arith.index_cast %get3A_529 : i32 to index
          %get3A_531 = arith.index_cast %mul3A_212 : i32 to index
          %get3A_532 = tpu.vector_load %arg5[%get3A_530, %get3A_531] {strides = array<i32>} : memref<16x768xf32, #tpu.memory_space<vmem>>, vector<1x16xf32>,
          %get3A_533 = vector.shape_cast %get3A_532 : vector<1x16xf32> to vector<16xf32>
          %add3A_534 = arith.addf %get3A_447, %get3A_533 : vector<16xf32>
          %mul3A_535 = arith.constant 5.000000e-01 : f32
          %mul3A_536 = vector.broadcast %mul3A_535 : f32 to vector<16xf32>
          %mul3A_537 = arith.mulf %add3A_534, %mul3A_536 : vector<16xf32>
          %swap3A_538 = arith.constant 22 : i32
          %swap3A_539 = arith.index_cast %swap3A_538 : i32 to index
          %swap3A_540 = arith.index_cast %mul3A_212 : i32 to index
          %swap3A_541 = tpu.vector_load %arg7[%swap3A_539, %swap3A_540] {strides = array<i32>} : memref<64x768xf32, #tpu.memory_space<vmem>>, vector<1x16xf32>,
          %swap3A_542 = vector.shape_cast %swap3A_541 : vector<1x16xf32> to vector<16xf32>
          %swap3A_543 = vector.shape_cast %mul3A_537 : vector<16xf32> to vector<1x16xf32>
          tpu.vector_store %arg7[%swap3A_539, %swap3A_540], %swap3A_543 {strides = array<i32>} : memref<64x768xf32, #tpu.memory_space<vmem>>, vector<1x16xf32>,
          %get3A_544 = arith.constant 9 : i32
          %get3A_545 = arith.index_cast %get3A_544 : i32 to index
          %get3A_546 = arith.index_cast %mul3A_212 : i32 to index
          %get3A_547 = tpu.vector_load %arg5[%get3A_545, %get3A_546] {strides = array<i32>} : memref<16x768xf32, #tpu.memory_space<vmem>>, vector<1x16xf32>,
          %get3A_548 = vector.shape_cast %get3A_547 : vector<1x16xf32> to vector<16xf32>
          %add3A_549 = arith.addf %get3A_447, %get3A_548 : vector<16xf32>
          %mul3A_550 = arith.constant 5.000000e-01 : f32
          %mul3A_551 = vector.broadcast %mul3A_550 : f32 to vector<16xf32>
          %mul3A_552 = arith.mulf %add3A_549, %mul3A_551 : vector<16xf32>
          %swap3A_553 = arith.constant 23 : i32
          %swap3A_554 = arith.index_cast %swap3A_553 : i32 to index
          %swap3A_555 = arith.index_cast %mul3A_212 : i32 to index
          %swap3A_556 = tpu.vector_load %arg7[%swap3A_554, %swap3A_555] {strides = array<i32>} : memref<64x768xf32, #tpu.memory_space<vmem>>, vector<1x16xf32>,
          %swap3A_557 = vector.shape_cast %swap3A_556 : vector<1x16xf32> to vector<16xf32>
          %swap3A_558 = vector.shape_cast %mul3A_552 : vector<16xf32> to vector<1x16xf32>
          tpu.vector_store %arg7[%swap3A_554, %swap3A_555], %swap3A_558 {strides = array<i32>} : memref<64x768xf32, #tpu.memory_space<vmem>>, vector<1x16xf32>,
          %get3A_559 = arith.constant 3 : i32
          %get3A_560 = arith.index_cast %get3A_559 : i32 to index
          %get3A_561 = arith.index_cast %mul3A_212 : i32 to index
          %get3A_562 = tpu.vector_load %arg5[%get3A_560, %get3A_561] {strides = array<i32>} : memref<16x768xf32, #tpu.memory_space<vmem>>, vector<1x16xf32>,
          %get3A_563 = vector.shape_cast %get3A_562 : vector<1x16xf32> to vector<16xf32>
          %swap3A_564 = arith.constant 24 : i32
          %swap3A_565 = arith.index_cast %swap3A_564 : i32 to index
          %swap3A_566 = arith.index_cast %mul3A_212 : i32 to index
          %swap3A_567 = tpu.vector_load %arg7[%swap3A_565, %swap3A_566] {strides = array<i32>} : memref<64x768xf32, #tpu.memory_space<vmem>>, vector<1x16xf32>,
          %swap3A_568 = vector.shape_cast %swap3A_567 : vector<1x16xf32> to vector<16xf32>
          %swap3A_569 = vector.shape_cast %get3A_563 : vector<16xf32> to vector<1x16xf32>
          tpu.vector_store %arg7[%swap3A_565, %swap3A_566], %swap3A_569 {strides = array<i32>} : memref<64x768xf32, #tpu.memory_space<vmem>>, vector<1x16xf32>,
          %get3A_570 = arith.constant 4 : i32
          %get3A_571 = arith.index_cast %get3A_570 : i32 to index
          %get3A_572 = arith.index_cast %mul3A_212 : i32 to index
          %get3A_573 = tpu.vector_load %arg5[%get3A_571, %get3A_572] {strides = array<i32>} : memref<16x768xf32, #tpu.memory_space<vmem>>, vector<1x16xf32>,
          %get3A_574 = vector.shape_cast %get3A_573 : vector<1x16xf32> to vector<16xf32>
          %add3A_575 = arith.addf %get3A_563, %get3A_574 : vector<16xf32>
          %mul3A_576 = arith.constant 5.000000e-01 : f32
          %mul3A_577 = vector.broadcast %mul3A_576 : f32 to vector<16xf32>
          %mul3A_578 = arith.mulf %add3A_575, %mul3A_577 : vector<16xf32>
          %swap3A_579 = arith.constant 25 : i32
          %swap3A_580 = arith.index_cast %swap3A_579 : i32 to index
          %swap3A_581 = arith.index_cast %mul3A_212 : i32 to index
          %swap3A_582 = tpu.vector_load %arg7[%swap3A_580, %swap3A_581] {strides = array<i32>} : memref<64x768xf32, #tpu.memory_space<vmem>>, vector<1x16xf32>,
          %swap3A_583 = vector.shape_cast %swap3A_582 : vector<1x16xf32> to vector<16xf32>
          %swap3A_584 = vector.shape_cast %mul3A_578 : vector<16xf32> to vector<1x16xf32>
          tpu.vector_store %arg7[%swap3A_580, %swap3A_581], %swap3A_584 {strides = array<i32>} : memref<64x768xf32, #tpu.memory_space<vmem>>, vector<1x16xf32>,
          %get3A_585 = arith.constant 5 : i32
          %get3A_586 = arith.index_cast %get3A_585 : i32 to index
          %get3A_587 = arith.index_cast %mul3A_212 : i32 to index
          %get3A_588 = tpu.vector_load %arg5[%get3A_586, %get3A_587] {strides = array<i32>} : memref<16x768xf32, #tpu.memory_space<vmem>>, vector<1x16xf32>,
          %get3A_589 = vector.shape_cast %get3A_588 : vector<1x16xf32> to vector<16xf32>
          %add3A_590 = arith.addf %get3A_563, %get3A_589 : vector<16xf32>
          %mul3A_591 = arith.constant 5.000000e-01 : f32
          %mul3A_592 = vector.broadcast %mul3A_591 : f32 to vector<16xf32>
          %mul3A_593 = arith.mulf %add3A_590, %mul3A_592 : vector<16xf32>
          %swap3A_594 = arith.constant 26 : i32
          %swap3A_595 = arith.index_cast %swap3A_594 : i32 to index
          %swap3A_596 = arith.index_cast %mul3A_212 : i32 to index
          %swap3A_597 = tpu.vector_load %arg7[%swap3A_595, %swap3A_596] {strides = array<i32>} : memref<64x768xf32, #tpu.memory_space<vmem>>, vector<1x16xf32>,
          %swap3A_598 = vector.shape_cast %swap3A_597 : vector<1x16xf32> to vector<16xf32>
          %swap3A_599 = vector.shape_cast %mul3A_593 : vector<16xf32> to vector<1x16xf32>
          tpu.vector_store %arg7[%swap3A_595, %swap3A_596], %swap3A_599 {strides = array<i32>} : memref<64x768xf32, #tpu.memory_space<vmem>>, vector<1x16xf32>,
          %get3A_600 = arith.constant 6 : i32
          %get3A_601 = arith.index_cast %get3A_600 : i32 to index
          %get3A_602 = arith.index_cast %mul3A_212 : i32 to index
          %get3A_603 = tpu.vector_load %arg5[%get3A_601, %get3A_602] {strides = array<i32>} : memref<16x768xf32, #tpu.memory_space<vmem>>, vector<1x16xf32>,
          %get3A_604 = vector.shape_cast %get3A_603 : vector<1x16xf32> to vector<16xf32>
          %add3A_605 = arith.addf %get3A_563, %get3A_604 : vector<16xf32>
          %mul3A_606 = arith.constant 5.000000e-01 : f32
          %mul3A_607 = vector.broadcast %mul3A_606 : f32 to vector<16xf32>
          %mul3A_608 = arith.mulf %add3A_605, %mul3A_607 : vector<16xf32>
          %swap3A_609 = arith.constant 27 : i32
          %swap3A_610 = arith.index_cast %swap3A_609 : i32 to index
          %swap3A_611 = arith.index_cast %mul3A_212 : i32 to index
          %swap3A_612 = tpu.vector_load %arg7[%swap3A_610, %swap3A_611] {strides = array<i32>} : memref<64x768xf32, #tpu.memory_space<vmem>>, vector<1x16xf32>,
          %swap3A_613 = vector.shape_cast %swap3A_612 : vector<1x16xf32> to vector<16xf32>
          %swap3A_614 = vector.shape_cast %mul3A_608 : vector<16xf32> to vector<1x16xf32>
          tpu.vector_store %arg7[%swap3A_610, %swap3A_611], %swap3A_614 {strides = array<i32>} : memref<64x768xf32, #tpu.memory_space<vmem>>, vector<1x16xf32>,
          %get3A_615 = arith.constant 7 : i32
          %get3A_616 = arith.index_cast %get3A_615 : i32 to index
          %get3A_617 = arith.index_cast %mul3A_212 : i32 to index
          %get3A_618 = tpu.vector_load %arg5[%get3A_616, %get3A_617] {strides = array<i32>} : memref<16x768xf32, #tpu.memory_space<vmem>>, vector<1x16xf32>,
          %get3A_619 = vector.shape_cast %get3A_618 : vector<1x16xf32> to vector<16xf32>
          %add3A_620 = arith.addf %get3A_563, %get3A_619 : vector<16xf32>
          %mul3A_621 = arith.constant 5.000000e-01 : f32
          %mul3A_622 = vector.broadcast %mul3A_621 : f32 to vector<16xf32>
          %mul3A_623 = arith.mulf %add3A_620, %mul3A_622 : vector<16xf32>
          %swap3A_624 = arith.constant 28 : i32
          %swap3A_625 = arith.index_cast %swap3A_624 : i32 to index
          %swap3A_626 = arith.index_cast %mul3A_212 : i32 to index
          %swap3A_627 = tpu.vector_load %arg7[%swap3A_625, %swap3A_626] {strides = array<i32>} : memref<64x768xf32, #tpu.memory_space<vmem>>, vector<1x16xf32>,
          %swap3A_628 = vector.shape_cast %swap3A_627 : vector<1x16xf32> to vector<16xf32>
          %swap3A_629 = vector.shape_cast %mul3A_623 : vector<16xf32> to vector<1x16xf32>
          tpu.vector_store %arg7[%swap3A_625, %swap3A_626], %swap3A_629 {strides = array<i32>} : memref<64x768xf32, #tpu.memory_space<vmem>>, vector<1x16xf32>,
          %get3A_630 = arith.constant 8 : i32
          %get3A_631 = arith.index_cast %get3A_630 : i32 to index
          %get3A_632 = arith.index_cast %mul3A_212 : i32 to index
          %get3A_633 = tpu.vector_load %arg5[%get3A_631, %get3A_632] {strides = array<i32>} : memref<16x768xf32, #tpu.memory_space<vmem>>, vector<1x16xf32>,
          %get3A_634 = vector.shape_cast %get3A_633 : vector<1x16xf32> to vector<16xf32>
          %add3A_635 = arith.addf %get3A_563, %get3A_634 : vector<16xf32>
          %mul3A_636 = arith.constant 5.000000e-01 : f32
          %mul3A_637 = vector.broadcast %mul3A_636 : f32 to vector<16xf32>
          %mul3A_638 = arith.mulf %add3A_635, %mul3A_637 : vector<16xf32>
          %swap3A_639 = arith.constant 29 : i32
          %swap3A_640 = arith.index_cast %swap3A_639 : i32 to index
          %swap3A_641 = arith.index_cast %mul3A_212 : i32 to index
          %swap3A_642 = tpu.vector_load %arg7[%swap3A_640, %swap3A_641] {strides = array<i32>} : memref<64x768xf32, #tpu.memory_space<vmem>>, vector<1x16xf32>,
          %swap3A_643 = vector.shape_cast %swap3A_642 : vector<1x16xf32> to vector<16xf32>
          %swap3A_644 = vector.shape_cast %mul3A_638 : vector<16xf32> to vector<1x16xf32>
          tpu.vector_store %arg7[%swap3A_640, %swap3A_641], %swap3A_644 {strides = array<i32>} : memref<64x768xf32, #tpu.memory_space<vmem>>, vector<1x16xf32>,
          %get3A_645 = arith.constant 9 : i32
          %get3A_646 = arith.index_cast %get3A_645 : i32 to index
          %get3A_647 = arith.index_cast %mul3A_212 : i32 to index
          %get3A_648 = tpu.vector_load %arg5[%get3A_646, %get3A_647] {strides = array<i32>} : memref<16x768xf32, #tpu.memory_space<vmem>>, vector<1x16xf32>,
          %get3A_649 = vector.shape_cast %get3A_648 : vector<1x16xf32> to vector<16xf32>
          %add3A_650 = arith.addf %get3A_563, %get3A_649 : vector<16xf32>
          %mul3A_651 = arith.constant 5.000000e-01 : f32
          %mul3A_652 = vector.broadcast %mul3A_651 : f32 to vector<16xf32>
          %mul3A_653 = arith.mulf %add3A_650, %mul3A_652 : vector<16xf32>
          %swap3A_654 = arith.constant 30 : i32
          %swap3A_655 = arith.index_cast %swap3A_654 : i32 to index
          %swap3A_656 = arith.index_cast %mul3A_212 : i32 to index
          %swap3A_657 = tpu.vector_load %arg7[%swap3A_655, %swap3A_656] {strides = array<i32>} : memref<64x768xf32, #tpu.memory_space<vmem>>, vector<1x16xf32>,
          %swap3A_658 = vector.shape_cast %swap3A_657 : vector<1x16xf32> to vector<16xf32>
          %swap3A_659 = vector.shape_cast %mul3A_653 : vector<16xf32> to vector<1x16xf32>
          tpu.vector_store %arg7[%swap3A_655, %swap3A_656], %swap3A_659 {strides = array<i32>} : memref<64x768xf32, #tpu.memory_space<vmem>>, vector<1x16xf32>,
          %get3A_660 = arith.constant 10 : i32
          %get3A_661 = arith.index_cast %get3A_660 : i32 to index
          %get3A_662 = arith.index_cast %mul3A_212 : i32 to index
          %get3A_663 = tpu.vector_load %arg5[%get3A_661, %get3A_662] {strides = array<i32>} : memref<16x768xf32, #tpu.memory_space<vmem>>, vector<1x16xf32>,
          %get3A_664 = vector.shape_cast %get3A_663 : vector<1x16xf32> to vector<16xf32>
          %add3A_665 = arith.addf %get3A_563, %get3A_664 : vector<16xf32>
          %mul3A_666 = arith.constant 5.000000e-01 : f32
          %mul3A_667 = vector.broadcast %mul3A_666 : f32 to vector<16xf32>
          %mul3A_668 = arith.mulf %add3A_665, %mul3A_667 : vector<16xf32>
          %swap3A_669 = arith.constant 31 : i32
          %swap3A_670 = arith.index_cast %swap3A_669 : i32 to index
          %swap3A_671 = arith.index_cast %mul3A_212 : i32 to index
          %swap3A_672 = tpu.vector_load %arg7[%swap3A_670, %swap3A_671] {strides = array<i32>} : memref<64x768xf32, #tpu.memory_space<vmem>>, vector<1x16xf32>,
          %swap3A_673 = vector.shape_cast %swap3A_672 : vector<1x16xf32> to vector<16xf32>
          %swap3A_674 = vector.shape_cast %mul3A_668 : vector<16xf32> to vector<1x16xf32>
          tpu.vector_store %arg7[%swap3A_670, %swap3A_671], %swap3A_674 {strides = array<i32>} : memref<64x768xf32, #tpu.memory_space<vmem>>, vector<1x16xf32>,
          %get3A_675 = arith.constant 4 : i32
          %get3A_676 = arith.index_cast %get3A_675 : i32 to index
          %get3A_677 = arith.index_cast %mul3A_212 : i32 to index
          %get3A_678 = tpu.vector_load %arg5[%get3A_676, %get3A_677] {strides = array<i32>} : memref<16x768xf32, #tpu.memory_space<vmem>>, vector<1x16xf32>,
          %get3A_679 = vector.shape_cast %get3A_678 : vector<1x16xf32> to vector<16xf32>
          %swap3A_680 = arith.constant 32 : i32
          %swap3A_681 = arith.index_cast %swap3A_680 : i32 to index
          %swap3A_682 = arith.index_cast %mul3A_212 : i32 to index
          %swap3A_683 = tpu.vector_load %arg7[%swap3A_681, %swap3A_682] {strides = array<i32>} : memref<64x768xf32, #tpu.memory_space<vmem>>, vector<1x16xf32>,
          %swap3A_684 = vector.shape_cast %swap3A_683 : vector<1x16xf32> to vector<16xf32>
          %swap3A_685 = vector.shape_cast %get3A_679 : vector<16xf32> to vector<1x16xf32>
          tpu.vector_store %arg7[%swap3A_681, %swap3A_682], %swap3A_685 {strides = array<i32>} : memref<64x768xf32, #tpu.memory_space<vmem>>, vector<1x16xf32>,
          %get3A_686 = arith.constant 5 : i32
          %get3A_687 = arith.index_cast %get3A_686 : i32 to index
          %get3A_688 = arith.index_cast %mul3A_212 : i32 to index
          %get3A_689 = tpu.vector_load %arg5[%get3A_687, %get3A_688] {strides = array<i32>} : memref<16x768xf32, #tpu.memory_space<vmem>>, vector<1x16xf32>,
          %get3A_690 = vector.shape_cast %get3A_689 : vector<1x16xf32> to vector<16xf32>
          %add3A_691 = arith.addf %get3A_679, %get3A_690 : vector<16xf32>
          %mul3A_692 = arith.constant 5.000000e-01 : f32
          %mul3A_693 = vector.broadcast %mul3A_692 : f32 to vector<16xf32>
          %mul3A_694 = arith.mulf %add3A_691, %mul3A_693 : vector<16xf32>
          %swap3A_695 = arith.constant 33 : i32
          %swap3A_696 = arith.index_cast %swap3A_695 : i32 to index
          %swap3A_697 = arith.index_cast %mul3A_212 : i32 to index
          %swap3A_698 = tpu.vector_load %arg7[%swap3A_696, %swap3A_697] {strides = array<i32>} : memref<64x768xf32, #tpu.memory_space<vmem>>, vector<1x16xf32>,
          %swap3A_699 = vector.shape_cast %swap3A_698 : vector<1x16xf32> to vector<16xf32>
          %swap3A_700 = vector.shape_cast %mul3A_694 : vector<16xf32> to vector<1x16xf32>
          tpu.vector_store %arg7[%swap3A_696, %swap3A_697], %swap3A_700 {strides = array<i32>} : memref<64x768xf32, #tpu.memory_space<vmem>>, vector<1x16xf32>,
          %get3A_701 = arith.constant 6 : i32
          %get3A_702 = arith.index_cast %get3A_701 : i32 to index
          %get3A_703 = arith.index_cast %mul3A_212 : i32 to index
          %get3A_704 = tpu.vector_load %arg5[%get3A_702, %get3A_703] {strides = array<i32>} : memref<16x768xf32, #tpu.memory_space<vmem>>, vector<1x16xf32>,
          %get3A_705 = vector.shape_cast %get3A_704 : vector<1x16xf32> to vector<16xf32>
          %add3A_706 = arith.addf %get3A_679, %get3A_705 : vector<16xf32>
          %mul3A_707 = arith.constant 5.000000e-01 : f32
          %mul3A_708 = vector.broadcast %mul3A_707 : f32 to vector<16xf32>
          %mul3A_709 = arith.mulf %add3A_706, %mul3A_708 : vector<16xf32>
          %swap3A_710 = arith.constant 34 : i32
          %swap3A_711 = arith.index_cast %swap3A_710 : i32 to index
          %swap3A_712 = arith.index_cast %mul3A_212 : i32 to index
          %swap3A_713 = tpu.vector_load %arg7[%swap3A_711, %swap3A_712] {strides = array<i32>} : memref<64x768xf32, #tpu.memory_space<vmem>>, vector<1x16xf32>,
          %swap3A_714 = vector.shape_cast %swap3A_713 : vector<1x16xf32> to vector<16xf32>
          %swap3A_715 = vector.shape_cast %mul3A_709 : vector<16xf32> to vector<1x16xf32>
          tpu.vector_store %arg7[%swap3A_711, %swap3A_712], %swap3A_715 {strides = array<i32>} : memref<64x768xf32, #tpu.memory_space<vmem>>, vector<1x16xf32>,
          %get3A_716 = arith.constant 7 : i32
          %get3A_717 = arith.index_cast %get3A_716 : i32 to index
          %get3A_718 = arith.index_cast %mul3A_212 : i32 to index
          %get3A_719 = tpu.vector_load %arg5[%get3A_717, %get3A_718] {strides = array<i32>} : memref<16x768xf32, #tpu.memory_space<vmem>>, vector<1x16xf32>,
          %get3A_720 = vector.shape_cast %get3A_719 : vector<1x16xf32> to vector<16xf32>
          %add3A_721 = arith.addf %get3A_679, %get3A_720 : vector<16xf32>
          %mul3A_722 = arith.constant 5.000000e-01 : f32
          %mul3A_723 = vector.broadcast %mul3A_722 : f32 to vector<16xf32>
          %mul3A_724 = arith.mulf %add3A_721, %mul3A_723 : vector<16xf32>
          %swap3A_725 = arith.constant 35 : i32
          %swap3A_726 = arith.index_cast %swap3A_725 : i32 to index
          %swap3A_727 = arith.index_cast %mul3A_212 : i32 to index
          %swap3A_728 = tpu.vector_load %arg7[%swap3A_726, %swap3A_727] {strides = array<i32>} : memref<64x768xf32, #tpu.memory_space<vmem>>, vector<1x16xf32>,
          %swap3A_729 = vector.shape_cast %swap3A_728 : vector<1x16xf32> to vector<16xf32>
          %swap3A_730 = vector.shape_cast %mul3A_724 : vector<16xf32> to vector<1x16xf32>
          tpu.vector_store %arg7[%swap3A_726, %swap3A_727], %swap3A_730 {strides = array<i32>} : memref<64x768xf32, #tpu.memory_space<vmem>>, vector<1x16xf32>,
          %get3A_731 = arith.constant 8 : i32
          %get3A_732 = arith.index_cast %get3A_731 : i32 to index
          %get3A_733 = arith.index_cast %mul3A_212 : i32 to index
          %get3A_734 = tpu.vector_load %arg5[%get3A_732, %get3A_733] {strides = array<i32>} : memref<16x768xf32, #tpu.memory_space<vmem>>, vector<1x16xf32>,
          %get3A_735 = vector.shape_cast %get3A_734 : vector<1x16xf32> to vector<16xf32>
          %add3A_736 = arith.addf %get3A_679, %get3A_735 : vector<16xf32>
          %mul3A_737 = arith.constant 5.000000e-01 : f32
          %mul3A_738 = vector.broadcast %mul3A_737 : f32 to vector<16xf32>
          %mul3A_739 = arith.mulf %add3A_736, %mul3A_738 : vector<16xf32>
          %swap3A_740 = arith.constant 36 : i32
          %swap3A_741 = arith.index_cast %swap3A_740 : i32 to index
          %swap3A_742 = arith.index_cast %mul3A_212 : i32 to index
          %swap3A_743 = tpu.vector_load %arg7[%swap3A_741, %swap3A_742] {strides = array<i32>} : memref<64x768xf32, #tpu.memory_space<vmem>>, vector<1x16xf32>,
          %swap3A_744 = vector.shape_cast %swap3A_743 : vector<1x16xf32> to vector<16xf32>
          %swap3A_745 = vector.shape_cast %mul3A_739 : vector<16xf32> to vector<1x16xf32>
          tpu.vector_store %arg7[%swap3A_741, %swap3A_742], %swap3A_745 {strides = array<i32>} : memref<64x768xf32, #tpu.memory_space<vmem>>, vector<1x16xf32>,
          %get3A_746 = arith.constant 9 : i32
          %get3A_747 = arith.index_cast %get3A_746 : i32 to index
          %get3A_748 = arith.index_cast %mul3A_212 : i32 to index
          %get3A_749 = tpu.vector_load %arg5[%get3A_747, %get3A_748] {strides = array<i32>} : memref<16x768xf32, #tpu.memory_space<vmem>>, vector<1x16xf32>,
          %get3A_750 = vector.shape_cast %get3A_749 : vector<1x16xf32> to vector<16xf32>
          %add3A_751 = arith.addf %get3A_679, %get3A_750 : vector<16xf32>
          %mul3A_752 = arith.constant 5.000000e-01 : f32
          %mul3A_753 = vector.broadcast %mul3A_752 : f32 to vector<16xf32>
          %mul3A_754 = arith.mulf %add3A_751, %mul3A_753 : vector<16xf32>
          %swap3A_755 = arith.constant 37 : i32
          %swap3A_756 = arith.index_cast %swap3A_755 : i32 to index
          %swap3A_757 = arith.index_cast %mul3A_212 : i32 to index
          %swap3A_758 = tpu.vector_load %arg7[%swap3A_756, %swap3A_757] {strides = array<i32>} : memref<64x768xf32, #tpu.memory_space<vmem>>, vector<1x16xf32>,
          %swap3A_759 = vector.shape_cast %swap3A_758 : vector<1x16xf32> to vector<16xf32>
          %swap3A_760 = vector.shape_cast %mul3A_754 : vector<16xf32> to vector<1x16xf32>
          tpu.vector_store %arg7[%swap3A_756, %swap3A_757], %swap3A_760 {strides = array<i32>} : memref<64x768xf32, #tpu.memory_space<vmem>>, vector<1x16xf32>,
          %get3A_761 = arith.constant 10 : i32
          %get3A_762 = arith.index_cast %get3A_761 : i32 to index
          %get3A_763 = arith.index_cast %mul3A_212 : i32 to index
          %get3A_764 = tpu.vector_load %arg5[%get3A_762, %get3A_763] {strides = array<i32>} : memref<16x768xf32, #tpu.memory_space<vmem>>, vector<1x16xf32>,
          %get3A_765 = vector.shape_cast %get3A_764 : vector<1x16xf32> to vector<16xf32>
          %add3A_766 = arith.addf %get3A_679, %get3A_765 : vector<16xf32>
          %mul3A_767 = arith.constant 5.000000e-01 : f32
          %mul3A_768 = vector.broadcast %mul3A_767 : f32 to vector<16xf32>
          %mul3A_769 = arith.mulf %add3A_766, %mul3A_768 : vector<16xf32>
          %swap3A_770 = arith.constant 38 : i32
          %swap3A_771 = arith.index_cast %swap3A_770 : i32 to index
          %swap3A_772 = arith.index_cast %mul3A_212 : i32 to index
          %swap3A_773 = tpu.vector_load %arg7[%swap3A_771, %swap3A_772] {strides = array<i32>} : memref<64x768xf32, #tpu.memory_space<vmem>>, vector<1x16xf32>,
          %swap3A_774 = vector.shape_cast %swap3A_773 : vector<1x16xf32> to vector<16xf32>
          %swap3A_775 = vector.shape_cast %mul3A_769 : vector<16xf32> to vector<1x16xf32>
          tpu.vector_store %arg7[%swap3A_771, %swap3A_772], %swap3A_775 {strides = array<i32>} : memref<64x768xf32, #tpu.memory_space<vmem>>, vector<1x16xf32>,
          %get3A_776 = arith.constant 11 : i32
          %get3A_777 = arith.index_cast %get3A_776 : i32 to index
          %get3A_778 = arith.index_cast %mul3A_212 : i32 to index
          %get3A_779 = tpu.vector_load %arg5[%get3A_777, %get3A_778] {strides = array<i32>} : memref<16x768xf32, #tpu.memory_space<vmem>>, vector<1x16xf32>,
          %get3A_780 = vector.shape_cast %get3A_779 : vector<1x16xf32> to vector<16xf32>
          %add3A_781 = arith.addf %get3A_679, %get3A_780 : vector<16xf32>
          %mul3A_782 = arith.constant 5.000000e-01 : f32
          %mul3A_783 = vector.broadcast %mul3A_782 : f32 to vector<16xf32>
          %mul3A_784 = arith.mulf %add3A_781, %mul3A_783 : vector<16xf32>
          %swap3A_785 = arith.constant 39 : i32
          %swap3A_786 = arith.index_cast %swap3A_785 : i32 to index
          %swap3A_787 = arith.index_cast %mul3A_212 : i32 to index
          %swap3A_788 = tpu.vector_load %arg7[%swap3A_786, %swap3A_787] {strides = array<i32>} : memref<64x768xf32, #tpu.memory_space<vmem>>, vector<1x16xf32>,
          %swap3A_789 = vector.shape_cast %swap3A_788 : vector<1x16xf32> to vector<16xf32>
          %swap3A_790 = vector.shape_cast %mul3A_784 : vector<16xf32> to vector<1x16xf32>
          tpu.vector_store %arg7[%swap3A_786, %swap3A_787], %swap3A_790 {strides = array<i32>} : memref<64x768xf32, #tpu.memory_space<vmem>>, vector<1x16xf32>,
          %get3A_791 = arith.constant 5 : i32
          %get3A_792 = arith.index_cast %get3A_791 : i32 to index
          %get3A_793 = arith.index_cast %mul3A_212 : i32 to index
          %get3A_794 = tpu.vector_load %arg5[%get3A_792, %get3A_793] {strides = array<i32>} : memref<16x768xf32, #tpu.memory_space<vmem>>, vector<1x16xf32>,
          %get3A_795 = vector.shape_cast %get3A_794 : vector<1x16xf32> to vector<16xf32>
          %swap3A_796 = arith.constant 40 : i32
          %swap3A_797 = arith.index_cast %swap3A_796 : i32 to index
          %swap3A_798 = arith.index_cast %mul3A_212 : i32 to index
          %swap3A_799 = tpu.vector_load %arg7[%swap3A_797, %swap3A_798] {strides = array<i32>} : memref<64x768xf32, #tpu.memory_space<vmem>>, vector<1x16xf32>,
          %swap3A_800 = vector.shape_cast %swap3A_799 : vector<1x16xf32> to vector<16xf32>
          %swap3A_801 = vector.shape_cast %get3A_795 : vector<16xf32> to vector<1x16xf32>
          tpu.vector_store %arg7[%swap3A_797, %swap3A_798], %swap3A_801 {strides = array<i32>} : memref<64x768xf32, #tpu.memory_space<vmem>>, vector<1x16xf32>,
          %get3A_802 = arith.constant 6 : i32
          %get3A_803 = arith.index_cast %get3A_802 : i32 to index
          %get3A_804 = arith.index_cast %mul3A_212 : i32 to index
          %get3A_805 = tpu.vector_load %arg5[%get3A_803, %get3A_804] {strides = array<i32>} : memref<16x768xf32, #tpu.memory_space<vmem>>, vector<1x16xf32>,
          %get3A_806 = vector.shape_cast %get3A_805 : vector<1x16xf32> to vector<16xf32>
          %add3A_807 = arith.addf %get3A_795, %get3A_806 : vector<16xf32>
          %mul3A_808 = arith.constant 5.000000e-01 : f32
          %mul3A_809 = vector.broadcast %mul3A_808 : f32 to vector<16xf32>
          %mul3A_810 = arith.mulf %add3A_807, %mul3A_809 : vector<16xf32>
          %swap3A_811 = arith.constant 41 : i32
          %swap3A_812 = arith.index_cast %swap3A_811 : i32 to index
          %swap3A_813 = arith.index_cast %mul3A_212 : i32 to index
          %swap3A_814 = tpu.vector_load %arg7[%swap3A_812, %swap3A_813] {strides = array<i32>} : memref<64x768xf32, #tpu.memory_space<vmem>>, vector<1x16xf32>,
          %swap3A_815 = vector.shape_cast %swap3A_814 : vector<1x16xf32> to vector<16xf32>
          %swap3A_816 = vector.shape_cast %mul3A_810 : vector<16xf32> to vector<1x16xf32>
          tpu.vector_store %arg7[%swap3A_812, %swap3A_813], %swap3A_816 {strides = array<i32>} : memref<64x768xf32, #tpu.memory_space<vmem>>, vector<1x16xf32>,
          %get3A_817 = arith.constant 7 : i32
          %get3A_818 = arith.index_cast %get3A_817 : i32 to index
          %get3A_819 = arith.index_cast %mul3A_212 : i32 to index
          %get3A_820 = tpu.vector_load %arg5[%get3A_818, %get3A_819] {strides = array<i32>} : memref<16x768xf32, #tpu.memory_space<vmem>>, vector<1x16xf32>,
          %get3A_821 = vector.shape_cast %get3A_820 : vector<1x16xf32> to vector<16xf32>
          %add3A_822 = arith.addf %get3A_795, %get3A_821 : vector<16xf32>
          %mul3A_823 = arith.constant 5.000000e-01 : f32
          %mul3A_824 = vector.broadcast %mul3A_823 : f32 to vector<16xf32>
          %mul3A_825 = arith.mulf %add3A_822, %mul3A_824 : vector<16xf32>
          %swap3A_826 = arith.constant 42 : i32
          %swap3A_827 = arith.index_cast %swap3A_826 : i32 to index
          %swap3A_828 = arith.index_cast %mul3A_212 : i32 to index
          %swap3A_829 = tpu.vector_load %arg7[%swap3A_827, %swap3A_828] {strides = array<i32>} : memref<64x768xf32, #tpu.memory_space<vmem>>, vector<1x16xf32>,
          %swap3A_830 = vector.shape_cast %swap3A_829 : vector<1x16xf32> to vector<16xf32>
          %swap3A_831 = vector.shape_cast %mul3A_825 : vector<16xf32> to vector<1x16xf32>
          tpu.vector_store %arg7[%swap3A_827, %swap3A_828], %swap3A_831 {strides = array<i32>} : memref<64x768xf32, #tpu.memory_space<vmem>>, vector<1x16xf32>,
          %get3A_832 = arith.constant 8 : i32
          %get3A_833 = arith.index_cast %get3A_832 : i32 to index
          %get3A_834 = arith.index_cast %mul3A_212 : i32 to index
          %get3A_835 = tpu.vector_load %arg5[%get3A_833, %get3A_834] {strides = array<i32>} : memref<16x768xf32, #tpu.memory_space<vmem>>, vector<1x16xf32>,
          %get3A_836 = vector.shape_cast %get3A_835 : vector<1x16xf32> to vector<16xf32>
          %add3A_837 = arith.addf %get3A_795, %get3A_836 : vector<16xf32>
          %mul3A_838 = arith.constant 5.000000e-01 : f32
          %mul3A_839 = vector.broadcast %mul3A_838 : f32 to vector<16xf32>
          %mul3A_840 = arith.mulf %add3A_837, %mul3A_839 : vector<16xf32>
          %swap3A_841 = arith.constant 43 : i32
          %swap3A_842 = arith.index_cast %swap3A_841 : i32 to index
          %swap3A_843 = arith.index_cast %mul3A_212 : i32 to index
          %swap3A_844 = tpu.vector_load %arg7[%swap3A_842, %swap3A_843] {strides = array<i32>} : memref<64x768xf32, #tpu.memory_space<vmem>>, vector<1x16xf32>,
          %swap3A_845 = vector.shape_cast %swap3A_844 : vector<1x16xf32> to vector<16xf32>
          %swap3A_846 = vector.shape_cast %mul3A_840 : vector<16xf32> to vector<1x16xf32>
          tpu.vector_store %arg7[%swap3A_842, %swap3A_843], %swap3A_846 {strides = array<i32>} : memref<64x768xf32, #tpu.memory_space<vmem>>, vector<1x16xf32>,
          %get3A_847 = arith.constant 9 : i32
          %get3A_848 = arith.index_cast %get3A_847 : i32 to index
          %get3A_849 = arith.index_cast %mul3A_212 : i32 to index
          %get3A_850 = tpu.vector_load %arg5[%get3A_848, %get3A_849] {strides = array<i32>} : memref<16x768xf32, #tpu.memory_space<vmem>>, vector<1x16xf32>,
          %get3A_851 = vector.shape_cast %get3A_850 : vector<1x16xf32> to vector<16xf32>
          %add3A_852 = arith.addf %get3A_795, %get3A_851 : vector<16xf32>
          %mul3A_853 = arith.constant 5.000000e-01 : f32
          %mul3A_854 = vector.broadcast %mul3A_853 : f32 to vector<16xf32>
          %mul3A_855 = arith.mulf %add3A_852, %mul3A_854 : vector<16xf32>
          %swap3A_856 = arith.constant 44 : i32
          %swap3A_857 = arith.index_cast %swap3A_856 : i32 to index
          %swap3A_858 = arith.index_cast %mul3A_212 : i32 to index
          %swap3A_859 = tpu.vector_load %arg7[%swap3A_857, %swap3A_858] {strides = array<i32>} : memref<64x768xf32, #tpu.memory_space<vmem>>, vector<1x16xf32>,
          %swap3A_860 = vector.shape_cast %swap3A_859 : vector<1x16xf32> to vector<16xf32>
          %swap3A_861 = vector.shape_cast %mul3A_855 : vector<16xf32> to vector<1x16xf32>
          tpu.vector_store %arg7[%swap3A_857, %swap3A_858], %swap3A_861 {strides = array<i32>} : memref<64x768xf32, #tpu.memory_space<vmem>>, vector<1x16xf32>,
          %get3A_862 = arith.constant 10 : i32
          %get3A_863 = arith.index_cast %get3A_862 : i32 to index
          %get3A_864 = arith.index_cast %mul3A_212 : i32 to index
          %get3A_865 = tpu.vector_load %arg5[%get3A_863, %get3A_864] {strides = array<i32>} : memref<16x768xf32, #tpu.memory_space<vmem>>, vector<1x16xf32>,
          %get3A_866 = vector.shape_cast %get3A_865 : vector<1x16xf32> to vector<16xf32>
          %add3A_867 = arith.addf %get3A_795, %get3A_866 : vector<16xf32>
          %mul3A_868 = arith.constant 5.000000e-01 : f32
          %mul3A_869 = vector.broadcast %mul3A_868 : f32 to vector<16xf32>
          %mul3A_870 = arith.mulf %add3A_867, %mul3A_869 : vector<16xf32>
          %swap3A_871 = arith.constant 45 : i32
          %swap3A_872 = arith.index_cast %swap3A_871 : i32 to index
          %swap3A_873 = arith.index_cast %mul3A_212 : i32 to index
          %swap3A_874 = tpu.vector_load %arg7[%swap3A_872, %swap3A_873] {strides = array<i32>} : memref<64x768xf32, #tpu.memory_space<vmem>>, vector<1x16xf32>,
          %swap3A_875 = vector.shape_cast %swap3A_874 : vector<1x16xf32> to vector<16xf32>
          %swap3A_876 = vector.shape_cast %mul3A_870 : vector<16xf32> to vector<1x16xf32>
          tpu.vector_store %arg7[%swap3A_872, %swap3A_873], %swap3A_876 {strides = array<i32>} : memref<64x768xf32, #tpu.memory_space<vmem>>, vector<1x16xf32>,
          %get3A_877 = arith.constant 11 : i32
          %get3A_878 = arith.index_cast %get3A_877 : i32 to index
          %get3A_879 = arith.index_cast %mul3A_212 : i32 to index
          %get3A_880 = tpu.vector_load %arg5[%get3A_878, %get3A_879] {strides = array<i32>} : memref<16x768xf32, #tpu.memory_space<vmem>>, vector<1x16xf32>,
          %get3A_881 = vector.shape_cast %get3A_880 : vector<1x16xf32> to vector<16xf32>
          %add3A_882 = arith.addf %get3A_795, %get3A_881 : vector<16xf32>
          %mul3A_883 = arith.constant 5.000000e-01 : f32
          %mul3A_884 = vector.broadcast %mul3A_883 : f32 to vector<16xf32>
          %mul3A_885 = arith.mulf %add3A_882, %mul3A_884 : vector<16xf32>
          %swap3A_886 = arith.constant 46 : i32
          %swap3A_887 = arith.index_cast %swap3A_886 : i32 to index
          %swap3A_888 = arith.index_cast %mul3A_212 : i32 to index
          %swap3A_889 = tpu.vector_load %arg7[%swap3A_887, %swap3A_888] {strides = array<i32>} : memref<64x768xf32, #tpu.memory_space<vmem>>, vector<1x16xf32>,
          %swap3A_890 = vector.shape_cast %swap3A_889 : vector<1x16xf32> to vector<16xf32>
          %swap3A_891 = vector.shape_cast %mul3A_885 : vector<16xf32> to vector<1x16xf32>
          tpu.vector_store %arg7[%swap3A_887, %swap3A_888], %swap3A_891 {strides = array<i32>} : memref<64x768xf32, #tpu.memory_space<vmem>>, vector<1x16xf32>,
          %get3A_892 = arith.constant 12 : i32
          %get3A_893 = arith.index_cast %get3A_892 : i32 to index
          %get3A_894 = arith.index_cast %mul3A_212 : i32 to index
          %get3A_895 = tpu.vector_load %arg5[%get3A_893, %get3A_894] {strides = array<i32>} : memref<16x768xf32, #tpu.memory_space<vmem>>, vector<1x16xf32>,
          %get3A_896 = vector.shape_cast %get3A_895 : vector<1x16xf32> to vector<16xf32>
          %add3A_897 = arith.addf %get3A_795, %get3A_896 : vector<16xf32>
          %mul3A_898 = arith.constant 5.000000e-01 : f32
          %mul3A_899 = vector.broadcast %mul3A_898 : f32 to vector<16xf32>
          %mul3A_900 = arith.mulf %add3A_897, %mul3A_899 : vector<16xf32>
          %swap3A_901 = arith.constant 47 : i32
          %swap3A_902 = arith.index_cast %swap3A_901 : i32 to index
          %swap3A_903 = arith.index_cast %mul3A_212 : i32 to index
          %swap3A_904 = tpu.vector_load %arg7[%swap3A_902, %swap3A_903] {strides = array<i32>} : memref<64x768xf32, #tpu.memory_space<vmem>>, vector<1x16xf32>,
          %swap3A_905 = vector.shape_cast %swap3A_904 : vector<1x16xf32> to vector<16xf32>
          %swap3A_906 = vector.shape_cast %mul3A_900 : vector<16xf32> to vector<1x16xf32>
          tpu.vector_store %arg7[%swap3A_902, %swap3A_903], %swap3A_906 {strides = array<i32>} : memref<64x768xf32, #tpu.memory_space<vmem>>, vector<1x16xf32>,
          %get3A_907 = arith.constant 6 : i32
          %get3A_908 = arith.index_cast %get3A_907 : i32 to index
          %get3A_909 = arith.index_cast %mul3A_212 : i32 to index
          %get3A_910 = tpu.vector_load %arg5[%get3A_908, %get3A_909] {strides = array<i32>} : memref<16x768xf32, #tpu.memory_space<vmem>>, vector<1x16xf32>,
          %get3A_911 = vector.shape_cast %get3A_910 : vector<1x16xf32> to vector<16xf32>
          %swap3A_912 = arith.constant 48 : i32
          %swap3A_913 = arith.index_cast %swap3A_912 : i32 to index
          %swap3A_914 = arith.index_cast %mul3A_212 : i32 to index
          %swap3A_915 = tpu.vector_load %arg7[%swap3A_913, %swap3A_914] {strides = array<i32>} : memref<64x768xf32, #tpu.memory_space<vmem>>, vector<1x16xf32>,
          %swap3A_916 = vector.shape_cast %swap3A_915 : vector<1x16xf32> to vector<16xf32>
          %swap3A_917 = vector.shape_cast %get3A_911 : vector<16xf32> to vector<1x16xf32>
          tpu.vector_store %arg7[%swap3A_913, %swap3A_914], %swap3A_917 {strides = array<i32>} : memref<64x768xf32, #tpu.memory_space<vmem>>, vector<1x16xf32>,
          %get3A_918 = arith.constant 7 : i32
          %get3A_919 = arith.index_cast %get3A_918 : i32 to index
          %get3A_920 = arith.index_cast %mul3A_212 : i32 to index
          %get3A_921 = tpu.vector_load %arg5[%get3A_919, %get3A_920] {strides = array<i32>} : memref<16x768xf32, #tpu.memory_space<vmem>>, vector<1x16xf32>,
          %get3A_922 = vector.shape_cast %get3A_921 : vector<1x16xf32> to vector<16xf32>
          %add3A_923 = arith.addf %get3A_911, %get3A_922 : vector<16xf32>
          %mul3A_924 = arith.constant 5.000000e-01 : f32
          %mul3A_925 = vector.broadcast %mul3A_924 : f32 to vector<16xf32>
          %mul3A_926 = arith.mulf %add3A_923, %mul3A_925 : vector<16xf32>
          %swap3A_927 = arith.constant 49 : i32
          %swap3A_928 = arith.index_cast %swap3A_927 : i32 to index
          %swap3A_929 = arith.index_cast %mul3A_212 : i32 to index
          %swap3A_930 = tpu.vector_load %arg7[%swap3A_928, %swap3A_929] {strides = array<i32>} : memref<64x768xf32, #tpu.memory_space<vmem>>, vector<1x16xf32>,
          %swap3A_931 = vector.shape_cast %swap3A_930 : vector<1x16xf32> to vector<16xf32>
          %swap3A_932 = vector.shape_cast %mul3A_926 : vector<16xf32> to vector<1x16xf32>
          tpu.vector_store %arg7[%swap3A_928, %swap3A_929], %swap3A_932 {strides = array<i32>} : memref<64x768xf32, #tpu.memory_space<vmem>>, vector<1x16xf32>,
          %get3A_933 = arith.constant 8 : i32
          %get3A_934 = arith.index_cast %get3A_933 : i32 to index
          %get3A_935 = arith.index_cast %mul3A_212 : i32 to index
          %get3A_936 = tpu.vector_load %arg5[%get3A_934, %get3A_935] {strides = array<i32>} : memref<16x768xf32, #tpu.memory_space<vmem>>, vector<1x16xf32>,
          %get3A_937 = vector.shape_cast %get3A_936 : vector<1x16xf32> to vector<16xf32>
          %add3A_938 = arith.addf %get3A_911, %get3A_937 : vector<16xf32>
          %mul3A_939 = arith.constant 5.000000e-01 : f32
          %mul3A_940 = vector.broadcast %mul3A_939 : f32 to vector<16xf32>
          %mul3A_941 = arith.mulf %add3A_938, %mul3A_940 : vector<16xf32>
          %swap3A_942 = arith.constant 50 : i32
          %swap3A_943 = arith.index_cast %swap3A_942 : i32 to index
          %swap3A_944 = arith.index_cast %mul3A_212 : i32 to index
          %swap3A_945 = tpu.vector_load %arg7[%swap3A_943, %swap3A_944] {strides = array<i32>} : memref<64x768xf32, #tpu.memory_space<vmem>>, vector<1x16xf32>,
          %swap3A_946 = vector.shape_cast %swap3A_945 : vector<1x16xf32> to vector<16xf32>
          %swap3A_947 = vector.shape_cast %mul3A_941 : vector<16xf32> to vector<1x16xf32>
          tpu.vector_store %arg7[%swap3A_943, %swap3A_944], %swap3A_947 {strides = array<i32>} : memref<64x768xf32, #tpu.memory_space<vmem>>, vector<1x16xf32>,
          %get3A_948 = arith.constant 9 : i32
          %get3A_949 = arith.index_cast %get3A_948 : i32 to index
          %get3A_950 = arith.index_cast %mul3A_212 : i32 to index
          %get3A_951 = tpu.vector_load %arg5[%get3A_949, %get3A_950] {strides = array<i32>} : memref<16x768xf32, #tpu.memory_space<vmem>>, vector<1x16xf32>,
          %get3A_952 = vector.shape_cast %get3A_951 : vector<1x16xf32> to vector<16xf32>
          %add3A_953 = arith.addf %get3A_911, %get3A_952 : vector<16xf32>
          %mul3A_954 = arith.constant 5.000000e-01 : f32
          %mul3A_955 = vector.broadcast %mul3A_954 : f32 to vector<16xf32>
          %mul3A_956 = arith.mulf %add3A_953, %mul3A_955 : vector<16xf32>
          %swap3A_957 = arith.constant 51 : i32
          %swap3A_958 = arith.index_cast %swap3A_957 : i32 to index
          %swap3A_959 = arith.index_cast %mul3A_212 : i32 to index
          %swap3A_960 = tpu.vector_load %arg7[%swap3A_958, %swap3A_959] {strides = array<i32>} : memref<64x768xf32, #tpu.memory_space<vmem>>, vector<1x16xf32>,
          %swap3A_961 = vector.shape_cast %swap3A_960 : vector<1x16xf32> to vector<16xf32>
          %swap3A_962 = vector.shape_cast %mul3A_956 : vector<16xf32> to vector<1x16xf32>
          tpu.vector_store %arg7[%swap3A_958, %swap3A_959], %swap3A_962 {strides = array<i32>} : memref<64x768xf32, #tpu.memory_space<vmem>>, vector<1x16xf32>,
          %get3A_963 = arith.constant 10 : i32
          %get3A_964 = arith.index_cast %get3A_963 : i32 to index
          %get3A_965 = arith.index_cast %mul3A_212 : i32 to index
          %get3A_966 = tpu.vector_load %arg5[%get3A_964, %get3A_965] {strides = array<i32>} : memref<16x768xf32, #tpu.memory_space<vmem>>, vector<1x16xf32>,
          %get3A_967 = vector.shape_cast %get3A_966 : vector<1x16xf32> to vector<16xf32>
          %add3A_968 = arith.addf %get3A_911, %get3A_967 : vector<16xf32>
          %mul3A_969 = arith.constant 5.000000e-01 : f32
          %mul3A_970 = vector.broadcast %mul3A_969 : f32 to vector<16xf32>
          %mul3A_971 = arith.mulf %add3A_968, %mul3A_970 : vector<16xf32>
          %swap3A_972 = arith.constant 52 : i32
          %swap3A_973 = arith.index_cast %swap3A_972 : i32 to index
          %swap3A_974 = arith.index_cast %mul3A_212 : i32 to index
          %swap3A_975 = tpu.vector_load %arg7[%swap3A_973, %swap3A_974] {strides = array<i32>} : memref<64x768xf32, #tpu.memory_space<vmem>>, vector<1x16xf32>,
          %swap3A_976 = vector.shape_cast %swap3A_975 : vector<1x16xf32> to vector<16xf32>
          %swap3A_977 = vector.shape_cast %mul3A_971 : vector<16xf32> to vector<1x16xf32>
          tpu.vector_store %arg7[%swap3A_973, %swap3A_974], %swap3A_977 {strides = array<i32>} : memref<64x768xf32, #tpu.memory_space<vmem>>, vector<1x16xf32>,
          %get3A_978 = arith.constant 11 : i32
          %get3A_979 = arith.index_cast %get3A_978 : i32 to index
          %get3A_980 = arith.index_cast %mul3A_212 : i32 to index
          %get3A_981 = tpu.vector_load %arg5[%get3A_979, %get3A_980] {strides = array<i32>} : memref<16x768xf32, #tpu.memory_space<vmem>>, vector<1x16xf32>,
          %get3A_982 = vector.shape_cast %get3A_981 : vector<1x16xf32> to vector<16xf32>
          %add3A_983 = arith.addf %get3A_911, %get3A_982 : vector<16xf32>
          %mul3A_984 = arith.constant 5.000000e-01 : f32
          %mul3A_985 = vector.broadcast %mul3A_984 : f32 to vector<16xf32>
          %mul3A_986 = arith.mulf %add3A_983, %mul3A_985 : vector<16xf32>
          %swap3A_987 = arith.constant 53 : i32
          %swap3A_988 = arith.index_cast %swap3A_987 : i32 to index
          %swap3A_989 = arith.index_cast %mul3A_212 : i32 to index
          %swap3A_990 = tpu.vector_load %arg7[%swap3A_988, %swap3A_989] {strides = array<i32>} : memref<64x768xf32, #tpu.memory_space<vmem>>, vector<1x16xf32>,
          %swap3A_991 = vector.shape_cast %swap3A_990 : vector<1x16xf32> to vector<16xf32>
          %swap3A_992 = vector.shape_cast %mul3A_986 : vector<16xf32> to vector<1x16xf32>
          tpu.vector_store %arg7[%swap3A_988, %swap3A_989], %swap3A_992 {strides = array<i32>} : memref<64x768xf32, #tpu.memory_space<vmem>>, vector<1x16xf32>,
          %get3A_993 = arith.constant 12 : i32
          %get3A_994 = arith.index_cast %get3A_993 : i32 to index
          %get3A_995 = arith.index_cast %mul3A_212 : i32 to index
          %get3A_996 = tpu.vector_load %arg5[%get3A_994, %get3A_995] {strides = array<i32>} : memref<16x768xf32, #tpu.memory_space<vmem>>, vector<1x16xf32>,
          %get3A_997 = vector.shape_cast %get3A_996 : vector<1x16xf32> to vector<16xf32>
          %add3A_998 = arith.addf %get3A_911, %get3A_997 : vector<16xf32>
          %mul3A_999 = arith.constant 5.000000e-01 : f32
          %mul3A_1000 = vector.broadcast %mul3A_999 : f32 to vector<16xf32>
          %mul3A_1001 = arith.mulf %add3A_998, %mul3A_1000 : vector<16xf32>
          %swap3A_1002 = arith.constant 54 : i32
          %swap3A_1003 = arith.index_cast %swap3A_1002 : i32 to index
          %swap3A_1004 = arith.index_cast %mul3A_212 : i32 to index
          %swap3A_1005 = tpu.vector_load %arg7[%swap3A_1003, %swap3A_1004] {strides = array<i32>} : memref<64x768xf32, #tpu.memory_space<vmem>>, vector<1x16xf32>,
          %swap3A_1006 = vector.shape_cast %swap3A_1005 : vector<1x16xf32> to vector<16xf32>
          %swap3A_1007 = vector.shape_cast %mul3A_1001 : vector<16xf32> to vector<1x16xf32>
          tpu.vector_store %arg7[%swap3A_1003, %swap3A_1004], %swap3A_1007 {strides = array<i32>} : memref<64x768xf32, #tpu.memory_space<vmem>>, vector<1x16xf32>,
          %get3A_1008 = arith.constant 13 : i32
          %get3A_1009 = arith.index_cast %get3A_1008 : i32 to index
          %get3A_1010 = arith.index_cast %mul3A_212 : i32 to index
          %get3A_1011 = tpu.vector_load %arg5[%get3A_1009, %get3A_1010] {strides = array<i32>} : memref<16x768xf32, #tpu.memory_space<vmem>>, vector<1x16xf32>,
          %get3A_1012 = vector.shape_cast %get3A_1011 : vector<1x16xf32> to vector<16xf32>
          %add3A_1013 = arith.addf %get3A_911, %get3A_1012 : vector<16xf32>
          %mul3A_1014 = arith.constant 5.000000e-01 : f32
          %mul3A_1015 = vector.broadcast %mul3A_1014 : f32 to vector<16xf32>
          %mul3A_1016 = arith.mulf %add3A_1013, %mul3A_1015 : vector<16xf32>
          %swap3A_1017 = arith.constant 55 : i32
          %swap3A_1018 = arith.index_cast %swap3A_1017 : i32 to index
          %swap3A_1019 = arith.index_cast %mul3A_212 : i32 to index
          %swap3A_1020 = tpu.vector_load %arg7[%swap3A_1018, %swap3A_1019] {strides = array<i32>} : memref<64x768xf32, #tpu.memory_space<vmem>>, vector<1x16xf32>,
          %swap3A_1021 = vector.shape_cast %swap3A_1020 : vector<1x16xf32> to vector<16xf32>
          %swap3A_1022 = vector.shape_cast %mul3A_1016 : vector<16xf32> to vector<1x16xf32>
          tpu.vector_store %arg7[%swap3A_1018, %swap3A_1019], %swap3A_1022 {strides = array<i32>} : memref<64x768xf32, #tpu.memory_space<vmem>>, vector<1x16xf32>,
          %get3A_1023 = arith.constant 7 : i32
          %get3A_1024 = arith.index_cast %get3A_1023 : i32 to index
          %get3A_1025 = arith.index_cast %mul3A_212 : i32 to index
          %get3A_1026 = tpu.vector_load %arg5[%get3A_1024, %get3A_1025] {strides = array<i32>} : memref<16x768xf32, #tpu.memory_space<vmem>>, vector<1x16xf32>,
          %get3A_1027 = vector.shape_cast %get3A_1026 : vector<1x16xf32> to vector<16xf32>
          %swap3A_1028 = arith.constant 56 : i32
          %swap3A_1029 = arith.index_cast %swap3A_1028 : i32 to index
          %swap3A_1030 = arith.index_cast %mul3A_212 : i32 to index
          %swap3A_1031 = tpu.vector_load %arg7[%swap3A_1029, %swap3A_1030] {strides = array<i32>} : memref<64x768xf32, #tpu.memory_space<vmem>>, vector<1x16xf32>,
          %swap3A_1032 = vector.shape_cast %swap3A_1031 : vector<1x16xf32> to vector<16xf32>
          %swap3A_1033 = vector.shape_cast %get3A_1027 : vector<16xf32> to vector<1x16xf32>
          tpu.vector_store %arg7[%swap3A_1029, %swap3A_1030], %swap3A_1033 {strides = array<i32>} : memref<64x768xf32, #tpu.memory_space<vmem>>, vector<1x16xf32>,
          %get3A_1034 = arith.constant 8 : i32
          %get3A_1035 = arith.index_cast %get3A_1034 : i32 to index
          %get3A_1036 = arith.index_cast %mul3A_212 : i32 to index
          %get3A_1037 = tpu.vector_load %arg5[%get3A_1035, %get3A_1036] {strides = array<i32>} : memref<16x768xf32, #tpu.memory_space<vmem>>, vector<1x16xf32>,
          %get3A_1038 = vector.shape_cast %get3A_1037 : vector<1x16xf32> to vector<16xf32>
          %add3A_1039 = arith.addf %get3A_1027, %get3A_1038 : vector<16xf32>
          %mul3A_1040 = arith.constant 5.000000e-01 : f32
          %mul3A_1041 = vector.broadcast %mul3A_1040 : f32 to vector<16xf32>
          %mul3A_1042 = arith.mulf %add3A_1039, %mul3A_1041 : vector<16xf32>
          %swap3A_1043 = arith.constant 57 : i32
          %swap3A_1044 = arith.index_cast %swap3A_1043 : i32 to index
          %swap3A_1045 = arith.index_cast %mul3A_212 : i32 to index
          %swap3A_1046 = tpu.vector_load %arg7[%swap3A_1044, %swap3A_1045] {strides = array<i32>} : memref<64x768xf32, #tpu.memory_space<vmem>>, vector<1x16xf32>,
          %swap3A_1047 = vector.shape_cast %swap3A_1046 : vector<1x16xf32> to vector<16xf32>
          %swap3A_1048 = vector.shape_cast %mul3A_1042 : vector<16xf32> to vector<1x16xf32>
          tpu.vector_store %arg7[%swap3A_1044, %swap3A_1045], %swap3A_1048 {strides = array<i32>} : memref<64x768xf32, #tpu.memory_space<vmem>>, vector<1x16xf32>,
          %get3A_1049 = arith.constant 9 : i32
          %get3A_1050 = arith.index_cast %get3A_1049 : i32 to index
          %get3A_1051 = arith.index_cast %mul3A_212 : i32 to index
          %get3A_1052 = tpu.vector_load %arg5[%get3A_1050, %get3A_1051] {strides = array<i32>} : memref<16x768xf32, #tpu.memory_space<vmem>>, vector<1x16xf32>,
          %get3A_1053 = vector.shape_cast %get3A_1052 : vector<1x16xf32> to vector<16xf32>
          %add3A_1054 = arith.addf %get3A_1027, %get3A_1053 : vector<16xf32>
          %mul3A_1055 = arith.constant 5.000000e-01 : f32
          %mul3A_1056 = vector.broadcast %mul3A_1055 : f32 to vector<16xf32>
          %mul3A_1057 = arith.mulf %add3A_1054, %mul3A_1056 : vector<16xf32>
          %swap3A_1058 = arith.constant 58 : i32
          %swap3A_1059 = arith.index_cast %swap3A_1058 : i32 to index
          %swap3A_1060 = arith.index_cast %mul3A_212 : i32 to index
          %swap3A_1061 = tpu.vector_load %arg7[%swap3A_1059, %swap3A_1060] {strides = array<i32>} : memref<64x768xf32, #tpu.memory_space<vmem>>, vector<1x16xf32>,
          %swap3A_1062 = vector.shape_cast %swap3A_1061 : vector<1x16xf32> to vector<16xf32>
          %swap3A_1063 = vector.shape_cast %mul3A_1057 : vector<16xf32> to vector<1x16xf32>
          tpu.vector_store %arg7[%swap3A_1059, %swap3A_1060], %swap3A_1063 {strides = array<i32>} : memref<64x768xf32, #tpu.memory_space<vmem>>, vector<1x16xf32>,
          %get3A_1064 = arith.constant 10 : i32
          %get3A_1065 = arith.index_cast %get3A_1064 : i32 to index
          %get3A_1066 = arith.index_cast %mul3A_212 : i32 to index
          %get3A_1067 = tpu.vector_load %arg5[%get3A_1065, %get3A_1066] {strides = array<i32>} : memref<16x768xf32, #tpu.memory_space<vmem>>, vector<1x16xf32>,
          %get3A_1068 = vector.shape_cast %get3A_1067 : vector<1x16xf32> to vector<16xf32>
          %add3A_1069 = arith.addf %get3A_1027, %get3A_1068 : vector<16xf32>
          %mul3A_1070 = arith.constant 5.000000e-01 : f32
          %mul3A_1071 = vector.broadcast %mul3A_1070 : f32 to vector<16xf32>
          %mul3A_1072 = arith.mulf %add3A_1069, %mul3A_1071 : vector<16xf32>
          %swap3A_1073 = arith.constant 59 : i32
          %swap3A_1074 = arith.index_cast %swap3A_1073 : i32 to index
          %swap3A_1075 = arith.index_cast %mul3A_212 : i32 to index
          %swap3A_1076 = tpu.vector_load %arg7[%swap3A_1074, %swap3A_1075] {strides = array<i32>} : memref<64x768xf32, #tpu.memory_space<vmem>>, vector<1x16xf32>,
          %swap3A_1077 = vector.shape_cast %swap3A_1076 : vector<1x16xf32> to vector<16xf32>
          %swap3A_1078 = vector.shape_cast %mul3A_1072 : vector<16xf32> to vector<1x16xf32>
          tpu.vector_store %arg7[%swap3A_1074, %swap3A_1075], %swap3A_1078 {strides = array<i32>} : memref<64x768xf32, #tpu.memory_space<vmem>>, vector<1x16xf32>,
          %get3A_1079 = arith.constant 11 : i32
          %get3A_1080 = arith.index_cast %get3A_1079 : i32 to index
          %get3A_1081 = arith.index_cast %mul3A_212 : i32 to index
          %get3A_1082 = tpu.vector_load %arg5[%get3A_1080, %get3A_1081] {strides = array<i32>} : memref<16x768xf32, #tpu.memory_space<vmem>>, vector<1x16xf32>,
          %get3A_1083 = vector.shape_cast %get3A_1082 : vector<1x16xf32> to vector<16xf32>
          %add3A_1084 = arith.addf %get3A_1027, %get3A_1083 : vector<16xf32>
          %mul3A_1085 = arith.constant 5.000000e-01 : f32
          %mul3A_1086 = vector.broadcast %mul3A_1085 : f32 to vector<16xf32>
          %mul3A_1087 = arith.mulf %add3A_1084, %mul3A_1086 : vector<16xf32>
          %swap3A_1088 = arith.constant 60 : i32
          %swap3A_1089 = arith.index_cast %swap3A_1088 : i32 to index
          %swap3A_1090 = arith.index_cast %mul3A_212 : i32 to index
          %swap3A_1091 = tpu.vector_load %arg7[%swap3A_1089, %swap3A_1090] {strides = array<i32>} : memref<64x768xf32, #tpu.memory_space<vmem>>, vector<1x16xf32>,
          %swap3A_1092 = vector.shape_cast %swap3A_1091 : vector<1x16xf32> to vector<16xf32>
          %swap3A_1093 = vector.shape_cast %mul3A_1087 : vector<16xf32> to vector<1x16xf32>
          tpu.vector_store %arg7[%swap3A_1089, %swap3A_1090], %swap3A_1093 {strides = array<i32>} : memref<64x768xf32, #tpu.memory_space<vmem>>, vector<1x16xf32>,
          %get3A_1094 = arith.constant 12 : i32
          %get3A_1095 = arith.index_cast %get3A_1094 : i32 to index
          %get3A_1096 = arith.index_cast %mul3A_212 : i32 to index
          %get3A_1097 = tpu.vector_load %arg5[%get3A_1095, %get3A_1096] {strides = array<i32>} : memref<16x768xf32, #tpu.memory_space<vmem>>, vector<1x16xf32>,
          %get3A_1098 = vector.shape_cast %get3A_1097 : vector<1x16xf32> to vector<16xf32>
          %add3A_1099 = arith.addf %get3A_1027, %get3A_1098 : vector<16xf32>
          %mul3A_1100 = arith.constant 5.000000e-01 : f32
          %mul3A_1101 = vector.broadcast %mul3A_1100 : f32 to vector<16xf32>
          %mul3A_1102 = arith.mulf %add3A_1099, %mul3A_1101 : vector<16xf32>
          %swap3A_1103 = arith.constant 61 : i32
          %swap3A_1104 = arith.index_cast %swap3A_1103 : i32 to index
          %swap3A_1105 = arith.index_cast %mul3A_212 : i32 to index
          %swap3A_1106 = tpu.vector_load %arg7[%swap3A_1104, %swap3A_1105] {strides = array<i32>} : memref<64x768xf32, #tpu.memory_space<vmem>>, vector<1x16xf32>,
          %swap3A_1107 = vector.shape_cast %swap3A_1106 : vector<1x16xf32> to vector<16xf32>
          %swap3A_1108 = vector.shape_cast %mul3A_1102 : vector<16xf32> to vector<1x16xf32>
          tpu.vector_store %arg7[%swap3A_1104, %swap3A_1105], %swap3A_1108 {strides = array<i32>} : memref<64x768xf32, #tpu.memory_space<vmem>>, vector<1x16xf32>,
          %get3A_1109 = arith.constant 13 : i32
          %get3A_1110 = arith.index_cast %get3A_1109 : i32 to index
          %get3A_1111 = arith.index_cast %mul3A_212 : i32 to index
          %get3A_1112 = tpu.vector_load %arg5[%get3A_1110, %get3A_1111] {strides = array<i32>} : memref<16x768xf32, #tpu.memory_space<vmem>>, vector<1x16xf32>,
          %get3A_1113 = vector.shape_cast %get3A_1112 : vector<1x16xf32> to vector<16xf32>
          %add3A_1114 = arith.addf %get3A_1027, %get3A_1113 : vector<16xf32>
          %mul3A_1115 = arith.constant 5.000000e-01 : f32
          %mul3A_1116 = vector.broadcast %mul3A_1115 : f32 to vector<16xf32>
          %mul3A_1117 = arith.mulf %add3A_1114, %mul3A_1116 : vector<16xf32>
          %swap3A_1118 = arith.constant 62 : i32
          %swap3A_1119 = arith.index_cast %swap3A_1118 : i32 to index
          %swap3A_1120 = arith.index_cast %mul3A_212 : i32 to index
          %swap3A_1121 = tpu.vector_load %arg7[%swap3A_1119, %swap3A_1120] {strides = array<i32>} : memref<64x768xf32, #tpu.memory_space<vmem>>, vector<1x16xf32>,
          %swap3A_1122 = vector.shape_cast %swap3A_1121 : vector<1x16xf32> to vector<16xf32>
          %swap3A_1123 = vector.shape_cast %mul3A_1117 : vector<16xf32> to vector<1x16xf32>
          tpu.vector_store %arg7[%swap3A_1119, %swap3A_1120], %swap3A_1123 {strides = array<i32>} : memref<64x768xf32, #tpu.memory_space<vmem>>, vector<1x16xf32>,
          %get3A_1124 = arith.constant 14 : i32
          %get3A_1125 = arith.index_cast %get3A_1124 : i32 to index
          %get3A_1126 = arith.index_cast %mul3A_212 : i32 to index
          %get3A_1127 = tpu.vector_load %arg5[%get3A_1125, %get3A_1126] {strides = array<i32>} : memref<16x768xf32, #tpu.memory_space<vmem>>, vector<1x16xf32>,
          %get3A_1128 = vector.shape_cast %get3A_1127 : vector<1x16xf32> to vector<16xf32>
          %add3A_1129 = arith.addf %get3A_1027, %get3A_1128 : vector<16xf32>
          %mul3A_1130 = arith.constant 5.000000e-01 : f32
          %mul3A_1131 = vector.broadcast %mul3A_1130 : f32 to vector<16xf32>
          %mul3A_1132 = arith.mulf %add3A_1129, %mul3A_1131 : vector<16xf32>
          %swap3A_1133 = arith.constant 63 : i32
          %swap3A_1134 = arith.index_cast %swap3A_1133 : i32 to index
          %swap3A_1135 = arith.index_cast %mul3A_212 : i32 to index
          %swap3A_1136 = tpu.vector_load %arg7[%swap3A_1134, %swap3A_1135] {strides = array<i32>} : memref<64x768xf32, #tpu.memory_space<vmem>>, vector<1x16xf32>,
          %swap3A_1137 = vector.shape_cast %swap3A_1136 : vector<1x16xf32> to vector<16xf32>
          %swap3A_1138 = vector.shape_cast %mul3A_1132 : vector<16xf32> to vector<1x16xf32>
          tpu.vector_store %arg7[%swap3A_1134, %swap3A_1135], %swap3A_1138 {strides = array<i32>} : memref<64x768xf32, #tpu.memory_space<vmem>>, vector<1x16xf32>,
        }
        %scan3A_209 = arith.constant 48 : i32
      } else {
      }
      %convert_element_type3A_189 = arith.extui %ge3A : i1 to i32
      %cond3A_190 = arith.constant 0 : i32
      %cond3A_191 = arith.cmpi ne, %convert_element_type3A_189, %cond3A_190 : i32
      scf.if %cond3A_191 {
        %scan3A_204 = arith.constant 0 : i32
        %scan3A_205 = arith.constant 0 : i32
        %scan3A_206 = arith.constant 48 : i32
        %scan3A_207 = arith.addi %scan3A_205, %scan3A_206 : i32
        %scan3A_208 = arith.constant 1 : i32
        scf.for %scan3A_210 = %scan3A_205 to %scan3A_207 step %scan3A_208  : i32 {
          %mul3A_211 = arith.constant 16 : i32
          %mul3A_212 = arith.muli %scan3A_210, %mul3A_211 : i32
          %get3A = arith.constant 0 : i32
          %get3A_213 = arith.index_cast %get3A : i32 to index
          %get3A_214 = arith.index_cast %mul3A_212 : i32 to index
          %get3A_215 = tpu.vector_load %arg5[%get3A_213, %get3A_214] {strides = array<i32>} : memref<16x768xf32, #tpu.memory_space<vmem>>, vector<1x16xf32>,
          %get3A_216 = vector.shape_cast %get3A_215 : vector<1x16xf32> to vector<16xf32>
          %swap3A = arith.constant 0 : i32
          %swap3A_217 = arith.index_cast %swap3A : i32 to index
          %swap3A_218 = arith.index_cast %mul3A_212 : i32 to index
          %swap3A_219 = tpu.vector_load %arg7[%swap3A_217, %swap3A_218] {strides = array<i32>} : memref<64x768xf32, #tpu.memory_space<vmem>>, vector<1x16xf32>,
          %swap3A_220 = vector.shape_cast %swap3A_219 : vector<1x16xf32> to vector<16xf32>
          %swap3A_221 = vector.shape_cast %get3A_216 : vector<16xf32> to vector<1x16xf32>
          tpu.vector_store %arg7[%swap3A_217, %swap3A_218], %swap3A_221 {strides = array<i32>} : memref<64x768xf32, #tpu.memory_space<vmem>>, vector<1x16xf32>,
          %get3A_222 = arith.constant 1 : i32
          %get3A_223 = arith.index_cast %get3A_222 : i32 to index
          %get3A_224 = arith.index_cast %mul3A_212 : i32 to index
          %get3A_225 = tpu.vector_load %arg5[%get3A_223, %get3A_224] {strides = array<i32>} : memref<16x768xf32, #tpu.memory_space<vmem>>, vector<1x16xf32>,
          %get3A_226 = vector.shape_cast %get3A_225 : vector<1x16xf32> to vector<16xf32>
          %add3A_227 = arith.constant 0 : i32
          %add3A_228 = arith.addi %add3A_128, %add3A_227 : i32
          %add3A_229 = arith.constant 1 : i32
          %add3A_230 = arith.addi %add3A_228, %add3A_229 : i32
          %lt3A_231 = arith.cmpi slt, %add3A_230, %mul3A_148 : i32
          %jit3A_232 = arith.constant 5.000000e-01 : f32
          %jit3A_233 = arith.constant 0.000000e+00 : f32
          %select_n3A_234 = arith.select %lt3A_231, %jit3A_232, %jit3A_233 : f32
          %mul3A_235 = arith.constant 5.000000e-01 : f32
          %mul3A_236 = vector.broadcast %mul3A_235 : f32 to vector<16xf32>
          %mul3A_237 = arith.mulf %get3A_216, %mul3A_236 : vector<16xf32>
          %mul3A_238 = vector.broadcast %select_n3A_234 : f32 to vector<16xf32>
          %mul3A_239 = arith.mulf %get3A_226, %mul3A_238 : vector<16xf32>
          %add3A_240 = arith.addf %mul3A_237, %mul3A_239 : vector<16xf32>
          %swap3A_241 = arith.constant 1 : i32
          %swap3A_242 = arith.index_cast %swap3A_241 : i32 to index
          %swap3A_243 = arith.index_cast %mul3A_212 : i32 to index
          %swap3A_244 = tpu.vector_load %arg7[%swap3A_242, %swap3A_243] {strides = array<i32>} : memref<64x768xf32, #tpu.memory_space<vmem>>, vector<1x16xf32>,
          %swap3A_245 = vector.shape_cast %swap3A_244 : vector<1x16xf32> to vector<16xf32>
          %swap3A_246 = vector.shape_cast %add3A_240 : vector<16xf32> to vector<1x16xf32>
          tpu.vector_store %arg7[%swap3A_242, %swap3A_243], %swap3A_246 {strides = array<i32>} : memref<64x768xf32, #tpu.memory_space<vmem>>, vector<1x16xf32>,
          %get3A_247 = arith.constant 2 : i32
          %get3A_248 = arith.index_cast %get3A_247 : i32 to index
          %get3A_249 = arith.index_cast %mul3A_212 : i32 to index
          %get3A_250 = tpu.vector_load %arg5[%get3A_248, %get3A_249] {strides = array<i32>} : memref<16x768xf32, #tpu.memory_space<vmem>>, vector<1x16xf32>,
          %get3A_251 = vector.shape_cast %get3A_250 : vector<1x16xf32> to vector<16xf32>
          %add3A_252 = arith.constant 0 : i32
          %add3A_253 = arith.addi %add3A_128, %add3A_252 : i32
          %add3A_254 = arith.constant 2 : i32
          %add3A_255 = arith.addi %add3A_253, %add3A_254 : i32
          %lt3A_256 = arith.cmpi slt, %add3A_255, %mul3A_148 : i32
          %jit3A_257 = arith.constant 5.000000e-01 : f32
          %jit3A_258 = arith.constant 0.000000e+00 : f32
          %select_n3A_259 = arith.select %lt3A_256, %jit3A_257, %jit3A_258 : f32
          %mul3A_260 = arith.constant 5.000000e-01 : f32
          %mul3A_261 = vector.broadcast %mul3A_260 : f32 to vector<16xf32>
          %mul3A_262 = arith.mulf %get3A_216, %mul3A_261 : vector<16xf32>
          %mul3A_263 = vector.broadcast %select_n3A_259 : f32 to vector<16xf32>
          %mul3A_264 = arith.mulf %get3A_251, %mul3A_263 : vector<16xf32>
          %add3A_265 = arith.addf %mul3A_262, %mul3A_264 : vector<16xf32>
          %swap3A_266 = arith.constant 2 : i32
          %swap3A_267 = arith.index_cast %swap3A_266 : i32 to index
          %swap3A_268 = arith.index_cast %mul3A_212 : i32 to index
          %swap3A_269 = tpu.vector_load %arg7[%swap3A_267, %swap3A_268] {strides = array<i32>} : memref<64x768xf32, #tpu.memory_space<vmem>>, vector<1x16xf32>,
          %swap3A_270 = vector.shape_cast %swap3A_269 : vector<1x16xf32> to vector<16xf32>
          %swap3A_271 = vector.shape_cast %add3A_265 : vector<16xf32> to vector<1x16xf32>
          tpu.vector_store %arg7[%swap3A_267, %swap3A_268], %swap3A_271 {strides = array<i32>} : memref<64x768xf32, #tpu.memory_space<vmem>>, vector<1x16xf32>,
          %get3A_272 = arith.constant 3 : i32
          %get3A_273 = arith.index_cast %get3A_272 : i32 to index
          %get3A_274 = arith.index_cast %mul3A_212 : i32 to index
          %get3A_275 = tpu.vector_load %arg5[%get3A_273, %get3A_274] {strides = array<i32>} : memref<16x768xf32, #tpu.memory_space<vmem>>, vector<1x16xf32>,
          %get3A_276 = vector.shape_cast %get3A_275 : vector<1x16xf32> to vector<16xf32>
          %add3A_277 = arith.constant 0 : i32
          %add3A_278 = arith.addi %add3A_128, %add3A_277 : i32
          %add3A_279 = arith.constant 3 : i32
          %add3A_280 = arith.addi %add3A_278, %add3A_279 : i32
          %lt3A_281 = arith.cmpi slt, %add3A_280, %mul3A_148 : i32
          %jit3A_282 = arith.constant 5.000000e-01 : f32
          %jit3A_283 = arith.constant 0.000000e+00 : f32
          %select_n3A_284 = arith.select %lt3A_281, %jit3A_282, %jit3A_283 : f32
          %mul3A_285 = arith.constant 5.000000e-01 : f32
          %mul3A_286 = vector.broadcast %mul3A_285 : f32 to vector<16xf32>
          %mul3A_287 = arith.mulf %get3A_216, %mul3A_286 : vector<16xf32>
          %mul3A_288 = vector.broadcast %select_n3A_284 : f32 to vector<16xf32>
          %mul3A_289 = arith.mulf %get3A_276, %mul3A_288 : vector<16xf32>
          %add3A_290 = arith.addf %mul3A_287, %mul3A_289 : vector<16xf32>
          %swap3A_291 = arith.constant 3 : i32
          %swap3A_292 = arith.index_cast %swap3A_291 : i32 to index
          %swap3A_293 = arith.index_cast %mul3A_212 : i32 to index
          %swap3A_294 = tpu.vector_load %arg7[%swap3A_292, %swap3A_293] {strides = array<i32>} : memref<64x768xf32, #tpu.memory_space<vmem>>, vector<1x16xf32>,
          %swap3A_295 = vector.shape_cast %swap3A_294 : vector<1x16xf32> to vector<16xf32>
          %swap3A_296 = vector.shape_cast %add3A_290 : vector<16xf32> to vector<1x16xf32>
          tpu.vector_store %arg7[%swap3A_292, %swap3A_293], %swap3A_296 {strides = array<i32>} : memref<64x768xf32, #tpu.memory_space<vmem>>, vector<1x16xf32>,
          %get3A_297 = arith.constant 4 : i32
          %get3A_298 = arith.index_cast %get3A_297 : i32 to index
          %get3A_299 = arith.index_cast %mul3A_212 : i32 to index
          %get3A_300 = tpu.vector_load %arg5[%get3A_298, %get3A_299] {strides = array<i32>} : memref<16x768xf32, #tpu.memory_space<vmem>>, vector<1x16xf32>,
          %get3A_301 = vector.shape_cast %get3A_300 : vector<1x16xf32> to vector<16xf32>
          %add3A_302 = arith.constant 0 : i32
          %add3A_303 = arith.addi %add3A_128, %add3A_302 : i32
          %add3A_304 = arith.constant 4 : i32
          %add3A_305 = arith.addi %add3A_303, %add3A_304 : i32
          %lt3A_306 = arith.cmpi slt, %add3A_305, %mul3A_148 : i32
          %jit3A_307 = arith.constant 5.000000e-01 : f32
          %jit3A_308 = arith.constant 0.000000e+00 : f32
          %select_n3A_309 = arith.select %lt3A_306, %jit3A_307, %jit3A_308 : f32
          %mul3A_310 = arith.constant 5.000000e-01 : f32
          %mul3A_311 = vector.broadcast %mul3A_310 : f32 to vector<16xf32>
          %mul3A_312 = arith.mulf %get3A_216, %mul3A_311 : vector<16xf32>
          %mul3A_313 = vector.broadcast %select_n3A_309 : f32 to vector<16xf32>
          %mul3A_314 = arith.mulf %get3A_301, %mul3A_313 : vector<16xf32>
          %add3A_315 = arith.addf %mul3A_312, %mul3A_314 : vector<16xf32>
          %swap3A_316 = arith.constant 4 : i32
          %swap3A_317 = arith.index_cast %swap3A_316 : i32 to index
          %swap3A_318 = arith.index_cast %mul3A_212 : i32 to index
          %swap3A_319 = tpu.vector_load %arg7[%swap3A_317, %swap3A_318] {strides = array<i32>} : memref<64x768xf32, #tpu.memory_space<vmem>>, vector<1x16xf32>,
          %swap3A_320 = vector.shape_cast %swap3A_319 : vector<1x16xf32> to vector<16xf32>
          %swap3A_321 = vector.shape_cast %add3A_315 : vector<16xf32> to vector<1x16xf32>
          tpu.vector_store %arg7[%swap3A_317, %swap3A_318], %swap3A_321 {strides = array<i32>} : memref<64x768xf32, #tpu.memory_space<vmem>>, vector<1x16xf32>,
          %get3A_322 = arith.constant 5 : i32
          %get3A_323 = arith.index_cast %get3A_322 : i32 to index
          %get3A_324 = arith.index_cast %mul3A_212 : i32 to index
          %get3A_325 = tpu.vector_load %arg5[%get3A_323, %get3A_324] {strides = array<i32>} : memref<16x768xf32, #tpu.memory_space<vmem>>, vector<1x16xf32>,
          %get3A_326 = vector.shape_cast %get3A_325 : vector<1x16xf32> to vector<16xf32>
          %add3A_327 = arith.constant 0 : i32
          %add3A_328 = arith.addi %add3A_128, %add3A_327 : i32
          %add3A_329 = arith.constant 5 : i32
          %add3A_330 = arith.addi %add3A_328, %add3A_329 : i32
          %lt3A_331 = arith.cmpi slt, %add3A_330, %mul3A_148 : i32
          %jit3A_332 = arith.constant 5.000000e-01 : f32
          %jit3A_333 = arith.constant 0.000000e+00 : f32
          %select_n3A_334 = arith.select %lt3A_331, %jit3A_332, %jit3A_333 : f32
          %mul3A_335 = arith.constant 5.000000e-01 : f32
          %mul3A_336 = vector.broadcast %mul3A_335 : f32 to vector<16xf32>
          %mul3A_337 = arith.mulf %get3A_216, %mul3A_336 : vector<16xf32>
          %mul3A_338 = vector.broadcast %select_n3A_334 : f32 to vector<16xf32>
          %mul3A_339 = arith.mulf %get3A_326, %mul3A_338 : vector<16xf32>
          %add3A_340 = arith.addf %mul3A_337, %mul3A_339 : vector<16xf32>
          %swap3A_341 = arith.constant 5 : i32
          %swap3A_342 = arith.index_cast %swap3A_341 : i32 to index
          %swap3A_343 = arith.index_cast %mul3A_212 : i32 to index
          %swap3A_344 = tpu.vector_load %arg7[%swap3A_342, %swap3A_343] {strides = array<i32>} : memref<64x768xf32, #tpu.memory_space<vmem>>, vector<1x16xf32>,
          %swap3A_345 = vector.shape_cast %swap3A_344 : vector<1x16xf32> to vector<16xf32>
          %swap3A_346 = vector.shape_cast %add3A_340 : vector<16xf32> to vector<1x16xf32>
          tpu.vector_store %arg7[%swap3A_342, %swap3A_343], %swap3A_346 {strides = array<i32>} : memref<64x768xf32, #tpu.memory_space<vmem>>, vector<1x16xf32>,
          %get3A_347 = arith.constant 6 : i32
          %get3A_348 = arith.index_cast %get3A_347 : i32 to index
          %get3A_349 = arith.index_cast %mul3A_212 : i32 to index
          %get3A_350 = tpu.vector_load %arg5[%get3A_348, %get3A_349] {strides = array<i32>} : memref<16x768xf32, #tpu.memory_space<vmem>>, vector<1x16xf32>,
          %get3A_351 = vector.shape_cast %get3A_350 : vector<1x16xf32> to vector<16xf32>
          %add3A_352 = arith.constant 0 : i32
          %add3A_353 = arith.addi %add3A_128, %add3A_352 : i32
          %add3A_354 = arith.constant 6 : i32
          %add3A_355 = arith.addi %add3A_353, %add3A_354 : i32
          %lt3A_356 = arith.cmpi slt, %add3A_355, %mul3A_148 : i32
          %jit3A_357 = arith.constant 5.000000e-01 : f32
          %jit3A_358 = arith.constant 0.000000e+00 : f32
          %select_n3A_359 = arith.select %lt3A_356, %jit3A_357, %jit3A_358 : f32
          %mul3A_360 = arith.constant 5.000000e-01 : f32
          %mul3A_361 = vector.broadcast %mul3A_360 : f32 to vector<16xf32>
          %mul3A_362 = arith.mulf %get3A_216, %mul3A_361 : vector<16xf32>
          %mul3A_363 = vector.broadcast %select_n3A_359 : f32 to vector<16xf32>
          %mul3A_364 = arith.mulf %get3A_351, %mul3A_363 : vector<16xf32>
          %add3A_365 = arith.addf %mul3A_362, %mul3A_364 : vector<16xf32>
          %swap3A_366 = arith.constant 6 : i32
          %swap3A_367 = arith.index_cast %swap3A_366 : i32 to index
          %swap3A_368 = arith.index_cast %mul3A_212 : i32 to index
          %swap3A_369 = tpu.vector_load %arg7[%swap3A_367, %swap3A_368] {strides = array<i32>} : memref<64x768xf32, #tpu.memory_space<vmem>>, vector<1x16xf32>,
          %swap3A_370 = vector.shape_cast %swap3A_369 : vector<1x16xf32> to vector<16xf32>
          %swap3A_371 = vector.shape_cast %add3A_365 : vector<16xf32> to vector<1x16xf32>
          tpu.vector_store %arg7[%swap3A_367, %swap3A_368], %swap3A_371 {strides = array<i32>} : memref<64x768xf32, #tpu.memory_space<vmem>>, vector<1x16xf32>,
          %get3A_372 = arith.constant 7 : i32
          %get3A_373 = arith.index_cast %get3A_372 : i32 to index
          %get3A_374 = arith.index_cast %mul3A_212 : i32 to index
          %get3A_375 = tpu.vector_load %arg5[%get3A_373, %get3A_374] {strides = array<i32>} : memref<16x768xf32, #tpu.memory_space<vmem>>, vector<1x16xf32>,
          %get3A_376 = vector.shape_cast %get3A_375 : vector<1x16xf32> to vector<16xf32>
          %add3A_377 = arith.constant 0 : i32
          %add3A_378 = arith.addi %add3A_128, %add3A_377 : i32
          %add3A_379 = arith.constant 7 : i32
          %add3A_380 = arith.addi %add3A_378, %add3A_379 : i32
          %lt3A_381 = arith.cmpi slt, %add3A_380, %mul3A_148 : i32
          %jit3A_382 = arith.constant 5.000000e-01 : f32
          %jit3A_383 = arith.constant 0.000000e+00 : f32
          %select_n3A_384 = arith.select %lt3A_381, %jit3A_382, %jit3A_383 : f32
          %mul3A_385 = arith.constant 5.000000e-01 : f32
          %mul3A_386 = vector.broadcast %mul3A_385 : f32 to vector<16xf32>
          %mul3A_387 = arith.mulf %get3A_216, %mul3A_386 : vector<16xf32>
          %mul3A_388 = vector.broadcast %select_n3A_384 : f32 to vector<16xf32>
          %mul3A_389 = arith.mulf %get3A_376, %mul3A_388 : vector<16xf32>
          %add3A_390 = arith.addf %mul3A_387, %mul3A_389 : vector<16xf32>
          %swap3A_391 = arith.constant 7 : i32
          %swap3A_392 = arith.index_cast %swap3A_391 : i32 to index
          %swap3A_393 = arith.index_cast %mul3A_212 : i32 to index
          %swap3A_394 = tpu.vector_load %arg7[%swap3A_392, %swap3A_393] {strides = array<i32>} : memref<64x768xf32, #tpu.memory_space<vmem>>, vector<1x16xf32>,
          %swap3A_395 = vector.shape_cast %swap3A_394 : vector<1x16xf32> to vector<16xf32>
          %swap3A_396 = vector.shape_cast %add3A_390 : vector<16xf32> to vector<1x16xf32>
          tpu.vector_store %arg7[%swap3A_392, %swap3A_393], %swap3A_396 {strides = array<i32>} : memref<64x768xf32, #tpu.memory_space<vmem>>, vector<1x16xf32>,
          %get3A_397 = arith.constant 1 : i32
          %get3A_398 = arith.index_cast %get3A_397 : i32 to index
          %get3A_399 = arith.index_cast %mul3A_212 : i32 to index
          %get3A_400 = tpu.vector_load %arg5[%get3A_398, %get3A_399] {strides = array<i32>} : memref<16x768xf32, #tpu.memory_space<vmem>>, vector<1x16xf32>,
          %get3A_401 = vector.shape_cast %get3A_400 : vector<1x16xf32> to vector<16xf32>
          %swap3A_402 = arith.constant 8 : i32
          %swap3A_403 = arith.index_cast %swap3A_402 : i32 to index
          %swap3A_404 = arith.index_cast %mul3A_212 : i32 to index
          %swap3A_405 = tpu.vector_load %arg7[%swap3A_403, %swap3A_404] {strides = array<i32>} : memref<64x768xf32, #tpu.memory_space<vmem>>, vector<1x16xf32>,
          %swap3A_406 = vector.shape_cast %swap3A_405 : vector<1x16xf32> to vector<16xf32>
          %swap3A_407 = vector.shape_cast %get3A_401 : vector<16xf32> to vector<1x16xf32>
          tpu.vector_store %arg7[%swap3A_403, %swap3A_404], %swap3A_407 {strides = array<i32>} : memref<64x768xf32, #tpu.memory_space<vmem>>, vector<1x16xf32>,
          %get3A_408 = arith.constant 2 : i32
          %get3A_409 = arith.index_cast %get3A_408 : i32 to index
          %get3A_410 = arith.index_cast %mul3A_212 : i32 to index
          %get3A_411 = tpu.vector_load %arg5[%get3A_409, %get3A_410] {strides = array<i32>} : memref<16x768xf32, #tpu.memory_space<vmem>>, vector<1x16xf32>,
          %get3A_412 = vector.shape_cast %get3A_411 : vector<1x16xf32> to vector<16xf32>
          %add3A_413 = arith.constant 1 : i32
          %add3A_414 = arith.addi %add3A_128, %add3A_413 : i32
          %add3A_415 = arith.constant 1 : i32
          %add3A_416 = arith.addi %add3A_414, %add3A_415 : i32
          %lt3A_417 = arith.cmpi slt, %add3A_416, %mul3A_148 : i32
          %jit3A_418 = arith.constant 5.000000e-01 : f32
          %jit3A_419 = arith.constant 0.000000e+00 : f32
          %select_n3A_420 = arith.select %lt3A_417, %jit3A_418, %jit3A_419 : f32
          %mul3A_421 = arith.constant 5.000000e-01 : f32
          %mul3A_422 = vector.broadcast %mul3A_421 : f32 to vector<16xf32>
          %mul3A_423 = arith.mulf %get3A_401, %mul3A_422 : vector<16xf32>
          %mul3A_424 = vector.broadcast %select_n3A_420 : f32 to vector<16xf32>
          %mul3A_425 = arith.mulf %get3A_412, %mul3A_424 : vector<16xf32>
          %add3A_426 = arith.addf %mul3A_423, %mul3A_425 : vector<16xf32>
          %swap3A_427 = arith.constant 9 : i32
          %swap3A_428 = arith.index_cast %swap3A_427 : i32 to index
          %swap3A_429 = arith.index_cast %mul3A_212 : i32 to index
          %swap3A_430 = tpu.vector_load %arg7[%swap3A_428, %swap3A_429] {strides = array<i32>} : memref<64x768xf32, #tpu.memory_space<vmem>>, vector<1x16xf32>,
          %swap3A_431 = vector.shape_cast %swap3A_430 : vector<1x16xf32> to vector<16xf32>
          %swap3A_432 = vector.shape_cast %add3A_426 : vector<16xf32> to vector<1x16xf32>
          tpu.vector_store %arg7[%swap3A_428, %swap3A_429], %swap3A_432 {strides = array<i32>} : memref<64x768xf32, #tpu.memory_space<vmem>>, vector<1x16xf32>,
          %get3A_433 = arith.constant 3 : i32
          %get3A_434 = arith.index_cast %get3A_433 : i32 to index
          %get3A_435 = arith.index_cast %mul3A_212 : i32 to index
          %get3A_436 = tpu.vector_load %arg5[%get3A_434, %get3A_435] {strides = array<i32>} : memref<16x768xf32, #tpu.memory_space<vmem>>, vector<1x16xf32>,
          %get3A_437 = vector.shape_cast %get3A_436 : vector<1x16xf32> to vector<16xf32>
          %add3A_438 = arith.constant 1 : i32
          %add3A_439 = arith.addi %add3A_128, %add3A_438 : i32
          %add3A_440 = arith.constant 2 : i32
          %add3A_441 = arith.addi %add3A_439, %add3A_440 : i32
          %lt3A_442 = arith.cmpi slt, %add3A_441, %mul3A_148 : i32
          %jit3A_443 = arith.constant 5.000000e-01 : f32
          %jit3A_444 = arith.constant 0.000000e+00 : f32
          %select_n3A_445 = arith.select %lt3A_442, %jit3A_443, %jit3A_444 : f32
          %mul3A_446 = arith.constant 5.000000e-01 : f32
          %mul3A_447 = vector.broadcast %mul3A_446 : f32 to vector<16xf32>
          %mul3A_448 = arith.mulf %get3A_401, %mul3A_447 : vector<16xf32>
          %mul3A_449 = vector.broadcast %select_n3A_445 : f32 to vector<16xf32>
          %mul3A_450 = arith.mulf %get3A_437, %mul3A_449 : vector<16xf32>
          %add3A_451 = arith.addf %mul3A_448, %mul3A_450 : vector<16xf32>
          %swap3A_452 = arith.constant 10 : i32
          %swap3A_453 = arith.index_cast %swap3A_452 : i32 to index
          %swap3A_454 = arith.index_cast %mul3A_212 : i32 to index
          %swap3A_455 = tpu.vector_load %arg7[%swap3A_453, %swap3A_454] {strides = array<i32>} : memref<64x768xf32, #tpu.memory_space<vmem>>, vector<1x16xf32>,
          %swap3A_456 = vector.shape_cast %swap3A_455 : vector<1x16xf32> to vector<16xf32>
          %swap3A_457 = vector.shape_cast %add3A_451 : vector<16xf32> to vector<1x16xf32>
          tpu.vector_store %arg7[%swap3A_453, %swap3A_454], %swap3A_457 {strides = array<i32>} : memref<64x768xf32, #tpu.memory_space<vmem>>, vector<1x16xf32>,
          %get3A_458 = arith.constant 4 : i32
          %get3A_459 = arith.index_cast %get3A_458 : i32 to index
          %get3A_460 = arith.index_cast %mul3A_212 : i32 to index
          %get3A_461 = tpu.vector_load %arg5[%get3A_459, %get3A_460] {strides = array<i32>} : memref<16x768xf32, #tpu.memory_space<vmem>>, vector<1x16xf32>,
          %get3A_462 = vector.shape_cast %get3A_461 : vector<1x16xf32> to vector<16xf32>
          %add3A_463 = arith.constant 1 : i32
          %add3A_464 = arith.addi %add3A_128, %add3A_463 : i32
          %add3A_465 = arith.constant 3 : i32
          %add3A_466 = arith.addi %add3A_464, %add3A_465 : i32
          %lt3A_467 = arith.cmpi slt, %add3A_466, %mul3A_148 : i32
          %jit3A_468 = arith.constant 5.000000e-01 : f32
          %jit3A_469 = arith.constant 0.000000e+00 : f32
          %select_n3A_470 = arith.select %lt3A_467, %jit3A_468, %jit3A_469 : f32
          %mul3A_471 = arith.constant 5.000000e-01 : f32
          %mul3A_472 = vector.broadcast %mul3A_471 : f32 to vector<16xf32>
          %mul3A_473 = arith.mulf %get3A_401, %mul3A_472 : vector<16xf32>
          %mul3A_474 = vector.broadcast %select_n3A_470 : f32 to vector<16xf32>
          %mul3A_475 = arith.mulf %get3A_462, %mul3A_474 : vector<16xf32>
          %add3A_476 = arith.addf %mul3A_473, %mul3A_475 : vector<16xf32>
          %swap3A_477 = arith.constant 11 : i32
          %swap3A_478 = arith.index_cast %swap3A_477 : i32 to index
          %swap3A_479 = arith.index_cast %mul3A_212 : i32 to index
          %swap3A_480 = tpu.vector_load %arg7[%swap3A_478, %swap3A_479] {strides = array<i32>} : memref<64x768xf32, #tpu.memory_space<vmem>>, vector<1x16xf32>,
          %swap3A_481 = vector.shape_cast %swap3A_480 : vector<1x16xf32> to vector<16xf32>
          %swap3A_482 = vector.shape_cast %add3A_476 : vector<16xf32> to vector<1x16xf32>
          tpu.vector_store %arg7[%swap3A_478, %swap3A_479], %swap3A_482 {strides = array<i32>} : memref<64x768xf32, #tpu.memory_space<vmem>>, vector<1x16xf32>,
          %get3A_483 = arith.constant 5 : i32
          %get3A_484 = arith.index_cast %get3A_483 : i32 to index
          %get3A_485 = arith.index_cast %mul3A_212 : i32 to index
          %get3A_486 = tpu.vector_load %arg5[%get3A_484, %get3A_485] {strides = array<i32>} : memref<16x768xf32, #tpu.memory_space<vmem>>, vector<1x16xf32>,
          %get3A_487 = vector.shape_cast %get3A_486 : vector<1x16xf32> to vector<16xf32>
          %add3A_488 = arith.constant 1 : i32
          %add3A_489 = arith.addi %add3A_128, %add3A_488 : i32
          %add3A_490 = arith.constant 4 : i32
          %add3A_491 = arith.addi %add3A_489, %add3A_490 : i32
          %lt3A_492 = arith.cmpi slt, %add3A_491, %mul3A_148 : i32
          %jit3A_493 = arith.constant 5.000000e-01 : f32
          %jit3A_494 = arith.constant 0.000000e+00 : f32
          %select_n3A_495 = arith.select %lt3A_492, %jit3A_493, %jit3A_494 : f32
          %mul3A_496 = arith.constant 5.000000e-01 : f32
          %mul3A_497 = vector.broadcast %mul3A_496 : f32 to vector<16xf32>
          %mul3A_498 = arith.mulf %get3A_401, %mul3A_497 : vector<16xf32>
          %mul3A_499 = vector.broadcast %select_n3A_495 : f32 to vector<16xf32>
          %mul3A_500 = arith.mulf %get3A_487, %mul3A_499 : vector<16xf32>
          %add3A_501 = arith.addf %mul3A_498, %mul3A_500 : vector<16xf32>
          %swap3A_502 = arith.constant 12 : i32
          %swap3A_503 = arith.index_cast %swap3A_502 : i32 to index
          %swap3A_504 = arith.index_cast %mul3A_212 : i32 to index
          %swap3A_505 = tpu.vector_load %arg7[%swap3A_503, %swap3A_504] {strides = array<i32>} : memref<64x768xf32, #tpu.memory_space<vmem>>, vector<1x16xf32>,
          %swap3A_506 = vector.shape_cast %swap3A_505 : vector<1x16xf32> to vector<16xf32>
          %swap3A_507 = vector.shape_cast %add3A_501 : vector<16xf32> to vector<1x16xf32>
          tpu.vector_store %arg7[%swap3A_503, %swap3A_504], %swap3A_507 {strides = array<i32>} : memref<64x768xf32, #tpu.memory_space<vmem>>, vector<1x16xf32>,
          %get3A_508 = arith.constant 6 : i32
          %get3A_509 = arith.index_cast %get3A_508 : i32 to index
          %get3A_510 = arith.index_cast %mul3A_212 : i32 to index
          %get3A_511 = tpu.vector_load %arg5[%get3A_509, %get3A_510] {strides = array<i32>} : memref<16x768xf32, #tpu.memory_space<vmem>>, vector<1x16xf32>,
          %get3A_512 = vector.shape_cast %get3A_511 : vector<1x16xf32> to vector<16xf32>
          %add3A_513 = arith.constant 1 : i32
          %add3A_514 = arith.addi %add3A_128, %add3A_513 : i32
          %add3A_515 = arith.constant 5 : i32
          %add3A_516 = arith.addi %add3A_514, %add3A_515 : i32
          %lt3A_517 = arith.cmpi slt, %add3A_516, %mul3A_148 : i32
          %jit3A_518 = arith.constant 5.000000e-01 : f32
          %jit3A_519 = arith.constant 0.000000e+00 : f32
          %select_n3A_520 = arith.select %lt3A_517, %jit3A_518, %jit3A_519 : f32
          %mul3A_521 = arith.constant 5.000000e-01 : f32
          %mul3A_522 = vector.broadcast %mul3A_521 : f32 to vector<16xf32>
          %mul3A_523 = arith.mulf %get3A_401, %mul3A_522 : vector<16xf32>
          %mul3A_524 = vector.broadcast %select_n3A_520 : f32 to vector<16xf32>
          %mul3A_525 = arith.mulf %get3A_512, %mul3A_524 : vector<16xf32>
          %add3A_526 = arith.addf %mul3A_523, %mul3A_525 : vector<16xf32>
          %swap3A_527 = arith.constant 13 : i32
          %swap3A_528 = arith.index_cast %swap3A_527 : i32 to index
          %swap3A_529 = arith.index_cast %mul3A_212 : i32 to index
          %swap3A_530 = tpu.vector_load %arg7[%swap3A_528, %swap3A_529] {strides = array<i32>} : memref<64x768xf32, #tpu.memory_space<vmem>>, vector<1x16xf32>,
          %swap3A_531 = vector.shape_cast %swap3A_530 : vector<1x16xf32> to vector<16xf32>
          %swap3A_532 = vector.shape_cast %add3A_526 : vector<16xf32> to vector<1x16xf32>
          tpu.vector_store %arg7[%swap3A_528, %swap3A_529], %swap3A_532 {strides = array<i32>} : memref<64x768xf32, #tpu.memory_space<vmem>>, vector<1x16xf32>,
          %get3A_533 = arith.constant 7 : i32
          %get3A_534 = arith.index_cast %get3A_533 : i32 to index
          %get3A_535 = arith.index_cast %mul3A_212 : i32 to index
          %get3A_536 = tpu.vector_load %arg5[%get3A_534, %get3A_535] {strides = array<i32>} : memref<16x768xf32, #tpu.memory_space<vmem>>, vector<1x16xf32>,
          %get3A_537 = vector.shape_cast %get3A_536 : vector<1x16xf32> to vector<16xf32>
          %add3A_538 = arith.constant 1 : i32
          %add3A_539 = arith.addi %add3A_128, %add3A_538 : i32
          %add3A_540 = arith.constant 6 : i32
          %add3A_541 = arith.addi %add3A_539, %add3A_540 : i32
          %lt3A_542 = arith.cmpi slt, %add3A_541, %mul3A_148 : i32
          %jit3A_543 = arith.constant 5.000000e-01 : f32
          %jit3A_544 = arith.constant 0.000000e+00 : f32
          %select_n3A_545 = arith.select %lt3A_542, %jit3A_543, %jit3A_544 : f32
          %mul3A_546 = arith.constant 5.000000e-01 : f32
          %mul3A_547 = vector.broadcast %mul3A_546 : f32 to vector<16xf32>
          %mul3A_548 = arith.mulf %get3A_401, %mul3A_547 : vector<16xf32>
          %mul3A_549 = vector.broadcast %select_n3A_545 : f32 to vector<16xf32>
          %mul3A_550 = arith.mulf %get3A_537, %mul3A_549 : vector<16xf32>
          %add3A_551 = arith.addf %mul3A_548, %mul3A_550 : vector<16xf32>
          %swap3A_552 = arith.constant 14 : i32
          %swap3A_553 = arith.index_cast %swap3A_552 : i32 to index
          %swap3A_554 = arith.index_cast %mul3A_212 : i32 to index
          %swap3A_555 = tpu.vector_load %arg7[%swap3A_553, %swap3A_554] {strides = array<i32>} : memref<64x768xf32, #tpu.memory_space<vmem>>, vector<1x16xf32>,
          %swap3A_556 = vector.shape_cast %swap3A_555 : vector<1x16xf32> to vector<16xf32>
          %swap3A_557 = vector.shape_cast %add3A_551 : vector<16xf32> to vector<1x16xf32>
          tpu.vector_store %arg7[%swap3A_553, %swap3A_554], %swap3A_557 {strides = array<i32>} : memref<64x768xf32, #tpu.memory_space<vmem>>, vector<1x16xf32>,
          %get3A_558 = arith.constant 8 : i32
          %get3A_559 = arith.index_cast %get3A_558 : i32 to index
          %get3A_560 = arith.index_cast %mul3A_212 : i32 to index
          %get3A_561 = tpu.vector_load %arg5[%get3A_559, %get3A_560] {strides = array<i32>} : memref<16x768xf32, #tpu.memory_space<vmem>>, vector<1x16xf32>,
          %get3A_562 = vector.shape_cast %get3A_561 : vector<1x16xf32> to vector<16xf32>
          %add3A_563 = arith.constant 1 : i32
          %add3A_564 = arith.addi %add3A_128, %add3A_563 : i32
          %add3A_565 = arith.constant 7 : i32
          %add3A_566 = arith.addi %add3A_564, %add3A_565 : i32
          %lt3A_567 = arith.cmpi slt, %add3A_566, %mul3A_148 : i32
          %jit3A_568 = arith.constant 5.000000e-01 : f32
          %jit3A_569 = arith.constant 0.000000e+00 : f32
          %select_n3A_570 = arith.select %lt3A_567, %jit3A_568, %jit3A_569 : f32
          %mul3A_571 = arith.constant 5.000000e-01 : f32
          %mul3A_572 = vector.broadcast %mul3A_571 : f32 to vector<16xf32>
          %mul3A_573 = arith.mulf %get3A_401, %mul3A_572 : vector<16xf32>
          %mul3A_574 = vector.broadcast %select_n3A_570 : f32 to vector<16xf32>
          %mul3A_575 = arith.mulf %get3A_562, %mul3A_574 : vector<16xf32>
          %add3A_576 = arith.addf %mul3A_573, %mul3A_575 : vector<16xf32>
          %swap3A_577 = arith.constant 15 : i32
          %swap3A_578 = arith.index_cast %swap3A_577 : i32 to index
          %swap3A_579 = arith.index_cast %mul3A_212 : i32 to index
          %swap3A_580 = tpu.vector_load %arg7[%swap3A_578, %swap3A_579] {strides = array<i32>} : memref<64x768xf32, #tpu.memory_space<vmem>>, vector<1x16xf32>,
          %swap3A_581 = vector.shape_cast %swap3A_580 : vector<1x16xf32> to vector<16xf32>
          %swap3A_582 = vector.shape_cast %add3A_576 : vector<16xf32> to vector<1x16xf32>
          tpu.vector_store %arg7[%swap3A_578, %swap3A_579], %swap3A_582 {strides = array<i32>} : memref<64x768xf32, #tpu.memory_space<vmem>>, vector<1x16xf32>,
          %get3A_583 = arith.constant 2 : i32
          %get3A_584 = arith.index_cast %get3A_583 : i32 to index
          %get3A_585 = arith.index_cast %mul3A_212 : i32 to index
          %get3A_586 = tpu.vector_load %arg5[%get3A_584, %get3A_585] {strides = array<i32>} : memref<16x768xf32, #tpu.memory_space<vmem>>, vector<1x16xf32>,
          %get3A_587 = vector.shape_cast %get3A_586 : vector<1x16xf32> to vector<16xf32>
          %swap3A_588 = arith.constant 16 : i32
          %swap3A_589 = arith.index_cast %swap3A_588 : i32 to index
          %swap3A_590 = arith.index_cast %mul3A_212 : i32 to index
          %swap3A_591 = tpu.vector_load %arg7[%swap3A_589, %swap3A_590] {strides = array<i32>} : memref<64x768xf32, #tpu.memory_space<vmem>>, vector<1x16xf32>,
          %swap3A_592 = vector.shape_cast %swap3A_591 : vector<1x16xf32> to vector<16xf32>
          %swap3A_593 = vector.shape_cast %get3A_587 : vector<16xf32> to vector<1x16xf32>
          tpu.vector_store %arg7[%swap3A_589, %swap3A_590], %swap3A_593 {strides = array<i32>} : memref<64x768xf32, #tpu.memory_space<vmem>>, vector<1x16xf32>,
          %get3A_594 = arith.constant 3 : i32
          %get3A_595 = arith.index_cast %get3A_594 : i32 to index
          %get3A_596 = arith.index_cast %mul3A_212 : i32 to index
          %get3A_597 = tpu.vector_load %arg5[%get3A_595, %get3A_596] {strides = array<i32>} : memref<16x768xf32, #tpu.memory_space<vmem>>, vector<1x16xf32>,
          %get3A_598 = vector.shape_cast %get3A_597 : vector<1x16xf32> to vector<16xf32>
          %add3A_599 = arith.constant 2 : i32
          %add3A_600 = arith.addi %add3A_128, %add3A_599 : i32
          %add3A_601 = arith.constant 1 : i32
          %add3A_602 = arith.addi %add3A_600, %add3A_601 : i32
          %lt3A_603 = arith.cmpi slt, %add3A_602, %mul3A_148 : i32
          %jit3A_604 = arith.constant 5.000000e-01 : f32
          %jit3A_605 = arith.constant 0.000000e+00 : f32
          %select_n3A_606 = arith.select %lt3A_603, %jit3A_604, %jit3A_605 : f32
          %mul3A_607 = arith.constant 5.000000e-01 : f32
          %mul3A_608 = vector.broadcast %mul3A_607 : f32 to vector<16xf32>
          %mul3A_609 = arith.mulf %get3A_587, %mul3A_608 : vector<16xf32>
          %mul3A_610 = vector.broadcast %select_n3A_606 : f32 to vector<16xf32>
          %mul3A_611 = arith.mulf %get3A_598, %mul3A_610 : vector<16xf32>
          %add3A_612 = arith.addf %mul3A_609, %mul3A_611 : vector<16xf32>
          %swap3A_613 = arith.constant 17 : i32
          %swap3A_614 = arith.index_cast %swap3A_613 : i32 to index
          %swap3A_615 = arith.index_cast %mul3A_212 : i32 to index
          %swap3A_616 = tpu.vector_load %arg7[%swap3A_614, %swap3A_615] {strides = array<i32>} : memref<64x768xf32, #tpu.memory_space<vmem>>, vector<1x16xf32>,
          %swap3A_617 = vector.shape_cast %swap3A_616 : vector<1x16xf32> to vector<16xf32>
          %swap3A_618 = vector.shape_cast %add3A_612 : vector<16xf32> to vector<1x16xf32>
          tpu.vector_store %arg7[%swap3A_614, %swap3A_615], %swap3A_618 {strides = array<i32>} : memref<64x768xf32, #tpu.memory_space<vmem>>, vector<1x16xf32>,
          %get3A_619 = arith.constant 4 : i32
          %get3A_620 = arith.index_cast %get3A_619 : i32 to index
          %get3A_621 = arith.index_cast %mul3A_212 : i32 to index
          %get3A_622 = tpu.vector_load %arg5[%get3A_620, %get3A_621] {strides = array<i32>} : memref<16x768xf32, #tpu.memory_space<vmem>>, vector<1x16xf32>,
          %get3A_623 = vector.shape_cast %get3A_622 : vector<1x16xf32> to vector<16xf32>
          %add3A_624 = arith.constant 2 : i32
          %add3A_625 = arith.addi %add3A_128, %add3A_624 : i32
          %add3A_626 = arith.constant 2 : i32
          %add3A_627 = arith.addi %add3A_625, %add3A_626 : i32
          %lt3A_628 = arith.cmpi slt, %add3A_627, %mul3A_148 : i32
          %jit3A_629 = arith.constant 5.000000e-01 : f32
          %jit3A_630 = arith.constant 0.000000e+00 : f32
          %select_n3A_631 = arith.select %lt3A_628, %jit3A_629, %jit3A_630 : f32
          %mul3A_632 = arith.constant 5.000000e-01 : f32
          %mul3A_633 = vector.broadcast %mul3A_632 : f32 to vector<16xf32>
          %mul3A_634 = arith.mulf %get3A_587, %mul3A_633 : vector<16xf32>
          %mul3A_635 = vector.broadcast %select_n3A_631 : f32 to vector<16xf32>
          %mul3A_636 = arith.mulf %get3A_623, %mul3A_635 : vector<16xf32>
          %add3A_637 = arith.addf %mul3A_634, %mul3A_636 : vector<16xf32>
          %swap3A_638 = arith.constant 18 : i32
          %swap3A_639 = arith.index_cast %swap3A_638 : i32 to index
          %swap3A_640 = arith.index_cast %mul3A_212 : i32 to index
          %swap3A_641 = tpu.vector_load %arg7[%swap3A_639, %swap3A_640] {strides = array<i32>} : memref<64x768xf32, #tpu.memory_space<vmem>>, vector<1x16xf32>,
          %swap3A_642 = vector.shape_cast %swap3A_641 : vector<1x16xf32> to vector<16xf32>
          %swap3A_643 = vector.shape_cast %add3A_637 : vector<16xf32> to vector<1x16xf32>
          tpu.vector_store %arg7[%swap3A_639, %swap3A_640], %swap3A_643 {strides = array<i32>} : memref<64x768xf32, #tpu.memory_space<vmem>>, vector<1x16xf32>,
          %get3A_644 = arith.constant 5 : i32
          %get3A_645 = arith.index_cast %get3A_644 : i32 to index
          %get3A_646 = arith.index_cast %mul3A_212 : i32 to index
          %get3A_647 = tpu.vector_load %arg5[%get3A_645, %get3A_646] {strides = array<i32>} : memref<16x768xf32, #tpu.memory_space<vmem>>, vector<1x16xf32>,
          %get3A_648 = vector.shape_cast %get3A_647 : vector<1x16xf32> to vector<16xf32>
          %add3A_649 = arith.constant 2 : i32
          %add3A_650 = arith.addi %add3A_128, %add3A_649 : i32
          %add3A_651 = arith.constant 3 : i32
          %add3A_652 = arith.addi %add3A_650, %add3A_651 : i32
          %lt3A_653 = arith.cmpi slt, %add3A_652, %mul3A_148 : i32
          %jit3A_654 = arith.constant 5.000000e-01 : f32
          %jit3A_655 = arith.constant 0.000000e+00 : f32
          %select_n3A_656 = arith.select %lt3A_653, %jit3A_654, %jit3A_655 : f32
          %mul3A_657 = arith.constant 5.000000e-01 : f32
          %mul3A_658 = vector.broadcast %mul3A_657 : f32 to vector<16xf32>
          %mul3A_659 = arith.mulf %get3A_587, %mul3A_658 : vector<16xf32>
          %mul3A_660 = vector.broadcast %select_n3A_656 : f32 to vector<16xf32>
          %mul3A_661 = arith.mulf %get3A_648, %mul3A_660 : vector<16xf32>
          %add3A_662 = arith.addf %mul3A_659, %mul3A_661 : vector<16xf32>
          %swap3A_663 = arith.constant 19 : i32
          %swap3A_664 = arith.index_cast %swap3A_663 : i32 to index
          %swap3A_665 = arith.index_cast %mul3A_212 : i32 to index
          %swap3A_666 = tpu.vector_load %arg7[%swap3A_664, %swap3A_665] {strides = array<i32>} : memref<64x768xf32, #tpu.memory_space<vmem>>, vector<1x16xf32>,
          %swap3A_667 = vector.shape_cast %swap3A_666 : vector<1x16xf32> to vector<16xf32>
          %swap3A_668 = vector.shape_cast %add3A_662 : vector<16xf32> to vector<1x16xf32>
          tpu.vector_store %arg7[%swap3A_664, %swap3A_665], %swap3A_668 {strides = array<i32>} : memref<64x768xf32, #tpu.memory_space<vmem>>, vector<1x16xf32>,
          %get3A_669 = arith.constant 6 : i32
          %get3A_670 = arith.index_cast %get3A_669 : i32 to index
          %get3A_671 = arith.index_cast %mul3A_212 : i32 to index
          %get3A_672 = tpu.vector_load %arg5[%get3A_670, %get3A_671] {strides = array<i32>} : memref<16x768xf32, #tpu.memory_space<vmem>>, vector<1x16xf32>,
          %get3A_673 = vector.shape_cast %get3A_672 : vector<1x16xf32> to vector<16xf32>
          %add3A_674 = arith.constant 2 : i32
          %add3A_675 = arith.addi %add3A_128, %add3A_674 : i32
          %add3A_676 = arith.constant 4 : i32
          %add3A_677 = arith.addi %add3A_675, %add3A_676 : i32
          %lt3A_678 = arith.cmpi slt, %add3A_677, %mul3A_148 : i32
          %jit3A_679 = arith.constant 5.000000e-01 : f32
          %jit3A_680 = arith.constant 0.000000e+00 : f32
          %select_n3A_681 = arith.select %lt3A_678, %jit3A_679, %jit3A_680 : f32
          %mul3A_682 = arith.constant 5.000000e-01 : f32
          %mul3A_683 = vector.broadcast %mul3A_682 : f32 to vector<16xf32>
          %mul3A_684 = arith.mulf %get3A_587, %mul3A_683 : vector<16xf32>
          %mul3A_685 = vector.broadcast %select_n3A_681 : f32 to vector<16xf32>
          %mul3A_686 = arith.mulf %get3A_673, %mul3A_685 : vector<16xf32>
          %add3A_687 = arith.addf %mul3A_684, %mul3A_686 : vector<16xf32>
          %swap3A_688 = arith.constant 20 : i32
          %swap3A_689 = arith.index_cast %swap3A_688 : i32 to index
          %swap3A_690 = arith.index_cast %mul3A_212 : i32 to index
          %swap3A_691 = tpu.vector_load %arg7[%swap3A_689, %swap3A_690] {strides = array<i32>} : memref<64x768xf32, #tpu.memory_space<vmem>>, vector<1x16xf32>,
          %swap3A_692 = vector.shape_cast %swap3A_691 : vector<1x16xf32> to vector<16xf32>
          %swap3A_693 = vector.shape_cast %add3A_687 : vector<16xf32> to vector<1x16xf32>
          tpu.vector_store %arg7[%swap3A_689, %swap3A_690], %swap3A_693 {strides = array<i32>} : memref<64x768xf32, #tpu.memory_space<vmem>>, vector<1x16xf32>,
          %get3A_694 = arith.constant 7 : i32
          %get3A_695 = arith.index_cast %get3A_694 : i32 to index
          %get3A_696 = arith.index_cast %mul3A_212 : i32 to index
          %get3A_697 = tpu.vector_load %arg5[%get3A_695, %get3A_696] {strides = array<i32>} : memref<16x768xf32, #tpu.memory_space<vmem>>, vector<1x16xf32>,
          %get3A_698 = vector.shape_cast %get3A_697 : vector<1x16xf32> to vector<16xf32>
          %add3A_699 = arith.constant 2 : i32
          %add3A_700 = arith.addi %add3A_128, %add3A_699 : i32
          %add3A_701 = arith.constant 5 : i32
          %add3A_702 = arith.addi %add3A_700, %add3A_701 : i32
          %lt3A_703 = arith.cmpi slt, %add3A_702, %mul3A_148 : i32
          %jit3A_704 = arith.constant 5.000000e-01 : f32
          %jit3A_705 = arith.constant 0.000000e+00 : f32
          %select_n3A_706 = arith.select %lt3A_703, %jit3A_704, %jit3A_705 : f32
          %mul3A_707 = arith.constant 5.000000e-01 : f32
          %mul3A_708 = vector.broadcast %mul3A_707 : f32 to vector<16xf32>
          %mul3A_709 = arith.mulf %get3A_587, %mul3A_708 : vector<16xf32>
          %mul3A_710 = vector.broadcast %select_n3A_706 : f32 to vector<16xf32>
          %mul3A_711 = arith.mulf %get3A_698, %mul3A_710 : vector<16xf32>
          %add3A_712 = arith.addf %mul3A_709, %mul3A_711 : vector<16xf32>
          %swap3A_713 = arith.constant 21 : i32
          %swap3A_714 = arith.index_cast %swap3A_713 : i32 to index
          %swap3A_715 = arith.index_cast %mul3A_212 : i32 to index
          %swap3A_716 = tpu.vector_load %arg7[%swap3A_714, %swap3A_715] {strides = array<i32>} : memref<64x768xf32, #tpu.memory_space<vmem>>, vector<1x16xf32>,
          %swap3A_717 = vector.shape_cast %swap3A_716 : vector<1x16xf32> to vector<16xf32>
          %swap3A_718 = vector.shape_cast %add3A_712 : vector<16xf32> to vector<1x16xf32>
          tpu.vector_store %arg7[%swap3A_714, %swap3A_715], %swap3A_718 {strides = array<i32>} : memref<64x768xf32, #tpu.memory_space<vmem>>, vector<1x16xf32>,
          %get3A_719 = arith.constant 8 : i32
          %get3A_720 = arith.index_cast %get3A_719 : i32 to index
          %get3A_721 = arith.index_cast %mul3A_212 : i32 to index
          %get3A_722 = tpu.vector_load %arg5[%get3A_720, %get3A_721] {strides = array<i32>} : memref<16x768xf32, #tpu.memory_space<vmem>>, vector<1x16xf32>,
          %get3A_723 = vector.shape_cast %get3A_722 : vector<1x16xf32> to vector<16xf32>
          %add3A_724 = arith.constant 2 : i32
          %add3A_725 = arith.addi %add3A_128, %add3A_724 : i32
          %add3A_726 = arith.constant 6 : i32
          %add3A_727 = arith.addi %add3A_725, %add3A_726 : i32
          %lt3A_728 = arith.cmpi slt, %add3A_727, %mul3A_148 : i32
          %jit3A_729 = arith.constant 5.000000e-01 : f32
          %jit3A_730 = arith.constant 0.000000e+00 : f32
          %select_n3A_731 = arith.select %lt3A_728, %jit3A_729, %jit3A_730 : f32
          %mul3A_732 = arith.constant 5.000000e-01 : f32
          %mul3A_733 = vector.broadcast %mul3A_732 : f32 to vector<16xf32>
          %mul3A_734 = arith.mulf %get3A_587, %mul3A_733 : vector<16xf32>
          %mul3A_735 = vector.broadcast %select_n3A_731 : f32 to vector<16xf32>
          %mul3A_736 = arith.mulf %get3A_723, %mul3A_735 : vector<16xf32>
          %add3A_737 = arith.addf %mul3A_734, %mul3A_736 : vector<16xf32>
          %swap3A_738 = arith.constant 22 : i32
          %swap3A_739 = arith.index_cast %swap3A_738 : i32 to index
          %swap3A_740 = arith.index_cast %mul3A_212 : i32 to index
          %swap3A_741 = tpu.vector_load %arg7[%swap3A_739, %swap3A_740] {strides = array<i32>} : memref<64x768xf32, #tpu.memory_space<vmem>>, vector<1x16xf32>,
          %swap3A_742 = vector.shape_cast %swap3A_741 : vector<1x16xf32> to vector<16xf32>
          %swap3A_743 = vector.shape_cast %add3A_737 : vector<16xf32> to vector<1x16xf32>
          tpu.vector_store %arg7[%swap3A_739, %swap3A_740], %swap3A_743 {strides = array<i32>} : memref<64x768xf32, #tpu.memory_space<vmem>>, vector<1x16xf32>,
          %get3A_744 = arith.constant 9 : i32
          %get3A_745 = arith.index_cast %get3A_744 : i32 to index
          %get3A_746 = arith.index_cast %mul3A_212 : i32 to index
          %get3A_747 = tpu.vector_load %arg5[%get3A_745, %get3A_746] {strides = array<i32>} : memref<16x768xf32, #tpu.memory_space<vmem>>, vector<1x16xf32>,
          %get3A_748 = vector.shape_cast %get3A_747 : vector<1x16xf32> to vector<16xf32>
          %add3A_749 = arith.constant 2 : i32
          %add3A_750 = arith.addi %add3A_128, %add3A_749 : i32
          %add3A_751 = arith.constant 7 : i32
          %add3A_752 = arith.addi %add3A_750, %add3A_751 : i32
          %lt3A_753 = arith.cmpi slt, %add3A_752, %mul3A_148 : i32
          %jit3A_754 = arith.constant 5.000000e-01 : f32
          %jit3A_755 = arith.constant 0.000000e+00 : f32
          %select_n3A_756 = arith.select %lt3A_753, %jit3A_754, %jit3A_755 : f32
          %mul3A_757 = arith.constant 5.000000e-01 : f32
          %mul3A_758 = vector.broadcast %mul3A_757 : f32 to vector<16xf32>
          %mul3A_759 = arith.mulf %get3A_587, %mul3A_758 : vector<16xf32>
          %mul3A_760 = vector.broadcast %select_n3A_756 : f32 to vector<16xf32>
          %mul3A_761 = arith.mulf %get3A_748, %mul3A_760 : vector<16xf32>
          %add3A_762 = arith.addf %mul3A_759, %mul3A_761 : vector<16xf32>
          %swap3A_763 = arith.constant 23 : i32
          %swap3A_764 = arith.index_cast %swap3A_763 : i32 to index
          %swap3A_765 = arith.index_cast %mul3A_212 : i32 to index
          %swap3A_766 = tpu.vector_load %arg7[%swap3A_764, %swap3A_765] {strides = array<i32>} : memref<64x768xf32, #tpu.memory_space<vmem>>, vector<1x16xf32>,
          %swap3A_767 = vector.shape_cast %swap3A_766 : vector<1x16xf32> to vector<16xf32>
          %swap3A_768 = vector.shape_cast %add3A_762 : vector<16xf32> to vector<1x16xf32>
          tpu.vector_store %arg7[%swap3A_764, %swap3A_765], %swap3A_768 {strides = array<i32>} : memref<64x768xf32, #tpu.memory_space<vmem>>, vector<1x16xf32>,
          %get3A_769 = arith.constant 3 : i32
          %get3A_770 = arith.index_cast %get3A_769 : i32 to index
          %get3A_771 = arith.index_cast %mul3A_212 : i32 to index
          %get3A_772 = tpu.vector_load %arg5[%get3A_770, %get3A_771] {strides = array<i32>} : memref<16x768xf32, #tpu.memory_space<vmem>>, vector<1x16xf32>,
          %get3A_773 = vector.shape_cast %get3A_772 : vector<1x16xf32> to vector<16xf32>
          %swap3A_774 = arith.constant 24 : i32
          %swap3A_775 = arith.index_cast %swap3A_774 : i32 to index
          %swap3A_776 = arith.index_cast %mul3A_212 : i32 to index
          %swap3A_777 = tpu.vector_load %arg7[%swap3A_775, %swap3A_776] {strides = array<i32>} : memref<64x768xf32, #tpu.memory_space<vmem>>, vector<1x16xf32>,
          %swap3A_778 = vector.shape_cast %swap3A_777 : vector<1x16xf32> to vector<16xf32>
          %swap3A_779 = vector.shape_cast %get3A_773 : vector<16xf32> to vector<1x16xf32>
          tpu.vector_store %arg7[%swap3A_775, %swap3A_776], %swap3A_779 {strides = array<i32>} : memref<64x768xf32, #tpu.memory_space<vmem>>, vector<1x16xf32>,
          %get3A_780 = arith.constant 4 : i32
          %get3A_781 = arith.index_cast %get3A_780 : i32 to index
          %get3A_782 = arith.index_cast %mul3A_212 : i32 to index
          %get3A_783 = tpu.vector_load %arg5[%get3A_781, %get3A_782] {strides = array<i32>} : memref<16x768xf32, #tpu.memory_space<vmem>>, vector<1x16xf32>,
          %get3A_784 = vector.shape_cast %get3A_783 : vector<1x16xf32> to vector<16xf32>
          %add3A_785 = arith.constant 3 : i32
          %add3A_786 = arith.addi %add3A_128, %add3A_785 : i32
          %add3A_787 = arith.constant 1 : i32
          %add3A_788 = arith.addi %add3A_786, %add3A_787 : i32
          %lt3A_789 = arith.cmpi slt, %add3A_788, %mul3A_148 : i32
          %jit3A_790 = arith.constant 5.000000e-01 : f32
          %jit3A_791 = arith.constant 0.000000e+00 : f32
          %select_n3A_792 = arith.select %lt3A_789, %jit3A_790, %jit3A_791 : f32
          %mul3A_793 = arith.constant 5.000000e-01 : f32
          %mul3A_794 = vector.broadcast %mul3A_793 : f32 to vector<16xf32>
          %mul3A_795 = arith.mulf %get3A_773, %mul3A_794 : vector<16xf32>
          %mul3A_796 = vector.broadcast %select_n3A_792 : f32 to vector<16xf32>
          %mul3A_797 = arith.mulf %get3A_784, %mul3A_796 : vector<16xf32>
          %add3A_798 = arith.addf %mul3A_795, %mul3A_797 : vector<16xf32>
          %swap3A_799 = arith.constant 25 : i32
          %swap3A_800 = arith.index_cast %swap3A_799 : i32 to index
          %swap3A_801 = arith.index_cast %mul3A_212 : i32 to index
          %swap3A_802 = tpu.vector_load %arg7[%swap3A_800, %swap3A_801] {strides = array<i32>} : memref<64x768xf32, #tpu.memory_space<vmem>>, vector<1x16xf32>,
          %swap3A_803 = vector.shape_cast %swap3A_802 : vector<1x16xf32> to vector<16xf32>
          %swap3A_804 = vector.shape_cast %add3A_798 : vector<16xf32> to vector<1x16xf32>
          tpu.vector_store %arg7[%swap3A_800, %swap3A_801], %swap3A_804 {strides = array<i32>} : memref<64x768xf32, #tpu.memory_space<vmem>>, vector<1x16xf32>,
          %get3A_805 = arith.constant 5 : i32
          %get3A_806 = arith.index_cast %get3A_805 : i32 to index
          %get3A_807 = arith.index_cast %mul3A_212 : i32 to index
          %get3A_808 = tpu.vector_load %arg5[%get3A_806, %get3A_807] {strides = array<i32>} : memref<16x768xf32, #tpu.memory_space<vmem>>, vector<1x16xf32>,
          %get3A_809 = vector.shape_cast %get3A_808 : vector<1x16xf32> to vector<16xf32>
          %add3A_810 = arith.constant 3 : i32
          %add3A_811 = arith.addi %add3A_128, %add3A_810 : i32
          %add3A_812 = arith.constant 2 : i32
          %add3A_813 = arith.addi %add3A_811, %add3A_812 : i32
          %lt3A_814 = arith.cmpi slt, %add3A_813, %mul3A_148 : i32
          %jit3A_815 = arith.constant 5.000000e-01 : f32
          %jit3A_816 = arith.constant 0.000000e+00 : f32
          %select_n3A_817 = arith.select %lt3A_814, %jit3A_815, %jit3A_816 : f32
          %mul3A_818 = arith.constant 5.000000e-01 : f32
          %mul3A_819 = vector.broadcast %mul3A_818 : f32 to vector<16xf32>
          %mul3A_820 = arith.mulf %get3A_773, %mul3A_819 : vector<16xf32>
          %mul3A_821 = vector.broadcast %select_n3A_817 : f32 to vector<16xf32>
          %mul3A_822 = arith.mulf %get3A_809, %mul3A_821 : vector<16xf32>
          %add3A_823 = arith.addf %mul3A_820, %mul3A_822 : vector<16xf32>
          %swap3A_824 = arith.constant 26 : i32
          %swap3A_825 = arith.index_cast %swap3A_824 : i32 to index
          %swap3A_826 = arith.index_cast %mul3A_212 : i32 to index
          %swap3A_827 = tpu.vector_load %arg7[%swap3A_825, %swap3A_826] {strides = array<i32>} : memref<64x768xf32, #tpu.memory_space<vmem>>, vector<1x16xf32>,
          %swap3A_828 = vector.shape_cast %swap3A_827 : vector<1x16xf32> to vector<16xf32>
          %swap3A_829 = vector.shape_cast %add3A_823 : vector<16xf32> to vector<1x16xf32>
          tpu.vector_store %arg7[%swap3A_825, %swap3A_826], %swap3A_829 {strides = array<i32>} : memref<64x768xf32, #tpu.memory_space<vmem>>, vector<1x16xf32>,
          %get3A_830 = arith.constant 6 : i32
          %get3A_831 = arith.index_cast %get3A_830 : i32 to index
          %get3A_832 = arith.index_cast %mul3A_212 : i32 to index
          %get3A_833 = tpu.vector_load %arg5[%get3A_831, %get3A_832] {strides = array<i32>} : memref<16x768xf32, #tpu.memory_space<vmem>>, vector<1x16xf32>,
          %get3A_834 = vector.shape_cast %get3A_833 : vector<1x16xf32> to vector<16xf32>
          %add3A_835 = arith.constant 3 : i32
          %add3A_836 = arith.addi %add3A_128, %add3A_835 : i32
          %add3A_837 = arith.constant 3 : i32
          %add3A_838 = arith.addi %add3A_836, %add3A_837 : i32
          %lt3A_839 = arith.cmpi slt, %add3A_838, %mul3A_148 : i32
          %jit3A_840 = arith.constant 5.000000e-01 : f32
          %jit3A_841 = arith.constant 0.000000e+00 : f32
          %select_n3A_842 = arith.select %lt3A_839, %jit3A_840, %jit3A_841 : f32
          %mul3A_843 = arith.constant 5.000000e-01 : f32
          %mul3A_844 = vector.broadcast %mul3A_843 : f32 to vector<16xf32>
          %mul3A_845 = arith.mulf %get3A_773, %mul3A_844 : vector<16xf32>
          %mul3A_846 = vector.broadcast %select_n3A_842 : f32 to vector<16xf32>
          %mul3A_847 = arith.mulf %get3A_834, %mul3A_846 : vector<16xf32>
          %add3A_848 = arith.addf %mul3A_845, %mul3A_847 : vector<16xf32>
          %swap3A_849 = arith.constant 27 : i32
          %swap3A_850 = arith.index_cast %swap3A_849 : i32 to index
          %swap3A_851 = arith.index_cast %mul3A_212 : i32 to index
          %swap3A_852 = tpu.vector_load %arg7[%swap3A_850, %swap3A_851] {strides = array<i32>} : memref<64x768xf32, #tpu.memory_space<vmem>>, vector<1x16xf32>,
          %swap3A_853 = vector.shape_cast %swap3A_852 : vector<1x16xf32> to vector<16xf32>
          %swap3A_854 = vector.shape_cast %add3A_848 : vector<16xf32> to vector<1x16xf32>
          tpu.vector_store %arg7[%swap3A_850, %swap3A_851], %swap3A_854 {strides = array<i32>} : memref<64x768xf32, #tpu.memory_space<vmem>>, vector<1x16xf32>,
          %get3A_855 = arith.constant 7 : i32
          %get3A_856 = arith.index_cast %get3A_855 : i32 to index
          %get3A_857 = arith.index_cast %mul3A_212 : i32 to index
          %get3A_858 = tpu.vector_load %arg5[%get3A_856, %get3A_857] {strides = array<i32>} : memref<16x768xf32, #tpu.memory_space<vmem>>, vector<1x16xf32>,
          %get3A_859 = vector.shape_cast %get3A_858 : vector<1x16xf32> to vector<16xf32>
          %add3A_860 = arith.constant 3 : i32
          %add3A_861 = arith.addi %add3A_128, %add3A_860 : i32
          %add3A_862 = arith.constant 4 : i32
          %add3A_863 = arith.addi %add3A_861, %add3A_862 : i32
          %lt3A_864 = arith.cmpi slt, %add3A_863, %mul3A_148 : i32
          %jit3A_865 = arith.constant 5.000000e-01 : f32
          %jit3A_866 = arith.constant 0.000000e+00 : f32
          %select_n3A_867 = arith.select %lt3A_864, %jit3A_865, %jit3A_866 : f32
          %mul3A_868 = arith.constant 5.000000e-01 : f32
          %mul3A_869 = vector.broadcast %mul3A_868 : f32 to vector<16xf32>
          %mul3A_870 = arith.mulf %get3A_773, %mul3A_869 : vector<16xf32>
          %mul3A_871 = vector.broadcast %select_n3A_867 : f32 to vector<16xf32>
          %mul3A_872 = arith.mulf %get3A_859, %mul3A_871 : vector<16xf32>
          %add3A_873 = arith.addf %mul3A_870, %mul3A_872 : vector<16xf32>
          %swap3A_874 = arith.constant 28 : i32
          %swap3A_875 = arith.index_cast %swap3A_874 : i32 to index
          %swap3A_876 = arith.index_cast %mul3A_212 : i32 to index
          %swap3A_877 = tpu.vector_load %arg7[%swap3A_875, %swap3A_876] {strides = array<i32>} : memref<64x768xf32, #tpu.memory_space<vmem>>, vector<1x16xf32>,
          %swap3A_878 = vector.shape_cast %swap3A_877 : vector<1x16xf32> to vector<16xf32>
          %swap3A_879 = vector.shape_cast %add3A_873 : vector<16xf32> to vector<1x16xf32>
          tpu.vector_store %arg7[%swap3A_875, %swap3A_876], %swap3A_879 {strides = array<i32>} : memref<64x768xf32, #tpu.memory_space<vmem>>, vector<1x16xf32>,
          %get3A_880 = arith.constant 8 : i32
          %get3A_881 = arith.index_cast %get3A_880 : i32 to index
          %get3A_882 = arith.index_cast %mul3A_212 : i32 to index
          %get3A_883 = tpu.vector_load %arg5[%get3A_881, %get3A_882] {strides = array<i32>} : memref<16x768xf32, #tpu.memory_space<vmem>>, vector<1x16xf32>,
          %get3A_884 = vector.shape_cast %get3A_883 : vector<1x16xf32> to vector<16xf32>
          %add3A_885 = arith.constant 3 : i32
          %add3A_886 = arith.addi %add3A_128, %add3A_885 : i32
          %add3A_887 = arith.constant 5 : i32
          %add3A_888 = arith.addi %add3A_886, %add3A_887 : i32
          %lt3A_889 = arith.cmpi slt, %add3A_888, %mul3A_148 : i32
          %jit3A_890 = arith.constant 5.000000e-01 : f32
          %jit3A_891 = arith.constant 0.000000e+00 : f32
          %select_n3A_892 = arith.select %lt3A_889, %jit3A_890, %jit3A_891 : f32
          %mul3A_893 = arith.constant 5.000000e-01 : f32
          %mul3A_894 = vector.broadcast %mul3A_893 : f32 to vector<16xf32>
          %mul3A_895 = arith.mulf %get3A_773, %mul3A_894 : vector<16xf32>
          %mul3A_896 = vector.broadcast %select_n3A_892 : f32 to vector<16xf32>
          %mul3A_897 = arith.mulf %get3A_884, %mul3A_896 : vector<16xf32>
          %add3A_898 = arith.addf %mul3A_895, %mul3A_897 : vector<16xf32>
          %swap3A_899 = arith.constant 29 : i32
          %swap3A_900 = arith.index_cast %swap3A_899 : i32 to index
          %swap3A_901 = arith.index_cast %mul3A_212 : i32 to index
          %swap3A_902 = tpu.vector_load %arg7[%swap3A_900, %swap3A_901] {strides = array<i32>} : memref<64x768xf32, #tpu.memory_space<vmem>>, vector<1x16xf32>,
          %swap3A_903 = vector.shape_cast %swap3A_902 : vector<1x16xf32> to vector<16xf32>
          %swap3A_904 = vector.shape_cast %add3A_898 : vector<16xf32> to vector<1x16xf32>
          tpu.vector_store %arg7[%swap3A_900, %swap3A_901], %swap3A_904 {strides = array<i32>} : memref<64x768xf32, #tpu.memory_space<vmem>>, vector<1x16xf32>,
          %get3A_905 = arith.constant 9 : i32
          %get3A_906 = arith.index_cast %get3A_905 : i32 to index
          %get3A_907 = arith.index_cast %mul3A_212 : i32 to index
          %get3A_908 = tpu.vector_load %arg5[%get3A_906, %get3A_907] {strides = array<i32>} : memref<16x768xf32, #tpu.memory_space<vmem>>, vector<1x16xf32>,
          %get3A_909 = vector.shape_cast %get3A_908 : vector<1x16xf32> to vector<16xf32>
          %add3A_910 = arith.constant 3 : i32
          %add3A_911 = arith.addi %add3A_128, %add3A_910 : i32
          %add3A_912 = arith.constant 6 : i32
          %add3A_913 = arith.addi %add3A_911, %add3A_912 : i32
          %lt3A_914 = arith.cmpi slt, %add3A_913, %mul3A_148 : i32
          %jit3A_915 = arith.constant 5.000000e-01 : f32
          %jit3A_916 = arith.constant 0.000000e+00 : f32
          %select_n3A_917 = arith.select %lt3A_914, %jit3A_915, %jit3A_916 : f32
          %mul3A_918 = arith.constant 5.000000e-01 : f32
          %mul3A_919 = vector.broadcast %mul3A_918 : f32 to vector<16xf32>
          %mul3A_920 = arith.mulf %get3A_773, %mul3A_919 : vector<16xf32>
          %mul3A_921 = vector.broadcast %select_n3A_917 : f32 to vector<16xf32>
          %mul3A_922 = arith.mulf %get3A_909, %mul3A_921 : vector<16xf32>
          %add3A_923 = arith.addf %mul3A_920, %mul3A_922 : vector<16xf32>
          %swap3A_924 = arith.constant 30 : i32
          %swap3A_925 = arith.index_cast %swap3A_924 : i32 to index
          %swap3A_926 = arith.index_cast %mul3A_212 : i32 to index
          %swap3A_927 = tpu.vector_load %arg7[%swap3A_925, %swap3A_926] {strides = array<i32>} : memref<64x768xf32, #tpu.memory_space<vmem>>, vector<1x16xf32>,
          %swap3A_928 = vector.shape_cast %swap3A_927 : vector<1x16xf32> to vector<16xf32>
          %swap3A_929 = vector.shape_cast %add3A_923 : vector<16xf32> to vector<1x16xf32>
          tpu.vector_store %arg7[%swap3A_925, %swap3A_926], %swap3A_929 {strides = array<i32>} : memref<64x768xf32, #tpu.memory_space<vmem>>, vector<1x16xf32>,
          %get3A_930 = arith.constant 10 : i32
          %get3A_931 = arith.index_cast %get3A_930 : i32 to index
          %get3A_932 = arith.index_cast %mul3A_212 : i32 to index
          %get3A_933 = tpu.vector_load %arg5[%get3A_931, %get3A_932] {strides = array<i32>} : memref<16x768xf32, #tpu.memory_space<vmem>>, vector<1x16xf32>,
          %get3A_934 = vector.shape_cast %get3A_933 : vector<1x16xf32> to vector<16xf32>
          %add3A_935 = arith.constant 3 : i32
          %add3A_936 = arith.addi %add3A_128, %add3A_935 : i32
          %add3A_937 = arith.constant 7 : i32
          %add3A_938 = arith.addi %add3A_936, %add3A_937 : i32
          %lt3A_939 = arith.cmpi slt, %add3A_938, %mul3A_148 : i32
          %jit3A_940 = arith.constant 5.000000e-01 : f32
          %jit3A_941 = arith.constant 0.000000e+00 : f32
          %select_n3A_942 = arith.select %lt3A_939, %jit3A_940, %jit3A_941 : f32
          %mul3A_943 = arith.constant 5.000000e-01 : f32
          %mul3A_944 = vector.broadcast %mul3A_943 : f32 to vector<16xf32>
          %mul3A_945 = arith.mulf %get3A_773, %mul3A_944 : vector<16xf32>
          %mul3A_946 = vector.broadcast %select_n3A_942 : f32 to vector<16xf32>
          %mul3A_947 = arith.mulf %get3A_934, %mul3A_946 : vector<16xf32>
          %add3A_948 = arith.addf %mul3A_945, %mul3A_947 : vector<16xf32>
          %swap3A_949 = arith.constant 31 : i32
          %swap3A_950 = arith.index_cast %swap3A_949 : i32 to index
          %swap3A_951 = arith.index_cast %mul3A_212 : i32 to index
          %swap3A_952 = tpu.vector_load %arg7[%swap3A_950, %swap3A_951] {strides = array<i32>} : memref<64x768xf32, #tpu.memory_space<vmem>>, vector<1x16xf32>,
          %swap3A_953 = vector.shape_cast %swap3A_952 : vector<1x16xf32> to vector<16xf32>
          %swap3A_954 = vector.shape_cast %add3A_948 : vector<16xf32> to vector<1x16xf32>
          tpu.vector_store %arg7[%swap3A_950, %swap3A_951], %swap3A_954 {strides = array<i32>} : memref<64x768xf32, #tpu.memory_space<vmem>>, vector<1x16xf32>,
          %get3A_955 = arith.constant 4 : i32
          %get3A_956 = arith.index_cast %get3A_955 : i32 to index
          %get3A_957 = arith.index_cast %mul3A_212 : i32 to index
          %get3A_958 = tpu.vector_load %arg5[%get3A_956, %get3A_957] {strides = array<i32>} : memref<16x768xf32, #tpu.memory_space<vmem>>, vector<1x16xf32>,
          %get3A_959 = vector.shape_cast %get3A_958 : vector<1x16xf32> to vector<16xf32>
          %swap3A_960 = arith.constant 32 : i32
          %swap3A_961 = arith.index_cast %swap3A_960 : i32 to index
          %swap3A_962 = arith.index_cast %mul3A_212 : i32 to index
          %swap3A_963 = tpu.vector_load %arg7[%swap3A_961, %swap3A_962] {strides = array<i32>} : memref<64x768xf32, #tpu.memory_space<vmem>>, vector<1x16xf32>,
          %swap3A_964 = vector.shape_cast %swap3A_963 : vector<1x16xf32> to vector<16xf32>
          %swap3A_965 = vector.shape_cast %get3A_959 : vector<16xf32> to vector<1x16xf32>
          tpu.vector_store %arg7[%swap3A_961, %swap3A_962], %swap3A_965 {strides = array<i32>} : memref<64x768xf32, #tpu.memory_space<vmem>>, vector<1x16xf32>,
          %get3A_966 = arith.constant 5 : i32
          %get3A_967 = arith.index_cast %get3A_966 : i32 to index
          %get3A_968 = arith.index_cast %mul3A_212 : i32 to index
          %get3A_969 = tpu.vector_load %arg5[%get3A_967, %get3A_968] {strides = array<i32>} : memref<16x768xf32, #tpu.memory_space<vmem>>, vector<1x16xf32>,
          %get3A_970 = vector.shape_cast %get3A_969 : vector<1x16xf32> to vector<16xf32>
          %add3A_971 = arith.constant 4 : i32
          %add3A_972 = arith.addi %add3A_128, %add3A_971 : i32
          %add3A_973 = arith.constant 1 : i32
          %add3A_974 = arith.addi %add3A_972, %add3A_973 : i32
          %lt3A_975 = arith.cmpi slt, %add3A_974, %mul3A_148 : i32
          %jit3A_976 = arith.constant 5.000000e-01 : f32
          %jit3A_977 = arith.constant 0.000000e+00 : f32
          %select_n3A_978 = arith.select %lt3A_975, %jit3A_976, %jit3A_977 : f32
          %mul3A_979 = arith.constant 5.000000e-01 : f32
          %mul3A_980 = vector.broadcast %mul3A_979 : f32 to vector<16xf32>
          %mul3A_981 = arith.mulf %get3A_959, %mul3A_980 : vector<16xf32>
          %mul3A_982 = vector.broadcast %select_n3A_978 : f32 to vector<16xf32>
          %mul3A_983 = arith.mulf %get3A_970, %mul3A_982 : vector<16xf32>
          %add3A_984 = arith.addf %mul3A_981, %mul3A_983 : vector<16xf32>
          %swap3A_985 = arith.constant 33 : i32
          %swap3A_986 = arith.index_cast %swap3A_985 : i32 to index
          %swap3A_987 = arith.index_cast %mul3A_212 : i32 to index
          %swap3A_988 = tpu.vector_load %arg7[%swap3A_986, %swap3A_987] {strides = array<i32>} : memref<64x768xf32, #tpu.memory_space<vmem>>, vector<1x16xf32>,
          %swap3A_989 = vector.shape_cast %swap3A_988 : vector<1x16xf32> to vector<16xf32>
          %swap3A_990 = vector.shape_cast %add3A_984 : vector<16xf32> to vector<1x16xf32>
          tpu.vector_store %arg7[%swap3A_986, %swap3A_987], %swap3A_990 {strides = array<i32>} : memref<64x768xf32, #tpu.memory_space<vmem>>, vector<1x16xf32>,
          %get3A_991 = arith.constant 6 : i32
          %get3A_992 = arith.index_cast %get3A_991 : i32 to index
          %get3A_993 = arith.index_cast %mul3A_212 : i32 to index
          %get3A_994 = tpu.vector_load %arg5[%get3A_992, %get3A_993] {strides = array<i32>} : memref<16x768xf32, #tpu.memory_space<vmem>>, vector<1x16xf32>,
          %get3A_995 = vector.shape_cast %get3A_994 : vector<1x16xf32> to vector<16xf32>
          %add3A_996 = arith.constant 4 : i32
          %add3A_997 = arith.addi %add3A_128, %add3A_996 : i32
          %add3A_998 = arith.constant 2 : i32
          %add3A_999 = arith.addi %add3A_997, %add3A_998 : i32
          %lt3A_1000 = arith.cmpi slt, %add3A_999, %mul3A_148 : i32
          %jit3A_1001 = arith.constant 5.000000e-01 : f32
          %jit3A_1002 = arith.constant 0.000000e+00 : f32
          %select_n3A_1003 = arith.select %lt3A_1000, %jit3A_1001, %jit3A_1002 : f32
          %mul3A_1004 = arith.constant 5.000000e-01 : f32
          %mul3A_1005 = vector.broadcast %mul3A_1004 : f32 to vector<16xf32>
          %mul3A_1006 = arith.mulf %get3A_959, %mul3A_1005 : vector<16xf32>
          %mul3A_1007 = vector.broadcast %select_n3A_1003 : f32 to vector<16xf32>
          %mul3A_1008 = arith.mulf %get3A_995, %mul3A_1007 : vector<16xf32>
          %add3A_1009 = arith.addf %mul3A_1006, %mul3A_1008 : vector<16xf32>
          %swap3A_1010 = arith.constant 34 : i32
          %swap3A_1011 = arith.index_cast %swap3A_1010 : i32 to index
          %swap3A_1012 = arith.index_cast %mul3A_212 : i32 to index
          %swap3A_1013 = tpu.vector_load %arg7[%swap3A_1011, %swap3A_1012] {strides = array<i32>} : memref<64x768xf32, #tpu.memory_space<vmem>>, vector<1x16xf32>,
          %swap3A_1014 = vector.shape_cast %swap3A_1013 : vector<1x16xf32> to vector<16xf32>
          %swap3A_1015 = vector.shape_cast %add3A_1009 : vector<16xf32> to vector<1x16xf32>
          tpu.vector_store %arg7[%swap3A_1011, %swap3A_1012], %swap3A_1015 {strides = array<i32>} : memref<64x768xf32, #tpu.memory_space<vmem>>, vector<1x16xf32>,
          %get3A_1016 = arith.constant 7 : i32
          %get3A_1017 = arith.index_cast %get3A_1016 : i32 to index
          %get3A_1018 = arith.index_cast %mul3A_212 : i32 to index
          %get3A_1019 = tpu.vector_load %arg5[%get3A_1017, %get3A_1018] {strides = array<i32>} : memref<16x768xf32, #tpu.memory_space<vmem>>, vector<1x16xf32>,
          %get3A_1020 = vector.shape_cast %get3A_1019 : vector<1x16xf32> to vector<16xf32>
          %add3A_1021 = arith.constant 4 : i32
          %add3A_1022 = arith.addi %add3A_128, %add3A_1021 : i32
          %add3A_1023 = arith.constant 3 : i32
          %add3A_1024 = arith.addi %add3A_1022, %add3A_1023 : i32
          %lt3A_1025 = arith.cmpi slt, %add3A_1024, %mul3A_148 : i32
          %jit3A_1026 = arith.constant 5.000000e-01 : f32
          %jit3A_1027 = arith.constant 0.000000e+00 : f32
          %select_n3A_1028 = arith.select %lt3A_1025, %jit3A_1026, %jit3A_1027 : f32
          %mul3A_1029 = arith.constant 5.000000e-01 : f32
          %mul3A_1030 = vector.broadcast %mul3A_1029 : f32 to vector<16xf32>
          %mul3A_1031 = arith.mulf %get3A_959, %mul3A_1030 : vector<16xf32>
          %mul3A_1032 = vector.broadcast %select_n3A_1028 : f32 to vector<16xf32>
          %mul3A_1033 = arith.mulf %get3A_1020, %mul3A_1032 : vector<16xf32>
          %add3A_1034 = arith.addf %mul3A_1031, %mul3A_1033 : vector<16xf32>
          %swap3A_1035 = arith.constant 35 : i32
          %swap3A_1036 = arith.index_cast %swap3A_1035 : i32 to index
          %swap3A_1037 = arith.index_cast %mul3A_212 : i32 to index
          %swap3A_1038 = tpu.vector_load %arg7[%swap3A_1036, %swap3A_1037] {strides = array<i32>} : memref<64x768xf32, #tpu.memory_space<vmem>>, vector<1x16xf32>,
          %swap3A_1039 = vector.shape_cast %swap3A_1038 : vector<1x16xf32> to vector<16xf32>
          %swap3A_1040 = vector.shape_cast %add3A_1034 : vector<16xf32> to vector<1x16xf32>
          tpu.vector_store %arg7[%swap3A_1036, %swap3A_1037], %swap3A_1040 {strides = array<i32>} : memref<64x768xf32, #tpu.memory_space<vmem>>, vector<1x16xf32>,
          %get3A_1041 = arith.constant 8 : i32
          %get3A_1042 = arith.index_cast %get3A_1041 : i32 to index
          %get3A_1043 = arith.index_cast %mul3A_212 : i32 to index
          %get3A_1044 = tpu.vector_load %arg5[%get3A_1042, %get3A_1043] {strides = array<i32>} : memref<16x768xf32, #tpu.memory_space<vmem>>, vector<1x16xf32>,
          %get3A_1045 = vector.shape_cast %get3A_1044 : vector<1x16xf32> to vector<16xf32>
          %add3A_1046 = arith.constant 4 : i32
          %add3A_1047 = arith.addi %add3A_128, %add3A_1046 : i32
          %add3A_1048 = arith.constant 4 : i32
          %add3A_1049 = arith.addi %add3A_1047, %add3A_1048 : i32
          %lt3A_1050 = arith.cmpi slt, %add3A_1049, %mul3A_148 : i32
          %jit3A_1051 = arith.constant 5.000000e-01 : f32
          %jit3A_1052 = arith.constant 0.000000e+00 : f32
          %select_n3A_1053 = arith.select %lt3A_1050, %jit3A_1051, %jit3A_1052 : f32
          %mul3A_1054 = arith.constant 5.000000e-01 : f32
          %mul3A_1055 = vector.broadcast %mul3A_1054 : f32 to vector<16xf32>
          %mul3A_1056 = arith.mulf %get3A_959, %mul3A_1055 : vector<16xf32>
          %mul3A_1057 = vector.broadcast %select_n3A_1053 : f32 to vector<16xf32>
          %mul3A_1058 = arith.mulf %get3A_1045, %mul3A_1057 : vector<16xf32>
          %add3A_1059 = arith.addf %mul3A_1056, %mul3A_1058 : vector<16xf32>
          %swap3A_1060 = arith.constant 36 : i32
          %swap3A_1061 = arith.index_cast %swap3A_1060 : i32 to index
          %swap3A_1062 = arith.index_cast %mul3A_212 : i32 to index
          %swap3A_1063 = tpu.vector_load %arg7[%swap3A_1061, %swap3A_1062] {strides = array<i32>} : memref<64x768xf32, #tpu.memory_space<vmem>>, vector<1x16xf32>,
          %swap3A_1064 = vector.shape_cast %swap3A_1063 : vector<1x16xf32> to vector<16xf32>
          %swap3A_1065 = vector.shape_cast %add3A_1059 : vector<16xf32> to vector<1x16xf32>
          tpu.vector_store %arg7[%swap3A_1061, %swap3A_1062], %swap3A_1065 {strides = array<i32>} : memref<64x768xf32, #tpu.memory_space<vmem>>, vector<1x16xf32>,
          %get3A_1066 = arith.constant 9 : i32
          %get3A_1067 = arith.index_cast %get3A_1066 : i32 to index
          %get3A_1068 = arith.index_cast %mul3A_212 : i32 to index
          %get3A_1069 = tpu.vector_load %arg5[%get3A_1067, %get3A_1068] {strides = array<i32>} : memref<16x768xf32, #tpu.memory_space<vmem>>, vector<1x16xf32>,
          %get3A_1070 = vector.shape_cast %get3A_1069 : vector<1x16xf32> to vector<16xf32>
          %add3A_1071 = arith.constant 4 : i32
          %add3A_1072 = arith.addi %add3A_128, %add3A_1071 : i32
          %add3A_1073 = arith.constant 5 : i32
          %add3A_1074 = arith.addi %add3A_1072, %add3A_1073 : i32
          %lt3A_1075 = arith.cmpi slt, %add3A_1074, %mul3A_148 : i32
          %jit3A_1076 = arith.constant 5.000000e-01 : f32
          %jit3A_1077 = arith.constant 0.000000e+00 : f32
          %select_n3A_1078 = arith.select %lt3A_1075, %jit3A_1076, %jit3A_1077 : f32
          %mul3A_1079 = arith.constant 5.000000e-01 : f32
          %mul3A_1080 = vector.broadcast %mul3A_1079 : f32 to vector<16xf32>
          %mul3A_1081 = arith.mulf %get3A_959, %mul3A_1080 : vector<16xf32>
          %mul3A_1082 = vector.broadcast %select_n3A_1078 : f32 to vector<16xf32>
          %mul3A_1083 = arith.mulf %get3A_1070, %mul3A_1082 : vector<16xf32>
          %add3A_1084 = arith.addf %mul3A_1081, %mul3A_1083 : vector<16xf32>
          %swap3A_1085 = arith.constant 37 : i32
          %swap3A_1086 = arith.index_cast %swap3A_1085 : i32 to index
          %swap3A_1087 = arith.index_cast %mul3A_212 : i32 to index
          %swap3A_1088 = tpu.vector_load %arg7[%swap3A_1086, %swap3A_1087] {strides = array<i32>} : memref<64x768xf32, #tpu.memory_space<vmem>>, vector<1x16xf32>,
          %swap3A_1089 = vector.shape_cast %swap3A_1088 : vector<1x16xf32> to vector<16xf32>
          %swap3A_1090 = vector.shape_cast %add3A_1084 : vector<16xf32> to vector<1x16xf32>
          tpu.vector_store %arg7[%swap3A_1086, %swap3A_1087], %swap3A_1090 {strides = array<i32>} : memref<64x768xf32, #tpu.memory_space<vmem>>, vector<1x16xf32>,
          %get3A_1091 = arith.constant 10 : i32
          %get3A_1092 = arith.index_cast %get3A_1091 : i32 to index
          %get3A_1093 = arith.index_cast %mul3A_212 : i32 to index
          %get3A_1094 = tpu.vector_load %arg5[%get3A_1092, %get3A_1093] {strides = array<i32>} : memref<16x768xf32, #tpu.memory_space<vmem>>, vector<1x16xf32>,
          %get3A_1095 = vector.shape_cast %get3A_1094 : vector<1x16xf32> to vector<16xf32>
          %add3A_1096 = arith.constant 4 : i32
          %add3A_1097 = arith.addi %add3A_128, %add3A_1096 : i32
          %add3A_1098 = arith.constant 6 : i32
          %add3A_1099 = arith.addi %add3A_1097, %add3A_1098 : i32
          %lt3A_1100 = arith.cmpi slt, %add3A_1099, %mul3A_148 : i32
          %jit3A_1101 = arith.constant 5.000000e-01 : f32
          %jit3A_1102 = arith.constant 0.000000e+00 : f32
          %select_n3A_1103 = arith.select %lt3A_1100, %jit3A_1101, %jit3A_1102 : f32
          %mul3A_1104 = arith.constant 5.000000e-01 : f32
          %mul3A_1105 = vector.broadcast %mul3A_1104 : f32 to vector<16xf32>
          %mul3A_1106 = arith.mulf %get3A_959, %mul3A_1105 : vector<16xf32>
          %mul3A_1107 = vector.broadcast %select_n3A_1103 : f32 to vector<16xf32>
          %mul3A_1108 = arith.mulf %get3A_1095, %mul3A_1107 : vector<16xf32>
          %add3A_1109 = arith.addf %mul3A_1106, %mul3A_1108 : vector<16xf32>
          %swap3A_1110 = arith.constant 38 : i32
          %swap3A_1111 = arith.index_cast %swap3A_1110 : i32 to index
          %swap3A_1112 = arith.index_cast %mul3A_212 : i32 to index
          %swap3A_1113 = tpu.vector_load %arg7[%swap3A_1111, %swap3A_1112] {strides = array<i32>} : memref<64x768xf32, #tpu.memory_space<vmem>>, vector<1x16xf32>,
          %swap3A_1114 = vector.shape_cast %swap3A_1113 : vector<1x16xf32> to vector<16xf32>
          %swap3A_1115 = vector.shape_cast %add3A_1109 : vector<16xf32> to vector<1x16xf32>
          tpu.vector_store %arg7[%swap3A_1111, %swap3A_1112], %swap3A_1115 {strides = array<i32>} : memref<64x768xf32, #tpu.memory_space<vmem>>, vector<1x16xf32>,
          %get3A_1116 = arith.constant 11 : i32
          %get3A_1117 = arith.index_cast %get3A_1116 : i32 to index
          %get3A_1118 = arith.index_cast %mul3A_212 : i32 to index
          %get3A_1119 = tpu.vector_load %arg5[%get3A_1117, %get3A_1118] {strides = array<i32>} : memref<16x768xf32, #tpu.memory_space<vmem>>, vector<1x16xf32>,
          %get3A_1120 = vector.shape_cast %get3A_1119 : vector<1x16xf32> to vector<16xf32>
          %add3A_1121 = arith.constant 4 : i32
          %add3A_1122 = arith.addi %add3A_128, %add3A_1121 : i32
          %add3A_1123 = arith.constant 7 : i32
          %add3A_1124 = arith.addi %add3A_1122, %add3A_1123 : i32
          %lt3A_1125 = arith.cmpi slt, %add3A_1124, %mul3A_148 : i32
          %jit3A_1126 = arith.constant 5.000000e-01 : f32
          %jit3A_1127 = arith.constant 0.000000e+00 : f32
          %select_n3A_1128 = arith.select %lt3A_1125, %jit3A_1126, %jit3A_1127 : f32
          %mul3A_1129 = arith.constant 5.000000e-01 : f32
          %mul3A_1130 = vector.broadcast %mul3A_1129 : f32 to vector<16xf32>
          %mul3A_1131 = arith.mulf %get3A_959, %mul3A_1130 : vector<16xf32>
          %mul3A_1132 = vector.broadcast %select_n3A_1128 : f32 to vector<16xf32>
          %mul3A_1133 = arith.mulf %get3A_1120, %mul3A_1132 : vector<16xf32>
          %add3A_1134 = arith.addf %mul3A_1131, %mul3A_1133 : vector<16xf32>
          %swap3A_1135 = arith.constant 39 : i32
          %swap3A_1136 = arith.index_cast %swap3A_1135 : i32 to index
          %swap3A_1137 = arith.index_cast %mul3A_212 : i32 to index
          %swap3A_1138 = tpu.vector_load %arg7[%swap3A_1136, %swap3A_1137] {strides = array<i32>} : memref<64x768xf32, #tpu.memory_space<vmem>>, vector<1x16xf32>,
          %swap3A_1139 = vector.shape_cast %swap3A_1138 : vector<1x16xf32> to vector<16xf32>
          %swap3A_1140 = vector.shape_cast %add3A_1134 : vector<16xf32> to vector<1x16xf32>
          tpu.vector_store %arg7[%swap3A_1136, %swap3A_1137], %swap3A_1140 {strides = array<i32>} : memref<64x768xf32, #tpu.memory_space<vmem>>, vector<1x16xf32>,
          %get3A_1141 = arith.constant 5 : i32
          %get3A_1142 = arith.index_cast %get3A_1141 : i32 to index
          %get3A_1143 = arith.index_cast %mul3A_212 : i32 to index
          %get3A_1144 = tpu.vector_load %arg5[%get3A_1142, %get3A_1143] {strides = array<i32>} : memref<16x768xf32, #tpu.memory_space<vmem>>, vector<1x16xf32>,
          %get3A_1145 = vector.shape_cast %get3A_1144 : vector<1x16xf32> to vector<16xf32>
          %swap3A_1146 = arith.constant 40 : i32
          %swap3A_1147 = arith.index_cast %swap3A_1146 : i32 to index
          %swap3A_1148 = arith.index_cast %mul3A_212 : i32 to index
          %swap3A_1149 = tpu.vector_load %arg7[%swap3A_1147, %swap3A_1148] {strides = array<i32>} : memref<64x768xf32, #tpu.memory_space<vmem>>, vector<1x16xf32>,
          %swap3A_1150 = vector.shape_cast %swap3A_1149 : vector<1x16xf32> to vector<16xf32>
          %swap3A_1151 = vector.shape_cast %get3A_1145 : vector<16xf32> to vector<1x16xf32>
          tpu.vector_store %arg7[%swap3A_1147, %swap3A_1148], %swap3A_1151 {strides = array<i32>} : memref<64x768xf32, #tpu.memory_space<vmem>>, vector<1x16xf32>,
          %get3A_1152 = arith.constant 6 : i32
          %get3A_1153 = arith.index_cast %get3A_1152 : i32 to index
          %get3A_1154 = arith.index_cast %mul3A_212 : i32 to index
          %get3A_1155 = tpu.vector_load %arg5[%get3A_1153, %get3A_1154] {strides = array<i32>} : memref<16x768xf32, #tpu.memory_space<vmem>>, vector<1x16xf32>,
          %get3A_1156 = vector.shape_cast %get3A_1155 : vector<1x16xf32> to vector<16xf32>
          %add3A_1157 = arith.constant 5 : i32
          %add3A_1158 = arith.addi %add3A_128, %add3A_1157 : i32
          %add3A_1159 = arith.constant 1 : i32
          %add3A_1160 = arith.addi %add3A_1158, %add3A_1159 : i32
          %lt3A_1161 = arith.cmpi slt, %add3A_1160, %mul3A_148 : i32
          %jit3A_1162 = arith.constant 5.000000e-01 : f32
          %jit3A_1163 = arith.constant 0.000000e+00 : f32
          %select_n3A_1164 = arith.select %lt3A_1161, %jit3A_1162, %jit3A_1163 : f32
          %mul3A_1165 = arith.constant 5.000000e-01 : f32
          %mul3A_1166 = vector.broadcast %mul3A_1165 : f32 to vector<16xf32>
          %mul3A_1167 = arith.mulf %get3A_1145, %mul3A_1166 : vector<16xf32>
          %mul3A_1168 = vector.broadcast %select_n3A_1164 : f32 to vector<16xf32>
          %mul3A_1169 = arith.mulf %get3A_1156, %mul3A_1168 : vector<16xf32>
          %add3A_1170 = arith.addf %mul3A_1167, %mul3A_1169 : vector<16xf32>
          %swap3A_1171 = arith.constant 41 : i32
          %swap3A_1172 = arith.index_cast %swap3A_1171 : i32 to index
          %swap3A_1173 = arith.index_cast %mul3A_212 : i32 to index
          %swap3A_1174 = tpu.vector_load %arg7[%swap3A_1172, %swap3A_1173] {strides = array<i32>} : memref<64x768xf32, #tpu.memory_space<vmem>>, vector<1x16xf32>,
          %swap3A_1175 = vector.shape_cast %swap3A_1174 : vector<1x16xf32> to vector<16xf32>
          %swap3A_1176 = vector.shape_cast %add3A_1170 : vector<16xf32> to vector<1x16xf32>
          tpu.vector_store %arg7[%swap3A_1172, %swap3A_1173], %swap3A_1176 {strides = array<i32>} : memref<64x768xf32, #tpu.memory_space<vmem>>, vector<1x16xf32>,
          %get3A_1177 = arith.constant 7 : i32
          %get3A_1178 = arith.index_cast %get3A_1177 : i32 to index
          %get3A_1179 = arith.index_cast %mul3A_212 : i32 to index
          %get3A_1180 = tpu.vector_load %arg5[%get3A_1178, %get3A_1179] {strides = array<i32>} : memref<16x768xf32, #tpu.memory_space<vmem>>, vector<1x16xf32>,
          %get3A_1181 = vector.shape_cast %get3A_1180 : vector<1x16xf32> to vector<16xf32>
          %add3A_1182 = arith.constant 5 : i32
          %add3A_1183 = arith.addi %add3A_128, %add3A_1182 : i32
          %add3A_1184 = arith.constant 2 : i32
          %add3A_1185 = arith.addi %add3A_1183, %add3A_1184 : i32
          %lt3A_1186 = arith.cmpi slt, %add3A_1185, %mul3A_148 : i32
          %jit3A_1187 = arith.constant 5.000000e-01 : f32
          %jit3A_1188 = arith.constant 0.000000e+00 : f32
          %select_n3A_1189 = arith.select %lt3A_1186, %jit3A_1187, %jit3A_1188 : f32
          %mul3A_1190 = arith.constant 5.000000e-01 : f32
          %mul3A_1191 = vector.broadcast %mul3A_1190 : f32 to vector<16xf32>
          %mul3A_1192 = arith.mulf %get3A_1145, %mul3A_1191 : vector<16xf32>
          %mul3A_1193 = vector.broadcast %select_n3A_1189 : f32 to vector<16xf32>
          %mul3A_1194 = arith.mulf %get3A_1181, %mul3A_1193 : vector<16xf32>
          %add3A_1195 = arith.addf %mul3A_1192, %mul3A_1194 : vector<16xf32>
          %swap3A_1196 = arith.constant 42 : i32
          %swap3A_1197 = arith.index_cast %swap3A_1196 : i32 to index
          %swap3A_1198 = arith.index_cast %mul3A_212 : i32 to index
          %swap3A_1199 = tpu.vector_load %arg7[%swap3A_1197, %swap3A_1198] {strides = array<i32>} : memref<64x768xf32, #tpu.memory_space<vmem>>, vector<1x16xf32>,
          %swap3A_1200 = vector.shape_cast %swap3A_1199 : vector<1x16xf32> to vector<16xf32>
          %swap3A_1201 = vector.shape_cast %add3A_1195 : vector<16xf32> to vector<1x16xf32>
          tpu.vector_store %arg7[%swap3A_1197, %swap3A_1198], %swap3A_1201 {strides = array<i32>} : memref<64x768xf32, #tpu.memory_space<vmem>>, vector<1x16xf32>,
          %get3A_1202 = arith.constant 8 : i32
          %get3A_1203 = arith.index_cast %get3A_1202 : i32 to index
          %get3A_1204 = arith.index_cast %mul3A_212 : i32 to index
          %get3A_1205 = tpu.vector_load %arg5[%get3A_1203, %get3A_1204] {strides = array<i32>} : memref<16x768xf32, #tpu.memory_space<vmem>>, vector<1x16xf32>,
          %get3A_1206 = vector.shape_cast %get3A_1205 : vector<1x16xf32> to vector<16xf32>
          %add3A_1207 = arith.constant 5 : i32
          %add3A_1208 = arith.addi %add3A_128, %add3A_1207 : i32
          %add3A_1209 = arith.constant 3 : i32
          %add3A_1210 = arith.addi %add3A_1208, %add3A_1209 : i32
          %lt3A_1211 = arith.cmpi slt, %add3A_1210, %mul3A_148 : i32
          %jit3A_1212 = arith.constant 5.000000e-01 : f32
          %jit3A_1213 = arith.constant 0.000000e+00 : f32
          %select_n3A_1214 = arith.select %lt3A_1211, %jit3A_1212, %jit3A_1213 : f32
          %mul3A_1215 = arith.constant 5.000000e-01 : f32
          %mul3A_1216 = vector.broadcast %mul3A_1215 : f32 to vector<16xf32>
          %mul3A_1217 = arith.mulf %get3A_1145, %mul3A_1216 : vector<16xf32>
          %mul3A_1218 = vector.broadcast %select_n3A_1214 : f32 to vector<16xf32>
          %mul3A_1219 = arith.mulf %get3A_1206, %mul3A_1218 : vector<16xf32>
          %add3A_1220 = arith.addf %mul3A_1217, %mul3A_1219 : vector<16xf32>
          %swap3A_1221 = arith.constant 43 : i32
          %swap3A_1222 = arith.index_cast %swap3A_1221 : i32 to index
          %swap3A_1223 = arith.index_cast %mul3A_212 : i32 to index
          %swap3A_1224 = tpu.vector_load %arg7[%swap3A_1222, %swap3A_1223] {strides = array<i32>} : memref<64x768xf32, #tpu.memory_space<vmem>>, vector<1x16xf32>,
          %swap3A_1225 = vector.shape_cast %swap3A_1224 : vector<1x16xf32> to vector<16xf32>
          %swap3A_1226 = vector.shape_cast %add3A_1220 : vector<16xf32> to vector<1x16xf32>
          tpu.vector_store %arg7[%swap3A_1222, %swap3A_1223], %swap3A_1226 {strides = array<i32>} : memref<64x768xf32, #tpu.memory_space<vmem>>, vector<1x16xf32>,
          %get3A_1227 = arith.constant 9 : i32
          %get3A_1228 = arith.index_cast %get3A_1227 : i32 to index
          %get3A_1229 = arith.index_cast %mul3A_212 : i32 to index
          %get3A_1230 = tpu.vector_load %arg5[%get3A_1228, %get3A_1229] {strides = array<i32>} : memref<16x768xf32, #tpu.memory_space<vmem>>, vector<1x16xf32>,
          %get3A_1231 = vector.shape_cast %get3A_1230 : vector<1x16xf32> to vector<16xf32>
          %add3A_1232 = arith.constant 5 : i32
          %add3A_1233 = arith.addi %add3A_128, %add3A_1232 : i32
          %add3A_1234 = arith.constant 4 : i32
          %add3A_1235 = arith.addi %add3A_1233, %add3A_1234 : i32
          %lt3A_1236 = arith.cmpi slt, %add3A_1235, %mul3A_148 : i32
          %jit3A_1237 = arith.constant 5.000000e-01 : f32
          %jit3A_1238 = arith.constant 0.000000e+00 : f32
          %select_n3A_1239 = arith.select %lt3A_1236, %jit3A_1237, %jit3A_1238 : f32
          %mul3A_1240 = arith.constant 5.000000e-01 : f32
          %mul3A_1241 = vector.broadcast %mul3A_1240 : f32 to vector<16xf32>
          %mul3A_1242 = arith.mulf %get3A_1145, %mul3A_1241 : vector<16xf32>
          %mul3A_1243 = vector.broadcast %select_n3A_1239 : f32 to vector<16xf32>
          %mul3A_1244 = arith.mulf %get3A_1231, %mul3A_1243 : vector<16xf32>
          %add3A_1245 = arith.addf %mul3A_1242, %mul3A_1244 : vector<16xf32>
          %swap3A_1246 = arith.constant 44 : i32
          %swap3A_1247 = arith.index_cast %swap3A_1246 : i32 to index
          %swap3A_1248 = arith.index_cast %mul3A_212 : i32 to index
          %swap3A_1249 = tpu.vector_load %arg7[%swap3A_1247, %swap3A_1248] {strides = array<i32>} : memref<64x768xf32, #tpu.memory_space<vmem>>, vector<1x16xf32>,
          %swap3A_1250 = vector.shape_cast %swap3A_1249 : vector<1x16xf32> to vector<16xf32>
          %swap3A_1251 = vector.shape_cast %add3A_1245 : vector<16xf32> to vector<1x16xf32>
          tpu.vector_store %arg7[%swap3A_1247, %swap3A_1248], %swap3A_1251 {strides = array<i32>} : memref<64x768xf32, #tpu.memory_space<vmem>>, vector<1x16xf32>,
          %get3A_1252 = arith.constant 10 : i32
          %get3A_1253 = arith.index_cast %get3A_1252 : i32 to index
          %get3A_1254 = arith.index_cast %mul3A_212 : i32 to index
          %get3A_1255 = tpu.vector_load %arg5[%get3A_1253, %get3A_1254] {strides = array<i32>} : memref<16x768xf32, #tpu.memory_space<vmem>>, vector<1x16xf32>,
          %get3A_1256 = vector.shape_cast %get3A_1255 : vector<1x16xf32> to vector<16xf32>
          %add3A_1257 = arith.constant 5 : i32
          %add3A_1258 = arith.addi %add3A_128, %add3A_1257 : i32
          %add3A_1259 = arith.constant 5 : i32
          %add3A_1260 = arith.addi %add3A_1258, %add3A_1259 : i32
          %lt3A_1261 = arith.cmpi slt, %add3A_1260, %mul3A_148 : i32
          %jit3A_1262 = arith.constant 5.000000e-01 : f32
          %jit3A_1263 = arith.constant 0.000000e+00 : f32
          %select_n3A_1264 = arith.select %lt3A_1261, %jit3A_1262, %jit3A_1263 : f32
          %mul3A_1265 = arith.constant 5.000000e-01 : f32
          %mul3A_1266 = vector.broadcast %mul3A_1265 : f32 to vector<16xf32>
          %mul3A_1267 = arith.mulf %get3A_1145, %mul3A_1266 : vector<16xf32>
          %mul3A_1268 = vector.broadcast %select_n3A_1264 : f32 to vector<16xf32>
          %mul3A_1269 = arith.mulf %get3A_1256, %mul3A_1268 : vector<16xf32>
          %add3A_1270 = arith.addf %mul3A_1267, %mul3A_1269 : vector<16xf32>
          %swap3A_1271 = arith.constant 45 : i32
          %swap3A_1272 = arith.index_cast %swap3A_1271 : i32 to index
          %swap3A_1273 = arith.index_cast %mul3A_212 : i32 to index
          %swap3A_1274 = tpu.vector_load %arg7[%swap3A_1272, %swap3A_1273] {strides = array<i32>} : memref<64x768xf32, #tpu.memory_space<vmem>>, vector<1x16xf32>,
          %swap3A_1275 = vector.shape_cast %swap3A_1274 : vector<1x16xf32> to vector<16xf32>
          %swap3A_1276 = vector.shape_cast %add3A_1270 : vector<16xf32> to vector<1x16xf32>
          tpu.vector_store %arg7[%swap3A_1272, %swap3A_1273], %swap3A_1276 {strides = array<i32>} : memref<64x768xf32, #tpu.memory_space<vmem>>, vector<1x16xf32>,
          %get3A_1277 = arith.constant 11 : i32
          %get3A_1278 = arith.index_cast %get3A_1277 : i32 to index
          %get3A_1279 = arith.index_cast %mul3A_212 : i32 to index
          %get3A_1280 = tpu.vector_load %arg5[%get3A_1278, %get3A_1279] {strides = array<i32>} : memref<16x768xf32, #tpu.memory_space<vmem>>, vector<1x16xf32>,
          %get3A_1281 = vector.shape_cast %get3A_1280 : vector<1x16xf32> to vector<16xf32>
          %add3A_1282 = arith.constant 5 : i32
          %add3A_1283 = arith.addi %add3A_128, %add3A_1282 : i32
          %add3A_1284 = arith.constant 6 : i32
          %add3A_1285 = arith.addi %add3A_1283, %add3A_1284 : i32
          %lt3A_1286 = arith.cmpi slt, %add3A_1285, %mul3A_148 : i32
          %jit3A_1287 = arith.constant 5.000000e-01 : f32
          %jit3A_1288 = arith.constant 0.000000e+00 : f32
          %select_n3A_1289 = arith.select %lt3A_1286, %jit3A_1287, %jit3A_1288 : f32
          %mul3A_1290 = arith.constant 5.000000e-01 : f32
          %mul3A_1291 = vector.broadcast %mul3A_1290 : f32 to vector<16xf32>
          %mul3A_1292 = arith.mulf %get3A_1145, %mul3A_1291 : vector<16xf32>
          %mul3A_1293 = vector.broadcast %select_n3A_1289 : f32 to vector<16xf32>
          %mul3A_1294 = arith.mulf %get3A_1281, %mul3A_1293 : vector<16xf32>
          %add3A_1295 = arith.addf %mul3A_1292, %mul3A_1294 : vector<16xf32>
          %swap3A_1296 = arith.constant 46 : i32
          %swap3A_1297 = arith.index_cast %swap3A_1296 : i32 to index
          %swap3A_1298 = arith.index_cast %mul3A_212 : i32 to index
          %swap3A_1299 = tpu.vector_load %arg7[%swap3A_1297, %swap3A_1298] {strides = array<i32>} : memref<64x768xf32, #tpu.memory_space<vmem>>, vector<1x16xf32>,
          %swap3A_1300 = vector.shape_cast %swap3A_1299 : vector<1x16xf32> to vector<16xf32>
          %swap3A_1301 = vector.shape_cast %add3A_1295 : vector<16xf32> to vector<1x16xf32>
          tpu.vector_store %arg7[%swap3A_1297, %swap3A_1298], %swap3A_1301 {strides = array<i32>} : memref<64x768xf32, #tpu.memory_space<vmem>>, vector<1x16xf32>,
          %get3A_1302 = arith.constant 12 : i32
          %get3A_1303 = arith.index_cast %get3A_1302 : i32 to index
          %get3A_1304 = arith.index_cast %mul3A_212 : i32 to index
          %get3A_1305 = tpu.vector_load %arg5[%get3A_1303, %get3A_1304] {strides = array<i32>} : memref<16x768xf32, #tpu.memory_space<vmem>>, vector<1x16xf32>,
          %get3A_1306 = vector.shape_cast %get3A_1305 : vector<1x16xf32> to vector<16xf32>
          %add3A_1307 = arith.constant 5 : i32
          %add3A_1308 = arith.addi %add3A_128, %add3A_1307 : i32
          %add3A_1309 = arith.constant 7 : i32
          %add3A_1310 = arith.addi %add3A_1308, %add3A_1309 : i32
          %lt3A_1311 = arith.cmpi slt, %add3A_1310, %mul3A_148 : i32
          %jit3A_1312 = arith.constant 5.000000e-01 : f32
          %jit3A_1313 = arith.constant 0.000000e+00 : f32
          %select_n3A_1314 = arith.select %lt3A_1311, %jit3A_1312, %jit3A_1313 : f32
          %mul3A_1315 = arith.constant 5.000000e-01 : f32
          %mul3A_1316 = vector.broadcast %mul3A_1315 : f32 to vector<16xf32>
          %mul3A_1317 = arith.mulf %get3A_1145, %mul3A_1316 : vector<16xf32>
          %mul3A_1318 = vector.broadcast %select_n3A_1314 : f32 to vector<16xf32>
          %mul3A_1319 = arith.mulf %get3A_1306, %mul3A_1318 : vector<16xf32>
          %add3A_1320 = arith.addf %mul3A_1317, %mul3A_1319 : vector<16xf32>
          %swap3A_1321 = arith.constant 47 : i32
          %swap3A_1322 = arith.index_cast %swap3A_1321 : i32 to index
          %swap3A_1323 = arith.index_cast %mul3A_212 : i32 to index
          %swap3A_1324 = tpu.vector_load %arg7[%swap3A_1322, %swap3A_1323] {strides = array<i32>} : memref<64x768xf32, #tpu.memory_space<vmem>>, vector<1x16xf32>,
          %swap3A_1325 = vector.shape_cast %swap3A_1324 : vector<1x16xf32> to vector<16xf32>
          %swap3A_1326 = vector.shape_cast %add3A_1320 : vector<16xf32> to vector<1x16xf32>
          tpu.vector_store %arg7[%swap3A_1322, %swap3A_1323], %swap3A_1326 {strides = array<i32>} : memref<64x768xf32, #tpu.memory_space<vmem>>, vector<1x16xf32>,
          %get3A_1327 = arith.constant 6 : i32
          %get3A_1328 = arith.index_cast %get3A_1327 : i32 to index
          %get3A_1329 = arith.index_cast %mul3A_212 : i32 to index
          %get3A_1330 = tpu.vector_load %arg5[%get3A_1328, %get3A_1329] {strides = array<i32>} : memref<16x768xf32, #tpu.memory_space<vmem>>, vector<1x16xf32>,
          %get3A_1331 = vector.shape_cast %get3A_1330 : vector<1x16xf32> to vector<16xf32>
          %swap3A_1332 = arith.constant 48 : i32
          %swap3A_1333 = arith.index_cast %swap3A_1332 : i32 to index
          %swap3A_1334 = arith.index_cast %mul3A_212 : i32 to index
          %swap3A_1335 = tpu.vector_load %arg7[%swap3A_1333, %swap3A_1334] {strides = array<i32>} : memref<64x768xf32, #tpu.memory_space<vmem>>, vector<1x16xf32>,
          %swap3A_1336 = vector.shape_cast %swap3A_1335 : vector<1x16xf32> to vector<16xf32>
          %swap3A_1337 = vector.shape_cast %get3A_1331 : vector<16xf32> to vector<1x16xf32>
          tpu.vector_store %arg7[%swap3A_1333, %swap3A_1334], %swap3A_1337 {strides = array<i32>} : memref<64x768xf32, #tpu.memory_space<vmem>>, vector<1x16xf32>,
          %get3A_1338 = arith.constant 7 : i32
          %get3A_1339 = arith.index_cast %get3A_1338 : i32 to index
          %get3A_1340 = arith.index_cast %mul3A_212 : i32 to index
          %get3A_1341 = tpu.vector_load %arg5[%get3A_1339, %get3A_1340] {strides = array<i32>} : memref<16x768xf32, #tpu.memory_space<vmem>>, vector<1x16xf32>,
          %get3A_1342 = vector.shape_cast %get3A_1341 : vector<1x16xf32> to vector<16xf32>
          %add3A_1343 = arith.constant 6 : i32
          %add3A_1344 = arith.addi %add3A_128, %add3A_1343 : i32
          %add3A_1345 = arith.constant 1 : i32
          %add3A_1346 = arith.addi %add3A_1344, %add3A_1345 : i32
          %lt3A_1347 = arith.cmpi slt, %add3A_1346, %mul3A_148 : i32
          %jit3A_1348 = arith.constant 5.000000e-01 : f32
          %jit3A_1349 = arith.constant 0.000000e+00 : f32
          %select_n3A_1350 = arith.select %lt3A_1347, %jit3A_1348, %jit3A_1349 : f32
          %mul3A_1351 = arith.constant 5.000000e-01 : f32
          %mul3A_1352 = vector.broadcast %mul3A_1351 : f32 to vector<16xf32>
          %mul3A_1353 = arith.mulf %get3A_1331, %mul3A_1352 : vector<16xf32>
          %mul3A_1354 = vector.broadcast %select_n3A_1350 : f32 to vector<16xf32>
          %mul3A_1355 = arith.mulf %get3A_1342, %mul3A_1354 : vector<16xf32>
          %add3A_1356 = arith.addf %mul3A_1353, %mul3A_1355 : vector<16xf32>
          %swap3A_1357 = arith.constant 49 : i32
          %swap3A_1358 = arith.index_cast %swap3A_1357 : i32 to index
          %swap3A_1359 = arith.index_cast %mul3A_212 : i32 to index
          %swap3A_1360 = tpu.vector_load %arg7[%swap3A_1358, %swap3A_1359] {strides = array<i32>} : memref<64x768xf32, #tpu.memory_space<vmem>>, vector<1x16xf32>,
          %swap3A_1361 = vector.shape_cast %swap3A_1360 : vector<1x16xf32> to vector<16xf32>
          %swap3A_1362 = vector.shape_cast %add3A_1356 : vector<16xf32> to vector<1x16xf32>
          tpu.vector_store %arg7[%swap3A_1358, %swap3A_1359], %swap3A_1362 {strides = array<i32>} : memref<64x768xf32, #tpu.memory_space<vmem>>, vector<1x16xf32>,
          %get3A_1363 = arith.constant 8 : i32
          %get3A_1364 = arith.index_cast %get3A_1363 : i32 to index
          %get3A_1365 = arith.index_cast %mul3A_212 : i32 to index
          %get3A_1366 = tpu.vector_load %arg5[%get3A_1364, %get3A_1365] {strides = array<i32>} : memref<16x768xf32, #tpu.memory_space<vmem>>, vector<1x16xf32>,
          %get3A_1367 = vector.shape_cast %get3A_1366 : vector<1x16xf32> to vector<16xf32>
          %add3A_1368 = arith.constant 6 : i32
          %add3A_1369 = arith.addi %add3A_128, %add3A_1368 : i32
          %add3A_1370 = arith.constant 2 : i32
          %add3A_1371 = arith.addi %add3A_1369, %add3A_1370 : i32
          %lt3A_1372 = arith.cmpi slt, %add3A_1371, %mul3A_148 : i32
          %jit3A_1373 = arith.constant 5.000000e-01 : f32
          %jit3A_1374 = arith.constant 0.000000e+00 : f32
          %select_n3A_1375 = arith.select %lt3A_1372, %jit3A_1373, %jit3A_1374 : f32
          %mul3A_1376 = arith.constant 5.000000e-01 : f32
          %mul3A_1377 = vector.broadcast %mul3A_1376 : f32 to vector<16xf32>
          %mul3A_1378 = arith.mulf %get3A_1331, %mul3A_1377 : vector<16xf32>
          %mul3A_1379 = vector.broadcast %select_n3A_1375 : f32 to vector<16xf32>
          %mul3A_1380 = arith.mulf %get3A_1367, %mul3A_1379 : vector<16xf32>
          %add3A_1381 = arith.addf %mul3A_1378, %mul3A_1380 : vector<16xf32>
          %swap3A_1382 = arith.constant 50 : i32
          %swap3A_1383 = arith.index_cast %swap3A_1382 : i32 to index
          %swap3A_1384 = arith.index_cast %mul3A_212 : i32 to index
          %swap3A_1385 = tpu.vector_load %arg7[%swap3A_1383, %swap3A_1384] {strides = array<i32>} : memref<64x768xf32, #tpu.memory_space<vmem>>, vector<1x16xf32>,
          %swap3A_1386 = vector.shape_cast %swap3A_1385 : vector<1x16xf32> to vector<16xf32>
          %swap3A_1387 = vector.shape_cast %add3A_1381 : vector<16xf32> to vector<1x16xf32>
          tpu.vector_store %arg7[%swap3A_1383, %swap3A_1384], %swap3A_1387 {strides = array<i32>} : memref<64x768xf32, #tpu.memory_space<vmem>>, vector<1x16xf32>,
          %get3A_1388 = arith.constant 9 : i32
          %get3A_1389 = arith.index_cast %get3A_1388 : i32 to index
          %get3A_1390 = arith.index_cast %mul3A_212 : i32 to index
          %get3A_1391 = tpu.vector_load %arg5[%get3A_1389, %get3A_1390] {strides = array<i32>} : memref<16x768xf32, #tpu.memory_space<vmem>>, vector<1x16xf32>,
          %get3A_1392 = vector.shape_cast %get3A_1391 : vector<1x16xf32> to vector<16xf32>
          %add3A_1393 = arith.constant 6 : i32
          %add3A_1394 = arith.addi %add3A_128, %add3A_1393 : i32
          %add3A_1395 = arith.constant 3 : i32
          %add3A_1396 = arith.addi %add3A_1394, %add3A_1395 : i32
          %lt3A_1397 = arith.cmpi slt, %add3A_1396, %mul3A_148 : i32
          %jit3A_1398 = arith.constant 5.000000e-01 : f32
          %jit3A_1399 = arith.constant 0.000000e+00 : f32
          %select_n3A_1400 = arith.select %lt3A_1397, %jit3A_1398, %jit3A_1399 : f32
          %mul3A_1401 = arith.constant 5.000000e-01 : f32
          %mul3A_1402 = vector.broadcast %mul3A_1401 : f32 to vector<16xf32>
          %mul3A_1403 = arith.mulf %get3A_1331, %mul3A_1402 : vector<16xf32>
          %mul3A_1404 = vector.broadcast %select_n3A_1400 : f32 to vector<16xf32>
          %mul3A_1405 = arith.mulf %get3A_1392, %mul3A_1404 : vector<16xf32>
          %add3A_1406 = arith.addf %mul3A_1403, %mul3A_1405 : vector<16xf32>
          %swap3A_1407 = arith.constant 51 : i32
          %swap3A_1408 = arith.index_cast %swap3A_1407 : i32 to index
          %swap3A_1409 = arith.index_cast %mul3A_212 : i32 to index
          %swap3A_1410 = tpu.vector_load %arg7[%swap3A_1408, %swap3A_1409] {strides = array<i32>} : memref<64x768xf32, #tpu.memory_space<vmem>>, vector<1x16xf32>,
          %swap3A_1411 = vector.shape_cast %swap3A_1410 : vector<1x16xf32> to vector<16xf32>
          %swap3A_1412 = vector.shape_cast %add3A_1406 : vector<16xf32> to vector<1x16xf32>
          tpu.vector_store %arg7[%swap3A_1408, %swap3A_1409], %swap3A_1412 {strides = array<i32>} : memref<64x768xf32, #tpu.memory_space<vmem>>, vector<1x16xf32>,
          %get3A_1413 = arith.constant 10 : i32
          %get3A_1414 = arith.index_cast %get3A_1413 : i32 to index
          %get3A_1415 = arith.index_cast %mul3A_212 : i32 to index
          %get3A_1416 = tpu.vector_load %arg5[%get3A_1414, %get3A_1415] {strides = array<i32>} : memref<16x768xf32, #tpu.memory_space<vmem>>, vector<1x16xf32>,
          %get3A_1417 = vector.shape_cast %get3A_1416 : vector<1x16xf32> to vector<16xf32>
          %add3A_1418 = arith.constant 6 : i32
          %add3A_1419 = arith.addi %add3A_128, %add3A_1418 : i32
          %add3A_1420 = arith.constant 4 : i32
          %add3A_1421 = arith.addi %add3A_1419, %add3A_1420 : i32
          %lt3A_1422 = arith.cmpi slt, %add3A_1421, %mul3A_148 : i32
          %jit3A_1423 = arith.constant 5.000000e-01 : f32
          %jit3A_1424 = arith.constant 0.000000e+00 : f32
          %select_n3A_1425 = arith.select %lt3A_1422, %jit3A_1423, %jit3A_1424 : f32
          %mul3A_1426 = arith.constant 5.000000e-01 : f32
          %mul3A_1427 = vector.broadcast %mul3A_1426 : f32 to vector<16xf32>
          %mul3A_1428 = arith.mulf %get3A_1331, %mul3A_1427 : vector<16xf32>
          %mul3A_1429 = vector.broadcast %select_n3A_1425 : f32 to vector<16xf32>
          %mul3A_1430 = arith.mulf %get3A_1417, %mul3A_1429 : vector<16xf32>
          %add3A_1431 = arith.addf %mul3A_1428, %mul3A_1430 : vector<16xf32>
          %swap3A_1432 = arith.constant 52 : i32
          %swap3A_1433 = arith.index_cast %swap3A_1432 : i32 to index
          %swap3A_1434 = arith.index_cast %mul3A_212 : i32 to index
          %swap3A_1435 = tpu.vector_load %arg7[%swap3A_1433, %swap3A_1434] {strides = array<i32>} : memref<64x768xf32, #tpu.memory_space<vmem>>, vector<1x16xf32>,
          %swap3A_1436 = vector.shape_cast %swap3A_1435 : vector<1x16xf32> to vector<16xf32>
          %swap3A_1437 = vector.shape_cast %add3A_1431 : vector<16xf32> to vector<1x16xf32>
          tpu.vector_store %arg7[%swap3A_1433, %swap3A_1434], %swap3A_1437 {strides = array<i32>} : memref<64x768xf32, #tpu.memory_space<vmem>>, vector<1x16xf32>,
          %get3A_1438 = arith.constant 11 : i32
          %get3A_1439 = arith.index_cast %get3A_1438 : i32 to index
          %get3A_1440 = arith.index_cast %mul3A_212 : i32 to index
          %get3A_1441 = tpu.vector_load %arg5[%get3A_1439, %get3A_1440] {strides = array<i32>} : memref<16x768xf32, #tpu.memory_space<vmem>>, vector<1x16xf32>,
          %get3A_1442 = vector.shape_cast %get3A_1441 : vector<1x16xf32> to vector<16xf32>
          %add3A_1443 = arith.constant 6 : i32
          %add3A_1444 = arith.addi %add3A_128, %add3A_1443 : i32
          %add3A_1445 = arith.constant 5 : i32
          %add3A_1446 = arith.addi %add3A_1444, %add3A_1445 : i32
          %lt3A_1447 = arith.cmpi slt, %add3A_1446, %mul3A_148 : i32
          %jit3A_1448 = arith.constant 5.000000e-01 : f32
          %jit3A_1449 = arith.constant 0.000000e+00 : f32
          %select_n3A_1450 = arith.select %lt3A_1447, %jit3A_1448, %jit3A_1449 : f32
          %mul3A_1451 = arith.constant 5.000000e-01 : f32
          %mul3A_1452 = vector.broadcast %mul3A_1451 : f32 to vector<16xf32>
          %mul3A_1453 = arith.mulf %get3A_1331, %mul3A_1452 : vector<16xf32>
          %mul3A_1454 = vector.broadcast %select_n3A_1450 : f32 to vector<16xf32>
          %mul3A_1455 = arith.mulf %get3A_1442, %mul3A_1454 : vector<16xf32>
          %add3A_1456 = arith.addf %mul3A_1453, %mul3A_1455 : vector<16xf32>
          %swap3A_1457 = arith.constant 53 : i32
          %swap3A_1458 = arith.index_cast %swap3A_1457 : i32 to index
          %swap3A_1459 = arith.index_cast %mul3A_212 : i32 to index
          %swap3A_1460 = tpu.vector_load %arg7[%swap3A_1458, %swap3A_1459] {strides = array<i32>} : memref<64x768xf32, #tpu.memory_space<vmem>>, vector<1x16xf32>,
          %swap3A_1461 = vector.shape_cast %swap3A_1460 : vector<1x16xf32> to vector<16xf32>
          %swap3A_1462 = vector.shape_cast %add3A_1456 : vector<16xf32> to vector<1x16xf32>
          tpu.vector_store %arg7[%swap3A_1458, %swap3A_1459], %swap3A_1462 {strides = array<i32>} : memref<64x768xf32, #tpu.memory_space<vmem>>, vector<1x16xf32>,
          %get3A_1463 = arith.constant 12 : i32
          %get3A_1464 = arith.index_cast %get3A_1463 : i32 to index
          %get3A_1465 = arith.index_cast %mul3A_212 : i32 to index
          %get3A_1466 = tpu.vector_load %arg5[%get3A_1464, %get3A_1465] {strides = array<i32>} : memref<16x768xf32, #tpu.memory_space<vmem>>, vector<1x16xf32>,
          %get3A_1467 = vector.shape_cast %get3A_1466 : vector<1x16xf32> to vector<16xf32>
          %add3A_1468 = arith.constant 6 : i32
          %add3A_1469 = arith.addi %add3A_128, %add3A_1468 : i32
          %add3A_1470 = arith.constant 6 : i32
          %add3A_1471 = arith.addi %add3A_1469, %add3A_1470 : i32
          %lt3A_1472 = arith.cmpi slt, %add3A_1471, %mul3A_148 : i32
          %jit3A_1473 = arith.constant 5.000000e-01 : f32
          %jit3A_1474 = arith.constant 0.000000e+00 : f32
          %select_n3A_1475 = arith.select %lt3A_1472, %jit3A_1473, %jit3A_1474 : f32
          %mul3A_1476 = arith.constant 5.000000e-01 : f32
          %mul3A_1477 = vector.broadcast %mul3A_1476 : f32 to vector<16xf32>
          %mul3A_1478 = arith.mulf %get3A_1331, %mul3A_1477 : vector<16xf32>
          %mul3A_1479 = vector.broadcast %select_n3A_1475 : f32 to vector<16xf32>
          %mul3A_1480 = arith.mulf %get3A_1467, %mul3A_1479 : vector<16xf32>
          %add3A_1481 = arith.addf %mul3A_1478, %mul3A_1480 : vector<16xf32>
          %swap3A_1482 = arith.constant 54 : i32
          %swap3A_1483 = arith.index_cast %swap3A_1482 : i32 to index
          %swap3A_1484 = arith.index_cast %mul3A_212 : i32 to index
          %swap3A_1485 = tpu.vector_load %arg7[%swap3A_1483, %swap3A_1484] {strides = array<i32>} : memref<64x768xf32, #tpu.memory_space<vmem>>, vector<1x16xf32>,
          %swap3A_1486 = vector.shape_cast %swap3A_1485 : vector<1x16xf32> to vector<16xf32>
          %swap3A_1487 = vector.shape_cast %add3A_1481 : vector<16xf32> to vector<1x16xf32>
          tpu.vector_store %arg7[%swap3A_1483, %swap3A_1484], %swap3A_1487 {strides = array<i32>} : memref<64x768xf32, #tpu.memory_space<vmem>>, vector<1x16xf32>,
          %get3A_1488 = arith.constant 13 : i32
          %get3A_1489 = arith.index_cast %get3A_1488 : i32 to index
          %get3A_1490 = arith.index_cast %mul3A_212 : i32 to index
          %get3A_1491 = tpu.vector_load %arg5[%get3A_1489, %get3A_1490] {strides = array<i32>} : memref<16x768xf32, #tpu.memory_space<vmem>>, vector<1x16xf32>,
          %get3A_1492 = vector.shape_cast %get3A_1491 : vector<1x16xf32> to vector<16xf32>
          %add3A_1493 = arith.constant 6 : i32
          %add3A_1494 = arith.addi %add3A_128, %add3A_1493 : i32
          %add3A_1495 = arith.constant 7 : i32
          %add3A_1496 = arith.addi %add3A_1494, %add3A_1495 : i32
          %lt3A_1497 = arith.cmpi slt, %add3A_1496, %mul3A_148 : i32
          %jit3A_1498 = arith.constant 5.000000e-01 : f32
          %jit3A_1499 = arith.constant 0.000000e+00 : f32
          %select_n3A_1500 = arith.select %lt3A_1497, %jit3A_1498, %jit3A_1499 : f32
          %mul3A_1501 = arith.constant 5.000000e-01 : f32
          %mul3A_1502 = vector.broadcast %mul3A_1501 : f32 to vector<16xf32>
          %mul3A_1503 = arith.mulf %get3A_1331, %mul3A_1502 : vector<16xf32>
          %mul3A_1504 = vector.broadcast %select_n3A_1500 : f32 to vector<16xf32>
          %mul3A_1505 = arith.mulf %get3A_1492, %mul3A_1504 : vector<16xf32>
          %add3A_1506 = arith.addf %mul3A_1503, %mul3A_1505 : vector<16xf32>
          %swap3A_1507 = arith.constant 55 : i32
          %swap3A_1508 = arith.index_cast %swap3A_1507 : i32 to index
          %swap3A_1509 = arith.index_cast %mul3A_212 : i32 to index
          %swap3A_1510 = tpu.vector_load %arg7[%swap3A_1508, %swap3A_1509] {strides = array<i32>} : memref<64x768xf32, #tpu.memory_space<vmem>>, vector<1x16xf32>,
          %swap3A_1511 = vector.shape_cast %swap3A_1510 : vector<1x16xf32> to vector<16xf32>
          %swap3A_1512 = vector.shape_cast %add3A_1506 : vector<16xf32> to vector<1x16xf32>
          tpu.vector_store %arg7[%swap3A_1508, %swap3A_1509], %swap3A_1512 {strides = array<i32>} : memref<64x768xf32, #tpu.memory_space<vmem>>, vector<1x16xf32>,
          %get3A_1513 = arith.constant 7 : i32
          %get3A_1514 = arith.index_cast %get3A_1513 : i32 to index
          %get3A_1515 = arith.index_cast %mul3A_212 : i32 to index
          %get3A_1516 = tpu.vector_load %arg5[%get3A_1514, %get3A_1515] {strides = array<i32>} : memref<16x768xf32, #tpu.memory_space<vmem>>, vector<1x16xf32>,
          %get3A_1517 = vector.shape_cast %get3A_1516 : vector<1x16xf32> to vector<16xf32>
          %swap3A_1518 = arith.constant 56 : i32
          %swap3A_1519 = arith.index_cast %swap3A_1518 : i32 to index
          %swap3A_1520 = arith.index_cast %mul3A_212 : i32 to index
          %swap3A_1521 = tpu.vector_load %arg7[%swap3A_1519, %swap3A_1520] {strides = array<i32>} : memref<64x768xf32, #tpu.memory_space<vmem>>, vector<1x16xf32>,
          %swap3A_1522 = vector.shape_cast %swap3A_1521 : vector<1x16xf32> to vector<16xf32>
          %swap3A_1523 = vector.shape_cast %get3A_1517 : vector<16xf32> to vector<1x16xf32>
          tpu.vector_store %arg7[%swap3A_1519, %swap3A_1520], %swap3A_1523 {strides = array<i32>} : memref<64x768xf32, #tpu.memory_space<vmem>>, vector<1x16xf32>,
          %get3A_1524 = arith.constant 8 : i32
          %get3A_1525 = arith.index_cast %get3A_1524 : i32 to index
          %get3A_1526 = arith.index_cast %mul3A_212 : i32 to index
          %get3A_1527 = tpu.vector_load %arg5[%get3A_1525, %get3A_1526] {strides = array<i32>} : memref<16x768xf32, #tpu.memory_space<vmem>>, vector<1x16xf32>,
          %get3A_1528 = vector.shape_cast %get3A_1527 : vector<1x16xf32> to vector<16xf32>
          %add3A_1529 = arith.constant 7 : i32
          %add3A_1530 = arith.addi %add3A_128, %add3A_1529 : i32
          %add3A_1531 = arith.constant 1 : i32
          %add3A_1532 = arith.addi %add3A_1530, %add3A_1531 : i32
          %lt3A_1533 = arith.cmpi slt, %add3A_1532, %mul3A_148 : i32
          %jit3A_1534 = arith.constant 5.000000e-01 : f32
          %jit3A_1535 = arith.constant 0.000000e+00 : f32
          %select_n3A_1536 = arith.select %lt3A_1533, %jit3A_1534, %jit3A_1535 : f32
          %mul3A_1537 = arith.constant 5.000000e-01 : f32
          %mul3A_1538 = vector.broadcast %mul3A_1537 : f32 to vector<16xf32>
          %mul3A_1539 = arith.mulf %get3A_1517, %mul3A_1538 : vector<16xf32>
          %mul3A_1540 = vector.broadcast %select_n3A_1536 : f32 to vector<16xf32>
          %mul3A_1541 = arith.mulf %get3A_1528, %mul3A_1540 : vector<16xf32>
          %add3A_1542 = arith.addf %mul3A_1539, %mul3A_1541 : vector<16xf32>
          %swap3A_1543 = arith.constant 57 : i32
          %swap3A_1544 = arith.index_cast %swap3A_1543 : i32 to index
          %swap3A_1545 = arith.index_cast %mul3A_212 : i32 to index
          %swap3A_1546 = tpu.vector_load %arg7[%swap3A_1544, %swap3A_1545] {strides = array<i32>} : memref<64x768xf32, #tpu.memory_space<vmem>>, vector<1x16xf32>,
          %swap3A_1547 = vector.shape_cast %swap3A_1546 : vector<1x16xf32> to vector<16xf32>
          %swap3A_1548 = vector.shape_cast %add3A_1542 : vector<16xf32> to vector<1x16xf32>
          tpu.vector_store %arg7[%swap3A_1544, %swap3A_1545], %swap3A_1548 {strides = array<i32>} : memref<64x768xf32, #tpu.memory_space<vmem>>, vector<1x16xf32>,
          %get3A_1549 = arith.constant 9 : i32
          %get3A_1550 = arith.index_cast %get3A_1549 : i32 to index
          %get3A_1551 = arith.index_cast %mul3A_212 : i32 to index
          %get3A_1552 = tpu.vector_load %arg5[%get3A_1550, %get3A_1551] {strides = array<i32>} : memref<16x768xf32, #tpu.memory_space<vmem>>, vector<1x16xf32>,
          %get3A_1553 = vector.shape_cast %get3A_1552 : vector<1x16xf32> to vector<16xf32>
          %add3A_1554 = arith.constant 7 : i32
          %add3A_1555 = arith.addi %add3A_128, %add3A_1554 : i32
          %add3A_1556 = arith.constant 2 : i32
          %add3A_1557 = arith.addi %add3A_1555, %add3A_1556 : i32
          %lt3A_1558 = arith.cmpi slt, %add3A_1557, %mul3A_148 : i32
          %jit3A_1559 = arith.constant 5.000000e-01 : f32
          %jit3A_1560 = arith.constant 0.000000e+00 : f32
          %select_n3A_1561 = arith.select %lt3A_1558, %jit3A_1559, %jit3A_1560 : f32
          %mul3A_1562 = arith.constant 5.000000e-01 : f32
          %mul3A_1563 = vector.broadcast %mul3A_1562 : f32 to vector<16xf32>
          %mul3A_1564 = arith.mulf %get3A_1517, %mul3A_1563 : vector<16xf32>
          %mul3A_1565 = vector.broadcast %select_n3A_1561 : f32 to vector<16xf32>
          %mul3A_1566 = arith.mulf %get3A_1553, %mul3A_1565 : vector<16xf32>
          %add3A_1567 = arith.addf %mul3A_1564, %mul3A_1566 : vector<16xf32>
          %swap3A_1568 = arith.constant 58 : i32
          %swap3A_1569 = arith.index_cast %swap3A_1568 : i32 to index
          %swap3A_1570 = arith.index_cast %mul3A_212 : i32 to index
          %swap3A_1571 = tpu.vector_load %arg7[%swap3A_1569, %swap3A_1570] {strides = array<i32>} : memref<64x768xf32, #tpu.memory_space<vmem>>, vector<1x16xf32>,
          %swap3A_1572 = vector.shape_cast %swap3A_1571 : vector<1x16xf32> to vector<16xf32>
          %swap3A_1573 = vector.shape_cast %add3A_1567 : vector<16xf32> to vector<1x16xf32>
          tpu.vector_store %arg7[%swap3A_1569, %swap3A_1570], %swap3A_1573 {strides = array<i32>} : memref<64x768xf32, #tpu.memory_space<vmem>>, vector<1x16xf32>,
          %get3A_1574 = arith.constant 10 : i32
          %get3A_1575 = arith.index_cast %get3A_1574 : i32 to index
          %get3A_1576 = arith.index_cast %mul3A_212 : i32 to index
          %get3A_1577 = tpu.vector_load %arg5[%get3A_1575, %get3A_1576] {strides = array<i32>} : memref<16x768xf32, #tpu.memory_space<vmem>>, vector<1x16xf32>,
          %get3A_1578 = vector.shape_cast %get3A_1577 : vector<1x16xf32> to vector<16xf32>
          %add3A_1579 = arith.constant 7 : i32
          %add3A_1580 = arith.addi %add3A_128, %add3A_1579 : i32
          %add3A_1581 = arith.constant 3 : i32
          %add3A_1582 = arith.addi %add3A_1580, %add3A_1581 : i32
          %lt3A_1583 = arith.cmpi slt, %add3A_1582, %mul3A_148 : i32
          %jit3A_1584 = arith.constant 5.000000e-01 : f32
          %jit3A_1585 = arith.constant 0.000000e+00 : f32
          %select_n3A_1586 = arith.select %lt3A_1583, %jit3A_1584, %jit3A_1585 : f32
          %mul3A_1587 = arith.constant 5.000000e-01 : f32
          %mul3A_1588 = vector.broadcast %mul3A_1587 : f32 to vector<16xf32>
          %mul3A_1589 = arith.mulf %get3A_1517, %mul3A_1588 : vector<16xf32>
          %mul3A_1590 = vector.broadcast %select_n3A_1586 : f32 to vector<16xf32>
          %mul3A_1591 = arith.mulf %get3A_1578, %mul3A_1590 : vector<16xf32>
          %add3A_1592 = arith.addf %mul3A_1589, %mul3A_1591 : vector<16xf32>
          %swap3A_1593 = arith.constant 59 : i32
          %swap3A_1594 = arith.index_cast %swap3A_1593 : i32 to index
          %swap3A_1595 = arith.index_cast %mul3A_212 : i32 to index
          %swap3A_1596 = tpu.vector_load %arg7[%swap3A_1594, %swap3A_1595] {strides = array<i32>} : memref<64x768xf32, #tpu.memory_space<vmem>>, vector<1x16xf32>,
          %swap3A_1597 = vector.shape_cast %swap3A_1596 : vector<1x16xf32> to vector<16xf32>
          %swap3A_1598 = vector.shape_cast %add3A_1592 : vector<16xf32> to vector<1x16xf32>
          tpu.vector_store %arg7[%swap3A_1594, %swap3A_1595], %swap3A_1598 {strides = array<i32>} : memref<64x768xf32, #tpu.memory_space<vmem>>, vector<1x16xf32>,
          %get3A_1599 = arith.constant 11 : i32
          %get3A_1600 = arith.index_cast %get3A_1599 : i32 to index
          %get3A_1601 = arith.index_cast %mul3A_212 : i32 to index
          %get3A_1602 = tpu.vector_load %arg5[%get3A_1600, %get3A_1601] {strides = array<i32>} : memref<16x768xf32, #tpu.memory_space<vmem>>, vector<1x16xf32>,
          %get3A_1603 = vector.shape_cast %get3A_1602 : vector<1x16xf32> to vector<16xf32>
          %add3A_1604 = arith.constant 7 : i32
          %add3A_1605 = arith.addi %add3A_128, %add3A_1604 : i32
          %add3A_1606 = arith.constant 4 : i32
          %add3A_1607 = arith.addi %add3A_1605, %add3A_1606 : i32
          %lt3A_1608 = arith.cmpi slt, %add3A_1607, %mul3A_148 : i32
          %jit3A_1609 = arith.constant 5.000000e-01 : f32
          %jit3A_1610 = arith.constant 0.000000e+00 : f32
          %select_n3A_1611 = arith.select %lt3A_1608, %jit3A_1609, %jit3A_1610 : f32
          %mul3A_1612 = arith.constant 5.000000e-01 : f32
          %mul3A_1613 = vector.broadcast %mul3A_1612 : f32 to vector<16xf32>
          %mul3A_1614 = arith.mulf %get3A_1517, %mul3A_1613 : vector<16xf32>
          %mul3A_1615 = vector.broadcast %select_n3A_1611 : f32 to vector<16xf32>
          %mul3A_1616 = arith.mulf %get3A_1603, %mul3A_1615 : vector<16xf32>
          %add3A_1617 = arith.addf %mul3A_1614, %mul3A_1616 : vector<16xf32>
          %swap3A_1618 = arith.constant 60 : i32
          %swap3A_1619 = arith.index_cast %swap3A_1618 : i32 to index
          %swap3A_1620 = arith.index_cast %mul3A_212 : i32 to index
          %swap3A_1621 = tpu.vector_load %arg7[%swap3A_1619, %swap3A_1620] {strides = array<i32>} : memref<64x768xf32, #tpu.memory_space<vmem>>, vector<1x16xf32>,
          %swap3A_1622 = vector.shape_cast %swap3A_1621 : vector<1x16xf32> to vector<16xf32>
          %swap3A_1623 = vector.shape_cast %add3A_1617 : vector<16xf32> to vector<1x16xf32>
          tpu.vector_store %arg7[%swap3A_1619, %swap3A_1620], %swap3A_1623 {strides = array<i32>} : memref<64x768xf32, #tpu.memory_space<vmem>>, vector<1x16xf32>,
          %get3A_1624 = arith.constant 12 : i32
          %get3A_1625 = arith.index_cast %get3A_1624 : i32 to index
          %get3A_1626 = arith.index_cast %mul3A_212 : i32 to index
          %get3A_1627 = tpu.vector_load %arg5[%get3A_1625, %get3A_1626] {strides = array<i32>} : memref<16x768xf32, #tpu.memory_space<vmem>>, vector<1x16xf32>,
          %get3A_1628 = vector.shape_cast %get3A_1627 : vector<1x16xf32> to vector<16xf32>
          %add3A_1629 = arith.constant 7 : i32
          %add3A_1630 = arith.addi %add3A_128, %add3A_1629 : i32
          %add3A_1631 = arith.constant 5 : i32
          %add3A_1632 = arith.addi %add3A_1630, %add3A_1631 : i32
          %lt3A_1633 = arith.cmpi slt, %add3A_1632, %mul3A_148 : i32
          %jit3A_1634 = arith.constant 5.000000e-01 : f32
          %jit3A_1635 = arith.constant 0.000000e+00 : f32
          %select_n3A_1636 = arith.select %lt3A_1633, %jit3A_1634, %jit3A_1635 : f32
          %mul3A_1637 = arith.constant 5.000000e-01 : f32
          %mul3A_1638 = vector.broadcast %mul3A_1637 : f32 to vector<16xf32>
          %mul3A_1639 = arith.mulf %get3A_1517, %mul3A_1638 : vector<16xf32>
          %mul3A_1640 = vector.broadcast %select_n3A_1636 : f32 to vector<16xf32>
          %mul3A_1641 = arith.mulf %get3A_1628, %mul3A_1640 : vector<16xf32>
          %add3A_1642 = arith.addf %mul3A_1639, %mul3A_1641 : vector<16xf32>
          %swap3A_1643 = arith.constant 61 : i32
          %swap3A_1644 = arith.index_cast %swap3A_1643 : i32 to index
          %swap3A_1645 = arith.index_cast %mul3A_212 : i32 to index
          %swap3A_1646 = tpu.vector_load %arg7[%swap3A_1644, %swap3A_1645] {strides = array<i32>} : memref<64x768xf32, #tpu.memory_space<vmem>>, vector<1x16xf32>,
          %swap3A_1647 = vector.shape_cast %swap3A_1646 : vector<1x16xf32> to vector<16xf32>
          %swap3A_1648 = vector.shape_cast %add3A_1642 : vector<16xf32> to vector<1x16xf32>
          tpu.vector_store %arg7[%swap3A_1644, %swap3A_1645], %swap3A_1648 {strides = array<i32>} : memref<64x768xf32, #tpu.memory_space<vmem>>, vector<1x16xf32>,
          %get3A_1649 = arith.constant 13 : i32
          %get3A_1650 = arith.index_cast %get3A_1649 : i32 to index
          %get3A_1651 = arith.index_cast %mul3A_212 : i32 to index
          %get3A_1652 = tpu.vector_load %arg5[%get3A_1650, %get3A_1651] {strides = array<i32>} : memref<16x768xf32, #tpu.memory_space<vmem>>, vector<1x16xf32>,
          %get3A_1653 = vector.shape_cast %get3A_1652 : vector<1x16xf32> to vector<16xf32>
          %add3A_1654 = arith.constant 7 : i32
          %add3A_1655 = arith.addi %add3A_128, %add3A_1654 : i32
          %add3A_1656 = arith.constant 6 : i32
          %add3A_1657 = arith.addi %add3A_1655, %add3A_1656 : i32
          %lt3A_1658 = arith.cmpi slt, %add3A_1657, %mul3A_148 : i32
          %jit3A_1659 = arith.constant 5.000000e-01 : f32
          %jit3A_1660 = arith.constant 0.000000e+00 : f32
          %select_n3A_1661 = arith.select %lt3A_1658, %jit3A_1659, %jit3A_1660 : f32
          %mul3A_1662 = arith.constant 5.000000e-01 : f32
          %mul3A_1663 = vector.broadcast %mul3A_1662 : f32 to vector<16xf32>
          %mul3A_1664 = arith.mulf %get3A_1517, %mul3A_1663 : vector<16xf32>
          %mul3A_1665 = vector.broadcast %select_n3A_1661 : f32 to vector<16xf32>
          %mul3A_1666 = arith.mulf %get3A_1653, %mul3A_1665 : vector<16xf32>
          %add3A_1667 = arith.addf %mul3A_1664, %mul3A_1666 : vector<16xf32>
          %swap3A_1668 = arith.constant 62 : i32
          %swap3A_1669 = arith.index_cast %swap3A_1668 : i32 to index
          %swap3A_1670 = arith.index_cast %mul3A_212 : i32 to index
          %swap3A_1671 = tpu.vector_load %arg7[%swap3A_1669, %swap3A_1670] {strides = array<i32>} : memref<64x768xf32, #tpu.memory_space<vmem>>, vector<1x16xf32>,
          %swap3A_1672 = vector.shape_cast %swap3A_1671 : vector<1x16xf32> to vector<16xf32>
          %swap3A_1673 = vector.shape_cast %add3A_1667 : vector<16xf32> to vector<1x16xf32>
          tpu.vector_store %arg7[%swap3A_1669, %swap3A_1670], %swap3A_1673 {strides = array<i32>} : memref<64x768xf32, #tpu.memory_space<vmem>>, vector<1x16xf32>,
          %get3A_1674 = arith.constant 14 : i32
          %get3A_1675 = arith.index_cast %get3A_1674 : i32 to index
          %get3A_1676 = arith.index_cast %mul3A_212 : i32 to index
          %get3A_1677 = tpu.vector_load %arg5[%get3A_1675, %get3A_1676] {strides = array<i32>} : memref<16x768xf32, #tpu.memory_space<vmem>>, vector<1x16xf32>,
          %get3A_1678 = vector.shape_cast %get3A_1677 : vector<1x16xf32> to vector<16xf32>
          %add3A_1679 = arith.constant 7 : i32
          %add3A_1680 = arith.addi %add3A_128, %add3A_1679 : i32
          %add3A_1681 = arith.constant 7 : i32
          %add3A_1682 = arith.addi %add3A_1680, %add3A_1681 : i32
          %lt3A_1683 = arith.cmpi slt, %add3A_1682, %mul3A_148 : i32
          %jit3A_1684 = arith.constant 5.000000e-01 : f32
          %jit3A_1685 = arith.constant 0.000000e+00 : f32
          %select_n3A_1686 = arith.select %lt3A_1683, %jit3A_1684, %jit3A_1685 : f32
          %mul3A_1687 = arith.constant 5.000000e-01 : f32
          %mul3A_1688 = vector.broadcast %mul3A_1687 : f32 to vector<16xf32>
          %mul3A_1689 = arith.mulf %get3A_1517, %mul3A_1688 : vector<16xf32>
          %mul3A_1690 = vector.broadcast %select_n3A_1686 : f32 to vector<16xf32>
          %mul3A_1691 = arith.mulf %get3A_1678, %mul3A_1690 : vector<16xf32>
          %add3A_1692 = arith.addf %mul3A_1689, %mul3A_1691 : vector<16xf32>
          %swap3A_1693 = arith.constant 63 : i32
          %swap3A_1694 = arith.index_cast %swap3A_1693 : i32 to index
          %swap3A_1695 = arith.index_cast %mul3A_212 : i32 to index
          %swap3A_1696 = tpu.vector_load %arg7[%swap3A_1694, %swap3A_1695] {strides = array<i32>} : memref<64x768xf32, #tpu.memory_space<vmem>>, vector<1x16xf32>,
          %swap3A_1697 = vector.shape_cast %swap3A_1696 : vector<1x16xf32> to vector<16xf32>
          %swap3A_1698 = vector.shape_cast %add3A_1692 : vector<16xf32> to vector<1x16xf32>
          tpu.vector_store %arg7[%swap3A_1694, %swap3A_1695], %swap3A_1698 {strides = array<i32>} : memref<64x768xf32, #tpu.memory_space<vmem>>, vector<1x16xf32>,
        }
        %scan3A_209 = arith.constant 48 : i32
      } else {
      }
      %mul3A_192 = arith.constant 8 : i32
      %mul3A_193 = arith.muli %add3A_125, %mul3A_192 : i32
      %add3A_194 = arith.addi %mul3A_2, %mul3A_193 : i32
      %mul3A_195 = arith.constant 8 : i32
      %mul3A_196 = arith.muli %add3A_194, %mul3A_195 : i32
      %dma_start3A_197 = arith.constant 0 : i32
      %dma_start3A_198 = tpu.memref_slice %arg3[%mul3A_196, %dma_start3A_197] : memref<32768x768xf32, #tpu.memory_space<hbm>> -> memref<64x768xf32, #tpu.memory_space<hbm>>
      %dma_start3A_199 = arith.constant 0 : i32
      %dma_start3A_200 = tpu.memref_slice %arg3[%mul3A_196, %dma_start3A_199] : memref<32768x768xf32, #tpu.memory_space<hbm>> -> memref<64x768xf32, #tpu.memory_space<hbm>>
      tpu.enqueue_dma source(%arg7 : memref<64x768xf32, #tpu.memory_space<vmem>>) target(%dma_start3A_200 : memref<64x768xf32, #tpu.memory_space<hbm>>) target_semaphore(%arg11 : memref<!tpu.dma_semaphore, #tpu.memory_space<semaphore_mem>>)
      %convert_element_type3A_201 = arith.extui %lt3A_75 : i1 to i32
      %cond3A_202 = arith.constant 0 : i32
      %cond3A_203 = arith.cmpi ne, %convert_element_type3A_201, %cond3A_202 : i32
      scf.if %cond3A_203 {
        %add3A_204 = arith.constant 2 : i32
        %add3A_205 = arith.addi %add3A_125, %add3A_204 : i32
        %mul3A_206 = arith.constant 8 : i32
        %mul3A_207 = arith.muli %add3A_205, %mul3A_206 : i32
        %add3A_208 = arith.addi %mul3A_2, %mul3A_207 : i32
        %add3A_209 = arith.constant 8 : i32
        %add3A_210 = arith.addi %add3A_208, %add3A_209 : i32
        %min3A_211 = arith.constant 4088 : i32
        %min3A_212 = arith.minsi %add3A_210, %min3A_211 : i32
        %dma_start3A_213 = arith.constant 0 : i32
        %dma_start3A_214 = arith.constant 0 : i32
        %dma_start3A_215 = tpu.memref_slice %arg5[%dma_start3A_213, %dma_start3A_214] : memref<16x768xf32, #tpu.memory_space<vmem>> -> memref<8x768xf32, #tpu.memory_space<vmem>>
        %dma_start3A_216 = arith.constant 0 : i32
        %dma_start3A_217 = tpu.memref_slice %arg2[%add3A_208, %dma_start3A_216] : memref<4096x768xf32, #tpu.memory_space<hbm>> -> memref<8x768xf32, #tpu.memory_space<hbm>>
        %dma_start3A_218 = arith.constant 0 : i32
        %dma_start3A_219 = arith.constant 0 : i32
        %dma_start3A_220 = tpu.memref_slice %arg5[%dma_start3A_218, %dma_start3A_219] : memref<16x768xf32, #tpu.memory_space<vmem>> -> memref<8x768xf32, #tpu.memory_space<vmem>>
        %dma_start3A_221 = arith.constant 0 : i32
        %dma_start3A_222 = tpu.memref_slice %arg2[%add3A_208, %dma_start3A_221] : memref<4096x768xf32, #tpu.memory_space<hbm>> -> memref<8x768xf32, #tpu.memory_space<hbm>>
        tpu.enqueue_dma source(%dma_start3A_222 : memref<8x768xf32, #tpu.memory_space<hbm>>) target(%dma_start3A_220 : memref<8x768xf32, #tpu.memory_space<vmem>>) target_semaphore(%arg9 : memref<!tpu.dma_semaphore, #tpu.memory_space<semaphore_mem>>)
        %dma_start3A_223 = arith.constant 8 : i32
        %dma_start3A_224 = arith.constant 0 : i32
        %dma_start3A_225 = tpu.memref_slice %arg5[%dma_start3A_223, %dma_start3A_224] : memref<16x768xf32, #tpu.memory_space<vmem>> -> memref<8x768xf32, #tpu.memory_space<vmem>>
        %dma_start3A_226 = arith.constant 0 : i32
        %dma_start3A_227 = tpu.memref_slice %arg2[%min3A_212, %dma_start3A_226] : memref<4096x768xf32, #tpu.memory_space<hbm>> -> memref<8x768xf32, #tpu.memory_space<hbm>>
        %dma_start3A_228 = arith.constant 8 : i32
        %dma_start3A_229 = arith.constant 0 : i32
        %dma_start3A_230 = tpu.memref_slice %arg5[%dma_start3A_228, %dma_start3A_229] : memref<16x768xf32, #tpu.memory_space<vmem>> -> memref<8x768xf32, #tpu.memory_space<vmem>>
        %dma_start3A_231 = arith.constant 0 : i32
        %dma_start3A_232 = tpu.memref_slice %arg2[%min3A_212, %dma_start3A_231] : memref<4096x768xf32, #tpu.memory_space<hbm>> -> memref<8x768xf32, #tpu.memory_space<hbm>>
        tpu.enqueue_dma source(%dma_start3A_232 : memref<8x768xf32, #tpu.memory_space<hbm>>) target(%dma_start3A_230 : memref<8x768xf32, #tpu.memory_space<vmem>>) target_semaphore(%arg9 : memref<!tpu.dma_semaphore, #tpu.memory_space<semaphore_mem>>)
      } else {
      }
    }
    %scan3A_57 = arith.constant 8 : i32
    %add3A_58 = arith.constant 112 : i32
    %add3A_59 = arith.addi %mul3A_2, %add3A_58 : i32
    %mul3A_60 = arith.constant 8 : i32
    %mul3A_61 = arith.muli %add3A_59, %mul3A_60 : i32
    %dma_wait3A = arith.constant 0 : i32
    %dma_wait3A_62 = tpu.memref_slice %arg3[%mul3A_61, %dma_wait3A] : memref<32768x768xf32, #tpu.memory_space<hbm>> -> memref<64x768xf32, #tpu.memory_space<hbm>>
    %dma_wait3A_63 = arith.constant 0 : i32
    %dma_wait3A_64 = tpu.memref_slice %arg3[%mul3A_61, %dma_wait3A_63] : memref<32768x768xf32, #tpu.memory_space<hbm>> -> memref<64x768xf32, #tpu.memory_space<hbm>>
    tpu.wait_dma2 semaphore(%arg10 : memref<!tpu.dma_semaphore, #tpu.memory_space<semaphore_mem>>) src(%arg6 : memref<64x768xf32, #tpu.memory_space<vmem>>) dst(%dma_wait3A_64 : memref<64x768xf32, #tpu.memory_space<hbm>>)
    %add3A_65 = arith.constant 120 : i32
    %add3A_66 = arith.addi %mul3A_2, %add3A_65 : i32
    %mul3A_67 = arith.constant 8 : i32
    %mul3A_68 = arith.muli %add3A_66, %mul3A_67 : i32
    %dma_wait3A_69 = arith.constant 0 : i32
    %dma_wait3A_70 = tpu.memref_slice %arg3[%mul3A_68, %dma_wait3A_69] : memref<32768x768xf32, #tpu.memory_space<hbm>> -> memref<64x768xf32, #tpu.memory_space<hbm>>
    %dma_wait3A_71 = arith.constant 0 : i32
    %dma_wait3A_72 = tpu.memref_slice %arg3[%mul3A_68, %dma_wait3A_71] : memref<32768x768xf32, #tpu.memory_space<hbm>> -> memref<64x768xf32, #tpu.memory_space<hbm>>
    tpu.wait_dma2 semaphore(%arg11 : memref<!tpu.dma_semaphore, #tpu.memory_space<semaphore_mem>>) src(%arg7 : memref<64x768xf32, #tpu.memory_space<vmem>>) dst(%dma_wait3A_72 : memref<64x768xf32, #tpu.memory_space<hbm>>)
    return
  }
}

</mosaic_0001>

<sc_bundles>
// kernel: kernel.3.cloned.1.call-start
scs
__scs_entry_jumppad:
0x0: {  	(pc) =	sbr.rel $0x88, $3  }
0x1: {  	(tag) =	ssettag $0x0;
	lr =	simm.s32 $0x1  }
0x2: {  	[smem:$0x3FA0] =	sst lr;
	_ =	strace $0xD0000000  }
0x3: {  	_ = 	snop  }
0x4: {  	_ = 	snop  }
0x5: {  	_ = 	snop  }
0x6: {  	_ = 	snop  }
0x7: {  	_ = 	snop  }
__scs_overlays_trampoline_lowered:
0x8: {  	[smem:$0x3FAF] =	sst s0  }
0x9: {  	[smem:$0x3FB0] =	sst s1  }
0xa: {  	[smem:$0x3FB1] =	sst s2  }
0xb: {  	[smem:$0x3FB2] =	sst s3  }
0xc: {  	[smem:$0x3FB3] =	sst s4  }
0xd: {  	[smem:$0x3FB4] =	sst s5  }
0xe: {  	[smem:$0x3FB5] =	sst s6  }
0xf: {  	[smem:$0x3FB6] =	sst s7  }
0x10: {  	[smem:$0x3FB7] =	sst s8  }
0x11: {  	[smem:$0x3FB8] =	sst s9;
	s0 =	simm.s32 @!p0 $0x0  }
0x12: {  	s1 =	sld [smem:$0x3F9E];
	s0 =	simm.s32 @p0 $0x1  }
0x13: {  	[smem:$0x3FB9] =	sst s0;
	s0 =	simm.s32 @!p1 $0x0  }
0x14: {  	s2 =	sld [smem:$0x3F9D];
	s0 =	simm.s32 @p1 $0x1  }
0x15: {  	[smem:$0x3FBA] =	sst s0;
	s0 =	simm.s32 @!p2 $0x0  }
0x16: {  	s3 =	sld [smem:$0x3FDB];
	s0 =	simm.s32 @p2 $0x1  }
0x17: {  	s4 =	simm.s32 $0x1BF5;
	[smem:$0x3FBC] =	sst s0  }
0x18: {  	s0 =	sld [smem:$0x3F9F];
	_ =	swait.ge [sflag:s4], $0x0  }
0x19: {  	s7 =	sld [smem:$0x3FA0]  }
0x1a: {  	s8 =	sadd.s32 $0xFFFFE003, lr  }
0x1b: {  	s9 =	sadd.s32 $0xFFFFFEF7, lr;
	s5 =	simm.s32 $0xFFFFFFFF;
	p2 =	slt.u32 s8, $0xFFFFF086  }
0x1c: {  	p1 =	slt.u32 s9, $0xF7A;
	s5 =	simm.s32 @!p2 $0x0  }
0x1d: {  	s5 =	simm.s32 @p1 $0x1;
	p0 =	seq.s32 s7, s2  }
0x1e: {  	s7 =	smul.u32 @!p0 $0xF7A, s2;
	p2 =	seq.s32 @!p0 s5, $0x0  }
0x1f: {  	s9 =	smul.u32 $0xF7A, s1;
	s8 =	simm.s32 @!p0 $0x1BF5;
	p2 =	por !p2, p0  }
0x20: {  	[sflag:s8] =	ssyncset.s32 @!p0 $0xFFFFF086;
	s6 =	sadd.s32 @!p0 s3, s7;
	s7 =	simm.s32 @!p0 $0x108  }
0x21: {  	s3 =	sadd.s32 s3, s9;
	s6 =	sadd.s32 @!p0 $0x88, s6;
	s7 =	simm.s32 @p2 $0x1082  }
0x22: {  	[simem:s7], [sflag:s8] =	dma.local @!p0 [hbm:s6], $0xF7A  }
0x23: {  	s9 =	sor.u32 $0xD0000000, s2;
	s6 =	simm.s32 $0x108;
	_ =	swait.ge @!p0 [sflag:s8], $0x0  }
0x24: {  	s3 =	sadd.s32 $0x88, s3;
	s6 =	simm.s32 @!p1 $0x1082;
	[sflag:s4] =	ssyncset.s32 $0xFFFFF086  }
0x25: {  	[simem:s6], [sflag:s4] =	dma.local [hbm:s3], $0xF7A  }
0x26: {  	[smem:$0x3FA0] =	sst s1;
	(tag) =	ssettag s2;
	_ =	strace s9  }
0x27: {  	s1 =	sld [smem:$0x3FB0]  }
0x28: {  	s2 =	sld [smem:$0x3FB1]  }
0x29: {  	s4 =	sld [smem:$0x3FB3]  }
0x2a: {  	p0 =	seq.s32 s5, $0x0;
	s5 =	sld [smem:$0x3FB4]  }
0x2b: {  	s6 =	sld [smem:$0x3FB5]  }
0x2c: {  	s7 =	sld [smem:$0x3FB6]  }
0x2d: {  	s3 =	simm.s32 $0x108;
	s8 =	sld [smem:$0x3FB7]  }
0x2e: {  	s3 =	simm.s32 @!p0 $0x1082;
	s9 =	sld [smem:$0x3FB8]  }
0x2f: {  	lr =	sadd.s32 s0, s3;
	s0 =	sld [smem:$0x3FAF]  }
0x30: {  	s3 =	sld [smem:$0x3FB2]  }
0x31: {  	[smem:$0x3FBB] =	sst s10  }
0x32: {  	s10 =	sld [smem:$0x3FB9];
	_ =	sdelay $0x3  }
0x33: {  	p0 =	seq.s32 s10, $0x1;
	s10 =	sld [smem:$0x3FBB];
	_ =	sdelay $0x3  }
0x34: {  	[smem:$0x3FBB] =	sst s10  }
0x35: {  	s10 =	sld [smem:$0x3FBA];
	_ =	sdelay $0x3  }
0x36: {  	p1 =	seq.s32 s10, $0x1;
	s10 =	sld [smem:$0x3FBB];
	_ =	sdelay $0x3  }
0x37: {  	[smem:$0x3FBB] =	sst s10  }
0x38: {  	s10 =	sld [smem:$0x3FBC]  }
0x39: {  	_ = 	snop;
	(pc) =	sbr.ind lr, $3  }
0x3a: {  	_ = 	snop  }
0x3b: {  	_ = 	snop  }
0x3c: {  	p2 =	seq.s32 s10, $0x1;
	s10 =	sld [smem:$0x3FBB]  }
0x3d: {  	_ =	shalt  }
0x3e: {  	_ =	shalt  }
0x3f: {  	_ =	shalt  }
0x40: {  	_ =	shalt  }
0x41: {  	_ =	shalt  }
0x42: {  	_ =	shalt  }
0x43: {  	_ =	shalt  }
0x44: {  	_ =	shalt  }
0x45: {  	_ =	shalt  }
0x46: {  	_ =	shalt  }
0x47: {  	_ =	shalt  }
0x48: {  	_ =	shalt  }
0x49: {  	_ =	shalt  }
0x4a: {  	_ =	shalt  }
0x4b: {  	_ =	shalt  }
0x4c: {  	_ =	shalt  }
0x4d: {  	_ =	shalt  }
0x4e: {  	_ =	shalt  }
0x4f: {  	_ =	shalt  }
0x50: {  	_ =	shalt  }
0x51: {  	_ =	shalt  }
0x52: {  	_ =	shalt  }
0x53: {  	_ =	shalt  }
0x54: {  	_ =	shalt  }
0x55: {  	_ =	shalt  }
0x56: {  	_ =	shalt  }
0x57: {  	_ =	shalt  }
0x58: {  	_ =	shalt  }
0x59: {  	_ =	shalt  }
0x5a: {  	_ =	shalt  }
0x5b: {  	_ =	shalt  }
0x5c: {  	_ =	shalt  }
0x5d: {  	_ =	shalt  }
0x5e: {  	_ =	shalt  }
0x5f: {  	_ =	shalt  }
0x60: {  	_ =	shalt  }
0x61: {  	_ =	shalt  }
0x62: {  	_ =	shalt  }
0x63: {  	_ =	shalt  }
0x64: {  	_ =	shalt  }
0x65: {  	_ =	shalt  }
0x66: {  	_ =	shalt  }
0x67: {  	_ =	shalt  }
0x68: {  	_ =	shalt  }
0x69: {  	_ =	shalt  }
0x6a: {  	_ =	shalt  }
0x6b: {  	_ =	shalt  }
0x6c: {  	_ =	shalt  }
0x6d: {  	_ =	shalt  }
0x6e: {  	_ =	shalt  }
0x6f: {  	_ =	shalt  }
0x70: {  	_ =	shalt  }
0x71: {  	_ =	shalt  }
0x72: {  	_ =	shalt  }
0x73: {  	_ =	shalt  }
0x74: {  	_ =	shalt  }
0x75: {  	_ =	shalt  }
0x76: {  	_ =	shalt  }
0x77: {  	_ =	shalt  }
0x78: {  	_ =	shalt  }
0x79: {  	_ =	shalt  }
0x7a: {  	_ =	shalt  }
0x7b: {  	_ =	shalt  }
0x7c: {  	_ =	shalt  }
0x7d: {  	_ =	shalt  }
0x7e: {  	_ =	shalt  }
0x7f: {  	_ =	shalt  }
0x80: {  	_ =	shalt  }
0x81: {  	_ =	shalt  }
0x82: {  	_ =	shalt  }
0x83: {  	_ =	shalt  }
0x84: {  	_ =	shalt  }
0x85: {  	_ =	shalt  }
0x86: {  	_ =	shalt  }
0x87: {  	_ =	shalt  }
.Lfunc_end0:
.L_simem_size_0:
called_computation_lowered:
.L_overlay_start_0:
0x88: {  	s2 =	sld [smem:$0x3FD9]  }
0x89: {  	s3 =	sld [smem:$0x3FFE];
	_ =	sdelay $0x1  }
0x8a: {  	s1 =	srdreg.scid  }
0x8b: {  	s0 =	sand.u32 $0x1, s1  }
0x8c: {  	s18 =	sshll.u32 s0, $0xA;
	s2 =	sadd.s32 s3, s2  }
0x8d: {  	s2 =	sadd.s32 s2, s18  }
0x8e: {  	[smem:$0x3FC7] =	sst s2  }
0x8f: {  	_ = 	snop  }
0x90: {  	s2 =	sld [smem:$0x3FC9]  }
0x91: {  	s19 =	sld [smem:$0x3FD0];
	(tm) =	ssettm $0x1  }
0x92: {  	s4 =	sld [smem:$0x3FFB];
	_ =	sdelay $0x3  }
0x93: {  	_ =	strace s4  }
0x94: {  	s4 =	sld [smem:$0x3FFC];
	_ =	sdelay $0x3  }
0x95: {  	_ =	strace s4  }
0x96: {  	s4 =	sld [smem:$0x3FFD];
	_ =	sdelay $0x3  }
0x97: {  	_ =	strace s4  }
0x98: {  	_ =	strace $0x8FFFFFFF  }
0x99: {  	s20 =	sld [smem:$0x3FDB];
	_ =	sdelay $0x1  }
0x9a: {  	s5 =	simm.s32 $_scs_section_size  }
0x9b: {  	s6 =	simm.s32 $_size__tile_overlayer_lowered;
	s7 =	simm.s32 $_tile_overlayer_lowered  }
0x9c: {  	s23 =	simm.s32 $0x1BFF;
	s22 =	sshll.u32 s7, $0x1;
	s4 =	sadd.s32 s5, s20  }
0x9d: {  	s8 =	simm.s32 $0x0;
	s21 =	sshll.u32 s6, $0x1;
	s6 =	sadd.s32 s22, s4  }
0x9e: {  	[timem:s8], [sflag:s23] =	dma.local [hbm:s6], s21  }
0x9f: {  	_ =	swait.ge [sflag:s23], s21  }
0xa0: {  	s5 =	ssub.s32 $0x0, s21;
	[sflag:s23] =	ssyncset.done $0x0  }
0xa1: {  	[sflag:s23] =	ssyncadd.s32 s5;
	_ =	sdelay $0x1  }
0xa2: {  	s24 =	simm.s32 $0x1B8B  }
0xa3: {  	_ =	swait.ge [sflag:s24], $0x1  }
0xa4: {  	[sflag:s24] =	ssyncset.done $0x0  }
0xa5: {  	s25 =	simm.s32 $0x1B8E;
	[sflag:s24] =	ssyncadd.s32 $0xFFFFFFFF  }
0xa6: {  	s26 =	simm.s32 $execute0_lowered;
	[smem:$0x3FD2] =	sst s25  }
0xa7: {  	s5 =	sshll.u32 s26, $0x1;
	_ =	strace $0x80000046;
	[dreg:$0x1] =	wrdreg $0xFFFFFFFF  }
0xa8: {  	s28 =	simm.s32 $_size_execute0_lowered;
	s4 =	sadd.s32 s4, s5;
	[dreg:$0x0] =	wrdreg $0x0  }
0xa9: {  	s5 =	sshll.u32 s28, $0x1;
	[dreg:$0x2] =	wrdreg s4  }
0xaa: {  	[dreg:$0x3] =	wrdreg s5  }
0xab: {  	[dreg:$0x4] =	wrdreg $0xC0  }
0xac: {  	_ =	task [dreg:s8], $0x5FFFF  }
0xad: {  	[dreg:$0x1] =	wrdreg $0xFFFFFFFF  }
0xae: {  	[dreg:$0x0] =	wrdreg $0x60  }
0xaf: {  	[dreg:$0x2] =	wrdreg s2  }
0xb0: {  	[dreg:$0x3] =	wrdreg s19  }
0xb1: {  	[dreg:$0x4] =	wrdreg $0x9  }
0xb2: {  	_ =	task.clear_ibuf [dreg:s8], $0x5FFFF;
	_ =	strace $0x90000046  }
0xb3: {  	s29 =	simm.s32 $0x9;
	_ =	strace $0x80000048  }
0xb4: {  	_ =	swait.ge [sflag:s29], $0x1  }
0xb5: {  	[sflag:s29] =	ssyncadd.s32 $0xFFFFFFFF  }
0xb6: {  	_ =	strace $0x90000048  }
0xb7: {  	_ =	sfence  }
0xb8: {  	s30 =	sld [smem:$0x0];
	_ =	sdelay $0x2  }
0xb9: {  	s31 =	sshll.u32 s1, $0xD;
	s1 =	sshrl.u32 s1, $0x2  }
0xba: {  	s3 =	sand.u32 $0x4000, s31;
	s1 =	sadd.s32 s1, s30  }
0xbb: {  	s0 =	sor.u32 s3, s0;
	s1 =	sshll.u32 s1, $0x11  }
0xbc: {  	s0 =	sor.u32 s1, s0  }
0xbd: {  	s0 =	sadd.s32 $0x8F2B, s0  }
0xbe: {  	[sflag:s0] =	ssyncadd.remote.s32 $0x1  }
0xbf: {  	_ =	sfence.sel $0xFFFF  }
0xc0: {  	[dreg:$0x0] =	wrdreg $0xFFFFFFFF;
	(pc) =	sbr.abs _section_cstart, $3  }
0xc1: {  	[dreg:$0x1] =	wrdreg $0xFFFFFFFF  }
0xc2: {  	_ =	task.clear_ibuf [dreg:s8], $0x2FFFF;
	_ =	strace $0x9FFFFFFF  }
0xc3: {  	(tm) =	ssettm $0x7FFFFFFF  }
tec
execute0_lowered:
.L_overlay_start_1:
0x0: {  	(tag) =	ssettag $0x1  }
0x1: {  	s0 =	srdreg.scid  }
0x2: {  	s3 =	stileid.u32;
	s2 =	rddreg [dreg:$0x0];
	s5 =	simm.s32 $0x0  }
0x3: {  	s29 =	simm.s32 $0x3000;
	s4 =	sshll.u32 s3, $0x7;
	s3 =	rddreg [dreg:$0x1]  }
0x4: {  	s30 =	simm.s32 $0x4800;
	s0 =	sand.u32 $0x1, s0;
	[smem:$0x7FF] =	sst s5  }
0x5: {  	s1 =	sshll.u32 s0, $0xB;
	s7 =	ssub.s32 $0x2, s0;
	s0 =	sshllo.u32 s0, $0xB  }
0x6: {  	_ =	strace $0x80000047;
	[dreg:$0x6] =	wrdreg s0;
	s18 =	sor.u32 $0x7FE, s1  }
0x7: {  	s31 =	simm.s32 $0x1;
	s19 =	sor.u32 $0x7FD, s1;
	[dreg:$0x7] =	wrdreg s18  }
0x8: {  	s28 =	simm.s32 $0x12000;
	s20 =	sor.u32 $0x7FC, s1;
	[dreg:$0x8] =	wrdreg s19  }
0x9: {  	s4 =	sor.u32 s4, s1;
	s21 =	sor.u32 $0x7FB, s1;
	[dreg:$0x9] =	wrdreg s20  }
0xa: {  	s8 =	sshrl.u32 s7, $0x1;
	s22 =	sor.u32 $0x7FA, s1;
	[dreg:$0xa] =	wrdreg s21  }
0xb: {  	s10 =	sor.u32 $0x7F2, s1;
	s23 =	sor.u32 $0x7F9, s1;
	[dreg:$0xb] =	wrdreg s22  }
0xc: {  	s24 =	sor.u32 $0x7F8, s1;
	s25 =	sor.u32 $0x7F7, s1;
	[dreg:$0xc] =	wrdreg s23  }
0xd: {  	s0 =	simm.s32 $0x2;
	s6 =	sshrl.u32 s4, $0x3;
	[dreg:$0xd] =	wrdreg s24  }
0xe: {  	s7 =	ssub.s32 s7, s8;
	s9 =	sor.u32 $0x10, s4;
	[dreg:$0xe] =	wrdreg s25  }
0xf: {  	s20 =	sor.u32 $0x7F6, s1;
	s21 =	sor.u32 $0x7F5, s1;
	s6 =	smul.u32 $0x300, s6  }
.Ltmp0:
0x10: {  	s22 =	sor.u32 $0x7F4, s1;
	s26 =	smax.u32 s7, $0x1;
	(pc) =	sbr.rel .LBB2_1-.Ltmp0, $4  }
0x11: {  	s23 =	sor.u32 $0x7F3, s1;
	[dreg:$0xf] =	wrdreg s26;
	s6 =	sadd.s32 s2, s6  }
0x12: {  	s24 =	sor.u32 $0x18, s4;
	s17 =	sadd.s32 $0x300, s6;
	[dreg:$0x3] =	wrdreg s6  }
0x13: {  	s1 =	simm.s32 $0x6000;
	s6 =	sadd.s32 $0x600, s6;
	[dreg:$0x4] =	wrdreg s17  }
0x14: {  	s8 =	simm.s32 $0x0;
	s26 =	sor.u32 $0x8, s4;
	[dreg:$0x5] =	wrdreg s6  }
.LBB2_13:
0x15: {  	s6 =	simm.s32 $0x3  }
0x16: {  	_ =	swait.ge [sflag:s6], $0xC000  }
0x17: {  	[sflag:s6] =	ssyncset.done $0x0  }
0x18: {  	s7 =	simm.s32 $0x4;
	[sflag:s6] =	ssyncadd.s32 $0xFFFF4000  }
0x19: {  	_ =	swait.ge [sflag:s7], $0xC000  }
0x1a: {  	s8 =	rddreg [dreg:$0x10]  }
0x1b: {  	s25 =	rddreg [dreg:$0xf];
	s8 =	sadd.s32 $0x1, s8  }
0x1c: {  	p0 =	sne.s32 s8, s25  }
.Ltmp1:
0x1d: {  	_ = 	snop;
	(pc) =	sbr.rel @!p0 .LBB2_14-.Ltmp1, $3  }
0x1e: {  	_ =	sdelay $0x1  }
0x1f: {  	[sflag:s7] =	ssyncset.done $0x0  }
0x20: {  	[sflag:s7] =	ssyncadd.s32 $0xFFFF4000  }
.LBB2_1:
0x21: {  	s6 =	rddreg [dreg:$0x3]  }
0x22: {  	[tilespmem:s5], [sflag:$0x1] =	stream.linear.gather [hbm4b:s6+s5], $0x1800, $0x38;
	[tilespmem:$0x1E000] =	vst v63  }
0x23: {  	s19 =	rddreg [dreg:$0x4];
	s7 =	simm.s32 $0x1800  }
0x24: {  	[tilespmem:s7], [sflag:$0x1] =	stream.linear.gather [hbm4b:s19+s5], $0x1800, $0x38;
	[tilespmem:$0x1E000] =	vst v63  }
0x25: {  	[dreg:$0x10] =	wrdreg s8  }
0x26: {  	[tilespmem:s29], [sflag:$0x2] =	stream.linear.gather [hbm4b:s19+s5], $0x1800, $0x38;
	[tilespmem:$0x1E000] =	vst v63  }
0x27: {  	s25 =	rddreg [dreg:$0x5];
	s8 =	simm.s32 $0x0  }
0x28: {  	[tilespmem:s30], [sflag:$0x2] =	stream.linear.gather [hbm4b:s25+s5], $0x1800, $0x38;
	[tilespmem:$0x1E000] =	vst v63  }
.LBB2_2:
0x29: {  	_ =	swait.ge [sflag:s31], $0x1800  }
0x2a: {  	[sflag:s31] =	ssyncset.done $0x0  }
0x2b: {  	[sflag:s31] =	ssyncadd.s32 $0xFFFFE800  }
0x2c: {  	_ =	swait.ge [sflag:s31], $0x1800  }
0x2d: {  	p1 =	seq.s32 s8, $0x0;
	[sflag:s31] =	ssyncset.done $0x0  }
0x2e: {  	s6 =	simm.s32 @!p1 $0x3;
	[sflag:s31] =	ssyncadd.s32 $0xFFFFE800  }
0x2f: {  	s7 =	simm.s32 $0x0;
	_ =	swait.ge @!p1 [sflag:s6], $0xC000  }
0x30: {  	s11 =	sand.u32 $0x70, s7;
	s12 =	sand.u32 $0x1C00, s7;
	[sflag:s6] =	ssyncset.done @!p1 $0x0  }
0x31: {  	[sflag:s6] =	ssyncadd.s32 @!p1 $0xFFFF4000;
	s6 =	sor.u32 s11, s12  }
0x32: {  	v0 =	vld [tilespmem:s6+$0x0]  }
0x33: {  	v1 =	vld [tilespmem:s6+$0x180]  }
0x34: {  	v2 =	vld [tilespmem:s6+$0x200]  }
0x35: {  	v3 =	vld [tilespmem:s6+$0x100]  }
0x36: {  	v4 =	vld [tilespmem:s6+$0x280]  }
0x37: {  	v5 =	vld [tilespmem:s6+$0x80]  }
0x38: {  	v6 =	vld [tilespmem:s6+$0x300];
	v1 =	vadd.f32 v1, v0  }
0x39: {  	v2 =	vadd.f32 v2, v0  }
0x3a: {  	v3 =	vadd.f32 v3, v0;
	v1 =	vmul.f32 $5.000000000e-01, v1  }
0x3b: {  	v4 =	vadd.f32 v4, v0;
	[tilespmem:s6+$0x6000] =	vst v0;
	v2 =	vmul.f32 $5.000000000e-01, v2  }
0x3c: {  	v3 =	vmul.f32 $5.000000000e-01, v3;
	[tilespmem:s6+$0x6180] =	vst v1;
	v1 =	vadd.f32 v5, v0  }
0x3d: {  	v4 =	vmul.f32 $5.000000000e-01, v4;
	[tilespmem:s6+$0x6200] =	vst v2;
	v2 =	vadd.f32 v6, v0  }
0x3e: {  	[tilespmem:s6+$0x6100] =	vst v3;
	v1 =	vmul.f32 $5.000000000e-01, v1  }
0x3f: {  	[tilespmem:s6+$0x6280] =	vst v4;
	v2 =	vmul.f32 $5.000000000e-01, v2  }
0x40: {  	s25 =	sor.u32 s7, s7;
	[tilespmem:s6+$0x6080] =	vst v1  }
0x41: {  	s11 =	sor.u32 $0x380, s25;
	[tilespmem:s6+$0x6300] =	vst v2  }
0x42: {  	v1 =	vld [tilespmem:s11+$0x0];
	_ =	sdelay $0x4  }
0x43: {  	v0 =	vadd.f32 v1, v0;
	_ =	sdelay $0x1  }
0x44: {  	v0 =	vmul.f32 $5.000000000e-01, v0;
	_ =	sdelay $0x1  }
0x45: {  	[tilespmem:s11+$0x6000] =	vst v0  }
0x46: {  	v1 =	vld [tilespmem:s6+$0x180]  }
0x47: {  	v4 =	vld [tilespmem:s6+$0x80]  }
0x48: {  	v3 =	vld [tilespmem:s6+$0x200]  }
0x49: {  	v5 =	vld [tilespmem:s6+$0x100]  }
0x4a: {  	v2 =	vld [tilespmem:s6+$0x300]  }
0x4b: {  	v0 =	vld [tilespmem:s6+$0x280]  }
0x4c: {  	v1 =	vadd.f32 v1, v4  }
0x4d: {  	v3 =	vadd.f32 v3, v4  }
0x4e: {  	v7 =	vld [tilespmem:s6+$0x1800];
	v5 =	vadd.f32 v5, v4;
	v1 =	vmul.f32 $5.000000000e-01, v1  }
0x4f: {  	v8 =	vld [tilespmem:s6+$0x200];
	[tilespmem:s6+$0x7800] =	vst v4;
	v2 =	vadd.f32 v2, v4;
	v3 =	vmul.f32 $5.000000000e-01, v3  }
0x50: {  	v12 =	vld [tilespmem:s6+$0x100];
	v0 =	vadd.f32 v0, v4;
	v5 =	vmul.f32 $5.000000000e-01, v5;
	[tilespmem:s6+$0x7900] =	vst v1  }
0x51: {  	v9 =	vld [tilespmem:s6+$0x280];
	v2 =	vmul.f32 $5.000000000e-01, v2;
	[tilespmem:s6+$0x7980] =	vst v3  }
0x52: {  	v0 =	vmul.f32 $5.000000000e-01, v0;
	[tilespmem:s6+$0x7880] =	vst v5  }
0x53: {  	v6 =	vld [tilespmem:s6+$0x300];
	[tilespmem:s6+$0x7A80] =	vst v2  }
0x54: {  	v10 =	vld [tilespmem:s6+$0x180];
	v7 =	vadd.f32 v7, v4;
	[tilespmem:s6+$0x7A00] =	vst v0  }
0x55: {  	v8 =	vadd.f32 v8, v12;
	v13 =	vld [tilespmem:s11+$0x0]  }
0x56: {  	v9 =	vadd.f32 v9, v12;
	v7 =	vmul.f32 $5.000000000e-01, v7  }
0x57: {  	v11 =	vld [tilespmem:s6+$0x1880];
	v8 =	vmul.f32 $5.000000000e-01, v8  }
0x58: {  	v14 =	vld [tilespmem:s6+$0x1900];
	v9 =	vmul.f32 $5.000000000e-01, v9;
	v0 =	vadd.f32 v6, v12;
	[tilespmem:s6+$0x7B80] =	vst v7  }
0x59: {  	v18 =	vld [tilespmem:s6+$0x180];
	v7 =	vadd.f32 v10, v12;
	[tilespmem:s6+$0x9100] =	vst v8  }
0x5a: {  	v1 =	vld [tilespmem:s6+$0x300];
	[tilespmem:s6+$0x9180] =	vst v9;
	v0 =	vmul.f32 $5.000000000e-01, v0;
	v4 =	vadd.f32 v13, v4  }
0x5b: {  	v15 =	vld [tilespmem:s6+$0x280];
	[tilespmem:s6+$0x9000] =	vst v12;
	v7 =	vmul.f32 $5.000000000e-01, v7  }
0x5c: {  	v16 =	vld [tilespmem:s6+$0x1880];
	[tilespmem:s6+$0x9200] =	vst v0;
	v4 =	vmul.f32 $5.000000000e-01, v4  }
0x5d: {  	v3 =	vld [tilespmem:s6+$0x200];
	[tilespmem:s6+$0x9080] =	vst v7  }
0x5e: {  	v2 =	vld [tilespmem:s6+$0x1800];
	[tilespmem:s6+$0x7B00] =	vst v4  }
0x5f: {  	v1 =	vadd.f32 v1, v18;
	v4 =	vld [tilespmem:s11+$0x0]  }
0x60: {  	v17 =	vld [tilespmem:s6+$0x1900]  }
0x61: {  	v5 =	vld [tilespmem:s6+$0x280];
	v1 =	vmul.f32 $5.000000000e-01, v1  }
0x62: {  	v6 =	vld [tilespmem:s6+$0x1800];
	v3 =	vadd.f32 v3, v18  }
0x63: {  	v19 =	vld [tilespmem:s6+$0x1980];
	[tilespmem:s6+$0xA980] =	vst v1;
	v1 =	vadd.f32 v2, v12  }
0x64: {  	v20 =	vld [tilespmem:s6+$0x1800];
	v2 =	vmul.f32 $5.000000000e-01, v3;
	v3 =	vadd.f32 v4, v12  }
0x65: {  	v21 =	vld [tilespmem:s6+$0x300];
	v7 =	vadd.f32 v11, v12;
	[tilespmem:s6+$0xA800] =	vst v18;
	v1 =	vmul.f32 $5.000000000e-01, v1  }
0x66: {  	v22 =	vld [tilespmem:s6+$0x1880];
	v5 =	vadd.f32 v5, v18;
	[tilespmem:s6+$0xA880] =	vst v2;
	v2 =	vmul.f32 $5.000000000e-01, v3  }
0x67: {  	v26 =	vld [tilespmem:s6+$0x200];
	v7 =	vmul.f32 $5.000000000e-01, v7;
	[tilespmem:s6+$0x9300] =	vst v1;
	v1 =	vadd.f32 v6, v18  }
0x68: {  	v23 =	vld [tilespmem:s6+$0x1880];
	v5 =	vmul.f32 $5.000000000e-01, v5;
	[tilespmem:s6+$0x9280] =	vst v2;
	v2 =	vadd.f32 v16, v18  }
0x69: {  	v24 =	vld [tilespmem:s6+$0x1800];
	[tilespmem:s6+$0x9380] =	vst v7;
	v1 =	vmul.f32 $5.000000000e-01, v1  }
0x6a: {  	v0 =	vld [tilespmem:s6+$0x300];
	[tilespmem:s6+$0xA900] =	vst v5;
	v4 =	vadd.f32 v14, v18;
	v2 =	vmul.f32 $5.000000000e-01, v2  }
0x6b: {  	v3 =	vld [tilespmem:s11+$0x0];
	[tilespmem:s6+$0xAA80] =	vst v1  }
0x6c: {  	v25 =	vld [tilespmem:s6+$0x1A00];
	v1 =	vmul.f32 $5.000000000e-01, v4;
	[tilespmem:s6+$0xAB00] =	vst v2;
	v2 =	vadd.f32 v15, v26  }
0x6d: {  	v27 =	vld [tilespmem:s6+$0x1900]  }
0x6e: {  	v10 =	vld [tilespmem:s6+$0x1800];
	[tilespmem:s6+$0xAB80] =	vst v1;
	v1 =	vmul.f32 $5.000000000e-01, v2  }
0x6f: {  	v8 =	vld [tilespmem:s6+$0x1A00];
	v0 =	vadd.f32 v0, v26  }
0x70: {  	v9 =	vld [tilespmem:s6+$0x1A80];
	[tilespmem:s6+$0xC080] =	vst v1;
	v1 =	vadd.f32 v3, v18  }
0x71: {  	v11 =	vld [tilespmem:s6+$0x1880];
	v2 =	vmul.f32 $5.000000000e-01, v0  }
0x72: {  	v13 =	vld [tilespmem:s6+$0x1980];
	[tilespmem:s6+$0xC000] =	vst v26;
	v1 =	vmul.f32 $5.000000000e-01, v1  }
0x73: {  	v14 =	vld [tilespmem:s6+$0x280];
	[tilespmem:s6+$0xC100] =	vst v2  }
0x74: {  	v7 =	vld [tilespmem:s6+$0x1980];
	v4 =	vadd.f32 v20, v26;
	[tilespmem:s6+$0xAA00] =	vst v1  }
0x75: {  	v5 =	vadd.f32 v17, v26;
	v15 =	vld [tilespmem:s11+$0x0]  }
0x76: {  	v6 =	vadd.f32 v19, v26;
	v12 =	vld [tilespmem:s6+$0x1900];
	v4 =	vmul.f32 $5.000000000e-01, v4  }
0x77: {  	v5 =	vmul.f32 $5.000000000e-01, v5;
	v0 =	vld [tilespmem:s6+$0x1800]  }
0x78: {  	v6 =	vmul.f32 $5.000000000e-01, v6;
	v16 =	vadd.f32 v21, v14;
	v2 =	vld [tilespmem:s6+$0x1880];
	[tilespmem:s6+$0xC200] =	vst v4  }
0x79: {  	v17 =	vadd.f32 v22, v26;
	v3 =	vld [tilespmem:s6+$0x1900];
	[tilespmem:s6+$0xC300] =	vst v5  }
0x7a: {  	v16 =	vmul.f32 $5.000000000e-01, v16;
	v1 =	vld [tilespmem:s6+$0x1980];
	[tilespmem:s6+$0xC380] =	vst v6;
	v15 =	vadd.f32 v15, v26  }
0x7b: {  	v17 =	vmul.f32 $5.000000000e-01, v17;
	v4 =	vld [tilespmem:s6+$0x1A00];
	[tilespmem:s6+$0xD800] =	vst v14  }
0x7c: {  	v5 =	vld [tilespmem:s6+$0x1A80];
	[tilespmem:s6+$0xD880] =	vst v16;
	v15 =	vmul.f32 $5.000000000e-01, v15  }
0x7d: {  	v6 =	vld [tilespmem:s6+$0x1B00];
	[tilespmem:s6+$0xC280] =	vst v17;
	v16 =	vadd.f32 v23, v14  }
0x7e: {  	v18 =	vadd.f32 v24, v14;
	[tilespmem:s6+$0xC180] =	vst v15;
	v15 =	vld [tilespmem:s6+$0x300]  }
0x7f: {  	s25 =	sshll.u32 s8, $0x4;
	s12 =	simm.s32 $0x10;
	v17 =	vadd.f32 v25, v14;
	v19 =	vmul.f32 $5.000000000e-01, v16;
	v16 =	vadd.f32 v27, v14;
	v20 =	vld [tilespmem:s11+$0x0]  }
.LBB2_3:
0x80: {  	p0 =	sne.s32 s12, $0x2F0  }
0x81: {  	s7 =	sadd.s32 $0x80, s7;
	s13 =	smov.u32 s12;
	s12 =	sadd.s32 $0x10, s12  }
0x82: {  	v18 =	vmul.f32 $5.000000000e-01, v18  }
0x83: {  	v7 =	vadd.f32 v7, v14;
	[tilespmem:s6+$0xDA00] =	vst v19  }
0x84: {  	v17 =	vmul.f32 $5.000000000e-01, v17;
	[tilespmem:s6+$0xD980] =	vst v18;
	v10 =	vadd.f32 v10, v15;
	v11 =	vadd.f32 v11, v15  }
0x85: {  	v7 =	vmul.f32 $5.000000000e-01, v7;
	v12 =	vadd.f32 v12, v15;
	v14 =	vadd.f32 v20, v14;
	[tilespmem:s6+$0xF000] =	vst v15  }
0x86: {  	v16 =	vmul.f32 $5.000000000e-01, v16;
	v13 =	vadd.f32 v13, v15;
	[tilespmem:s6+$0xDB80] =	vst v17  }
0x87: {  	v14 =	vmul.f32 $5.000000000e-01, v14;
	[tilespmem:s6+$0xDB00] =	vst v7  }
0x88: {  	s14 =	sand.u32 $0x70, s13;
	s15 =	sand.u32 $0x1C00, s7;
	[tilespmem:s6+$0xDA80] =	vst v16  }
0x89: {  	s14 =	sor.u32 s14, s15;
	v7 =	vmul.f32 $5.000000000e-01, v10;
	[tilespmem:s6+$0xD900] =	vst v14  }
0x8a: {  	v11 =	vmul.f32 $5.000000000e-01, v11;
	v10 =	vld [tilespmem:s11+$0x0]  }
0x8b: {  	v8 =	vadd.f32 v8, v15;
	v14 =	vld [tilespmem:s14+$0x80];
	[tilespmem:s6+$0xF100] =	vst v7;
	v7 =	vmul.f32 $5.000000000e-01, v12  }
0x8c: {  	v9 =	vadd.f32 v9, v15;
	v12 =	vld [tilespmem:s14+$0x100];
	[tilespmem:s6+$0xF180] =	vst v11;
	v11 =	vmul.f32 $5.000000000e-01, v13  }
0x8d: {  	[tilespmem:s6+$0xF200] =	vst v7;
	v7 =	vmul.f32 $5.000000000e-01, v8  }
0x8e: {  	v9 =	vmul.f32 $5.000000000e-01, v9;
	v8 =	vld [tilespmem:s14+$0x0];
	[tilespmem:s6+$0xF280] =	vst v11  }
0x8f: {  	v11 =	vld [tilespmem:s14+$0x180];
	v10 =	vadd.f32 v10, v15;
	[tilespmem:s6+$0xF300] =	vst v7  }
0x90: {  	v7 =	vld [tilespmem:s14+$0x200];
	[tilespmem:s6+$0xF380] =	vst v9  }
0x91: {  	v9 =	vld [tilespmem:s14+$0x280];
	v10 =	vmul.f32 $5.000000000e-01, v10  }
0x92: {  	v13 =	vld [tilespmem:s14+$0x300]  }
0x93: {  	v14 =	vadd.f32 v14, v8;
	[tilespmem:s6+$0xF080] =	vst v10  }
0x94: {  	v10 =	vadd.f32 v11, v8;
	v11 =	vld [tilespmem:s11+$0x0]  }
0x95: {  	v12 =	vadd.f32 v12, v8;
	v7 =	vadd.f32 v7, v8  }
0x96: {  	v10 =	vmul.f32 $5.000000000e-01, v10;
	v9 =	vadd.f32 v9, v8  }
0x97: {  	v12 =	vmul.f32 $5.000000000e-01, v12;
	v13 =	vadd.f32 v13, v8  }
0x98: {  	v7 =	vmul.f32 $5.000000000e-01, v7;
	[tilespmem:s14+$0x6180] =	vst v10;
	v9 =	vmul.f32 $5.000000000e-01, v9  }
0x99: {  	v10 =	vmul.f32 $5.000000000e-01, v14;
	v13 =	vmul.f32 $5.000000000e-01, v13;
	[tilespmem:s6+$0x10800] =	vst v11;
	v0 =	vadd.f32 v0, v11  }
0x9a: {  	v2 =	vadd.f32 v2, v11;
	v3 =	vadd.f32 v3, v11  }
0x9b: {  	v1 =	vadd.f32 v1, v11;
	v4 =	vadd.f32 v4, v11;
	[tilespmem:s14+$0x6200] =	vst v7;
	v0 =	vmul.f32 $5.000000000e-01, v0  }
0x9c: {  	v5 =	vadd.f32 v5, v11;
	v6 =	vadd.f32 v6, v11;
	[tilespmem:s14+$0x6100] =	vst v12  }
0x9d: {  	[tilespmem:s6+$0x10880] =	vst v0;
	v0 =	vmul.f32 $5.000000000e-01, v1  }
0x9e: {  	v1 =	vmul.f32 $5.000000000e-01, v5;
	v5 =	vmul.f32 $5.000000000e-01, v6;
	[tilespmem:s14+$0x6000] =	vst v8  }
0x9f: {  	v2 =	vmul.f32 $5.000000000e-01, v2;
	[tilespmem:s14+$0x6280] =	vst v9  }
0xa0: {  	[tilespmem:s14+$0x6080] =	vst v10  }
0xa1: {  	[tilespmem:s6+$0x10900] =	vst v2;
	v2 =	vmul.f32 $5.000000000e-01, v3  }
0xa2: {  	v3 =	vmul.f32 $5.000000000e-01, v4;
	[tilespmem:s14+$0x6300] =	vst v13  }
0xa3: {  	[tilespmem:s6+$0x10980] =	vst v2  }
0xa4: {  	[tilespmem:s6+$0x10A80] =	vst v3  }
0xa5: {  	[tilespmem:s6+$0x10B00] =	vst v1  }
0xa6: {  	s11 =	sor.u32 s7, s13;
	[tilespmem:s6+$0x10A00] =	vst v0  }
0xa7: {  	s11 =	sor.u32 $0x380, s11;
	[tilespmem:s6+$0x10B80] =	vst v5;
	s6 =	smov.u32 s14  }
0xa8: {  	v0 =	vld [tilespmem:s11+$0x0];
	_ =	sdelay $0x4  }
0xa9: {  	v0 =	vadd.f32 v0, v8;
	_ =	sdelay $0x1  }
0xaa: {  	v0 =	vmul.f32 $5.000000000e-01, v0;
	_ =	sdelay $0x1  }
0xab: {  	[tilespmem:s11+$0x6000] =	vst v0  }
0xac: {  	v0 =	vld [tilespmem:s6+$0x280]  }
0xad: {  	v1 =	vld [tilespmem:s6+$0x180]  }
0xae: {  	v2 =	vld [tilespmem:s6+$0x300]  }
0xaf: {  	v3 =	vld [tilespmem:s6+$0x200]  }
0xb0: {  	v4 =	vld [tilespmem:s6+$0x80]  }
0xb1: {  	v5 =	vld [tilespmem:s6+$0x100]  }
0xb2: {  	v6 =	vld [tilespmem:s6+$0x300]  }
0xb3: {  	v7 =	vld [tilespmem:s6+$0x1800]  }
0xb4: {  	v8 =	vld [tilespmem:s6+$0x200]  }
0xb5: {  	v1 =	vadd.f32 v1, v4;
	v2 =	vadd.f32 v2, v4;
	v9 =	vld [tilespmem:s6+$0x280]  }
0xb6: {  	v3 =	vadd.f32 v3, v4;
	v0 =	vadd.f32 v0, v4;
	v10 =	vld [tilespmem:s6+$0x180]  }
0xb7: {  	v5 =	vadd.f32 v5, v4;
	v1 =	vmul.f32 $5.000000000e-01, v1;
	v2 =	vmul.f32 $5.000000000e-01, v2;
	v11 =	vld [tilespmem:s6+$0x1880]  }
0xb8: {  	v3 =	vmul.f32 $5.000000000e-01, v3;
	v0 =	vmul.f32 $5.000000000e-01, v0;
	[tilespmem:s6+$0x7800] =	vst v4;
	v12 =	vld [tilespmem:s6+$0x100]  }
0xb9: {  	v5 =	vmul.f32 $5.000000000e-01, v5;
	[tilespmem:s6+$0x7900] =	vst v1;
	v1 =	vld [tilespmem:s6+$0x300]  }
0xba: {  	[tilespmem:s6+$0x7980] =	vst v3;
	v3 =	vld [tilespmem:s6+$0x200]  }
0xbb: {  	[tilespmem:s6+$0x7880] =	vst v5;
	v5 =	vld [tilespmem:s6+$0x280]  }
0xbc: {  	[tilespmem:s6+$0x7A80] =	vst v2;
	v2 =	vld [tilespmem:s6+$0x1800]  }
0xbd: {  	[tilespmem:s6+$0x7A00] =	vst v0;
	v0 =	vadd.f32 v8, v12;
	v6 =	vadd.f32 v6, v12;
	v8 =	vld [tilespmem:s6+$0x1800]  }
0xbe: {  	v7 =	vadd.f32 v7, v4;
	v9 =	vadd.f32 v9, v12;
	v13 =	vld [tilespmem:s11+$0x0]  }
0xbf: {  	v10 =	vadd.f32 v10, v12;
	v11 =	vadd.f32 v11, v12;
	v6 =	vmul.f32 $5.000000000e-01, v6;
	v14 =	vld [tilespmem:s6+$0x1900]  }
0xc0: {  	v7 =	vmul.f32 $5.000000000e-01, v7;
	v15 =	vld [tilespmem:s6+$0x280]  }
0xc1: {  	v0 =	vmul.f32 $5.000000000e-01, v0;
	[tilespmem:s6+$0x9200] =	vst v6;
	v2 =	vadd.f32 v2, v12;
	v6 =	vld [tilespmem:s6+$0x300]  }
0xc2: {  	[tilespmem:s6+$0x7B80] =	vst v7;
	v7 =	vmul.f32 $5.000000000e-01, v9;
	v9 =	vld [tilespmem:s6+$0x1880]  }
0xc3: {  	v10 =	vmul.f32 $5.000000000e-01, v10;
	v4 =	vadd.f32 v13, v4;
	[tilespmem:s6+$0x9100] =	vst v0;
	v0 =	vld [tilespmem:s6+$0x1900]  }
0xc4: {  	[tilespmem:s6+$0x9180] =	vst v7;
	v16 =	vld [tilespmem:s6+$0x180]  }
0xc5: {  	v4 =	vmul.f32 $5.000000000e-01, v4;
	[tilespmem:s6+$0x9080] =	vst v10;
	v13 =	vld [tilespmem:s6+$0x1980]  }
0xc6: {  	[tilespmem:s6+$0x9000] =	vst v12;
	v17 =	vld [tilespmem:s6+$0x1800]  }
0xc7: {  	[tilespmem:s6+$0x7B00] =	vst v4;
	v4 =	vld [tilespmem:s6+$0x300]  }
0xc8: {  	v7 =	vld [tilespmem:s11+$0x0]  }
0xc9: {  	v3 =	vadd.f32 v3, v16;
	v1 =	vadd.f32 v1, v16;
	v18 =	vld [tilespmem:s6+$0x1880]  }
0xca: {  	v10 =	vmul.f32 $5.000000000e-01, v11;
	v5 =	vadd.f32 v5, v16;
	v8 =	vadd.f32 v8, v16;
	v19 =	vld [tilespmem:s6+$0x1880]  }
0xcb: {  	v14 =	vadd.f32 v14, v16;
	[tilespmem:s6+$0xA800] =	vst v16;
	v1 =	vmul.f32 $5.000000000e-01, v1;
	v20 =	vld [tilespmem:s6+$0x1800]  }
0xcc: {  	v5 =	vmul.f32 $5.000000000e-01, v5;
	[tilespmem:s6+$0x9380] =	vst v10;
	v21 =	vld [tilespmem:s6+$0x1A00]  }
0xcd: {  	v3 =	vmul.f32 $5.000000000e-01, v3;
	v10 =	vadd.f32 v7, v12;
	[tilespmem:s6+$0xA980] =	vst v1;
	v7 =	vld [tilespmem:s6+$0x1980]  }
0xce: {  	v1 =	vmul.f32 $5.000000000e-01, v2;
	[tilespmem:s6+$0xA900] =	vst v5;
	v22 =	vld [tilespmem:s6+$0x200]  }
0xcf: {  	v2 =	vmul.f32 $5.000000000e-01, v10;
	[tilespmem:s6+$0xA880] =	vst v3;
	v23 =	vld [tilespmem:s6+$0x1900]  }
0xd0: {  	[tilespmem:s6+$0x9300] =	vst v1;
	v1 =	vadd.f32 v9, v16;
	v10 =	vld [tilespmem:s6+$0x1800]  }
0xd1: {  	[tilespmem:s6+$0x9280] =	vst v2;
	v2 =	vmul.f32 $5.000000000e-01, v8;
	v11 =	vld [tilespmem:s6+$0x1880]  }
0xd2: {  	v3 =	vld [tilespmem:s11+$0x0];
	v1 =	vmul.f32 $5.000000000e-01, v1  }
0xd3: {  	[tilespmem:s6+$0xAA80] =	vst v2;
	v2 =	vmul.f32 $5.000000000e-01, v14;
	v5 =	vadd.f32 v15, v22;
	v6 =	vadd.f32 v6, v22;
	v12 =	vld [tilespmem:s6+$0x1900]  }
0xd4: {  	v15 =	vadd.f32 v0, v22;
	v24 =	vadd.f32 v13, v22;
	[tilespmem:s6+$0xAB00] =	vst v1;
	v13 =	vld [tilespmem:s6+$0x1980]  }
0xd5: {  	v25 =	vadd.f32 v18, v22;
	[tilespmem:s6+$0xAB80] =	vst v2;
	v0 =	vmul.f32 $5.000000000e-01, v5;
	v8 =	vld [tilespmem:s6+$0x1A00]  }
0xd6: {  	v1 =	vmul.f32 $5.000000000e-01, v6;
	[tilespmem:s6+$0xC000] =	vst v22;
	v9 =	vld [tilespmem:s6+$0x1A80]  }
0xd7: {  	v2 =	vadd.f32 v3, v16;
	[tilespmem:s6+$0xC080] =	vst v0;
	v0 =	vld [tilespmem:s6+$0x1800]  }
0xd8: {  	[tilespmem:s6+$0xC100] =	vst v1;
	v14 =	vld [tilespmem:s6+$0x280]  }
0xd9: {  	v5 =	vadd.f32 v17, v22;
	v1 =	vmul.f32 $5.000000000e-01, v2;
	v2 =	vld [tilespmem:s6+$0x1880]  }
0xda: {  	v3 =	vld [tilespmem:s6+$0x1900]  }
0xdb: {  	v5 =	vmul.f32 $5.000000000e-01, v5;
	[tilespmem:s6+$0xAA00] =	vst v1;
	v1 =	vld [tilespmem:s6+$0x1980]  }
0xdc: {  	v6 =	vmul.f32 $5.000000000e-01, v15;
	v26 =	vld [tilespmem:s11+$0x0]  }
0xdd: {  	v15 =	vmul.f32 $5.000000000e-01, v24;
	[tilespmem:s6+$0xC200] =	vst v5;
	v16 =	vadd.f32 v4, v14;
	v19 =	vadd.f32 v19, v14;
	v4 =	vld [tilespmem:s6+$0x1A00]  }
0xde: {  	v18 =	vadd.f32 v20, v14;
	v17 =	vadd.f32 v21, v14;
	[tilespmem:s6+$0xC300] =	vst v6;
	v5 =	vld [tilespmem:s6+$0x1A80]  }
0xdf: {  	[tilespmem:s6+$0xC380] =	vst v15;
	v15 =	vmul.f32 $5.000000000e-01, v16;
	v19 =	vmul.f32 $5.000000000e-01, v19;
	v16 =	vadd.f32 v23, v14;
	v6 =	vld [tilespmem:s6+$0x1B00]  }
0xe0: {  	v20 =	vmul.f32 $5.000000000e-01, v25;
	[tilespmem:s6+$0xD800] =	vst v14  }
0xe1: {  	v21 =	vadd.f32 v26, v22;
	[tilespmem:s6+$0xD880] =	vst v15  }
.Ltmp2:
0xe2: {  	[tilespmem:s6+$0xC280] =	vst v20;
	(pc) =	sbr.rel @p0 .LBB2_3-.Ltmp2, $3  }
0xe3: {  	v15 =	vmul.f32 $5.000000000e-01, v21;
	_ =	sdelay $0x1  }
0xe4: {  	[tilespmem:s6+$0xC180] =	vst v15;
	v15 =	vld [tilespmem:s6+$0x300]  }
0xe5: {  	v20 =	vld [tilespmem:s11+$0x0]  }
0xe6: {  	_ = 	snop  }
0xe7: {  	v18 =	vmul.f32 $5.000000000e-01, v18  }
0xe8: {  	[tilespmem:s6+$0xDA00] =	vst v19;
	v17 =	vmul.f32 $5.000000000e-01, v17  }
0xe9: {  	v7 =	vadd.f32 v7, v14;
	v16 =	vmul.f32 $5.000000000e-01, v16;
	[tilespmem:s6+$0xD980] =	vst v18  }
0xea: {  	[tilespmem:s6+$0xDB80] =	vst v17;
	v49 =	vadd.f32 v20, v14  }
0xeb: {  	v7 =	vmul.f32 $5.000000000e-01, v7;
	[tilespmem:s6+$0xDA80] =	vst v16  }
0xec: {  	[tilespmem:s6+$0xF000] =	vst v15;
	v14 =	vmul.f32 $5.000000000e-01, v49  }
0xed: {  	[tilespmem:s6+$0xDB00] =	vst v7  }
0xee: {  	v50 =	vadd.f32 v10, v15;
	[tilespmem:s6+$0xD900] =	vst v14  }
0xef: {  	v51 =	vadd.f32 v11, v15;
	v52 =	vld [tilespmem:s11+$0x0]  }
0xf0: {  	v12 =	vadd.f32 v12, v15;
	v7 =	vmul.f32 $5.000000000e-01, v50  }
0xf1: {  	v13 =	vadd.f32 v13, v15;
	v10 =	vmul.f32 $5.000000000e-01, v51  }
0xf2: {  	v8 =	vadd.f32 v8, v15;
	v53 =	vmul.f32 $5.000000000e-01, v12;
	[tilespmem:s6+$0xF100] =	vst v7  }
0xf3: {  	v9 =	vadd.f32 v9, v15;
	v54 =	vmul.f32 $5.000000000e-01, v13;
	[tilespmem:s6+$0xF180] =	vst v10  }
0xf4: {  	v55 =	vmul.f32 $5.000000000e-01, v8;
	[tilespmem:s6+$0xF200] =	vst v53;
	v56 =	vadd.f32 v52, v15  }
0xf5: {  	v9 =	vmul.f32 $5.000000000e-01, v9;
	[tilespmem:s6+$0xF280] =	vst v54  }
0xf6: {  	[tilespmem:s6+$0xF300] =	vst v55;
	v57 =	vmul.f32 $5.000000000e-01, v56  }
0xf7: {  	[tilespmem:s6+$0xF380] =	vst v9  }
0xf8: {  	[tilespmem:s6+$0xF080] =	vst v57  }
0xf9: {  	v7 =	vld [tilespmem:s11+$0x0];
	_ =	sdelay $0x4  }
0xfa: {  	v0 =	vadd.f32 v0, v7  }
0xfb: {  	v2 =	vadd.f32 v2, v7  }
0xfc: {  	v3 =	vadd.f32 v3, v7;
	v0 =	vmul.f32 $5.000000000e-01, v0  }
0xfd: {  	[tilespmem:s6+$0x10800] =	vst v7;
	v4 =	vadd.f32 v4, v7;
	v2 =	vmul.f32 $5.000000000e-01, v2  }
0xfe: {  	v5 =	vadd.f32 v5, v7;
	v58 =	vmul.f32 $5.000000000e-01, v3;
	[tilespmem:s6+$0x10880] =	vst v0  }
0xff: {  	v1 =	vadd.f32 v1, v7;
	v59 =	vmul.f32 $5.000000000e-01, v4;
	[tilespmem:s6+$0x10900] =	vst v2  }
0x100: {  	v60 =	vadd.f32 v6, v7;
	v61 =	vmul.f32 $5.000000000e-01, v5;
	[tilespmem:s6+$0x10980] =	vst v58  }
0x101: {  	s7 =	sadd.s32 s4, s25;
	v62 =	vmul.f32 $5.000000000e-01, v1;
	[tilespmem:s6+$0x10A80] =	vst v59  }
0x102: {  	s7 =	smul.u32 $0x300, s7;
	v63 =	vmul.f32 $5.000000000e-01, v60;
	[tilespmem:s6+$0x10B00] =	vst v61  }
0x103: {  	p0 =	seq.s32 s8, $0x7;
	[tilespmem:s6+$0x10A00] =	vst v62  }
0x104: {  	s19 =	sadd.s32 s3, s7;
	[tilespmem:s6+$0x10B80] =	vst v63;
	s6 =	sadd.s32 @!p0 s25, s9  }
0x105: {  	[hbm4b:s19+s5] =	stream.linear.scatter [tilespmem:s1], [sflag:$0x3], $0xC000, $0x38;
	[tilespmem:$0x1E000] =	vst v63  }
0x106: {  	s7 =	sshrl.u32 @!p0 s6, $0x3;
	s6 =	sor.u32 @!p0 $0x8, s6  }
0x107: {  	s7 =	smul.u32 @!p0 $0x300, s7;
	s6 =	smin.u32 @!p0 s6, $0xFF8  }
0x108: {  	s6 =	sshrl.u32 @!p0 s6, $0x3  }
0x109: {  	s11 =	simm.s32 @!p0 $0x0;
	s7 =	sadd.s32 @!p0 s2, s7;
	s6 =	smul.u32 @!p0 $0x300, s6  }
0x10a: {  	[tilespmem:s11], [sflag:$0x1] =	stream.linear.gather @!p0 [hbm4b:s7+s11], $0x1800, $0x38;
	[tilespmem:$0x1E000] =	vst v63  }
0x10b: {  	s7 =	simm.s32 @!p0 $0x1800;
	s6 =	sadd.s32 @!p0 s2, s6  }
0x10c: {  	[tilespmem:s7], [sflag:$0x1] =	stream.linear.gather @!p0 [hbm4b:s6+s11], $0x1800, $0x38;
	[tilespmem:$0x1E000] =	vst v63  }
0x10d: {  	_ =	swait.ge [sflag:s0], $0x1800  }
0x10e: {  	[sflag:s0] =	ssyncset.done $0x0  }
0x10f: {  	s7 =	sor.u32 s26, s25;
	[sflag:s0] =	ssyncadd.s32 $0xFFFFE800  }
0x110: {  	p2 =	slt.u32 s7, s10;
	_ =	swait.ge [sflag:s0], $0x1800  }
.Ltmp3:
0x111: {  	[sflag:s0] =	ssyncset.done $0x0;
	(pc) =	sbr.rel @!p2 .LBB2_5-.Ltmp3, $4  }
0x112: {  	s6 =	simm.s32 @!p1 $0x4;
	[sflag:s0] =	ssyncadd.s32 $0xFFFFE800  }
0x113: {  	_ =	swait.ge @!p1 [sflag:s6], $0xC000  }
0x114: {  	[sflag:s6] =	ssyncset.done @!p1 $0x0  }
0x115: {  	s11 =	simm.s32 $0x0;
	[sflag:s6] =	ssyncadd.s32 @!p1 $0xFFFF4000  }
0x116: {  	s6 =	sand.u32 $0x70, s11;
	s12 =	sand.u32 $0x1C00, s11  }
0x117: {  	s6 =	sor.u32 s6, s12  }
0x118: {  	v0 =	vld [tilespmem:s6+$0x3000]  }
0x119: {  	v1 =	vld [tilespmem:s6+$0x3180]  }
0x11a: {  	v2 =	vld [tilespmem:s6+$0x3200]  }
0x11b: {  	v3 =	vld [tilespmem:s6+$0x3100]  }
0x11c: {  	v4 =	vld [tilespmem:s6+$0x3280]  }
0x11d: {  	v5 =	vld [tilespmem:s6+$0x3080]  }
0x11e: {  	v6 =	vld [tilespmem:s6+$0x3300];
	v1 =	vadd.f32 v1, v0  }
0x11f: {  	v2 =	vadd.f32 v2, v0  }
0x120: {  	v3 =	vadd.f32 v3, v0;
	v1 =	vmul.f32 $5.000000000e-01, v1  }
0x121: {  	v4 =	vadd.f32 v4, v0;
	[tilespmem:s6+$0x12000] =	vst v0;
	v2 =	vmul.f32 $5.000000000e-01, v2  }
0x122: {  	v3 =	vmul.f32 $5.000000000e-01, v3;
	[tilespmem:s6+$0x12180] =	vst v1;
	v1 =	vadd.f32 v5, v0  }
0x123: {  	v4 =	vmul.f32 $5.000000000e-01, v4;
	[tilespmem:s6+$0x12200] =	vst v2;
	v2 =	vadd.f32 v6, v0  }
0x124: {  	[tilespmem:s6+$0x12100] =	vst v3;
	v1 =	vmul.f32 $5.000000000e-01, v1  }
0x125: {  	[tilespmem:s6+$0x12280] =	vst v4;
	v2 =	vmul.f32 $5.000000000e-01, v2  }
0x126: {  	s19 =	sor.u32 s11, s11;
	[tilespmem:s6+$0x12080] =	vst v1  }
0x127: {  	s12 =	sor.u32 $0x380, s19;
	[tilespmem:s6+$0x12300] =	vst v2  }
0x128: {  	v1 =	vld [tilespmem:s12+$0x3000];
	_ =	sdelay $0x4  }
0x129: {  	v0 =	vadd.f32 v1, v0;
	_ =	sdelay $0x1  }
0x12a: {  	v0 =	vmul.f32 $5.000000000e-01, v0;
	_ =	sdelay $0x1  }
0x12b: {  	[tilespmem:s12+$0x12000] =	vst v0  }
0x12c: {  	v1 =	vld [tilespmem:s6+$0x3180]  }
0x12d: {  	v4 =	vld [tilespmem:s6+$0x3080]  }
0x12e: {  	v3 =	vld [tilespmem:s6+$0x3200]  }
0x12f: {  	v5 =	vld [tilespmem:s6+$0x3100]  }
0x130: {  	v2 =	vld [tilespmem:s6+$0x3300]  }
0x131: {  	v0 =	vld [tilespmem:s6+$0x3280]  }
0x132: {  	v1 =	vadd.f32 v1, v4  }
0x133: {  	v3 =	vadd.f32 v3, v4  }
0x134: {  	v7 =	vld [tilespmem:s6+$0x4800];
	v5 =	vadd.f32 v5, v4;
	v1 =	vmul.f32 $5.000000000e-01, v1  }
0x135: {  	v8 =	vld [tilespmem:s6+$0x3200];
	[tilespmem:s6+$0x13800] =	vst v4;
	v2 =	vadd.f32 v2, v4;
	v3 =	vmul.f32 $5.000000000e-01, v3  }
0x136: {  	v12 =	vld [tilespmem:s6+$0x3100];
	v0 =	vadd.f32 v0, v4;
	v5 =	vmul.f32 $5.000000000e-01, v5;
	[tilespmem:s6+$0x13900] =	vst v1  }
0x137: {  	v9 =	vld [tilespmem:s6+$0x3280];
	v2 =	vmul.f32 $5.000000000e-01, v2;
	[tilespmem:s6+$0x13980] =	vst v3  }
0x138: {  	v0 =	vmul.f32 $5.000000000e-01, v0;
	[tilespmem:s6+$0x13880] =	vst v5  }
0x139: {  	v6 =	vld [tilespmem:s6+$0x3300];
	[tilespmem:s6+$0x13A80] =	vst v2  }
0x13a: {  	v10 =	vld [tilespmem:s6+$0x3180];
	v7 =	vadd.f32 v7, v4;
	[tilespmem:s6+$0x13A00] =	vst v0  }
0x13b: {  	v8 =	vadd.f32 v8, v12;
	v13 =	vld [tilespmem:s12+$0x3000]  }
0x13c: {  	v9 =	vadd.f32 v9, v12;
	v7 =	vmul.f32 $5.000000000e-01, v7  }
0x13d: {  	v11 =	vld [tilespmem:s6+$0x4880];
	v8 =	vmul.f32 $5.000000000e-01, v8  }
0x13e: {  	v14 =	vld [tilespmem:s6+$0x4900];
	v9 =	vmul.f32 $5.000000000e-01, v9;
	v0 =	vadd.f32 v6, v12;
	[tilespmem:s6+$0x13B80] =	vst v7  }
0x13f: {  	v18 =	vld [tilespmem:s6+$0x3180];
	v7 =	vadd.f32 v10, v12;
	[tilespmem:s6+$0x15100] =	vst v8  }
0x140: {  	v1 =	vld [tilespmem:s6+$0x3300];
	[tilespmem:s6+$0x15180] =	vst v9;
	v0 =	vmul.f32 $5.000000000e-01, v0;
	v4 =	vadd.f32 v13, v4  }
0x141: {  	v15 =	vld [tilespmem:s6+$0x3280];
	[tilespmem:s6+$0x15000] =	vst v12;
	v7 =	vmul.f32 $5.000000000e-01, v7  }
0x142: {  	v16 =	vld [tilespmem:s6+$0x4880];
	[tilespmem:s6+$0x15200] =	vst v0;
	v4 =	vmul.f32 $5.000000000e-01, v4  }
0x143: {  	v3 =	vld [tilespmem:s6+$0x3200];
	[tilespmem:s6+$0x15080] =	vst v7  }
0x144: {  	v2 =	vld [tilespmem:s6+$0x4800];
	[tilespmem:s6+$0x13B00] =	vst v4  }
0x145: {  	v1 =	vadd.f32 v1, v18;
	v4 =	vld [tilespmem:s12+$0x3000]  }
0x146: {  	v17 =	vld [tilespmem:s6+$0x4900]  }
0x147: {  	v5 =	vld [tilespmem:s6+$0x3280];
	v1 =	vmul.f32 $5.000000000e-01, v1  }
0x148: {  	v6 =	vld [tilespmem:s6+$0x4800];
	v3 =	vadd.f32 v3, v18  }
0x149: {  	v19 =	vld [tilespmem:s6+$0x4980];
	[tilespmem:s6+$0x16980] =	vst v1;
	v1 =	vadd.f32 v2, v12  }
0x14a: {  	v20 =	vld [tilespmem:s6+$0x4800];
	v2 =	vmul.f32 $5.000000000e-01, v3;
	v3 =	vadd.f32 v4, v12  }
0x14b: {  	v21 =	vld [tilespmem:s6+$0x3300];
	v7 =	vadd.f32 v11, v12;
	[tilespmem:s6+$0x16800] =	vst v18;
	v1 =	vmul.f32 $5.000000000e-01, v1  }
0x14c: {  	v22 =	vld [tilespmem:s6+$0x4880];
	v5 =	vadd.f32 v5, v18;
	[tilespmem:s6+$0x16880] =	vst v2;
	v2 =	vmul.f32 $5.000000000e-01, v3  }
0x14d: {  	v26 =	vld [tilespmem:s6+$0x3200];
	v7 =	vmul.f32 $5.000000000e-01, v7;
	[tilespmem:s6+$0x15300] =	vst v1;
	v1 =	vadd.f32 v6, v18  }
0x14e: {  	v23 =	vld [tilespmem:s6+$0x4880];
	v5 =	vmul.f32 $5.000000000e-01, v5;
	[tilespmem:s6+$0x15280] =	vst v2;
	v2 =	vadd.f32 v16, v18  }
0x14f: {  	v24 =	vld [tilespmem:s6+$0x4800];
	[tilespmem:s6+$0x15380] =	vst v7;
	v1 =	vmul.f32 $5.000000000e-01, v1  }
0x150: {  	v0 =	vld [tilespmem:s6+$0x3300];
	[tilespmem:s6+$0x16900] =	vst v5;
	v4 =	vadd.f32 v14, v18;
	v2 =	vmul.f32 $5.000000000e-01, v2  }
0x151: {  	v3 =	vld [tilespmem:s12+$0x3000];
	[tilespmem:s6+$0x16A80] =	vst v1  }
0x152: {  	v25 =	vld [tilespmem:s6+$0x4A00];
	v1 =	vmul.f32 $5.000000000e-01, v4;
	[tilespmem:s6+$0x16B00] =	vst v2;
	v2 =	vadd.f32 v15, v26  }
0x153: {  	v27 =	vld [tilespmem:s6+$0x4900]  }
0x154: {  	v10 =	vld [tilespmem:s6+$0x4800];
	[tilespmem:s6+$0x16B80] =	vst v1;
	v1 =	vmul.f32 $5.000000000e-01, v2  }
0x155: {  	v8 =	vld [tilespmem:s6+$0x4A00];
	v0 =	vadd.f32 v0, v26  }
0x156: {  	v9 =	vld [tilespmem:s6+$0x4A80];
	[tilespmem:s6+$0x18080] =	vst v1;
	v1 =	vadd.f32 v3, v18  }
0x157: {  	v11 =	vld [tilespmem:s6+$0x4880];
	v2 =	vmul.f32 $5.000000000e-01, v0  }
0x158: {  	v13 =	vld [tilespmem:s6+$0x4980];
	[tilespmem:s6+$0x18000] =	vst v26;
	v1 =	vmul.f32 $5.000000000e-01, v1  }
0x159: {  	v14 =	vld [tilespmem:s6+$0x3280];
	[tilespmem:s6+$0x18100] =	vst v2  }
0x15a: {  	v7 =	vld [tilespmem:s6+$0x4980];
	v4 =	vadd.f32 v20, v26;
	[tilespmem:s6+$0x16A00] =	vst v1  }
0x15b: {  	v5 =	vadd.f32 v17, v26;
	v15 =	vld [tilespmem:s12+$0x3000]  }
0x15c: {  	v6 =	vadd.f32 v19, v26;
	v12 =	vld [tilespmem:s6+$0x4900];
	v4 =	vmul.f32 $5.000000000e-01, v4  }
0x15d: {  	v5 =	vmul.f32 $5.000000000e-01, v5;
	v0 =	vld [tilespmem:s6+$0x4800]  }
0x15e: {  	v6 =	vmul.f32 $5.000000000e-01, v6;
	v16 =	vadd.f32 v21, v14;
	v2 =	vld [tilespmem:s6+$0x4880];
	[tilespmem:s6+$0x18200] =	vst v4  }
0x15f: {  	v17 =	vadd.f32 v22, v26;
	v3 =	vld [tilespmem:s6+$0x4900];
	[tilespmem:s6+$0x18300] =	vst v5  }
0x160: {  	v16 =	vmul.f32 $5.000000000e-01, v16;
	v1 =	vld [tilespmem:s6+$0x4980];
	[tilespmem:s6+$0x18380] =	vst v6;
	v15 =	vadd.f32 v15, v26  }
0x161: {  	v17 =	vmul.f32 $5.000000000e-01, v17;
	v4 =	vld [tilespmem:s6+$0x4A00];
	[tilespmem:s6+$0x19800] =	vst v14  }
0x162: {  	v5 =	vld [tilespmem:s6+$0x4A80];
	[tilespmem:s6+$0x19880] =	vst v16;
	v15 =	vmul.f32 $5.000000000e-01, v15  }
0x163: {  	v6 =	vld [tilespmem:s6+$0x4B00];
	[tilespmem:s6+$0x18280] =	vst v17;
	v16 =	vadd.f32 v23, v14  }
0x164: {  	v18 =	vadd.f32 v24, v14;
	[tilespmem:s6+$0x18180] =	vst v15;
	v15 =	vld [tilespmem:s6+$0x3300]  }
0x165: {  	s13 =	simm.s32 $0x10;
	v17 =	vadd.f32 v25, v14;
	v19 =	vmul.f32 $5.000000000e-01, v16;
	v16 =	vadd.f32 v27, v14;
	v20 =	vld [tilespmem:s12+$0x3000]  }
.LBB2_9:
0x166: {  	p1 =	seq.s32 s13, $0x2F0  }
0x167: {  	s11 =	sadd.s32 $0x80, s11;
	s14 =	smov.u32 s13;
	s13 =	sadd.s32 $0x10, s13  }
0x168: {  	v18 =	vmul.f32 $5.000000000e-01, v18  }
0x169: {  	v7 =	vadd.f32 v7, v14;
	[tilespmem:s6+$0x19A00] =	vst v19  }
0x16a: {  	v17 =	vmul.f32 $5.000000000e-01, v17;
	[tilespmem:s6+$0x19980] =	vst v18;
	v10 =	vadd.f32 v10, v15;
	v11 =	vadd.f32 v11, v15  }
0x16b: {  	v7 =	vmul.f32 $5.000000000e-01, v7;
	v12 =	vadd.f32 v12, v15;
	v14 =	vadd.f32 v20, v14;
	[tilespmem:s6+$0x1B000] =	vst v15  }
0x16c: {  	v16 =	vmul.f32 $5.000000000e-01, v16;
	v13 =	vadd.f32 v13, v15;
	[tilespmem:s6+$0x19B80] =	vst v17  }
0x16d: {  	v14 =	vmul.f32 $5.000000000e-01, v14;
	[tilespmem:s6+$0x19B00] =	vst v7  }
0x16e: {  	s15 =	sand.u32 $0x70, s14;
	s16 =	sand.u32 $0x1C00, s11;
	[tilespmem:s6+$0x19A80] =	vst v16  }
0x16f: {  	s15 =	sor.u32 s15, s16;
	v7 =	vmul.f32 $5.000000000e-01, v10;
	[tilespmem:s6+$0x19900] =	vst v14  }
0x170: {  	v11 =	vmul.f32 $5.000000000e-01, v11;
	v10 =	vld [tilespmem:s12+$0x3000]  }
0x171: {  	v8 =	vadd.f32 v8, v15;
	v14 =	vld [tilespmem:s15+$0x3080];
	[tilespmem:s6+$0x1B100] =	vst v7;
	v7 =	vmul.f32 $5.000000000e-01, v12  }
0x172: {  	v9 =	vadd.f32 v9, v15;
	v12 =	vld [tilespmem:s15+$0x3100];
	[tilespmem:s6+$0x1B180] =	vst v11;
	v11 =	vmul.f32 $5.000000000e-01, v13  }
0x173: {  	[tilespmem:s6+$0x1B200] =	vst v7;
	v7 =	vmul.f32 $5.000000000e-01, v8  }
0x174: {  	v9 =	vmul.f32 $5.000000000e-01, v9;
	v8 =	vld [tilespmem:s15+$0x3000];
	[tilespmem:s6+$0x1B280] =	vst v11  }
0x175: {  	v11 =	vld [tilespmem:s15+$0x3180];
	v10 =	vadd.f32 v10, v15;
	[tilespmem:s6+$0x1B300] =	vst v7  }
0x176: {  	v7 =	vld [tilespmem:s15+$0x3200];
	[tilespmem:s6+$0x1B380] =	vst v9  }
0x177: {  	v9 =	vld [tilespmem:s15+$0x3280];
	v10 =	vmul.f32 $5.000000000e-01, v10  }
0x178: {  	v13 =	vld [tilespmem:s15+$0x3300]  }
0x179: {  	v14 =	vadd.f32 v14, v8;
	[tilespmem:s6+$0x1B080] =	vst v10  }
0x17a: {  	v10 =	vadd.f32 v11, v8;
	v11 =	vld [tilespmem:s12+$0x3000]  }
0x17b: {  	v12 =	vadd.f32 v12, v8;
	v7 =	vadd.f32 v7, v8  }
0x17c: {  	v10 =	vmul.f32 $5.000000000e-01, v10;
	v9 =	vadd.f32 v9, v8  }
0x17d: {  	v12 =	vmul.f32 $5.000000000e-01, v12;
	v13 =	vadd.f32 v13, v8  }
0x17e: {  	v7 =	vmul.f32 $5.000000000e-01, v7;
	[tilespmem:s15+$0x12180] =	vst v10;
	v9 =	vmul.f32 $5.000000000e-01, v9  }
0x17f: {  	v10 =	vmul.f32 $5.000000000e-01, v14;
	v13 =	vmul.f32 $5.000000000e-01, v13;
	[tilespmem:s6+$0x1C800] =	vst v11;
	v0 =	vadd.f32 v0, v11  }
0x180: {  	v2 =	vadd.f32 v2, v11;
	v3 =	vadd.f32 v3, v11  }
0x181: {  	v1 =	vadd.f32 v1, v11;
	v4 =	vadd.f32 v4, v11;
	[tilespmem:s15+$0x12200] =	vst v7;
	v0 =	vmul.f32 $5.000000000e-01, v0  }
0x182: {  	v5 =	vadd.f32 v5, v11;
	v6 =	vadd.f32 v6, v11;
	[tilespmem:s15+$0x12100] =	vst v12  }
0x183: {  	[tilespmem:s6+$0x1C880] =	vst v0;
	v0 =	vmul.f32 $5.000000000e-01, v1  }
0x184: {  	v1 =	vmul.f32 $5.000000000e-01, v5;
	v5 =	vmul.f32 $5.000000000e-01, v6;
	[tilespmem:s15+$0x12000] =	vst v8  }
0x185: {  	v2 =	vmul.f32 $5.000000000e-01, v2;
	[tilespmem:s15+$0x12280] =	vst v9  }
0x186: {  	[tilespmem:s15+$0x12080] =	vst v10  }
0x187: {  	[tilespmem:s6+$0x1C900] =	vst v2;
	v2 =	vmul.f32 $5.000000000e-01, v3  }
0x188: {  	v3 =	vmul.f32 $5.000000000e-01, v4;
	[tilespmem:s15+$0x12300] =	vst v13  }
0x189: {  	[tilespmem:s6+$0x1C980] =	vst v2  }
0x18a: {  	[tilespmem:s6+$0x1CA80] =	vst v3  }
0x18b: {  	[tilespmem:s6+$0x1CB00] =	vst v1  }
0x18c: {  	s12 =	sor.u32 s11, s14;
	[tilespmem:s6+$0x1CA00] =	vst v0  }
0x18d: {  	s12 =	sor.u32 $0x380, s12;
	[tilespmem:s6+$0x1CB80] =	vst v5;
	s6 =	smov.u32 s15  }
0x18e: {  	v0 =	vld [tilespmem:s12+$0x3000];
	_ =	sdelay $0x4  }
0x18f: {  	v0 =	vadd.f32 v0, v8;
	_ =	sdelay $0x1  }
0x190: {  	v0 =	vmul.f32 $5.000000000e-01, v0;
	_ =	sdelay $0x1  }
0x191: {  	[tilespmem:s12+$0x12000] =	vst v0  }
0x192: {  	v0 =	vld [tilespmem:s6+$0x3280]  }
0x193: {  	v1 =	vld [tilespmem:s6+$0x3180]  }
0x194: {  	v2 =	vld [tilespmem:s6+$0x3300]  }
0x195: {  	v3 =	vld [tilespmem:s6+$0x3200]  }
0x196: {  	v4 =	vld [tilespmem:s6+$0x3080]  }
0x197: {  	v5 =	vld [tilespmem:s6+$0x3100]  }
0x198: {  	v6 =	vld [tilespmem:s6+$0x3300]  }
0x199: {  	v7 =	vld [tilespmem:s6+$0x4800]  }
0x19a: {  	v8 =	vld [tilespmem:s6+$0x3200]  }
0x19b: {  	v1 =	vadd.f32 v1, v4;
	v2 =	vadd.f32 v2, v4;
	v9 =	vld [tilespmem:s6+$0x3280]  }
0x19c: {  	v3 =	vadd.f32 v3, v4;
	v0 =	vadd.f32 v0, v4;
	v10 =	vld [tilespmem:s6+$0x3180]  }
0x19d: {  	v5 =	vadd.f32 v5, v4;
	v1 =	vmul.f32 $5.000000000e-01, v1;
	v2 =	vmul.f32 $5.000000000e-01, v2;
	v11 =	vld [tilespmem:s6+$0x4880]  }
0x19e: {  	v3 =	vmul.f32 $5.000000000e-01, v3;
	v0 =	vmul.f32 $5.000000000e-01, v0;
	[tilespmem:s6+$0x13800] =	vst v4;
	v12 =	vld [tilespmem:s6+$0x3100]  }
0x19f: {  	v5 =	vmul.f32 $5.000000000e-01, v5;
	[tilespmem:s6+$0x13900] =	vst v1;
	v1 =	vld [tilespmem:s6+$0x3300]  }
0x1a0: {  	[tilespmem:s6+$0x13980] =	vst v3;
	v3 =	vld [tilespmem:s6+$0x3200]  }
0x1a1: {  	[tilespmem:s6+$0x13880] =	vst v5;
	v5 =	vld [tilespmem:s6+$0x3280]  }
0x1a2: {  	[tilespmem:s6+$0x13A80] =	vst v2;
	v2 =	vld [tilespmem:s6+$0x4800]  }
0x1a3: {  	[tilespmem:s6+$0x13A00] =	vst v0;
	v0 =	vadd.f32 v8, v12;
	v6 =	vadd.f32 v6, v12;
	v8 =	vld [tilespmem:s6+$0x4800]  }
0x1a4: {  	v7 =	vadd.f32 v7, v4;
	v9 =	vadd.f32 v9, v12;
	v13 =	vld [tilespmem:s12+$0x3000]  }
0x1a5: {  	v10 =	vadd.f32 v10, v12;
	v11 =	vadd.f32 v11, v12;
	v6 =	vmul.f32 $5.000000000e-01, v6;
	v14 =	vld [tilespmem:s6+$0x4900]  }
0x1a6: {  	v7 =	vmul.f32 $5.000000000e-01, v7;
	v15 =	vld [tilespmem:s6+$0x3280]  }
0x1a7: {  	v0 =	vmul.f32 $5.000000000e-01, v0;
	[tilespmem:s6+$0x15200] =	vst v6;
	v2 =	vadd.f32 v2, v12;
	v6 =	vld [tilespmem:s6+$0x3300]  }
0x1a8: {  	[tilespmem:s6+$0x13B80] =	vst v7;
	v7 =	vmul.f32 $5.000000000e-01, v9;
	v9 =	vld [tilespmem:s6+$0x4880]  }
0x1a9: {  	v10 =	vmul.f32 $5.000000000e-01, v10;
	v4 =	vadd.f32 v13, v4;
	[tilespmem:s6+$0x15100] =	vst v0;
	v0 =	vld [tilespmem:s6+$0x4900]  }
0x1aa: {  	[tilespmem:s6+$0x15180] =	vst v7;
	v16 =	vld [tilespmem:s6+$0x3180]  }
0x1ab: {  	v4 =	vmul.f32 $5.000000000e-01, v4;
	[tilespmem:s6+$0x15080] =	vst v10;
	v13 =	vld [tilespmem:s6+$0x4980]  }
0x1ac: {  	[tilespmem:s6+$0x15000] =	vst v12;
	v17 =	vld [tilespmem:s6+$0x4800]  }
0x1ad: {  	[tilespmem:s6+$0x13B00] =	vst v4;
	v4 =	vld [tilespmem:s6+$0x3300]  }
0x1ae: {  	v7 =	vld [tilespmem:s12+$0x3000]  }
0x1af: {  	v3 =	vadd.f32 v3, v16;
	v1 =	vadd.f32 v1, v16;
	v18 =	vld [tilespmem:s6+$0x4880]  }
0x1b0: {  	v10 =	vmul.f32 $5.000000000e-01, v11;
	v5 =	vadd.f32 v5, v16;
	v8 =	vadd.f32 v8, v16;
	v19 =	vld [tilespmem:s6+$0x4880]  }
0x1b1: {  	v14 =	vadd.f32 v14, v16;
	[tilespmem:s6+$0x16800] =	vst v16;
	v1 =	vmul.f32 $5.000000000e-01, v1;
	v20 =	vld [tilespmem:s6+$0x4800]  }
0x1b2: {  	v5 =	vmul.f32 $5.000000000e-01, v5;
	[tilespmem:s6+$0x15380] =	vst v10;
	v21 =	vld [tilespmem:s6+$0x4A00]  }
0x1b3: {  	v3 =	vmul.f32 $5.000000000e-01, v3;
	v10 =	vadd.f32 v7, v12;
	[tilespmem:s6+$0x16980] =	vst v1;
	v7 =	vld [tilespmem:s6+$0x4980]  }
0x1b4: {  	v1 =	vmul.f32 $5.000000000e-01, v2;
	[tilespmem:s6+$0x16900] =	vst v5;
	v22 =	vld [tilespmem:s6+$0x3200]  }
0x1b5: {  	v2 =	vmul.f32 $5.000000000e-01, v10;
	[tilespmem:s6+$0x16880] =	vst v3;
	v23 =	vld [tilespmem:s6+$0x4900]  }
0x1b6: {  	[tilespmem:s6+$0x15300] =	vst v1;
	v1 =	vadd.f32 v9, v16;
	v10 =	vld [tilespmem:s6+$0x4800]  }
0x1b7: {  	[tilespmem:s6+$0x15280] =	vst v2;
	v2 =	vmul.f32 $5.000000000e-01, v8;
	v11 =	vld [tilespmem:s6+$0x4880]  }
0x1b8: {  	v3 =	vld [tilespmem:s12+$0x3000];
	v1 =	vmul.f32 $5.000000000e-01, v1  }
0x1b9: {  	[tilespmem:s6+$0x16A80] =	vst v2;
	v2 =	vmul.f32 $5.000000000e-01, v14;
	v5 =	vadd.f32 v15, v22;
	v6 =	vadd.f32 v6, v22;
	v12 =	vld [tilespmem:s6+$0x4900]  }
0x1ba: {  	v15 =	vadd.f32 v0, v22;
	v24 =	vadd.f32 v13, v22;
	[tilespmem:s6+$0x16B00] =	vst v1;
	v13 =	vld [tilespmem:s6+$0x4980]  }
0x1bb: {  	v25 =	vadd.f32 v18, v22;
	[tilespmem:s6+$0x16B80] =	vst v2;
	v0 =	vmul.f32 $5.000000000e-01, v5;
	v8 =	vld [tilespmem:s6+$0x4A00]  }
0x1bc: {  	v1 =	vmul.f32 $5.000000000e-01, v6;
	[tilespmem:s6+$0x18000] =	vst v22;
	v9 =	vld [tilespmem:s6+$0x4A80]  }
0x1bd: {  	v2 =	vadd.f32 v3, v16;
	[tilespmem:s6+$0x18080] =	vst v0;
	v0 =	vld [tilespmem:s6+$0x4800]  }
0x1be: {  	[tilespmem:s6+$0x18100] =	vst v1;
	v14 =	vld [tilespmem:s6+$0x3280]  }
0x1bf: {  	v5 =	vadd.f32 v17, v22;
	v1 =	vmul.f32 $5.000000000e-01, v2;
	v2 =	vld [tilespmem:s6+$0x4880]  }
0x1c0: {  	v3 =	vld [tilespmem:s6+$0x4900]  }
0x1c1: {  	v5 =	vmul.f32 $5.000000000e-01, v5;
	[tilespmem:s6+$0x16A00] =	vst v1;
	v1 =	vld [tilespmem:s6+$0x4980]  }
0x1c2: {  	v6 =	vmul.f32 $5.000000000e-01, v15;
	v26 =	vld [tilespmem:s12+$0x3000]  }
0x1c3: {  	v15 =	vmul.f32 $5.000000000e-01, v24;
	[tilespmem:s6+$0x18200] =	vst v5;
	v16 =	vadd.f32 v4, v14;
	v19 =	vadd.f32 v19, v14;
	v4 =	vld [tilespmem:s6+$0x4A00]  }
0x1c4: {  	v18 =	vadd.f32 v20, v14;
	v17 =	vadd.f32 v21, v14;
	[tilespmem:s6+$0x18300] =	vst v6;
	v5 =	vld [tilespmem:s6+$0x4A80]  }
0x1c5: {  	[tilespmem:s6+$0x18380] =	vst v15;
	v15 =	vmul.f32 $5.000000000e-01, v16;
	v19 =	vmul.f32 $5.000000000e-01, v19;
	v16 =	vadd.f32 v23, v14;
	v6 =	vld [tilespmem:s6+$0x4B00]  }
0x1c6: {  	v20 =	vmul.f32 $5.000000000e-01, v25;
	[tilespmem:s6+$0x19800] =	vst v14  }
0x1c7: {  	v21 =	vadd.f32 v26, v22;
	[tilespmem:s6+$0x19880] =	vst v15  }
.Ltmp4:
0x1c8: {  	[tilespmem:s6+$0x18280] =	vst v20;
	(pc) =	sbr.rel @!p1 .LBB2_9-.Ltmp4, $3  }
0x1c9: {  	v15 =	vmul.f32 $5.000000000e-01, v21;
	_ =	sdelay $0x1  }
0x1ca: {  	[tilespmem:s6+$0x18180] =	vst v15;
	v15 =	vld [tilespmem:s6+$0x3300]  }
0x1cb: {  	v20 =	vld [tilespmem:s12+$0x3000]  }
0x1cc: {  	_ = 	snop  }
0x1cd: {  	v18 =	vmul.f32 $5.000000000e-01, v18  }
0x1ce: {  	[tilespmem:s6+$0x19A00] =	vst v19;
	v17 =	vmul.f32 $5.000000000e-01, v17  }
0x1cf: {  	v7 =	vadd.f32 v7, v14;
	v16 =	vmul.f32 $5.000000000e-01, v16;
	[tilespmem:s6+$0x19980] =	vst v18  }
0x1d0: {  	[tilespmem:s6+$0x19B80] =	vst v17;
	v49 =	vadd.f32 v20, v14  }
0x1d1: {  	v7 =	vmul.f32 $5.000000000e-01, v7;
	[tilespmem:s6+$0x19A80] =	vst v16  }
0x1d2: {  	[tilespmem:s6+$0x1B000] =	vst v15;
	v14 =	vmul.f32 $5.000000000e-01, v49  }
0x1d3: {  	[tilespmem:s6+$0x19B00] =	vst v7  }
0x1d4: {  	v50 =	vadd.f32 v10, v15;
	[tilespmem:s6+$0x19900] =	vst v14  }
0x1d5: {  	v51 =	vadd.f32 v11, v15;
	v52 =	vld [tilespmem:s12+$0x3000]  }
0x1d6: {  	v12 =	vadd.f32 v12, v15;
	v7 =	vmul.f32 $5.000000000e-01, v50  }
0x1d7: {  	v13 =	vadd.f32 v13, v15;
	v10 =	vmul.f32 $5.000000000e-01, v51  }
0x1d8: {  	v8 =	vadd.f32 v8, v15;
	v53 =	vmul.f32 $5.000000000e-01, v12;
	[tilespmem:s6+$0x1B100] =	vst v7  }
0x1d9: {  	v9 =	vadd.f32 v9, v15;
	v54 =	vmul.f32 $5.000000000e-01, v13;
	[tilespmem:s6+$0x1B180] =	vst v10  }
0x1da: {  	v55 =	vmul.f32 $5.000000000e-01, v8;
	[tilespmem:s6+$0x1B200] =	vst v53;
	v56 =	vadd.f32 v52, v15  }
0x1db: {  	v9 =	vmul.f32 $5.000000000e-01, v9;
	[tilespmem:s6+$0x1B280] =	vst v54  }
0x1dc: {  	[tilespmem:s6+$0x1B300] =	vst v55;
	v57 =	vmul.f32 $5.000000000e-01, v56  }
0x1dd: {  	[tilespmem:s6+$0x1B380] =	vst v9  }
0x1de: {  	[tilespmem:s6+$0x1B080] =	vst v57  }
0x1df: {  	v7 =	vld [tilespmem:s12+$0x3000];
	_ =	sdelay $0x4  }
0x1e0: {  	v0 =	vadd.f32 v0, v7  }
0x1e1: {  	v2 =	vadd.f32 v2, v7  }
0x1e2: {  	v3 =	vadd.f32 v3, v7;
	v0 =	vmul.f32 $5.000000000e-01, v0  }
0x1e3: {  	[tilespmem:s6+$0x1C800] =	vst v7;
	v4 =	vadd.f32 v4, v7;
	v2 =	vmul.f32 $5.000000000e-01, v2  }
0x1e4: {  	v5 =	vadd.f32 v5, v7;
	v58 =	vmul.f32 $5.000000000e-01, v3;
	[tilespmem:s6+$0x1C880] =	vst v0  }
0x1e5: {  	v1 =	vadd.f32 v1, v7;
	v59 =	vmul.f32 $5.000000000e-01, v4;
	[tilespmem:s6+$0x1C900] =	vst v2  }
.Ltmp5:
0x1e6: {  	v60 =	vadd.f32 v6, v7;
	v61 =	vmul.f32 $5.000000000e-01, v5;
	[tilespmem:s6+$0x1C980] =	vst v58;
	(pc) =	sbr.rel .LBB2_11-.Ltmp5, $4  }
0x1e7: {  	v62 =	vmul.f32 $5.000000000e-01, v1;
	[tilespmem:s6+$0x1CA80] =	vst v59  }
0x1e8: {  	v63 =	vmul.f32 $5.000000000e-01, v60;
	[tilespmem:s6+$0x1CB00] =	vst v61  }
0x1e9: {  	[tilespmem:s6+$0x1CA00] =	vst v62  }
0x1ea: {  	[tilespmem:s6+$0x1CB80] =	vst v63  }
.LBB2_5:
0x1eb: {  	s6 =	rddreg [dreg:$0x6]  }
0x1ec: {  	s11 =	rddreg [dreg:$0x7]  }
0x1ed: {  	s12 =	rddreg [dreg:$0x8]  }
0x1ee: {  	s13 =	rddreg [dreg:$0x9]  }
0x1ef: {  	s14 =	rddreg [dreg:$0xa]  }
0x1f0: {  	s15 =	rddreg [dreg:$0xb]  }
0x1f1: {  	s16 =	rddreg [dreg:$0xc]  }
0x1f2: {  	s17 =	rddreg [dreg:$0xd]  }
0x1f3: {  	s18 =	rddreg [dreg:$0xe];
	p1 =	slt.u32 s7, s6;
	s6 =	simm.f32 $5.000000000e-01  }
0x1f4: {  	p2 =	slt.u32 s7, s12;
	s12 =	simm.f32 $5.000000000e-01;
	s6 =	simm.s32 @!p1 $0x0  }
0x1f5: {  	p1 =	slt.u32 s7, s11;
	s11 =	simm.f32 $5.000000000e-01;
	s12 =	simm.s32 @!p2 $0x0  }
0x1f6: {  	p2 =	slt.u32 s7, s14;
	s14 =	simm.f32 $5.000000000e-01;
	s11 =	simm.s32 @!p1 $0x0  }
0x1f7: {  	p1 =	slt.u32 s7, s13;
	s13 =	simm.f32 $5.000000000e-01;
	s14 =	simm.s32 @!p2 $0x0  }
0x1f8: {  	p2 =	slt.u32 s7, s16;
	s16 =	simm.f32 $5.000000000e-01;
	v7 =	vmov s6;
	s6 =	simm.f32 $5.000000000e-01  }
0x1f9: {  	s13 =	simm.s32 @!p1 $0x0;
	p1 =	slt.u32 s7, s15;
	s15 =	simm.f32 $5.000000000e-01  }
0x1fa: {  	s15 =	simm.s32 @!p1 $0x0;
	p1 =	slt.u32 s7, s17;
	s17 =	simm.f32 $5.000000000e-01  }
0x1fb: {  	s16 =	simm.s32 @!p2 $0x0;
	s17 =	simm.s32 @!p1 $0x0;
	p1 =	slt.u32 s7, s20  }
0x1fc: {  	v8 =	vmov s11;
	s11 =	simm.f32 $5.000000000e-01;
	s6 =	simm.s32 @!p1 $0x0;
	p1 =	slt.u32 s7, s22  }
0x1fd: {  	p2 =	slt.u32 s7, s18;
	s18 =	simm.f32 $5.000000000e-01;
	s11 =	simm.s32 @!p1 $0x0  }
0x1fe: {  	s18 =	simm.s32 @!p2 $0x0;
	v4 =	vmov s11;
	s11 =	simm.s32 $0x0  }
0x1ff: {  	v2 =	vmov s18;
	v3 =	vmov s17;
	s17 =	sand.u32 $0x70, s11;
	s18 =	sand.u32 $0x1C00, s11  }
0x200: {  	v0 =	vmov s6;
	s6 =	sor.u32 s17, s18  }
0x201: {  	v13 =	vld [tilespmem:s6+$0x3000]  }
0x202: {  	v14 =	vld [tilespmem:s6+$0x3200]  }
0x203: {  	v15 =	vld [tilespmem:s6+$0x3300]  }
0x204: {  	v16 =	vld [tilespmem:s6+$0x3080]  }
0x205: {  	v17 =	vld [tilespmem:s6+$0x3280]  }
0x206: {  	v10 =	vmov s13;
	v18 =	vld [tilespmem:s6+$0x3180]  }
0x207: {  	v12 =	vmov s15;
	v19 =	vld [tilespmem:s6+$0x3100];
	v14 =	vmul.f32 v14, v10;
	v20 =	vmul.f32 $5.000000000e-01, v13  }
0x208: {  	v15 =	vmul.f32 v15, v12  }
0x209: {  	v11 =	vmov s14;
	v16 =	vmul.f32 v16, v7;
	v14 =	vadd.f32 v14, v20  }
0x20a: {  	v9 =	vmov s12;
	v17 =	vmul.f32 v17, v11;
	[tilespmem:s6+$0x12000] =	vst v13;
	v15 =	vadd.f32 v15, v20  }
0x20b: {  	v18 =	vmul.f32 v18, v9;
	v16 =	vadd.f32 v16, v20;
	[tilespmem:s6+$0x12200] =	vst v14  }
0x20c: {  	v17 =	vadd.f32 v17, v20;
	v14 =	vmul.f32 v19, v8;
	[tilespmem:s6+$0x12300] =	vst v15  }
0x20d: {  	s19 =	simm.f32 $5.000000000e-01;
	p2 =	slt.u32 s7, s21;
	v15 =	vadd.f32 v18, v20;
	[tilespmem:s6+$0x12080] =	vst v16  }
0x20e: {  	s12 =	simm.f32 $5.000000000e-01;
	s19 =	simm.s32 @!p2 $0x0;
	p2 =	slt.u32 s7, s23;
	[tilespmem:s6+$0x12280] =	vst v17;
	v14 =	vadd.f32 v14, v20  }
0x20f: {  	s12 =	simm.s32 @!p2 $0x0;
	v5 =	vmov s19;
	s19 =	sor.u32 s11, s11;
	[tilespmem:s6+$0x12180] =	vst v15  }
0x210: {  	v1 =	vmov s12;
	s12 =	sor.u32 $0x380, s19;
	[tilespmem:s6+$0x12100] =	vst v14  }
0x211: {  	v13 =	vld [tilespmem:s12+$0x3000];
	_ =	sdelay $0x3  }
0x212: {  	v6 =	vmov s16  }
0x213: {  	v13 =	vmul.f32 v13, v6;
	_ =	sdelay $0x1  }
0x214: {  	v13 =	vadd.f32 v13, v20;
	_ =	sdelay $0x1  }
0x215: {  	[tilespmem:s12+$0x12000] =	vst v13  }
0x216: {  	v14 =	vld [tilespmem:s6+$0x3180]  }
0x217: {  	v16 =	vld [tilespmem:s6+$0x3080]  }
0x218: {  	v17 =	vld [tilespmem:s6+$0x3200]  }
0x219: {  	v18 =	vld [tilespmem:s6+$0x3300]  }
0x21a: {  	v15 =	vld [tilespmem:s6+$0x3100]  }
0x21b: {  	v13 =	vld [tilespmem:s6+$0x3280]  }
0x21c: {  	v22 =	vmul.f32 $5.000000000e-01, v16;
	v14 =	vmul.f32 v14, v9  }
0x21d: {  	v17 =	vmul.f32 v17, v10  }
0x21e: {  	v19 =	vld [tilespmem:s6+$0x3100];
	v18 =	vmul.f32 v18, v12;
	v14 =	vadd.f32 v14, v22  }
0x21f: {  	v20 =	vld [tilespmem:s6+$0x3300];
	[tilespmem:s6+$0x13800] =	vst v16;
	v15 =	vmul.f32 v15, v8;
	v17 =	vadd.f32 v17, v22  }
0x220: {  	v21 =	vld [tilespmem:s6+$0x3280];
	v13 =	vmul.f32 v13, v11;
	v18 =	vadd.f32 v18, v22;
	[tilespmem:s6+$0x13900] =	vst v14  }
0x221: {  	v24 =	vld [tilespmem:s6+$0x3180];
	v15 =	vadd.f32 v15, v22;
	[tilespmem:s6+$0x13980] =	vst v17  }
0x222: {  	v23 =	vld [tilespmem:s6+$0x3200];
	v13 =	vadd.f32 v13, v22;
	[tilespmem:s6+$0x13A80] =	vst v18  }
0x223: {  	v25 =	vld [tilespmem:s6+$0x4880];
	[tilespmem:s6+$0x13880] =	vst v15  }
0x224: {  	v16 =	vld [tilespmem:s6+$0x4800];
	[tilespmem:s6+$0x13A00] =	vst v13  }
0x225: {  	v13 =	vmul.f32 v20, v12;
	v20 =	vmul.f32 $5.000000000e-01, v19;
	v26 =	vld [tilespmem:s12+$0x3000]  }
0x226: {  	v27 =	vld [tilespmem:s6+$0x4800];
	v24 =	vmul.f32 v24, v9  }
0x227: {  	v21 =	vmul.f32 v21, v11;
	v14 =	vld [tilespmem:s6+$0x3180];
	v13 =	vadd.f32 v13, v20  }
0x228: {  	v23 =	vmul.f32 v23, v10;
	v17 =	vld [tilespmem:s6+$0x3300];
	[tilespmem:s6+$0x15000] =	vst v19;
	v24 =	vadd.f32 v24, v20  }
0x229: {  	v15 =	vld [tilespmem:s6+$0x3200];
	v16 =	vmul.f32 v16, v3;
	v21 =	vadd.f32 v21, v20;
	[tilespmem:s6+$0x15200] =	vst v13  }
0x22a: {  	v28 =	vld [tilespmem:s6+$0x4800];
	v23 =	vadd.f32 v23, v20;
	[tilespmem:s6+$0x15080] =	vst v24;
	v24 =	vmul.f32 v26, v6  }
0x22b: {  	v30 =	vld [tilespmem:s6+$0x3200];
	v16 =	vadd.f32 v16, v22;
	[tilespmem:s6+$0x15180] =	vst v21  }
0x22c: {  	v18 =	vld [tilespmem:s6+$0x3280];
	[tilespmem:s6+$0x15100] =	vst v23;
	v19 =	vadd.f32 v24, v22  }
0x22d: {  	v31 =	vld [tilespmem:s6+$0x4880];
	[tilespmem:s6+$0x13B80] =	vst v16;
	v17 =	vmul.f32 v17, v12;
	v22 =	vmul.f32 $5.000000000e-01, v14  }
0x22e: {  	v32 =	vld [tilespmem:s6+$0x4900];
	v15 =	vmul.f32 v15, v10;
	[tilespmem:s6+$0x13B00] =	vst v19  }
0x22f: {  	v17 =	vadd.f32 v17, v22;
	v19 =	vld [tilespmem:s12+$0x3000]  }
0x230: {  	v33 =	vld [tilespmem:s6+$0x4980];
	v15 =	vadd.f32 v15, v22  }
0x231: {  	v13 =	vld [tilespmem:s6+$0x4880];
	v18 =	vmul.f32 v18, v11;
	[tilespmem:s6+$0x16980] =	vst v17  }
0x232: {  	v34 =	vld [tilespmem:s6+$0x3280];
	v17 =	vmul.f32 v25, v2;
	[tilespmem:s6+$0x16880] =	vst v15;
	v15 =	vmul.f32 v27, v3  }
0x233: {  	v35 =	vld [tilespmem:s6+$0x4A00];
	v18 =	vadd.f32 v18, v22  }
0x234: {  	v21 =	vld [tilespmem:s6+$0x4900];
	[tilespmem:s6+$0x16800] =	vst v14;
	v17 =	vadd.f32 v17, v20;
	v14 =	vadd.f32 v15, v20;
	v15 =	vmul.f32 v19, v6  }
0x235: {  	v23 =	vld [tilespmem:s6+$0x3280];
	[tilespmem:s6+$0x16900] =	vst v18  }
0x236: {  	v36 =	vld [tilespmem:s6+$0x4980];
	v13 =	vmul.f32 v13, v2;
	[tilespmem:s6+$0x15380] =	vst v17;
	v15 =	vadd.f32 v15, v20  }
0x237: {  	v29 =	vld [tilespmem:s6+$0x4800];
	[tilespmem:s6+$0x15300] =	vst v14;
	v14 =	vmul.f32 v28, v3  }
0x238: {  	v26 =	vld [tilespmem:s6+$0x3300];
	v13 =	vadd.f32 v13, v22;
	[tilespmem:s6+$0x15280] =	vst v15  }
0x239: {  	v17 =	vmul.f32 v21, v0;
	v14 =	vadd.f32 v14, v22;
	v15 =	vld [tilespmem:s12+$0x3000]  }
0x23a: {  	v37 =	vmul.f32 $5.000000000e-01, v30;
	v16 =	vld [tilespmem:s6+$0x4800];
	[tilespmem:s6+$0x16B00] =	vst v13;
	v13 =	vmul.f32 v23, v11  }
0x23b: {  	v24 =	vld [tilespmem:s6+$0x4900];
	[tilespmem:s6+$0x16A80] =	vst v14;
	v14 =	vadd.f32 v17, v22  }
0x23c: {  	v18 =	vld [tilespmem:s6+$0x3300];
	v13 =	vadd.f32 v13, v37  }
0x23d: {  	v27 =	vld [tilespmem:s6+$0x4900];
	[tilespmem:s6+$0x16B80] =	vst v14;
	v14 =	vmul.f32 v26, v12  }
0x23e: {  	v25 =	vld [tilespmem:s6+$0x4A00];
	[tilespmem:s6+$0x18080] =	vst v13;
	v13 =	vmul.f32 v15, v6  }
0x23f: {  	v28 =	vld [tilespmem:s6+$0x4880];
	v14 =	vadd.f32 v14, v37  }
0x240: {  	v19 =	vld [tilespmem:s6+$0x3300];
	[tilespmem:s6+$0x18000] =	vst v30;
	v13 =	vadd.f32 v13, v22  }
0x241: {  	v21 =	vld [tilespmem:s6+$0x4800];
	[tilespmem:s6+$0x18100] =	vst v14  }
0x242: {  	v23 =	vld [tilespmem:s6+$0x4880];
	v15 =	vmul.f32 v16, v3;
	[tilespmem:s6+$0x16A00] =	vst v13  }
0x243: {  	v17 =	vmul.f32 v32, v0;
	v16 =	vmul.f32 v31, v2;
	v31 =	vld [tilespmem:s12+$0x3000]  }
0x244: {  	v26 =	vld [tilespmem:s6+$0x4980];
	v15 =	vadd.f32 v15, v37  }
0x245: {  	v20 =	vmul.f32 v33, v5;
	v30 =	vadd.f32 v17, v37;
	v17 =	vld [tilespmem:s6+$0x4980]  }
0x246: {  	v14 =	vld [tilespmem:s6+$0x4800];
	v16 =	vadd.f32 v16, v37;
	[tilespmem:s6+$0x18200] =	vst v15  }
0x247: {  	v18 =	vmul.f32 v18, v12;
	v20 =	vadd.f32 v20, v37;
	v22 =	vld [tilespmem:s6+$0x4A80];
	[tilespmem:s6+$0x18300] =	vst v30;
	v30 =	vmul.f32 $5.000000000e-01, v34  }
0x248: {  	v13 =	vld [tilespmem:s6+$0x4900];
	[tilespmem:s6+$0x18280] =	vst v16;
	v31 =	vmul.f32 v31, v6  }
0x249: {  	v15 =	vld [tilespmem:s6+$0x4880];
	[tilespmem:s6+$0x18380] =	vst v20;
	v63 =	vadd.f32 v18, v30  }
0x24a: {  	v16 =	vld [tilespmem:s6+$0x4A00];
	[tilespmem:s6+$0x19800] =	vst v34;
	v31 =	vadd.f32 v31, v37  }
0x24b: {  	v20 =	vld [tilespmem:s6+$0x4A80];
	[tilespmem:s6+$0x19880] =	vst v63  }
0x24c: {  	v18 =	vld [tilespmem:s6+$0x4B00];
	[tilespmem:s6+$0x18180] =	vst v31  }
0x24d: {  	s13 =	simm.s32 $0x10;
	v33 =	vmul.f32 v35, v4;
	v31 =	vmul.f32 v36, v5;
	v32 =	vld [tilespmem:s12+$0x3000]  }
.LBB2_6:
0x24e: {  	p1 =	sne.s32 s13, $0x2F0  }
0x24f: {  	s11 =	sadd.s32 $0x80, s11;
	s14 =	smov.u32 s13;
	s13 =	sadd.s32 $0x10, s13  }
0x250: {  	v27 =	vmul.f32 v27, v0;
	v33 =	vadd.f32 v33, v30  }
0x251: {  	v28 =	vmul.f32 v28, v2;
	v31 =	vadd.f32 v31, v30;
	s15 =	sand.u32 $0x70, s14;
	s16 =	sand.u32 $0x1C00, s11;
	[tilespmem:s6+$0x1B000] =	vst v19  }
0x252: {  	v29 =	vmul.f32 v29, v3;
	s15 =	sor.u32 s15, s16;
	v27 =	vadd.f32 v27, v30;
	[tilespmem:s6+$0x19B80] =	vst v33  }
0x253: {  	v28 =	vadd.f32 v28, v30;
	v33 =	vld [tilespmem:s15+$0x3300];
	v32 =	vmul.f32 v32, v6;
	[tilespmem:s6+$0x19B00] =	vst v31  }
0x254: {  	v29 =	vadd.f32 v29, v30;
	v31 =	vld [tilespmem:s15+$0x3100];
	[tilespmem:s6+$0x19A80] =	vst v27  }
0x255: {  	v21 =	vmul.f32 v21, v3;
	v19 =	vmul.f32 $5.000000000e-01, v19;
	v27 =	vld [tilespmem:s15+$0x3080];
	v30 =	vadd.f32 v32, v30;
	[tilespmem:s6+$0x19A00] =	vst v28  }
0x256: {  	v23 =	vmul.f32 v23, v2;
	v28 =	vld [tilespmem:s15+$0x3000];
	[tilespmem:s6+$0x19980] =	vst v29  }
0x257: {  	v24 =	vmul.f32 v24, v0;
	v21 =	vadd.f32 v21, v19;
	v29 =	vld [tilespmem:s15+$0x3200];
	[tilespmem:s6+$0x19900] =	vst v30  }
0x258: {  	v26 =	vmul.f32 v26, v5;
	v23 =	vadd.f32 v23, v19;
	v30 =	vmul.f32 v33, v12;
	v32 =	vld [tilespmem:s12+$0x3000]  }
0x259: {  	v33 =	vld [tilespmem:s15+$0x3280];
	[tilespmem:s6+$0x1B100] =	vst v21;
	v21 =	vadd.f32 v24, v19;
	v24 =	vmul.f32 v25, v4  }
0x25a: {  	v22 =	vmul.f32 v22, v1;
	v25 =	vld [tilespmem:s15+$0x3180];
	[tilespmem:s6+$0x1B180] =	vst v23;
	v23 =	vadd.f32 v26, v19  }
0x25b: {  	v26 =	vmul.f32 v27, v7;
	[tilespmem:s6+$0x1B200] =	vst v21;
	v21 =	vadd.f32 v24, v19  }
0x25c: {  	v22 =	vadd.f32 v22, v19;
	v24 =	vmul.f32 v31, v8;
	[tilespmem:s6+$0x1B280] =	vst v23  }
0x25d: {  	v23 =	vmul.f32 v29, v10;
	v27 =	vmul.f32 v32, v6;
	[tilespmem:s6+$0x1B300] =	vst v21  }
0x25e: {  	v21 =	vmul.f32 $5.000000000e-01, v28;
	v29 =	vmul.f32 v33, v11;
	[tilespmem:s6+$0x1B380] =	vst v22  }
0x25f: {  	v22 =	vmul.f32 v25, v9;
	v19 =	vadd.f32 v27, v19  }
0x260: {  	v23 =	vadd.f32 v23, v21;
	v25 =	vadd.f32 v29, v21  }
0x261: {  	v24 =	vadd.f32 v24, v21;
	v22 =	vadd.f32 v22, v21;
	[tilespmem:s6+$0x1B080] =	vst v19  }
0x262: {  	v19 =	vadd.f32 v26, v21;
	v26 =	vadd.f32 v30, v21;
	v27 =	vld [tilespmem:s12+$0x3000]  }
0x263: {  	[tilespmem:s15+$0x12200] =	vst v23  }
0x264: {  	[tilespmem:s15+$0x12300] =	vst v26  }
0x265: {  	[tilespmem:s15+$0x12080] =	vst v19  }
0x266: {  	v14 =	vmul.f32 v14, v3;
	v19 =	vmul.f32 v20, v1;
	[tilespmem:s15+$0x12280] =	vst v25  }
0x267: {  	v13 =	vmul.f32 v13, v0;
	[tilespmem:s6+$0x1C800] =	vst v27;
	v20 =	vmul.f32 $5.000000000e-01, v27  }
0x268: {  	v15 =	vmul.f32 v15, v2;
	v17 =	vmul.f32 v17, v5;
	[tilespmem:s15+$0x12180] =	vst v22  }
0x269: {  	v16 =	vmul.f32 v16, v4;
	[tilespmem:s15+$0x12100] =	vst v24;
	v14 =	vadd.f32 v14, v20;
	v13 =	vadd.f32 v13, v20  }
0x26a: {  	v18 =	vmul.f32 $0.0e+00, v18;
	v15 =	vadd.f32 v15, v20;
	v17 =	vadd.f32 v17, v20;
	[tilespmem:s15+$0x12000] =	vst v28  }
0x26b: {  	[tilespmem:s6+$0x1C880] =	vst v14;
	v14 =	vadd.f32 v16, v20;
	v16 =	vadd.f32 v19, v20  }
0x26c: {  	[tilespmem:s6+$0x1C900] =	vst v15;
	v15 =	vadd.f32 v18, v20  }
0x26d: {  	[tilespmem:s6+$0x1CA00] =	vst v17  }
0x26e: {  	[tilespmem:s6+$0x1CA80] =	vst v14  }
0x26f: {  	[tilespmem:s6+$0x1C980] =	vst v13  }
0x270: {  	s12 =	sor.u32 s11, s14;
	[tilespmem:s6+$0x1CB00] =	vst v16  }
0x271: {  	s12 =	sor.u32 $0x380, s12;
	[tilespmem:s6+$0x1CB80] =	vst v15;
	s6 =	smov.u32 s15  }
0x272: {  	v13 =	vld [tilespmem:s12+$0x3000];
	_ =	sdelay $0x4  }
0x273: {  	v13 =	vmul.f32 v13, v6;
	_ =	sdelay $0x1  }
0x274: {  	v13 =	vadd.f32 v13, v21;
	_ =	sdelay $0x1  }
0x275: {  	[tilespmem:s12+$0x12000] =	vst v13  }
0x276: {  	v13 =	vld [tilespmem:s6+$0x3280]  }
0x277: {  	v14 =	vld [tilespmem:s6+$0x3180]  }
0x278: {  	v15 =	vld [tilespmem:s6+$0x3100]  }
0x279: {  	v16 =	vld [tilespmem:s6+$0x3080]  }
0x27a: {  	v17 =	vld [tilespmem:s6+$0x3200]  }
0x27b: {  	v18 =	vld [tilespmem:s6+$0x3300]  }
0x27c: {  	v13 =	vmul.f32 v13, v11;
	v19 =	vld [tilespmem:s6+$0x3100]  }
0x27d: {  	v15 =	vmul.f32 v15, v8;
	v20 =	vld [tilespmem:s6+$0x3300]  }
0x27e: {  	v14 =	vmul.f32 v14, v9;
	v21 =	vmul.f32 $5.000000000e-01, v16;
	v22 =	vld [tilespmem:s6+$0x3280]  }
0x27f: {  	v17 =	vmul.f32 v17, v10;
	v23 =	vld [tilespmem:s6+$0x3200]  }
0x280: {  	v15 =	vadd.f32 v15, v21;
	v14 =	vadd.f32 v14, v21;
	v18 =	vmul.f32 v18, v12;
	v24 =	vld [tilespmem:s6+$0x3180]  }
0x281: {  	v13 =	vadd.f32 v13, v21;
	[tilespmem:s6+$0x13800] =	vst v16;
	v16 =	vadd.f32 v17, v21;
	v17 =	vld [tilespmem:s6+$0x4800]  }
0x282: {  	[tilespmem:s6+$0x13900] =	vst v14;
	v14 =	vadd.f32 v18, v21;
	v18 =	vmul.f32 v20, v12;
	v20 =	vld [tilespmem:s6+$0x3180]  }
0x283: {  	[tilespmem:s6+$0x13980] =	vst v16;
	v16 =	vmul.f32 v22, v11;
	v22 =	vld [tilespmem:s6+$0x3300]  }
0x284: {  	[tilespmem:s6+$0x13A80] =	vst v14;
	v14 =	vmul.f32 v23, v10;
	v23 =	vld [tilespmem:s6+$0x3280]  }
0x285: {  	[tilespmem:s6+$0x13880] =	vst v15;
	v15 =	vmul.f32 v24, v9;
	v24 =	vld [tilespmem:s6+$0x3200]  }
0x286: {  	[tilespmem:s6+$0x13A00] =	vst v13;
	v13 =	vmul.f32 $5.000000000e-01, v19;
	v25 =	vld [tilespmem:s6+$0x4880]  }
0x287: {  	v26 =	vld [tilespmem:s12+$0x3000]  }
0x288: {  	v16 =	vadd.f32 v16, v13;
	v18 =	vadd.f32 v18, v13;
	v27 =	vld [tilespmem:s6+$0x4800];
	v22 =	vmul.f32 v22, v12  }
0x289: {  	v15 =	vadd.f32 v15, v13;
	v14 =	vadd.f32 v14, v13;
	v28 =	vld [tilespmem:s6+$0x4800]  }
0x28a: {  	[tilespmem:s6+$0x15200] =	vst v18;
	v18 =	vmul.f32 v24, v10;
	v24 =	vld [tilespmem:s6+$0x4880]  }
0x28b: {  	v17 =	vmul.f32 v17, v3;
	[tilespmem:s6+$0x15180] =	vst v16;
	v16 =	vld [tilespmem:s6+$0x4900]  }
0x28c: {  	v26 =	vmul.f32 v26, v6;
	[tilespmem:s6+$0x15100] =	vst v14;
	v14 =	vld [tilespmem:s6+$0x3200]  }
0x28d: {  	v17 =	vadd.f32 v17, v21;
	[tilespmem:s6+$0x15080] =	vst v15;
	v15 =	vmul.f32 v27, v3;
	v27 =	vld [tilespmem:s6+$0x3280]  }
0x28e: {  	v21 =	vadd.f32 v26, v21;
	[tilespmem:s6+$0x15000] =	vst v19;
	v19 =	vmul.f32 v28, v3;
	v26 =	vld [tilespmem:s6+$0x3300]  }
0x28f: {  	[tilespmem:s6+$0x13B80] =	vst v17;
	v15 =	vadd.f32 v15, v13;
	v17 =	vld [tilespmem:s6+$0x4800]  }
0x290: {  	v30 =	vmul.f32 $5.000000000e-01, v20;
	[tilespmem:s6+$0x13B00] =	vst v21;
	v21 =	vld [tilespmem:s6+$0x4880]  }
0x291: {  	v23 =	vmul.f32 v23, v11;
	v28 =	vld [tilespmem:s12+$0x3000]  }
0x292: {  	v22 =	vadd.f32 v22, v30;
	v18 =	vadd.f32 v18, v30;
	v32 =	vmul.f32 v27, v11;
	v27 =	vld [tilespmem:s6+$0x4900]  }
0x293: {  	v23 =	vadd.f32 v23, v30;
	v29 =	vadd.f32 v19, v30;
	v26 =	vmul.f32 v26, v12;
	v19 =	vld [tilespmem:s6+$0x4980]  }
0x294: {  	v25 =	vmul.f32 v25, v2;
	[tilespmem:s6+$0x16980] =	vst v22;
	v17 =	vmul.f32 v17, v3;
	v33 =	vld [tilespmem:s6+$0x3280]  }
0x295: {  	[tilespmem:s6+$0x16900] =	vst v23;
	v22 =	vmul.f32 v21, v2;
	v21 =	vld [tilespmem:s6+$0x3300]  }
0x296: {  	v25 =	vadd.f32 v25, v13;
	v23 =	vmul.f32 v28, v6;
	[tilespmem:s6+$0x16880] =	vst v18;
	v34 =	vld [tilespmem:s6+$0x4A00]  }
0x297: {  	[tilespmem:s6+$0x16800] =	vst v20;
	v18 =	vmul.f32 v27, v0;
	v20 =	vld [tilespmem:s6+$0x4980]  }
0x298: {  	v13 =	vadd.f32 v23, v13;
	[tilespmem:s6+$0x15380] =	vst v25;
	v25 =	vmul.f32 v19, v5;
	v27 =	vld [tilespmem:s6+$0x4900]  }
0x299: {  	[tilespmem:s6+$0x15300] =	vst v15;
	v15 =	vmul.f32 v24, v2;
	v28 =	vld [tilespmem:s6+$0x4880]  }
0x29a: {  	[tilespmem:s6+$0x15280] =	vst v13;
	v13 =	vmul.f32 v16, v0;
	v35 =	vmul.f32 v21, v12;
	v19 =	vld [tilespmem:s6+$0x3300]  }
0x29b: {  	v16 =	vld [tilespmem:s12+$0x3000];
	v15 =	vadd.f32 v15, v30  }
0x29c: {  	v36 =	vmul.f32 $5.000000000e-01, v14;
	[tilespmem:s6+$0x16A80] =	vst v29;
	v13 =	vadd.f32 v13, v30;
	v29 =	vld [tilespmem:s6+$0x4800];
	v31 =	vmul.f32 v20, v5  }
0x29d: {  	[tilespmem:s6+$0x16B00] =	vst v15;
	v21 =	vld [tilespmem:s6+$0x4800]  }
0x29e: {  	v15 =	vadd.f32 v26, v36;
	[tilespmem:s6+$0x16B80] =	vst v13;
	v13 =	vadd.f32 v32, v36;
	v23 =	vld [tilespmem:s6+$0x4880]  }
0x29f: {  	v17 =	vadd.f32 v17, v36;
	v20 =	vadd.f32 v22, v36;
	[tilespmem:s6+$0x18000] =	vst v14;
	v24 =	vld [tilespmem:s6+$0x4900]  }
0x2a0: {  	v14 =	vmul.f32 v16, v6;
	[tilespmem:s6+$0x18080] =	vst v13;
	v16 =	vadd.f32 v18, v36;
	v18 =	vadd.f32 v25, v36;
	v26 =	vld [tilespmem:s6+$0x4980]  }
0x2a1: {  	[tilespmem:s6+$0x18100] =	vst v15;
	v25 =	vld [tilespmem:s6+$0x4A00]  }
0x2a2: {  	v13 =	vadd.f32 v14, v30;
	v22 =	vld [tilespmem:s6+$0x4A80]  }
0x2a3: {  	v14 =	vld [tilespmem:s6+$0x4800]  }
0x2a4: {  	[tilespmem:s6+$0x16A00] =	vst v13;
	v13 =	vld [tilespmem:s6+$0x4900]  }
0x2a5: {  	v32 =	vld [tilespmem:s12+$0x3000]  }
0x2a6: {  	[tilespmem:s6+$0x18200] =	vst v17;
	v15 =	vld [tilespmem:s6+$0x4880]  }
0x2a7: {  	v30 =	vmul.f32 $5.000000000e-01, v33;
	[tilespmem:s6+$0x18280] =	vst v20;
	v17 =	vld [tilespmem:s6+$0x4980]  }
0x2a8: {  	[tilespmem:s6+$0x18300] =	vst v16;
	v16 =	vld [tilespmem:s6+$0x4A00]  }
0x2a9: {  	v35 =	vadd.f32 v35, v30;
	[tilespmem:s6+$0x18380] =	vst v18;
	v20 =	vld [tilespmem:s6+$0x4A80]  }
0x2aa: {  	v32 =	vmul.f32 v32, v6;
	[tilespmem:s6+$0x19800] =	vst v33;
	v18 =	vld [tilespmem:s6+$0x4B00]  }
.Ltmp6:
0x2ab: {  	[tilespmem:s6+$0x19880] =	vst v35;
	(pc) =	sbr.rel @p1 .LBB2_6-.Ltmp6, $3  }
0x2ac: {  	v32 =	vadd.f32 v32, v36;
	_ =	sdelay $0x1  }
0x2ad: {  	[tilespmem:s6+$0x18180] =	vst v32  }
0x2ae: {  	v33 =	vmul.f32 v34, v4;
	v32 =	vld [tilespmem:s12+$0x3000]  }
0x2af: {  	_ = 	snop  }
0x2b0: {  	v7 =	vmul.f32 v27, v0;
	v10 =	vadd.f32 v31, v30  }
0x2b1: {  	v9 =	vmul.f32 v28, v2;
	[tilespmem:s6+$0x1B000] =	vst v19;
	v8 =	vadd.f32 v33, v30  }
0x2b2: {  	v11 =	vmul.f32 v29, v3;
	v7 =	vadd.f32 v7, v30;
	[tilespmem:s6+$0x19B00] =	vst v10  }
0x2b3: {  	v9 =	vadd.f32 v9, v30;
	[tilespmem:s6+$0x19B80] =	vst v8;
	v41 =	vmul.f32 v32, v6  }
0x2b4: {  	v42 =	vadd.f32 v11, v30;
	[tilespmem:s6+$0x19A80] =	vst v7  }
0x2b5: {  	[tilespmem:s6+$0x19A00] =	vst v9;
	v43 =	vadd.f32 v41, v30  }
0x2b6: {  	[tilespmem:s6+$0x19980] =	vst v42  }
0x2b7: {  	v44 =	vmul.f32 $5.000000000e-01, v19;
	v45 =	vmul.f32 v21, v3;
	[tilespmem:s6+$0x19900] =	vst v43  }
0x2b8: {  	v46 =	vmul.f32 v23, v2;
	v10 =	vld [tilespmem:s12+$0x3000]  }
0x2b9: {  	v47 =	vmul.f32 v24, v0;
	v9 =	vadd.f32 v45, v44  }
0x2ba: {  	v12 =	vmul.f32 v26, v5;
	v7 =	vadd.f32 v46, v44  }
0x2bb: {  	v49 =	vmul.f32 v25, v4;
	v48 =	vadd.f32 v47, v44;
	[tilespmem:s6+$0x1B100] =	vst v9  }
0x2bc: {  	v51 =	vmul.f32 v22, v1;
	v50 =	vadd.f32 v12, v44;
	[tilespmem:s6+$0x1B180] =	vst v7  }
0x2bd: {  	v52 =	vadd.f32 v49, v44;
	[tilespmem:s6+$0x1B200] =	vst v48;
	v53 =	vmul.f32 v10, v6  }
0x2be: {  	v54 =	vadd.f32 v51, v44;
	[tilespmem:s6+$0x1B280] =	vst v50  }
0x2bf: {  	[tilespmem:s6+$0x1B300] =	vst v52;
	v6 =	vadd.f32 v53, v44  }
0x2c0: {  	[tilespmem:s6+$0x1B380] =	vst v54  }
0x2c1: {  	[tilespmem:s6+$0x1B080] =	vst v6  }
0x2c2: {  	v6 =	vld [tilespmem:s12+$0x3000];
	_ =	sdelay $0x4  }
0x2c3: {  	v55 =	vmul.f32 v14, v3;
	v56 =	vmul.f32 $5.000000000e-01, v6  }
0x2c4: {  	v57 =	vmul.f32 v15, v2  }
0x2c5: {  	v58 =	vmul.f32 v17, v5;
	v3 =	vadd.f32 v55, v56  }
0x2c6: {  	v59 =	vmul.f32 v16, v4;
	[tilespmem:s6+$0x1C800] =	vst v6;
	v2 =	vadd.f32 v57, v56  }
0x2c7: {  	v60 =	vmul.f32 v13, v0;
	v5 =	vadd.f32 v58, v56;
	[tilespmem:s6+$0x1C880] =	vst v3  }
0x2c8: {  	v61 =	vmul.f32 v20, v1;
	v62 =	vadd.f32 v59, v56;
	[tilespmem:s6+$0x1C900] =	vst v2  }
0x2c9: {  	v63 =	vmul.f32 $0.0e+00, v18;
	v0 =	vadd.f32 v60, v56;
	[tilespmem:s6+$0x1CA00] =	vst v5  }
0x2ca: {  	v1 =	vadd.f32 v61, v56;
	[tilespmem:s6+$0x1CA80] =	vst v62  }
0x2cb: {  	v2 =	vadd.f32 v63, v56;
	[tilespmem:s6+$0x1C980] =	vst v0  }
0x2cc: {  	[tilespmem:s6+$0x1CB00] =	vst v1  }
0x2cd: {  	[tilespmem:s6+$0x1CB80] =	vst v2  }
.LBB2_11:
.Ltmp7:
0x2ce: {  	(pc) =	sbr.rel @p0 .LBB2_13-.Ltmp7, $3  }
0x2cf: {  	s6 =	smul.u32 $0x300, s7;
	_ =	sdelay $0x1  }
0x2d0: {  	s6 =	sadd.s32 s3, s6  }
0x2d1: {  	[hbm4b:s6+s5] =	stream.linear.scatter [tilespmem:s28], [sflag:$0x4], $0xC000, $0x38;
	[tilespmem:$0x1E000] =	vst v63  }
0x2d2: {  	s6 =	sadd.s32 s25, s24  }
0x2d3: {  	s7 =	sshrl.u32 s6, $0x3;
	s6 =	smin.u32 s6, $0xFF0  }
0x2d4: {  	s7 =	smul.u32 $0x300, s7;
	s6 =	sadd.s32 $0x8, s6  }
.Ltmp8:
0x2d5: {  	s6 =	sshrl.u32 s6, $0x3;
	(pc) =	sbr.rel .LBB2_2-.Ltmp8, $4  }
0x2d6: {  	s7 =	sadd.s32 s2, s7;
	s6 =	smul.u32 $0x300, s6  }
0x2d7: {  	[tilespmem:s29], [sflag:$0x2] =	stream.linear.gather [hbm4b:s7+s5], $0x1800, $0x38;
	[tilespmem:$0x1E000] =	vst v63  }
0x2d8: {  	s8 =	sadd.s32 $0x1, s8;
	s6 =	sadd.s32 s2, s6  }
0x2d9: {  	[tilespmem:s30], [sflag:$0x2] =	stream.linear.gather [hbm4b:s6+s5], $0x1800, $0x38;
	[tilespmem:$0x1E000] =	vst v63  }
.LBB2_14:
0x2da: {  	_ =	sfence.sel $0x180000  }
0x2db: {  	[bflag:$0x0] =	sbarrier.arrive $0xFFFF  }
0x2dc: {  	_ =	strace $0x90000047  }
0x2dd: {  	s0 =	stileid.u32;
	[bflag:$0x2] =	sbarrier.arrive $0xFFFF  }
0x2de: {  	p0 =	sne.s32 s0, $0x0;
	s0 =	rddreg [dreg:$0x2]  }
0x2df: {  	s0 =	sadd.s32 @!p0 $0x100000, s0  }
0x2e0: {  	[sflag:s0] =	ssyncadd.tile.s32 @!p0 $0x1;
	_ =	shalt  }
.Lfunc_end2:
_tile_overlayer_lowered:
.L_overlay_start_2:
0x2e1: {  	(tag) =	ssettag $0x2  }
0x2e2: {  	s0 =	rddreg [dreg:$0x0];
	s2 =	stileid.u32  }
0x2e3: {  	s1 =	rddreg [dreg:$0x1];
	p0 =	sne.s32 s2, $0x0  }
0x2e4: {  	s3 =	rddreg [dreg:$0x2];
	[bflag:$0x3] =	sbarrier.arrive $0xFFFF;
	s2 =	simm.s32 @!p0 $0x1C05  }
0x2e5: {  	[timem:s3], [sflag:s2] =	dma.local @!p0 [hbm:s0], s1  }
0x2e6: {  	s0 =	simm.s32 @!p0 $0x5  }
0x2e7: {  	_ =	swait.ge @!p0 [sflag:s0], s1  }
0x2e8: {  	s1 =	ssub.s32 @!p0 $0x0, s1;
	[sflag:s0] =	ssyncset.done @!p0 $0x0  }
0x2e9: {  	[sflag:s0] =	ssyncadd.s32 @!p0 s1  }
0x2ea: {  	[bflag:$0x3] =	sbarrier.arrive $0xFFFF  }
0x2eb: {  	_ =	shalt  }

</sc_bundles>
